<compile_context>
chip_gen: v7x
topology: tpu7x:2x2x1
jax: 0.10.2.dev20260603
libtpu: 0.0.44.dev20260713+nightly
codegen_flags: <defaults>
</compile_context>

<pallas_src>
import functools

import jax
import jax.numpy as jnp
from jax import lax
from jax.experimental import pallas as pl
from jax.experimental.pallas import tpu as pltpu, tpu_sc as plsc

N = 50000
E = 200000
R = 3
D_IN, D_H, D_OUT = 128, 128, 64

N_PAD = 50176
E_PAD = 204800
CH = 400
CHUNKS = E_PAD // (16 * CH)
ROWS_T = N_PAD // 16
B_ROWS = 1024
FC = 32



def _mm_body(h_ref, w_ref, o_ref):
    o_ref[...] = jnp.dot(h_ref[...], w_ref[...],
                         preferred_element_type=jnp.float32)


def _mm(h, w):
    n = h.shape[0]
    return pl.pallas_call(
        _mm_body,
        grid=(n // B_ROWS,),
        in_specs=[
            pl.BlockSpec((B_ROWS, h.shape[1]), lambda i: (i, 0)),
            pl.BlockSpec(w.shape, lambda i: (0, 0)),
        ],
        out_specs=pl.BlockSpec((B_ROWS, w.shape[1]), lambda i: (i, 0)),
        out_shape=jax.ShapeDtypeStruct((n, w.shape[1]), jnp.float32),
    )(h, w)


def _epi_body(agg_ref, deg_ref, h_ref, wl_ref, b_ref, wn_ref,
              hout_ref, yout_ref, *, relu):
    deg = deg_ref[...]
    nrm = 1.0 / jnp.maximum(deg, 1.0)
    agg = agg_ref[...]
    s = jnp.sum(agg * nrm, axis=0)
    h = s + jnp.dot(h_ref[...], wl_ref[...],
                    preferred_element_type=jnp.float32) + b_ref[...]
    if relu:
        h = jnp.maximum(h, 0.0)
    hout_ref[...] = h
    if yout_ref is not None:
        yout_ref[...] = jnp.dot(h, wn_ref[...],
                                preferred_element_type=jnp.float32)


def _epi(agg, deg, h, wl, b, wn, relu):
    d = agg.shape[2]
    have_y = wn is not None
    body = functools.partial(_epi_body, relu=relu)
    if not have_y:
        def body(agg_ref, deg_ref, h_ref, wl_ref, b_ref, hout_ref):
            _epi_body(agg_ref, deg_ref, h_ref, wl_ref, b_ref, None,
                      hout_ref, None, relu=relu)
    in_specs = [
        pl.BlockSpec((R, B_ROWS, d), lambda i: (0, i, 0)),
        pl.BlockSpec((R, B_ROWS, 1), lambda i: (0, i, 0)),
        pl.BlockSpec((B_ROWS, h.shape[1]), lambda i: (i, 0)),
        pl.BlockSpec(wl.shape, lambda i: (0, 0)),
        pl.BlockSpec(b.shape, lambda i: (0, 0)),
    ]
    out_shape = [jax.ShapeDtypeStruct((N_PAD, d), jnp.float32)]
    out_specs = [pl.BlockSpec((B_ROWS, d), lambda i: (i, 0))]
    args = [agg, deg, h, wl, b]
    if have_y:
        in_specs.append(pl.BlockSpec(wn.shape, lambda i: (0, 0)))
        out_shape.append(
            jax.ShapeDtypeStruct((N_PAD, wn.shape[1]), jnp.float32))
        out_specs.append(pl.BlockSpec((B_ROWS, wn.shape[1]), lambda i: (i, 0)))
        args.append(wn)
    res = pl.pallas_call(
        body,
        grid=(N_PAD // B_ROWS,),
        in_specs=in_specs,
        out_specs=out_specs,
        out_shape=out_shape,
    )(*args)
    return res if have_y else (res[0], None)



_MESH = plsc.VectorSubcoreMesh(core_axis_name="c", subcore_axis_name="s",
                               num_cores=2, num_subcores=16)
_SC_PARAMS = pltpu.CompilerParams(use_tc_tiling_on_sc=False)


def _fill(ref, n, value):
    def body(i, carry):
        ref[pl.ds(i * 16, 16)] = jnp.full((16,), value, jnp.float32)
        return carry
    lax.fori_loop(0, n // 16, body, 0)


def _deg_kernel(dst3_hbm, deg_hbm, ones_v, idx_v, zbuf, acc):
    c = lax.axis_index("c")
    t = lax.axis_index("s")
    _fill(ones_v, CH, 1.0)
    z = 3 * N_PAD // 16
    _fill(zbuf, z, 0.0)
    pltpu.sync_copy(zbuf, acc.at[pl.ds(t * z, z)])
    plsc.subcore_barrier()

    def run_rel(r):
        def body(i, carry):
            off = r * E_PAD + t * (CHUNKS * CH) + i * CH
            pltpu.sync_copy(dst3_hbm.at[pl.ds(off, CH)], idx_v)
            pltpu.sync_copy(ones_v, acc.at[idx_v], add=True)
            return carry
        lax.fori_loop(0, CHUNKS, body, 0)

    @pl.when(c == 0)
    def _():
        run_rel(0)
        run_rel(1)

    @pl.when(c == 1)
    def _():
        run_rel(2)

    plsc.subcore_barrier()

    @pl.when(c == 0)
    def _():
        sl = 2 * N_PAD // 16
        pltpu.sync_copy(acc.at[pl.ds(t * sl, sl)], zbuf.at[pl.ds(0, sl)])
        pltpu.sync_copy(zbuf.at[pl.ds(0, sl)], deg_hbm.at[pl.ds(t * sl, sl)])

    @pl.when(c == 1)
    def _():
        sl = N_PAD // 16
        pltpu.sync_copy(acc.at[pl.ds(2 * N_PAD + t * sl, sl)],
                        zbuf.at[pl.ds(0, sl)])
        pltpu.sync_copy(zbuf.at[pl.ds(0, sl)],
                        deg_hbm.at[pl.ds(2 * N_PAD + t * sl, sl)])


@functools.partial(
    pl.kernel,
    out_type=jax.ShapeDtypeStruct((3 * N_PAD,), jnp.float32),
    mesh=_MESH,
    scratch_types=[
        pltpu.VMEM((CH,), jnp.float32),
        pltpu.VMEM((CH,), jnp.int32),
        pltpu.VMEM((3 * N_PAD // 16,), jnp.float32),
        pltpu.VMEM_SHARED((3 * N_PAD,), jnp.float32),
    ],
    compiler_params=_SC_PARAMS,
)
def _deg(dst3_hbm, deg_hbm, ones_v, idx_v, zbuf, acc):
    _deg_kernel(dst3_hbm, deg_hbm, ones_v, idx_v, zbuf, acc)


def _fill2d(ref, nrows, value):
    def body(i, carry):
        for j in range(FC // 16):
            ref[i, pl.ds(j * 16, 16)] = jnp.full((16,), value, jnp.float32)
        return carry
    lax.fori_loop(0, nrows, body, 0)


def _make_agg(dout):
    nchunk = dout // FC
    passes = [(r, p) for r in range(R) for p in range(nchunk)]
    half = len(passes) // 2
    zrows = ROWS_T // 8
    nz = 8

    def body(y_hbm, comb_hbm, agg_hbm, acc, sem0, sem1):
        pl.run_scoped(
            functools.partial(_agg_scoped, y_hbm, comb_hbm,
                              agg_hbm, acc, sem0, sem1),
            sd0=pltpu.VMEM((2, CH), jnp.int32),
            sd1=pltpu.VMEM((2, CH), jnp.int32),
            rows0=pltpu.VMEM((CH, FC), jnp.float32),
            rows1=pltpu.VMEM((CH, FC), jnp.float32),
        )

    def _agg_scoped(y_hbm, comb_hbm, agg_hbm, acc, sem0, sem1,
                    sd0, sd1, rows0, rows1):
        c = lax.axis_index("c")
        t = lax.axis_index("s")
        half = (R * nchunk) // 2
        pairs = CHUNKS // 2

        def pass_body(q, carry):
            r = q // nchunk
            p = q - r * nchunk
            rbase = (q * (E_PAD // CH) + t * CHUNKS) * 2

            def load_idx(i, sd):
                pltpu.sync_copy(comb_hbm.at[pl.ds(rbase + i * 2, 2)], sd)

            _fill2d(rows0, zrows, 0.0)

            def zero(zz, carry2):
                pltpu.sync_copy(rows0.at[pl.ds(0, zrows)],
                                acc.at[pl.ds(t * ROWS_T + zz * zrows, zrows)])
                return carry2
            lax.fori_loop(0, nz, zero, 0)
            plsc.subcore_barrier()

            load_idx(0, sd0)
            pltpu.async_copy(y_hbm.at[sd0.at[0]], rows0, sem0)

            def pair(g, carry2):
                load_idx(2 * g + 1, sd1)
                pltpu.async_copy(y_hbm.at[sd1.at[0]], rows1, sem1)
                pltpu.make_async_copy(y_hbm.at[sd0.at[0]], rows0,
                                      sem0).wait()
                pltpu.sync_copy(rows0, acc.at[sd0.at[1]], add=True)

                @pl.when(g < pairs - 1)
                def _():
                    load_idx(2 * g + 2, sd0)
                    pltpu.async_copy(y_hbm.at[sd0.at[0]], rows0, sem0)

                pltpu.make_async_copy(y_hbm.at[sd1.at[0]], rows1,
                                      sem1).wait()
                pltpu.sync_copy(rows1, acc.at[sd1.at[1]], add=True)
                return carry2
            lax.fori_loop(0, pairs, pair, 0)
            plsc.subcore_barrier()

            def drain(zz, carry2):
                stage = rows0.at[pl.ds(0, zrows)]
                pltpu.sync_copy(
                    acc.at[pl.ds(t * ROWS_T + zz * zrows, zrows)], stage)
                pltpu.sync_copy(
                    stage,
                    agg_hbm.at[
                        pl.ds(r * N_PAD + t * ROWS_T + zz * zrows, zrows),
                        pl.ds(p * FC, FC)])
                return carry2
            lax.fori_loop(0, nz, drain, 0)
            return carry

        lax.fori_loop(c * half, (c + 1) * half, pass_body, 0)

    return pl.kernel(
        body,
        out_type=jax.ShapeDtypeStruct((R * N_PAD, dout), jnp.float32),
        mesh=_MESH,
        scratch_types=[
            pltpu.VMEM_SHARED((N_PAD, FC), jnp.float32),
            pltpu.SemaphoreType.DMA,
            pltpu.SemaphoreType.DMA,
        ],
        compiler_params=_SC_PARAMS,
    )


_agg128 = _make_agg(D_H)
_agg64 = _make_agg(D_OUT)



def kernel(x, edge_index_r0, edge_index_r1, edge_index_r2,
           W0_r0, W0_r1, W0_r2, W0_loop, b0_loop,
           W1_r0, W1_r1, W1_r2, W1_loop, b1_loop,
           W2_r0, W2_r1, W2_r2, W2_loop, b2_loop):
    pad_n = E_PAD - E
    pad_src = (jnp.arange(pad_n, dtype=jnp.int32) * 977) % N
    pad_dst = N + (jnp.arange(pad_n, dtype=jnp.int32) % (N_PAD - N))
    srcs, dsts, dst3s = [], [], []
    for r, ei in enumerate((edge_index_r0, edge_index_r1, edge_index_r2)):
        s = jnp.concatenate([ei[0], pad_src])
        d = jnp.concatenate([ei[1], pad_dst])
        srcs.append(s)
        dsts.append(d)
        dst3s.append(d + r * N_PAD)
    dst_flat = jnp.concatenate(dsts)
    dst3_flat = jnp.concatenate(dst3s)
    srcs_pad = jnp.stack(srcs)
    q12 = jnp.arange(12, dtype=jnp.int32).reshape(3, 4)
    src12 = (srcs_pad[:, None, :] * 12 + q12[:, :, None]).reshape(-1)
    q6 = jnp.arange(6, dtype=jnp.int32).reshape(3, 2)
    src6 = (srcs_pad[:, None, :] * 6 + q6[:, :, None]).reshape(-1)

    x_pad = jnp.pad(x, ((0, N_PAD - N), (0, 0)))
    w_all0 = jnp.concatenate([W0_r0, W0_r1, W0_r2], axis=1)
    w_all1 = jnp.concatenate([W1_r0, W1_r1, W1_r2], axis=1)
    w_all2 = jnp.concatenate([W2_r0, W2_r1, W2_r2], axis=1)
    b0 = b0_loop.reshape(1, -1)
    b1 = b1_loop.reshape(1, -1)
    b2 = b2_loop.reshape(1, -1)

    deg = _deg(dst3_flat).reshape(R, N_PAD, 1)

    crows = E_PAD // CH
    src12_3d = src12.reshape(12, crows, CH)
    dst_3d = dst_flat.reshape(R, crows, CH)
    dstb12 = jnp.broadcast_to(dst_3d[:, None], (R, 4, crows, CH)
                              ).reshape(12, crows, CH)
    comb12 = jnp.stack([src12_3d, dstb12], axis=2).reshape(-1, CH)
    src6_3d = src6.reshape(6, crows, CH)
    dstb6 = jnp.broadcast_to(dst_3d[:, None], (R, 2, crows, CH)
                             ).reshape(6, crows, CH)
    comb6 = jnp.stack([src6_3d, dstb6], axis=2).reshape(-1, CH)

    y0 = _mm(x_pad, w_all0)
    agg0 = _agg128(y0.reshape(-1, FC), comb12).reshape(R, N_PAD, D_H)
    h1, y1 = _epi(agg0, deg, x_pad, W0_loop, b0, w_all1, relu=True)

    agg1 = _agg128(y1.reshape(-1, FC), comb12).reshape(R, N_PAD, D_H)
    h2, y2 = _epi(agg1, deg, h1, W1_loop, b1, w_all2, relu=True)

    agg2 = _agg64(y2.reshape(-1, FC), comb6).reshape(R, N_PAD, D_OUT)
    h3, _ = _epi(agg2, deg, h2, W2_loop, b2, None, relu=False)

    return h3[:N]

# --- scband reference (transcript-rebuilt; emitter-appended) ---
"""Pipeline reference for scband-entity-classify-2405181685905 (READ-ONLY COPY).

The authoritative reference and input builder live on the scoring server;
editing this copy changes nothing except your own understanding.
"""

import jax, jax.numpy as jnp
import numpy as np

N = 50000
E = 200000
D_IN, D_H, D_OUT = 128, 128, 64
R = 3

def _init_w(key, di, do):
    return jax.random.normal(key, (di, do), dtype=jnp.float32) * (1.0 / np.sqrt(di))

def setup_inputs(seed: int = 0):
    key = jax.random.key(seed)
    ks = jax.random.split(key, 40)
    inp = {}
    inp["x"] = jax.random.normal(ks[0], (N, D_IN), dtype=jnp.float32)
    for r in range(R):
        inp["edge_index_r%d" % r] = jax.random.randint(ks[1 + r], (2, E), 0, N, dtype=jnp.int32)
    dims = [(D_IN, D_H), (D_H, D_H), (D_H, D_OUT)]
    k = 4
    for l, (di, do) in enumerate(dims):
        for r in range(R):
            inp["W%d_r%d" % (l, r)] = _init_w(ks[k], di, do); k += 1
        inp["W%d_loop" % l] = _init_w(ks[k], di, do); k += 1
        inp["b%d_loop" % l] = jnp.zeros((do,), dtype=jnp.float32)
    return inp

def _rel_layer(x, eis, Ws, W_loop, b_loop, act):
    # HeteroGraphConv: sum over relations of GraphConv(norm='right', external weight)
    h = jnp.zeros((N, W_loop.shape[1]), dtype=jnp.float32)
    for ei, W in zip(eis, Ws):
        src = ei[0]
        dst = ei[1]
        agg = jax.ops.segment_sum(x[src], dst, num_segments=N)
        deg = jax.ops.segment_sum(jnp.ones((ei.shape[1],), jnp.float32), dst, num_segments=N)
        norm = 1.0 / jnp.clip(deg, 1.0, None)
        h = h + (agg * norm[:, None]) @ W
    # self loop + bias
    h = h + x @ W_loop + b_loop
    if act:
        h = jax.nn.relu(h)
    return h  # dropout p=0.0 -> identity

def reference(x, edge_index_r0, edge_index_r1, edge_index_r2,
              W0_r0, W0_r1, W0_r2, W0_loop, b0_loop,
              W1_r0, W1_r1, W1_r2, W1_loop, b1_loop,
              W2_r0, W2_r1, W2_r2, W2_loop, b2_loop):
    eis = (edge_index_r0, edge_index_r1, edge_index_r2)
    h = _rel_layer(x, eis, (W0_r0, W0_r1, W0_r2), W0_loop, b0_loop, True)
    h = _rel_layer(h, eis, (W1_r0, W1_r1, W1_r2), W1_loop, b1_loop, True)
    h = _rel_layer(h, eis, (W2_r0, W2_r1, W2_r2), W2_loop, b2_loop, False)
    return h

if __name__ == "__main__":
    import jax
    _d = setup_inputs()
    print(jax.jit(kernel)(*tuple(_d.values())))

</pallas_src>

<mosaic_0001>
#map = affine_map<(d0, d1) -> (0)>
module attributes {stable_mosaic.version = 14 : i64} {
  func.func @_deg(%arg0: i32, %arg1: i32, %arg2: memref<614400xi32, #tpu.memory_space<hbm>>, %arg3: memref<150528xf32, #tpu.memory_space<hbm>>, %arg4: memref<400xf32, #tpu.memory_space<vmem>>, %arg5: memref<400xi32, #tpu.memory_space<vmem>>, %arg6: memref<9408xf32, #tpu.memory_space<vmem>>, %arg7: memref<150528xf32, #tpu.memory_space<vmem_shared>>) attributes {dimension_semantics = [#tpu.dimension_semantics<core_parallel>, #tpu.dimension_semantics<subcore_parallel>], iteration_bounds = array<i64: 2, 16>, scalar_prefetch = 0 : i64, scratch_operands = 4 : i64, tpu.core_type = #tpu.core_type<sc_vector_subcore>, window_params = [{transform_indices = #map}, {transform_indices = #map}]} {
    %scan3A = arith.constant 0 : i32
    %scan3A_0 = arith.constant 0 : i32
    %scan3A_1 = arith.constant 25 : i32
    %scan3A_2 = arith.addi %scan3A_0, %scan3A_1 : i32
    %scan3A_3 = arith.constant 1 : i32
    scf.for %scan3A_30 = %scan3A_0 to %scan3A_2 step %scan3A_3  : i32 {
      %broadcast_in_dim3A = arith.constant 1.000000e+00 : f32
      %broadcast_in_dim3A_31 = vector.broadcast %broadcast_in_dim3A : f32 to vector<16xf32>
      %mul3A_32 = arith.constant 16 : i32
      %mul3A_33 = arith.muli %scan3A_30, %mul3A_32 : i32
      %swap3A = arith.index_cast %mul3A_33 : i32 to index
      %swap3A_34 = tpu.vector_load %arg4[%swap3A] {strides = array<i32>} : memref<400xf32, #tpu.memory_space<vmem>>, vector<16xf32>,
      %swap3A_35 = vector.shape_cast %swap3A_34 : vector<16xf32> to vector<16xf32>
      %swap3A_36 = vector.shape_cast %broadcast_in_dim3A_31 : vector<16xf32> to vector<16xf32>
      tpu.vector_store %arg4[%swap3A], %swap3A_36 {strides = array<i32>} : memref<400xf32, #tpu.memory_space<vmem>>, vector<16xf32>,
    }
    %scan3A_4 = arith.constant 25 : i32
    %scan3A_5 = arith.constant 0 : i32
    %scan3A_6 = arith.constant 0 : i32
    %scan3A_7 = arith.constant 588 : i32
    %scan3A_8 = arith.addi %scan3A_6, %scan3A_7 : i32
    %scan3A_9 = arith.constant 1 : i32
    scf.for %scan3A_30 = %scan3A_6 to %scan3A_8 step %scan3A_9  : i32 {
      %broadcast_in_dim3A = arith.constant 0.000000e+00 : f32
      %broadcast_in_dim3A_31 = vector.broadcast %broadcast_in_dim3A : f32 to vector<16xf32>
      %mul3A_32 = arith.constant 16 : i32
      %mul3A_33 = arith.muli %scan3A_30, %mul3A_32 : i32
      %swap3A = arith.index_cast %mul3A_33 : i32 to index
      %swap3A_34 = tpu.vector_load %arg6[%swap3A] {strides = array<i32>} : memref<9408xf32, #tpu.memory_space<vmem>>, vector<16xf32>,
      %swap3A_35 = vector.shape_cast %swap3A_34 : vector<16xf32> to vector<16xf32>
      %swap3A_36 = vector.shape_cast %broadcast_in_dim3A_31 : vector<16xf32> to vector<16xf32>
      tpu.vector_store %arg6[%swap3A], %swap3A_36 {strides = array<i32>} : memref<9408xf32, #tpu.memory_space<vmem>>, vector<16xf32>,
    }
    %scan3A_10 = arith.constant 588 : i32
    %mul3A = arith.constant 9408 : i32
    %mul3A_11 = arith.muli %arg1, %mul3A : i32
    "tpu.region"() ({
      %run_scoped3A = tpu.sem_alloc : memref<!tpu.dma_semaphore, #tpu.memory_space<semaphore_mem>>
      %dma_start3A = tpu.memref_slice %arg7[%mul3A_11] : memref<150528xf32, #tpu.memory_space<vmem_shared>> -> memref<9408xf32, #tpu.memory_space<vmem_shared>>
      %dma_start3A_30 = tpu.memref_slice %arg7[%mul3A_11] : memref<150528xf32, #tpu.memory_space<vmem_shared>> -> memref<9408xf32, #tpu.memory_space<vmem_shared>>
      tpu.enqueue_dma source(%arg6 : memref<9408xf32, #tpu.memory_space<vmem>>) target(%dma_start3A_30 : memref<9408xf32, #tpu.memory_space<vmem_shared>>) target_semaphore(%run_scoped3A : memref<!tpu.dma_semaphore, #tpu.memory_space<semaphore_mem>>)
      %dma_wait3A = tpu.memref_slice %arg7[%mul3A_11] : memref<150528xf32, #tpu.memory_space<vmem_shared>> -> memref<9408xf32, #tpu.memory_space<vmem_shared>>
      %dma_wait3A_31 = tpu.memref_slice %arg7[%mul3A_11] : memref<150528xf32, #tpu.memory_space<vmem_shared>> -> memref<9408xf32, #tpu.memory_space<vmem_shared>>
      tpu.wait_dma2 semaphore(%run_scoped3A : memref<!tpu.dma_semaphore, #tpu.memory_space<semaphore_mem>>) src(%arg6 : memref<9408xf32, #tpu.memory_space<vmem>>) dst(%dma_wait3A_31 : memref<9408xf32, #tpu.memory_space<vmem_shared>>)
      tpu.yield
    }) : () -> ()
    %barrier3A = arith.constant 0 : index
    tpu.barrier barrier_id(%barrier3A)
    %eq3A = arith.constant 0 : i32
    %eq3A_12 = arith.cmpi eq, %arg0, %eq3A : i32
    %convert_element_type3A = arith.extui %eq3A_12 : i1 to i32
    %cond3A = arith.constant 0 : i32
    %cond3A_13 = arith.cmpi ne, %convert_element_type3A, %cond3A : i32
    scf.if %cond3A_13 {
      %scan3A_30 = arith.constant 0 : i32
      %scan3A_31 = arith.constant 0 : i32
      %scan3A_32 = arith.constant 32 : i32
      %scan3A_33 = arith.addi %scan3A_31, %scan3A_32 : i32
      %scan3A_34 = arith.constant 1 : i32
      scf.for %scan3A_42 = %scan3A_31 to %scan3A_33 step %scan3A_34  : i32 {
        %mul3A_43 = arith.constant 12800 : i32
        %mul3A_44 = arith.muli %arg1, %mul3A_43 : i32
        %add3A = arith.constant 0 : i32
        %add3A_45 = arith.addi %add3A, %mul3A_44 : i32
        %mul3A_46 = arith.constant 400 : i32
        %mul3A_47 = arith.muli %scan3A_42, %mul3A_46 : i32
        %add3A_48 = arith.addi %add3A_45, %mul3A_47 : i32
        "tpu.region"() ({
          %run_scoped3A = tpu.sem_alloc : memref<!tpu.dma_semaphore, #tpu.memory_space<semaphore_mem>>
          %dma_start3A = tpu.memref_slice %arg2[%add3A_48] : memref<614400xi32, #tpu.memory_space<hbm>> -> memref<400xi32, #tpu.memory_space<hbm>>
          %dma_start3A_49 = tpu.memref_slice %arg2[%add3A_48] : memref<614400xi32, #tpu.memory_space<hbm>> -> memref<400xi32, #tpu.memory_space<hbm>>
          tpu.enqueue_dma source(%dma_start3A_49 : memref<400xi32, #tpu.memory_space<hbm>>) target(%arg5 : memref<400xi32, #tpu.memory_space<vmem>>) target_semaphore(%run_scoped3A : memref<!tpu.dma_semaphore, #tpu.memory_space<semaphore_mem>>)
          %dma_wait3A = tpu.memref_slice %arg2[%add3A_48] : memref<614400xi32, #tpu.memory_space<hbm>> -> memref<400xi32, #tpu.memory_space<hbm>>
          %dma_wait3A_50 = tpu.memref_slice %arg2[%add3A_48] : memref<614400xi32, #tpu.memory_space<hbm>> -> memref<400xi32, #tpu.memory_space<hbm>>
          tpu.wait_dma2 semaphore(%run_scoped3A : memref<!tpu.dma_semaphore, #tpu.memory_space<semaphore_mem>>) src(%dma_wait3A_50 : memref<400xi32, #tpu.memory_space<hbm>>) dst(%arg5 : memref<400xi32, #tpu.memory_space<vmem>>)
          tpu.yield
        }) : () -> ()
        "tpu.region"() ({
          %run_scoped3A = tpu.sem_alloc : memref<!tpu.dma_semaphore, #tpu.memory_space<semaphore_mem>>
          %dma_start3A = arith.constant 0 : i32
          %dma_start3A_49 = tpu.memref_slice %arg7[%dma_start3A] : memref<150528xf32, #tpu.memory_space<vmem_shared>> -> memref<150528xf32, #tpu.memory_space<vmem_shared>>
          tpu.enqueue_indirect_dma source(%arg4 : memref<400xf32, #tpu.memory_space<vmem>>) target(%dma_start3A_49 : memref<150528xf32, #tpu.memory_space<vmem_shared>>) offsets(%arg5 : memref<400xi32, #tpu.memory_space<vmem>>) semaphore(%run_scoped3A : memref<!tpu.dma_semaphore, #tpu.memory_space<semaphore_mem>>) {add = true}
          %dma_wait3A = arith.constant 0 : i32
          %dma_wait3A_50 = tpu.memref_slice %arg7[%dma_wait3A] : memref<150528xf32, #tpu.memory_space<vmem_shared>> -> memref<150528xf32, #tpu.memory_space<vmem_shared>>
          tpu.wait_indirect_dma semaphore(%run_scoped3A : memref<!tpu.dma_semaphore, #tpu.memory_space<semaphore_mem>>) src(%arg4 : memref<400xf32, #tpu.memory_space<vmem>>) dst(%dma_wait3A_50 : memref<150528xf32, #tpu.memory_space<vmem_shared>>)
          tpu.yield
        }) : () -> ()
      }
      %scan3A_35 = arith.constant 32 : i32
      %scan3A_36 = arith.constant 0 : i32
      %scan3A_37 = arith.constant 0 : i32
      %scan3A_38 = arith.constant 32 : i32
      %scan3A_39 = arith.addi %scan3A_37, %scan3A_38 : i32
      %scan3A_40 = arith.constant 1 : i32
      scf.for %scan3A_42 = %scan3A_37 to %scan3A_39 step %scan3A_40  : i32 {
        %mul3A_43 = arith.constant 12800 : i32
        %mul3A_44 = arith.muli %arg1, %mul3A_43 : i32
        %add3A = arith.constant 204800 : i32
        %add3A_45 = arith.addi %add3A, %mul3A_44 : i32
        %mul3A_46 = arith.constant 400 : i32
        %mul3A_47 = arith.muli %scan3A_42, %mul3A_46 : i32
        %add3A_48 = arith.addi %add3A_45, %mul3A_47 : i32
        "tpu.region"() ({
          %run_scoped3A = tpu.sem_alloc : memref<!tpu.dma_semaphore, #tpu.memory_space<semaphore_mem>>
          %dma_start3A = tpu.memref_slice %arg2[%add3A_48] : memref<614400xi32, #tpu.memory_space<hbm>> -> memref<400xi32, #tpu.memory_space<hbm>>
          %dma_start3A_49 = tpu.memref_slice %arg2[%add3A_48] : memref<614400xi32, #tpu.memory_space<hbm>> -> memref<400xi32, #tpu.memory_space<hbm>>
          tpu.enqueue_dma source(%dma_start3A_49 : memref<400xi32, #tpu.memory_space<hbm>>) target(%arg5 : memref<400xi32, #tpu.memory_space<vmem>>) target_semaphore(%run_scoped3A : memref<!tpu.dma_semaphore, #tpu.memory_space<semaphore_mem>>)
          %dma_wait3A = tpu.memref_slice %arg2[%add3A_48] : memref<614400xi32, #tpu.memory_space<hbm>> -> memref<400xi32, #tpu.memory_space<hbm>>
          %dma_wait3A_50 = tpu.memref_slice %arg2[%add3A_48] : memref<614400xi32, #tpu.memory_space<hbm>> -> memref<400xi32, #tpu.memory_space<hbm>>
          tpu.wait_dma2 semaphore(%run_scoped3A : memref<!tpu.dma_semaphore, #tpu.memory_space<semaphore_mem>>) src(%dma_wait3A_50 : memref<400xi32, #tpu.memory_space<hbm>>) dst(%arg5 : memref<400xi32, #tpu.memory_space<vmem>>)
          tpu.yield
        }) : () -> ()
        "tpu.region"() ({
          %run_scoped3A = tpu.sem_alloc : memref<!tpu.dma_semaphore, #tpu.memory_space<semaphore_mem>>
          %dma_start3A = arith.constant 0 : i32
          %dma_start3A_49 = tpu.memref_slice %arg7[%dma_start3A] : memref<150528xf32, #tpu.memory_space<vmem_shared>> -> memref<150528xf32, #tpu.memory_space<vmem_shared>>
          tpu.enqueue_indirect_dma source(%arg4 : memref<400xf32, #tpu.memory_space<vmem>>) target(%dma_start3A_49 : memref<150528xf32, #tpu.memory_space<vmem_shared>>) offsets(%arg5 : memref<400xi32, #tpu.memory_space<vmem>>) semaphore(%run_scoped3A : memref<!tpu.dma_semaphore, #tpu.memory_space<semaphore_mem>>) {add = true}
          %dma_wait3A = arith.constant 0 : i32
          %dma_wait3A_50 = tpu.memref_slice %arg7[%dma_wait3A] : memref<150528xf32, #tpu.memory_space<vmem_shared>> -> memref<150528xf32, #tpu.memory_space<vmem_shared>>
          tpu.wait_indirect_dma semaphore(%run_scoped3A : memref<!tpu.dma_semaphore, #tpu.memory_space<semaphore_mem>>) src(%arg4 : memref<400xf32, #tpu.memory_space<vmem>>) dst(%dma_wait3A_50 : memref<150528xf32, #tpu.memory_space<vmem_shared>>)
          tpu.yield
        }) : () -> ()
      }
      %scan3A_41 = arith.constant 32 : i32
    } else {
    }
    %eq3A_14 = arith.constant 1 : i32
    %eq3A_15 = arith.cmpi eq, %arg0, %eq3A_14 : i32
    %convert_element_type3A_16 = arith.extui %eq3A_15 : i1 to i32
    %cond3A_17 = arith.constant 0 : i32
    %cond3A_18 = arith.cmpi ne, %convert_element_type3A_16, %cond3A_17 : i32
    scf.if %cond3A_18 {
      %scan3A_30 = arith.constant 0 : i32
      %scan3A_31 = arith.constant 0 : i32
      %scan3A_32 = arith.constant 32 : i32
      %scan3A_33 = arith.addi %scan3A_31, %scan3A_32 : i32
      %scan3A_34 = arith.constant 1 : i32
      scf.for %scan3A_36 = %scan3A_31 to %scan3A_33 step %scan3A_34  : i32 {
        %mul3A_37 = arith.constant 12800 : i32
        %mul3A_38 = arith.muli %arg1, %mul3A_37 : i32
        %add3A = arith.constant 409600 : i32
        %add3A_39 = arith.addi %add3A, %mul3A_38 : i32
        %mul3A_40 = arith.constant 400 : i32
        %mul3A_41 = arith.muli %scan3A_36, %mul3A_40 : i32
        %add3A_42 = arith.addi %add3A_39, %mul3A_41 : i32
        "tpu.region"() ({
          %run_scoped3A = tpu.sem_alloc : memref<!tpu.dma_semaphore, #tpu.memory_space<semaphore_mem>>
          %dma_start3A = tpu.memref_slice %arg2[%add3A_42] : memref<614400xi32, #tpu.memory_space<hbm>> -> memref<400xi32, #tpu.memory_space<hbm>>
          %dma_start3A_43 = tpu.memref_slice %arg2[%add3A_42] : memref<614400xi32, #tpu.memory_space<hbm>> -> memref<400xi32, #tpu.memory_space<hbm>>
          tpu.enqueue_dma source(%dma_start3A_43 : memref<400xi32, #tpu.memory_space<hbm>>) target(%arg5 : memref<400xi32, #tpu.memory_space<vmem>>) target_semaphore(%run_scoped3A : memref<!tpu.dma_semaphore, #tpu.memory_space<semaphore_mem>>)
          %dma_wait3A = tpu.memref_slice %arg2[%add3A_42] : memref<614400xi32, #tpu.memory_space<hbm>> -> memref<400xi32, #tpu.memory_space<hbm>>
          %dma_wait3A_44 = tpu.memref_slice %arg2[%add3A_42] : memref<614400xi32, #tpu.memory_space<hbm>> -> memref<400xi32, #tpu.memory_space<hbm>>
          tpu.wait_dma2 semaphore(%run_scoped3A : memref<!tpu.dma_semaphore, #tpu.memory_space<semaphore_mem>>) src(%dma_wait3A_44 : memref<400xi32, #tpu.memory_space<hbm>>) dst(%arg5 : memref<400xi32, #tpu.memory_space<vmem>>)
          tpu.yield
        }) : () -> ()
        "tpu.region"() ({
          %run_scoped3A = tpu.sem_alloc : memref<!tpu.dma_semaphore, #tpu.memory_space<semaphore_mem>>
          %dma_start3A = arith.constant 0 : i32
          %dma_start3A_43 = tpu.memref_slice %arg7[%dma_start3A] : memref<150528xf32, #tpu.memory_space<vmem_shared>> -> memref<150528xf32, #tpu.memory_space<vmem_shared>>
          tpu.enqueue_indirect_dma source(%arg4 : memref<400xf32, #tpu.memory_space<vmem>>) target(%dma_start3A_43 : memref<150528xf32, #tpu.memory_space<vmem_shared>>) offsets(%arg5 : memref<400xi32, #tpu.memory_space<vmem>>) semaphore(%run_scoped3A : memref<!tpu.dma_semaphore, #tpu.memory_space<semaphore_mem>>) {add = true}
          %dma_wait3A = arith.constant 0 : i32
          %dma_wait3A_44 = tpu.memref_slice %arg7[%dma_wait3A] : memref<150528xf32, #tpu.memory_space<vmem_shared>> -> memref<150528xf32, #tpu.memory_space<vmem_shared>>
          tpu.wait_indirect_dma semaphore(%run_scoped3A : memref<!tpu.dma_semaphore, #tpu.memory_space<semaphore_mem>>) src(%arg4 : memref<400xf32, #tpu.memory_space<vmem>>) dst(%dma_wait3A_44 : memref<150528xf32, #tpu.memory_space<vmem_shared>>)
          tpu.yield
        }) : () -> ()
      }
      %scan3A_35 = arith.constant 32 : i32
    } else {
    }
    %barrier3A_19 = arith.constant 0 : index
    tpu.barrier barrier_id(%barrier3A_19)
    %eq3A_20 = arith.constant 0 : i32
    %eq3A_21 = arith.cmpi eq, %arg0, %eq3A_20 : i32
    %convert_element_type3A_22 = arith.extui %eq3A_21 : i1 to i32
    %cond3A_23 = arith.constant 0 : i32
    %cond3A_24 = arith.cmpi ne, %convert_element_type3A_22, %cond3A_23 : i32
    scf.if %cond3A_24 {
      %mul3A_30 = arith.constant 6272 : i32
      %mul3A_31 = arith.muli %arg1, %mul3A_30 : i32
      "tpu.region"() ({
        %run_scoped3A = tpu.sem_alloc : memref<!tpu.dma_semaphore, #tpu.memory_space<semaphore_mem>>
        %dma_start3A = arith.constant 0 : i32
        %dma_start3A_34 = tpu.memref_slice %arg6[%dma_start3A] : memref<9408xf32, #tpu.memory_space<vmem>> -> memref<6272xf32, #tpu.memory_space<vmem>>
        %dma_start3A_35 = tpu.memref_slice %arg7[%mul3A_31] : memref<150528xf32, #tpu.memory_space<vmem_shared>> -> memref<6272xf32, #tpu.memory_space<vmem_shared>>
        %dma_start3A_36 = arith.constant 0 : i32
        %dma_start3A_37 = tpu.memref_slice %arg6[%dma_start3A_36] : memref<9408xf32, #tpu.memory_space<vmem>> -> memref<6272xf32, #tpu.memory_space<vmem>>
        %dma_start3A_38 = tpu.memref_slice %arg7[%mul3A_31] : memref<150528xf32, #tpu.memory_space<vmem_shared>> -> memref<6272xf32, #tpu.memory_space<vmem_shared>>
        tpu.enqueue_dma source(%dma_start3A_38 : memref<6272xf32, #tpu.memory_space<vmem_shared>>) target(%dma_start3A_37 : memref<6272xf32, #tpu.memory_space<vmem>>) target_semaphore(%run_scoped3A : memref<!tpu.dma_semaphore, #tpu.memory_space<semaphore_mem>>)
        %dma_wait3A = arith.constant 0 : i32
        %dma_wait3A_39 = tpu.memref_slice %arg6[%dma_wait3A] : memref<9408xf32, #tpu.memory_space<vmem>> -> memref<6272xf32, #tpu.memory_space<vmem>>
        %dma_wait3A_40 = tpu.memref_slice %arg7[%mul3A_31] : memref<150528xf32, #tpu.memory_space<vmem_shared>> -> memref<6272xf32, #tpu.memory_space<vmem_shared>>
        %dma_wait3A_41 = arith.constant 0 : i32
        %dma_wait3A_42 = tpu.memref_slice %arg6[%dma_wait3A_41] : memref<9408xf32, #tpu.memory_space<vmem>> -> memref<6272xf32, #tpu.memory_space<vmem>>
        %dma_wait3A_43 = tpu.memref_slice %arg7[%mul3A_31] : memref<150528xf32, #tpu.memory_space<vmem_shared>> -> memref<6272xf32, #tpu.memory_space<vmem_shared>>
        tpu.wait_dma2 semaphore(%run_scoped3A : memref<!tpu.dma_semaphore, #tpu.memory_space<semaphore_mem>>) src(%dma_wait3A_43 : memref<6272xf32, #tpu.memory_space<vmem_shared>>) dst(%dma_wait3A_42 : memref<6272xf32, #tpu.memory_space<vmem>>)
        tpu.yield
      }) : () -> ()
      %mul3A_32 = arith.constant 6272 : i32
      %mul3A_33 = arith.muli %arg1, %mul3A_32 : i32
      "tpu.region"() ({
        %run_scoped3A = tpu.sem_alloc : memref<!tpu.dma_semaphore, #tpu.memory_space<semaphore_mem>>
        %dma_start3A = arith.constant 0 : i32
        %dma_start3A_34 = tpu.memref_slice %arg6[%dma_start3A] : memref<9408xf32, #tpu.memory_space<vmem>> -> memref<6272xf32, #tpu.memory_space<vmem>>
        %dma_start3A_35 = tpu.memref_slice %arg3[%mul3A_33] : memref<150528xf32, #tpu.memory_space<hbm>> -> memref<6272xf32, #tpu.memory_space<hbm>>
        %dma_start3A_36 = tpu.memref_slice %arg3[%mul3A_33] : memref<150528xf32, #tpu.memory_space<hbm>> -> memref<6272xf32, #tpu.memory_space<hbm>>
        %dma_start3A_37 = arith.constant 0 : i32
        %dma_start3A_38 = tpu.memref_slice %arg6[%dma_start3A_37] : memref<9408xf32, #tpu.memory_space<vmem>> -> memref<6272xf32, #tpu.memory_space<vmem>>
        tpu.enqueue_dma source(%dma_start3A_38 : memref<6272xf32, #tpu.memory_space<vmem>>) target(%dma_start3A_36 : memref<6272xf32, #tpu.memory_space<hbm>>) target_semaphore(%run_scoped3A : memref<!tpu.dma_semaphore, #tpu.memory_space<semaphore_mem>>)
        %dma_wait3A = arith.constant 0 : i32
        %dma_wait3A_39 = tpu.memref_slice %arg6[%dma_wait3A] : memref<9408xf32, #tpu.memory_space<vmem>> -> memref<6272xf32, #tpu.memory_space<vmem>>
        %dma_wait3A_40 = tpu.memref_slice %arg3[%mul3A_33] : memref<150528xf32, #tpu.memory_space<hbm>> -> memref<6272xf32, #tpu.memory_space<hbm>>
        %dma_wait3A_41 = tpu.memref_slice %arg3[%mul3A_33] : memref<150528xf32, #tpu.memory_space<hbm>> -> memref<6272xf32, #tpu.memory_space<hbm>>
        %dma_wait3A_42 = arith.constant 0 : i32
        %dma_wait3A_43 = tpu.memref_slice %arg6[%dma_wait3A_42] : memref<9408xf32, #tpu.memory_space<vmem>> -> memref<6272xf32, #tpu.memory_space<vmem>>
        tpu.wait_dma2 semaphore(%run_scoped3A : memref<!tpu.dma_semaphore, #tpu.memory_space<semaphore_mem>>) src(%dma_wait3A_43 : memref<6272xf32, #tpu.memory_space<vmem>>) dst(%dma_wait3A_41 : memref<6272xf32, #tpu.memory_space<hbm>>)
        tpu.yield
      }) : () -> ()
    } else {
    }
    %eq3A_25 = arith.constant 1 : i32
    %eq3A_26 = arith.cmpi eq, %arg0, %eq3A_25 : i32
    %convert_element_type3A_27 = arith.extui %eq3A_26 : i1 to i32
    %cond3A_28 = arith.constant 0 : i32
    %cond3A_29 = arith.cmpi ne, %convert_element_type3A_27, %cond3A_28 : i32
    scf.if %cond3A_29 {
      %mul3A_30 = arith.constant 3136 : i32
      %mul3A_31 = arith.muli %arg1, %mul3A_30 : i32
      %add3A = arith.constant 100352 : i32
      %add3A_32 = arith.addi %add3A, %mul3A_31 : i32
      "tpu.region"() ({
        %run_scoped3A = tpu.sem_alloc : memref<!tpu.dma_semaphore, #tpu.memory_space<semaphore_mem>>
        %dma_start3A = arith.constant 0 : i32
        %dma_start3A_37 = tpu.memref_slice %arg6[%dma_start3A] : memref<9408xf32, #tpu.memory_space<vmem>> -> memref<3136xf32, #tpu.memory_space<vmem>>
        %dma_start3A_38 = tpu.memref_slice %arg7[%add3A_32] : memref<150528xf32, #tpu.memory_space<vmem_shared>> -> memref<3136xf32, #tpu.memory_space<vmem_shared>>
        %dma_start3A_39 = arith.constant 0 : i32
        %dma_start3A_40 = tpu.memref_slice %arg6[%dma_start3A_39] : memref<9408xf32, #tpu.memory_space<vmem>> -> memref<3136xf32, #tpu.memory_space<vmem>>
        %dma_start3A_41 = tpu.memref_slice %arg7[%add3A_32] : memref<150528xf32, #tpu.memory_space<vmem_shared>> -> memref<3136xf32, #tpu.memory_space<vmem_shared>>
        tpu.enqueue_dma source(%dma_start3A_41 : memref<3136xf32, #tpu.memory_space<vmem_shared>>) target(%dma_start3A_40 : memref<3136xf32, #tpu.memory_space<vmem>>) target_semaphore(%run_scoped3A : memref<!tpu.dma_semaphore, #tpu.memory_space<semaphore_mem>>)
        %dma_wait3A = arith.constant 0 : i32
        %dma_wait3A_42 = tpu.memref_slice %arg6[%dma_wait3A] : memref<9408xf32, #tpu.memory_space<vmem>> -> memref<3136xf32, #tpu.memory_space<vmem>>
        %dma_wait3A_43 = tpu.memref_slice %arg7[%add3A_32] : memref<150528xf32, #tpu.memory_space<vmem_shared>> -> memref<3136xf32, #tpu.memory_space<vmem_shared>>
        %dma_wait3A_44 = arith.constant 0 : i32
        %dma_wait3A_45 = tpu.memref_slice %arg6[%dma_wait3A_44] : memref<9408xf32, #tpu.memory_space<vmem>> -> memref<3136xf32, #tpu.memory_space<vmem>>
        %dma_wait3A_46 = tpu.memref_slice %arg7[%add3A_32] : memref<150528xf32, #tpu.memory_space<vmem_shared>> -> memref<3136xf32, #tpu.memory_space<vmem_shared>>
        tpu.wait_dma2 semaphore(%run_scoped3A : memref<!tpu.dma_semaphore, #tpu.memory_space<semaphore_mem>>) src(%dma_wait3A_46 : memref<3136xf32, #tpu.memory_space<vmem_shared>>) dst(%dma_wait3A_45 : memref<3136xf32, #tpu.memory_space<vmem>>)
        tpu.yield
      }) : () -> ()
      %mul3A_33 = arith.constant 3136 : i32
      %mul3A_34 = arith.muli %arg1, %mul3A_33 : i32
      %add3A_35 = arith.constant 100352 : i32
      %add3A_36 = arith.addi %add3A_35, %mul3A_34 : i32
      "tpu.region"() ({
        %run_scoped3A = tpu.sem_alloc : memref<!tpu.dma_semaphore, #tpu.memory_space<semaphore_mem>>
        %dma_start3A = arith.constant 0 : i32
        %dma_start3A_37 = tpu.memref_slice %arg6[%dma_start3A] : memref<9408xf32, #tpu.memory_space<vmem>> -> memref<3136xf32, #tpu.memory_space<vmem>>
        %dma_start3A_38 = tpu.memref_slice %arg3[%add3A_36] : memref<150528xf32, #tpu.memory_space<hbm>> -> memref<3136xf32, #tpu.memory_space<hbm>>
        %dma_start3A_39 = tpu.memref_slice %arg3[%add3A_36] : memref<150528xf32, #tpu.memory_space<hbm>> -> memref<3136xf32, #tpu.memory_space<hbm>>
        %dma_start3A_40 = arith.constant 0 : i32
        %dma_start3A_41 = tpu.memref_slice %arg6[%dma_start3A_40] : memref<9408xf32, #tpu.memory_space<vmem>> -> memref<3136xf32, #tpu.memory_space<vmem>>
        tpu.enqueue_dma source(%dma_start3A_41 : memref<3136xf32, #tpu.memory_space<vmem>>) target(%dma_start3A_39 : memref<3136xf32, #tpu.memory_space<hbm>>) target_semaphore(%run_scoped3A : memref<!tpu.dma_semaphore, #tpu.memory_space<semaphore_mem>>)
        %dma_wait3A = arith.constant 0 : i32
        %dma_wait3A_42 = tpu.memref_slice %arg6[%dma_wait3A] : memref<9408xf32, #tpu.memory_space<vmem>> -> memref<3136xf32, #tpu.memory_space<vmem>>
        %dma_wait3A_43 = tpu.memref_slice %arg3[%add3A_36] : memref<150528xf32, #tpu.memory_space<hbm>> -> memref<3136xf32, #tpu.memory_space<hbm>>
        %dma_wait3A_44 = tpu.memref_slice %arg3[%add3A_36] : memref<150528xf32, #tpu.memory_space<hbm>> -> memref<3136xf32, #tpu.memory_space<hbm>>
        %dma_wait3A_45 = arith.constant 0 : i32
        %dma_wait3A_46 = tpu.memref_slice %arg6[%dma_wait3A_45] : memref<9408xf32, #tpu.memory_space<vmem>> -> memref<3136xf32, #tpu.memory_space<vmem>>
        tpu.wait_dma2 semaphore(%run_scoped3A : memref<!tpu.dma_semaphore, #tpu.memory_space<semaphore_mem>>) src(%dma_wait3A_46 : memref<3136xf32, #tpu.memory_space<vmem>>) dst(%dma_wait3A_44 : memref<3136xf32, #tpu.memory_space<hbm>>)
        tpu.yield
      }) : () -> ()
    } else {
    }
    return
  }
}

#map = affine_map<(d0, d1) -> (0, 0)>
module attributes {stable_mosaic.version = 14 : i64} {
  func.func @body(%arg0: i32, %arg1: i32, %arg2: memref<301056x32xf32, #tpu.memory_space<hbm>>, %arg3: memref<6144x400xi32, #tpu.memory_space<hbm>>, %arg4: memref<150528x64xf32, #tpu.memory_space<hbm>>, %arg5: memref<50176x32xf32, #tpu.memory_space<vmem_shared>>, %arg6: memref<!tpu.dma_semaphore, #tpu.memory_space<semaphore_mem>>, %arg7: memref<!tpu.dma_semaphore, #tpu.memory_space<semaphore_mem>>) attributes {dimension_semantics = [#tpu.dimension_semantics<core_parallel>, #tpu.dimension_semantics<subcore_parallel>], iteration_bounds = array<i64: 2, 16>, scalar_prefetch = 0 : i64, scratch_operands = 3 : i64, tpu.core_type = #tpu.core_type<sc_vector_subcore>, window_params = [{transform_indices = #map}, {transform_indices = #map}, {transform_indices = #map}]} {
    "tpu.region"() ({
      %run_scoped3A = memref.alloca() : memref<400x32xf32, #tpu.memory_space<vmem>>
      %run_scoped3A_0 = memref.alloca() : memref<400x32xf32, #tpu.memory_space<vmem>>
      %run_scoped3A_1 = memref.alloca() : memref<2x400xi32, #tpu.memory_space<vmem>>
      %run_scoped3A_2 = memref.alloca() : memref<2x400xi32, #tpu.memory_space<vmem>>
      %mul3A = arith.constant 3 : i32
      %mul3A_3 = arith.muli %arg0, %mul3A : i32
      %add3A = arith.constant 1 : i32
      %add3A_4 = arith.addi %arg0, %add3A : i32
      %mul3A_5 = arith.constant 3 : i32
      %mul3A_6 = arith.muli %add3A_4, %mul3A_5 : i32
      %while3A = arith.constant 0 : i32
      %while3A_7 = arith.subi %mul3A_6, %mul3A_3 : i32
      %while3A_8 = arith.addi %mul3A_3, %while3A_7 : i32
      %while3A_9 = arith.constant 1 : i32
      %while3A_10 = arith.divsi %while3A_7, %while3A_9 : i32
      %while3A_11 = arith.muli %while3A_10, %while3A_9 : i32
      %while3A_12 = arith.addi %mul3A_3, %while3A_11 : i32
      %while3A_13 = arith.constant 1 : i32
      scf.for %while3A_15 = %mul3A_3 to %while3A_12 step %while3A_13  : i32 {
        %jit3A = arith.constant 2 : i32
        %div3A = arith.divsi %while3A_15, %jit3A : i32
        %sign3A = arith.constant 0 : i32
        %sign3A_16 = arith.cmpi sgt, %while3A_15, %sign3A : i32
        %sign3A_17 = arith.extui %sign3A_16 : i1 to i32
        %sign3A_18 = arith.constant 0 : i32
        %sign3A_19 = arith.cmpi slt, %while3A_15, %sign3A_18 : i32
        %sign3A_20 = arith.extui %sign3A_19 : i1 to i32
        %sign3A_21 = arith.subi %sign3A_17, %sign3A_20 : i32
        %sign3A_22 = arith.constant 0 : i32
        %sign3A_23 = arith.cmpi sgt, %jit3A, %sign3A_22 : i32
        %sign3A_24 = arith.extui %sign3A_23 : i1 to i32
        %sign3A_25 = arith.constant 0 : i32
        %sign3A_26 = arith.cmpi slt, %jit3A, %sign3A_25 : i32
        %sign3A_27 = arith.extui %sign3A_26 : i1 to i32
        %sign3A_28 = arith.subi %sign3A_24, %sign3A_27 : i32
        %ne3A = arith.cmpi ne, %sign3A_21, %sign3A_28 : i32
        %rem3A = arith.remsi %while3A_15, %jit3A : i32
        %ne3A_29 = arith.constant 0 : i32
        %ne3A_30 = arith.cmpi ne, %rem3A, %ne3A_29 : i32
        %and3A = arith.andi %ne3A, %ne3A_30 : i1
        %sub3A = arith.constant 1 : i32
        %sub3A_31 = arith.subi %div3A, %sub3A : i32
        %select_n3A = arith.select %and3A, %sub3A_31, %div3A : i32
        %mul3A_32 = arith.constant 2 : i32
        %mul3A_33 = arith.muli %select_n3A, %mul3A_32 : i32
        %sub3A_34 = arith.subi %while3A_15, %mul3A_33 : i32
        %mul3A_35 = arith.constant 512 : i32
        %mul3A_36 = arith.muli %while3A_15, %mul3A_35 : i32
        %mul3A_37 = arith.constant 32 : i32
        %mul3A_38 = arith.muli %arg1, %mul3A_37 : i32
        %add3A_39 = arith.addi %mul3A_36, %mul3A_38 : i32
        %mul3A_40 = arith.constant 2 : i32
        %mul3A_41 = arith.muli %add3A_39, %mul3A_40 : i32
        %scan3A = arith.constant 0 : i32
        %scan3A_42 = arith.constant 0 : i32
        %scan3A_43 = arith.constant 392 : i32
        %scan3A_44 = arith.addi %scan3A_42, %scan3A_43 : i32
        %scan3A_45 = arith.constant 1 : i32
        scf.for %scan3A_74 = %scan3A_42 to %scan3A_44 step %scan3A_45  : i32 {
          %broadcast_in_dim3A = arith.constant 0.000000e+00 : f32
          %broadcast_in_dim3A_75 = vector.broadcast %broadcast_in_dim3A : f32 to vector<16xf32>
          %swap3A = arith.index_cast %scan3A_74 : i32 to index
          %swap3A_76 = arith.constant 0 : index
          %swap3A_77 = tpu.vector_load %run_scoped3A[%swap3A, %swap3A_76] {strides = array<i32>} : memref<400x32xf32, #tpu.memory_space<vmem>>, vector<1x16xf32>,
          %swap3A_78 = vector.shape_cast %swap3A_77 : vector<1x16xf32> to vector<16xf32>
          %swap3A_79 = vector.shape_cast %broadcast_in_dim3A_75 : vector<16xf32> to vector<1x16xf32>
          tpu.vector_store %run_scoped3A[%swap3A, %swap3A_76], %swap3A_79 {strides = array<i32>} : memref<400x32xf32, #tpu.memory_space<vmem>>, vector<1x16xf32>,
          %broadcast_in_dim3A_80 = arith.constant 0.000000e+00 : f32
          %broadcast_in_dim3A_81 = vector.broadcast %broadcast_in_dim3A_80 : f32 to vector<16xf32>
          %swap3A_82 = arith.index_cast %scan3A_74 : i32 to index
          %swap3A_83 = arith.constant 16 : index
          %swap3A_84 = tpu.vector_load %run_scoped3A[%swap3A_82, %swap3A_83] {strides = array<i32>} : memref<400x32xf32, #tpu.memory_space<vmem>>, vector<1x16xf32>,
          %swap3A_85 = vector.shape_cast %swap3A_84 : vector<1x16xf32> to vector<16xf32>
          %swap3A_86 = vector.shape_cast %broadcast_in_dim3A_81 : vector<16xf32> to vector<1x16xf32>
          tpu.vector_store %run_scoped3A[%swap3A_82, %swap3A_83], %swap3A_86 {strides = array<i32>} : memref<400x32xf32, #tpu.memory_space<vmem>>, vector<1x16xf32>,
        }
        %scan3A_46 = arith.constant 392 : i32
        %scan3A_47 = arith.constant 0 : i32
        %scan3A_48 = arith.constant 0 : i32
        %scan3A_49 = arith.constant 8 : i32
        %scan3A_50 = arith.addi %scan3A_48, %scan3A_49 : i32
        %scan3A_51 = arith.constant 1 : i32
        scf.for %scan3A_74 = %scan3A_48 to %scan3A_50 step %scan3A_51  : i32 {
          %mul3A_75 = arith.constant 3136 : i32
          %mul3A_76 = arith.muli %arg1, %mul3A_75 : i32
          %mul3A_77 = arith.constant 392 : i32
          %mul3A_78 = arith.muli %scan3A_74, %mul3A_77 : i32
          %add3A_79 = arith.addi %mul3A_76, %mul3A_78 : i32
          "tpu.region"() ({
            %run_scoped3A_80 = tpu.sem_alloc : memref<!tpu.dma_semaphore, #tpu.memory_space<semaphore_mem>>
            %dma_start3A_81 = arith.constant 0 : i32
            %dma_start3A_82 = arith.constant 0 : i32
            %dma_start3A_83 = tpu.memref_slice %run_scoped3A[%dma_start3A_81, %dma_start3A_82] : memref<400x32xf32, #tpu.memory_space<vmem>> -> memref<392x32xf32, #tpu.memory_space<vmem>>
            %dma_start3A_84 = arith.constant 0 : i32
            %dma_start3A_85 = tpu.memref_slice %arg5[%add3A_79, %dma_start3A_84] : memref<50176x32xf32, #tpu.memory_space<vmem_shared>> -> memref<392x32xf32, #tpu.memory_space<vmem_shared>>
            %dma_start3A_86 = arith.constant 0 : i32
            %dma_start3A_87 = tpu.memref_slice %arg5[%add3A_79, %dma_start3A_86] : memref<50176x32xf32, #tpu.memory_space<vmem_shared>> -> memref<392x32xf32, #tpu.memory_space<vmem_shared>>
            %dma_start3A_88 = arith.constant 0 : i32
            %dma_start3A_89 = arith.constant 0 : i32
            %dma_start3A_90 = tpu.memref_slice %run_scoped3A[%dma_start3A_88, %dma_start3A_89] : memref<400x32xf32, #tpu.memory_space<vmem>> -> memref<392x32xf32, #tpu.memory_space<vmem>>
            tpu.enqueue_dma source(%dma_start3A_90 : memref<392x32xf32, #tpu.memory_space<vmem>>) target(%dma_start3A_87 : memref<392x32xf32, #tpu.memory_space<vmem_shared>>) target_semaphore(%run_scoped3A_80 : memref<!tpu.dma_semaphore, #tpu.memory_space<semaphore_mem>>)
            %dma_wait3A = arith.constant 0 : i32
            %dma_wait3A_91 = arith.constant 0 : i32
            %dma_wait3A_92 = tpu.memref_slice %run_scoped3A[%dma_wait3A, %dma_wait3A_91] : memref<400x32xf32, #tpu.memory_space<vmem>> -> memref<392x32xf32, #tpu.memory_space<vmem>>
            %dma_wait3A_93 = arith.constant 0 : i32
            %dma_wait3A_94 = tpu.memref_slice %arg5[%add3A_79, %dma_wait3A_93] : memref<50176x32xf32, #tpu.memory_space<vmem_shared>> -> memref<392x32xf32, #tpu.memory_space<vmem_shared>>
            %dma_wait3A_95 = arith.constant 0 : i32
            %dma_wait3A_96 = tpu.memref_slice %arg5[%add3A_79, %dma_wait3A_95] : memref<50176x32xf32, #tpu.memory_space<vmem_shared>> -> memref<392x32xf32, #tpu.memory_space<vmem_shared>>
            %dma_wait3A_97 = arith.constant 0 : i32
            %dma_wait3A_98 = arith.constant 0 : i32
            %dma_wait3A_99 = tpu.memref_slice %run_scoped3A[%dma_wait3A_97, %dma_wait3A_98] : memref<400x32xf32, #tpu.memory_space<vmem>> -> memref<392x32xf32, #tpu.memory_space<vmem>>
            tpu.wait_dma2 semaphore(%run_scoped3A_80 : memref<!tpu.dma_semaphore, #tpu.memory_space<semaphore_mem>>) src(%dma_wait3A_99 : memref<392x32xf32, #tpu.memory_space<vmem>>) dst(%dma_wait3A_96 : memref<392x32xf32, #tpu.memory_space<vmem_shared>>)
            tpu.yield
          }) : () -> ()
        }
        %scan3A_52 = arith.constant 8 : i32
        %barrier3A = arith.constant 0 : index
        tpu.barrier barrier_id(%barrier3A)
        %add3A_53 = arith.constant 0 : i32
        %add3A_54 = arith.addi %mul3A_41, %add3A_53 : i32
        "tpu.region"() ({
          %run_scoped3A_74 = tpu.sem_alloc : memref<!tpu.dma_semaphore, #tpu.memory_space<semaphore_mem>>
          %dma_start3A_75 = arith.constant 0 : i32
          %dma_start3A_76 = tpu.memref_slice %arg3[%add3A_54, %dma_start3A_75] : memref<6144x400xi32, #tpu.memory_space<hbm>> -> memref<2x400xi32, #tpu.memory_space<hbm>>
          %dma_start3A_77 = arith.constant 0 : i32
          %dma_start3A_78 = tpu.memref_slice %arg3[%add3A_54, %dma_start3A_77] : memref<6144x400xi32, #tpu.memory_space<hbm>> -> memref<2x400xi32, #tpu.memory_space<hbm>>
          tpu.enqueue_dma source(%dma_start3A_78 : memref<2x400xi32, #tpu.memory_space<hbm>>) target(%run_scoped3A_1 : memref<2x400xi32, #tpu.memory_space<vmem>>) target_semaphore(%run_scoped3A_74 : memref<!tpu.dma_semaphore, #tpu.memory_space<semaphore_mem>>)
          %dma_wait3A = arith.constant 0 : i32
          %dma_wait3A_79 = tpu.memref_slice %arg3[%add3A_54, %dma_wait3A] : memref<6144x400xi32, #tpu.memory_space<hbm>> -> memref<2x400xi32, #tpu.memory_space<hbm>>
          %dma_wait3A_80 = arith.constant 0 : i32
          %dma_wait3A_81 = tpu.memref_slice %arg3[%add3A_54, %dma_wait3A_80] : memref<6144x400xi32, #tpu.memory_space<hbm>> -> memref<2x400xi32, #tpu.memory_space<hbm>>
          tpu.wait_dma2 semaphore(%run_scoped3A_74 : memref<!tpu.dma_semaphore, #tpu.memory_space<semaphore_mem>>) src(%dma_wait3A_81 : memref<2x400xi32, #tpu.memory_space<hbm>>) dst(%run_scoped3A_1 : memref<2x400xi32, #tpu.memory_space<vmem>>)
          tpu.yield
        }) : () -> ()
        %dma_start3A = arith.constant 0 : i32
        %dma_start3A_55 = arith.constant 0 : i32
        %dma_start3A_56 = tpu.memref_slice %run_scoped3A_1[%dma_start3A, %dma_start3A_55] : memref<2x400xi32, #tpu.memory_space<vmem>> -> memref<1x400xi32, #tpu.memory_space<vmem>>
        %dma_start3A_57 = tpu.memref_squeeze %dma_start3A_56 : memref<1x400xi32, #tpu.memory_space<vmem>> -> memref<400xi32, #tpu.memory_space<vmem>>
        %dma_start3A_58 = arith.constant 0 : i32
        %dma_start3A_59 = arith.constant 0 : i32
        %dma_start3A_60 = tpu.memref_slice %arg2[%dma_start3A_58, %dma_start3A_59] : memref<301056x32xf32, #tpu.memory_space<hbm>> -> memref<301056x32xf32, #tpu.memory_space<hbm>>
        tpu.enqueue_indirect_dma source(%dma_start3A_60 : memref<301056x32xf32, #tpu.memory_space<hbm>>) target(%run_scoped3A : memref<400x32xf32, #tpu.memory_space<vmem>>) offsets(%dma_start3A_57 : memref<400xi32, #tpu.memory_space<vmem>>) semaphore(%arg6 : memref<!tpu.dma_semaphore, #tpu.memory_space<semaphore_mem>>)
        %scan3A_61 = arith.constant 0 : i32
        %scan3A_62 = arith.constant 0 : i32
        %scan3A_63 = arith.constant 16 : i32
        %scan3A_64 = arith.addi %scan3A_62, %scan3A_63 : i32
        %scan3A_65 = arith.constant 1 : i32
        scf.for %scan3A_74 = %scan3A_62 to %scan3A_64 step %scan3A_65  : i32 {
          %mul3A_75 = arith.constant 2 : i32
          %mul3A_76 = arith.muli %mul3A_75, %scan3A_74 : i32
          %add3A_77 = arith.constant 1 : i32
          %add3A_78 = arith.addi %mul3A_76, %add3A_77 : i32
          %mul3A_79 = arith.constant 2 : i32
          %mul3A_80 = arith.muli %add3A_78, %mul3A_79 : i32
          %add3A_81 = arith.addi %mul3A_41, %mul3A_80 : i32
          "tpu.region"() ({
            %run_scoped3A_106 = tpu.sem_alloc : memref<!tpu.dma_semaphore, #tpu.memory_space<semaphore_mem>>
            %dma_start3A_107 = arith.constant 0 : i32
            %dma_start3A_108 = tpu.memref_slice %arg3[%add3A_81, %dma_start3A_107] : memref<6144x400xi32, #tpu.memory_space<hbm>> -> memref<2x400xi32, #tpu.memory_space<hbm>>
            %dma_start3A_109 = arith.constant 0 : i32
            %dma_start3A_110 = tpu.memref_slice %arg3[%add3A_81, %dma_start3A_109] : memref<6144x400xi32, #tpu.memory_space<hbm>> -> memref<2x400xi32, #tpu.memory_space<hbm>>
            tpu.enqueue_dma source(%dma_start3A_110 : memref<2x400xi32, #tpu.memory_space<hbm>>) target(%run_scoped3A_2 : memref<2x400xi32, #tpu.memory_space<vmem>>) target_semaphore(%run_scoped3A_106 : memref<!tpu.dma_semaphore, #tpu.memory_space<semaphore_mem>>)
            %dma_wait3A_111 = arith.constant 0 : i32
            %dma_wait3A_112 = tpu.memref_slice %arg3[%add3A_81, %dma_wait3A_111] : memref<6144x400xi32, #tpu.memory_space<hbm>> -> memref<2x400xi32, #tpu.memory_space<hbm>>
            %dma_wait3A_113 = arith.constant 0 : i32
            %dma_wait3A_114 = tpu.memref_slice %arg3[%add3A_81, %dma_wait3A_113] : memref<6144x400xi32, #tpu.memory_space<hbm>> -> memref<2x400xi32, #tpu.memory_space<hbm>>
            tpu.wait_dma2 semaphore(%run_scoped3A_106 : memref<!tpu.dma_semaphore, #tpu.memory_space<semaphore_mem>>) src(%dma_wait3A_114 : memref<2x400xi32, #tpu.memory_space<hbm>>) dst(%run_scoped3A_2 : memref<2x400xi32, #tpu.memory_space<vmem>>)
            tpu.yield
          }) : () -> ()
          %dma_start3A_82 = arith.constant 0 : i32
          %dma_start3A_83 = arith.constant 0 : i32
          %dma_start3A_84 = tpu.memref_slice %run_scoped3A_2[%dma_start3A_82, %dma_start3A_83] : memref<2x400xi32, #tpu.memory_space<vmem>> -> memref<1x400xi32, #tpu.memory_space<vmem>>
          %dma_start3A_85 = tpu.memref_squeeze %dma_start3A_84 : memref<1x400xi32, #tpu.memory_space<vmem>> -> memref<400xi32, #tpu.memory_space<vmem>>
          %dma_start3A_86 = arith.constant 0 : i32
          %dma_start3A_87 = arith.constant 0 : i32
          %dma_start3A_88 = tpu.memref_slice %arg2[%dma_start3A_86, %dma_start3A_87] : memref<301056x32xf32, #tpu.memory_space<hbm>> -> memref<301056x32xf32, #tpu.memory_space<hbm>>
          tpu.enqueue_indirect_dma source(%dma_start3A_88 : memref<301056x32xf32, #tpu.memory_space<hbm>>) target(%run_scoped3A_0 : memref<400x32xf32, #tpu.memory_space<vmem>>) offsets(%dma_start3A_85 : memref<400xi32, #tpu.memory_space<vmem>>) semaphore(%arg7 : memref<!tpu.dma_semaphore, #tpu.memory_space<semaphore_mem>>)
          %dma_wait3A = arith.constant 0 : i32
          %dma_wait3A_89 = arith.constant 0 : i32
          %dma_wait3A_90 = tpu.memref_slice %run_scoped3A_1[%dma_wait3A, %dma_wait3A_89] : memref<2x400xi32, #tpu.memory_space<vmem>> -> memref<1x400xi32, #tpu.memory_space<vmem>>
          %dma_wait3A_91 = tpu.memref_squeeze %dma_wait3A_90 : memref<1x400xi32, #tpu.memory_space<vmem>> -> memref<400xi32, #tpu.memory_space<vmem>>
          %dma_wait3A_92 = arith.constant 0 : i32
          %dma_wait3A_93 = arith.constant 0 : i32
          %dma_wait3A_94 = tpu.memref_slice %arg2[%dma_wait3A_92, %dma_wait3A_93] : memref<301056x32xf32, #tpu.memory_space<hbm>> -> memref<301056x32xf32, #tpu.memory_space<hbm>>
          tpu.wait_indirect_dma semaphore(%arg6 : memref<!tpu.dma_semaphore, #tpu.memory_space<semaphore_mem>>) src(%dma_wait3A_94 : memref<301056x32xf32, #tpu.memory_space<hbm>>) dst(%run_scoped3A : memref<400x32xf32, #tpu.memory_space<vmem>>)
          %run_scoped3A_95 = arith.constant 1 : i32
          "tpu.region"() ({
            %run_scoped3A_106 = tpu.sem_alloc : memref<!tpu.dma_semaphore, #tpu.memory_space<semaphore_mem>>
            %dma_start3A_107 = arith.constant 0 : i32
            %dma_start3A_108 = tpu.memref_slice %run_scoped3A_1[%run_scoped3A_95, %dma_start3A_107] : memref<2x400xi32, #tpu.memory_space<vmem>> -> memref<1x400xi32, #tpu.memory_space<vmem>>
            %dma_start3A_109 = tpu.memref_squeeze %dma_start3A_108 : memref<1x400xi32, #tpu.memory_space<vmem>> -> memref<400xi32, #tpu.memory_space<vmem>>
            %dma_start3A_110 = arith.constant 0 : i32
            %dma_start3A_111 = arith.constant 0 : i32
            %dma_start3A_112 = tpu.memref_slice %arg5[%dma_start3A_110, %dma_start3A_111] : memref<50176x32xf32, #tpu.memory_space<vmem_shared>> -> memref<50176x32xf32, #tpu.memory_space<vmem_shared>>
            tpu.enqueue_indirect_dma source(%run_scoped3A : memref<400x32xf32, #tpu.memory_space<vmem>>) target(%dma_start3A_112 : memref<50176x32xf32, #tpu.memory_space<vmem_shared>>) offsets(%dma_start3A_109 : memref<400xi32, #tpu.memory_space<vmem>>) semaphore(%run_scoped3A_106 : memref<!tpu.dma_semaphore, #tpu.memory_space<semaphore_mem>>) {add = true}
            %dma_wait3A_113 = arith.constant 0 : i32
            %dma_wait3A_114 = tpu.memref_slice %run_scoped3A_1[%run_scoped3A_95, %dma_wait3A_113] : memref<2x400xi32, #tpu.memory_space<vmem>> -> memref<1x400xi32, #tpu.memory_space<vmem>>
            %dma_wait3A_115 = tpu.memref_squeeze %dma_wait3A_114 : memref<1x400xi32, #tpu.memory_space<vmem>> -> memref<400xi32, #tpu.memory_space<vmem>>
            %dma_wait3A_116 = arith.constant 0 : i32
            %dma_wait3A_117 = arith.constant 0 : i32
            %dma_wait3A_118 = tpu.memref_slice %arg5[%dma_wait3A_116, %dma_wait3A_117] : memref<50176x32xf32, #tpu.memory_space<vmem_shared>> -> memref<50176x32xf32, #tpu.memory_space<vmem_shared>>
            tpu.wait_indirect_dma semaphore(%run_scoped3A_106 : memref<!tpu.dma_semaphore, #tpu.memory_space<semaphore_mem>>) src(%run_scoped3A : memref<400x32xf32, #tpu.memory_space<vmem>>) dst(%dma_wait3A_118 : memref<50176x32xf32, #tpu.memory_space<vmem_shared>>)
            tpu.yield
          }) : () -> ()
          %lt3A = arith.constant 15 : i32
          %lt3A_96 = arith.cmpi slt, %scan3A_74, %lt3A : i32
          %convert_element_type3A = arith.extui %lt3A_96 : i1 to i32
          %cond3A = arith.constant 0 : i32
          %cond3A_97 = arith.cmpi ne, %convert_element_type3A, %cond3A : i32
          scf.if %cond3A_97 {
            %mul3A_106 = arith.constant 2 : i32
            %mul3A_107 = arith.muli %mul3A_106, %scan3A_74 : i32
            %add3A_108 = arith.constant 2 : i32
            %add3A_109 = arith.addi %mul3A_107, %add3A_108 : i32
            %mul3A_110 = arith.constant 2 : i32
            %mul3A_111 = arith.muli %add3A_109, %mul3A_110 : i32
            %add3A_112 = arith.addi %mul3A_41, %mul3A_111 : i32
            "tpu.region"() ({
              %run_scoped3A_120 = tpu.sem_alloc : memref<!tpu.dma_semaphore, #tpu.memory_space<semaphore_mem>>
              %dma_start3A_121 = arith.constant 0 : i32
              %dma_start3A_122 = tpu.memref_slice %arg3[%add3A_112, %dma_start3A_121] : memref<6144x400xi32, #tpu.memory_space<hbm>> -> memref<2x400xi32, #tpu.memory_space<hbm>>
              %dma_start3A_123 = arith.constant 0 : i32
              %dma_start3A_124 = tpu.memref_slice %arg3[%add3A_112, %dma_start3A_123] : memref<6144x400xi32, #tpu.memory_space<hbm>> -> memref<2x400xi32, #tpu.memory_space<hbm>>
              tpu.enqueue_dma source(%dma_start3A_124 : memref<2x400xi32, #tpu.memory_space<hbm>>) target(%run_scoped3A_1 : memref<2x400xi32, #tpu.memory_space<vmem>>) target_semaphore(%run_scoped3A_120 : memref<!tpu.dma_semaphore, #tpu.memory_space<semaphore_mem>>)
              %dma_wait3A_125 = arith.constant 0 : i32
              %dma_wait3A_126 = tpu.memref_slice %arg3[%add3A_112, %dma_wait3A_125] : memref<6144x400xi32, #tpu.memory_space<hbm>> -> memref<2x400xi32, #tpu.memory_space<hbm>>
              %dma_wait3A_127 = arith.constant 0 : i32
              %dma_wait3A_128 = tpu.memref_slice %arg3[%add3A_112, %dma_wait3A_127] : memref<6144x400xi32, #tpu.memory_space<hbm>> -> memref<2x400xi32, #tpu.memory_space<hbm>>
              tpu.wait_dma2 semaphore(%run_scoped3A_120 : memref<!tpu.dma_semaphore, #tpu.memory_space<semaphore_mem>>) src(%dma_wait3A_128 : memref<2x400xi32, #tpu.memory_space<hbm>>) dst(%run_scoped3A_1 : memref<2x400xi32, #tpu.memory_space<vmem>>)
              tpu.yield
            }) : () -> ()
            %dma_start3A_113 = arith.constant 0 : i32
            %dma_start3A_114 = arith.constant 0 : i32
            %dma_start3A_115 = tpu.memref_slice %run_scoped3A_1[%dma_start3A_113, %dma_start3A_114] : memref<2x400xi32, #tpu.memory_space<vmem>> -> memref<1x400xi32, #tpu.memory_space<vmem>>
            %dma_start3A_116 = tpu.memref_squeeze %dma_start3A_115 : memref<1x400xi32, #tpu.memory_space<vmem>> -> memref<400xi32, #tpu.memory_space<vmem>>
            %dma_start3A_117 = arith.constant 0 : i32
            %dma_start3A_118 = arith.constant 0 : i32
            %dma_start3A_119 = tpu.memref_slice %arg2[%dma_start3A_117, %dma_start3A_118] : memref<301056x32xf32, #tpu.memory_space<hbm>> -> memref<301056x32xf32, #tpu.memory_space<hbm>>
            tpu.enqueue_indirect_dma source(%dma_start3A_119 : memref<301056x32xf32, #tpu.memory_space<hbm>>) target(%run_scoped3A : memref<400x32xf32, #tpu.memory_space<vmem>>) offsets(%dma_start3A_116 : memref<400xi32, #tpu.memory_space<vmem>>) semaphore(%arg6 : memref<!tpu.dma_semaphore, #tpu.memory_space<semaphore_mem>>)
          } else {
          }
          %dma_wait3A_98 = arith.constant 0 : i32
          %dma_wait3A_99 = arith.constant 0 : i32
          %dma_wait3A_100 = tpu.memref_slice %run_scoped3A_2[%dma_wait3A_98, %dma_wait3A_99] : memref<2x400xi32, #tpu.memory_space<vmem>> -> memref<1x400xi32, #tpu.memory_space<vmem>>
          %dma_wait3A_101 = tpu.memref_squeeze %dma_wait3A_100 : memref<1x400xi32, #tpu.memory_space<vmem>> -> memref<400xi32, #tpu.memory_space<vmem>>
          %dma_wait3A_102 = arith.constant 0 : i32
          %dma_wait3A_103 = arith.constant 0 : i32
          %dma_wait3A_104 = tpu.memref_slice %arg2[%dma_wait3A_102, %dma_wait3A_103] : memref<301056x32xf32, #tpu.memory_space<hbm>> -> memref<301056x32xf32, #tpu.memory_space<hbm>>
          tpu.wait_indirect_dma semaphore(%arg7 : memref<!tpu.dma_semaphore, #tpu.memory_space<semaphore_mem>>) src(%dma_wait3A_104 : memref<301056x32xf32, #tpu.memory_space<hbm>>) dst(%run_scoped3A_0 : memref<400x32xf32, #tpu.memory_space<vmem>>)
          %run_scoped3A_105 = arith.constant 1 : i32
          "tpu.region"() ({
            %run_scoped3A_106 = tpu.sem_alloc : memref<!tpu.dma_semaphore, #tpu.memory_space<semaphore_mem>>
            %dma_start3A_107 = arith.constant 0 : i32
            %dma_start3A_108 = tpu.memref_slice %run_scoped3A_2[%run_scoped3A_105, %dma_start3A_107] : memref<2x400xi32, #tpu.memory_space<vmem>> -> memref<1x400xi32, #tpu.memory_space<vmem>>
            %dma_start3A_109 = tpu.memref_squeeze %dma_start3A_108 : memref<1x400xi32, #tpu.memory_space<vmem>> -> memref<400xi32, #tpu.memory_space<vmem>>
            %dma_start3A_110 = arith.constant 0 : i32
            %dma_start3A_111 = arith.constant 0 : i32
            %dma_start3A_112 = tpu.memref_slice %arg5[%dma_start3A_110, %dma_start3A_111] : memref<50176x32xf32, #tpu.memory_space<vmem_shared>> -> memref<50176x32xf32, #tpu.memory_space<vmem_shared>>
            tpu.enqueue_indirect_dma source(%run_scoped3A_0 : memref<400x32xf32, #tpu.memory_space<vmem>>) target(%dma_start3A_112 : memref<50176x32xf32, #tpu.memory_space<vmem_shared>>) offsets(%dma_start3A_109 : memref<400xi32, #tpu.memory_space<vmem>>) semaphore(%run_scoped3A_106 : memref<!tpu.dma_semaphore, #tpu.memory_space<semaphore_mem>>) {add = true}
            %dma_wait3A_113 = arith.constant 0 : i32
            %dma_wait3A_114 = tpu.memref_slice %run_scoped3A_2[%run_scoped3A_105, %dma_wait3A_113] : memref<2x400xi32, #tpu.memory_space<vmem>> -> memref<1x400xi32, #tpu.memory_space<vmem>>
            %dma_wait3A_115 = tpu.memref_squeeze %dma_wait3A_114 : memref<1x400xi32, #tpu.memory_space<vmem>> -> memref<400xi32, #tpu.memory_space<vmem>>
            %dma_wait3A_116 = arith.constant 0 : i32
            %dma_wait3A_117 = arith.constant 0 : i32
            %dma_wait3A_118 = tpu.memref_slice %arg5[%dma_wait3A_116, %dma_wait3A_117] : memref<50176x32xf32, #tpu.memory_space<vmem_shared>> -> memref<50176x32xf32, #tpu.memory_space<vmem_shared>>
            tpu.wait_indirect_dma semaphore(%run_scoped3A_106 : memref<!tpu.dma_semaphore, #tpu.memory_space<semaphore_mem>>) src(%run_scoped3A_0 : memref<400x32xf32, #tpu.memory_space<vmem>>) dst(%dma_wait3A_118 : memref<50176x32xf32, #tpu.memory_space<vmem_shared>>)
            tpu.yield
          }) : () -> ()
        }
        %scan3A_66 = arith.constant 16 : i32
        %barrier3A_67 = arith.constant 0 : index
        tpu.barrier barrier_id(%barrier3A_67)
        %scan3A_68 = arith.constant 0 : i32
        %scan3A_69 = arith.constant 0 : i32
        %scan3A_70 = arith.constant 8 : i32
        %scan3A_71 = arith.addi %scan3A_69, %scan3A_70 : i32
        %scan3A_72 = arith.constant 1 : i32
        scf.for %scan3A_74 = %scan3A_69 to %scan3A_71 step %scan3A_72  : i32 {
          %mul3A_75 = arith.constant 3136 : i32
          %mul3A_76 = arith.muli %arg1, %mul3A_75 : i32
          %mul3A_77 = arith.constant 392 : i32
          %mul3A_78 = arith.muli %scan3A_74, %mul3A_77 : i32
          %add3A_79 = arith.addi %mul3A_76, %mul3A_78 : i32
          "tpu.region"() ({
            %run_scoped3A_90 = tpu.sem_alloc : memref<!tpu.dma_semaphore, #tpu.memory_space<semaphore_mem>>
            %dma_start3A_91 = arith.constant 0 : i32
            %dma_start3A_92 = arith.constant 0 : i32
            %dma_start3A_93 = tpu.memref_slice %run_scoped3A[%dma_start3A_91, %dma_start3A_92] : memref<400x32xf32, #tpu.memory_space<vmem>> -> memref<392x32xf32, #tpu.memory_space<vmem>>
            %dma_start3A_94 = arith.constant 0 : i32
            %dma_start3A_95 = tpu.memref_slice %arg5[%add3A_79, %dma_start3A_94] : memref<50176x32xf32, #tpu.memory_space<vmem_shared>> -> memref<392x32xf32, #tpu.memory_space<vmem_shared>>
            %dma_start3A_96 = arith.constant 0 : i32
            %dma_start3A_97 = arith.constant 0 : i32
            %dma_start3A_98 = tpu.memref_slice %run_scoped3A[%dma_start3A_96, %dma_start3A_97] : memref<400x32xf32, #tpu.memory_space<vmem>> -> memref<392x32xf32, #tpu.memory_space<vmem>>
            %dma_start3A_99 = arith.constant 0 : i32
            %dma_start3A_100 = tpu.memref_slice %arg5[%add3A_79, %dma_start3A_99] : memref<50176x32xf32, #tpu.memory_space<vmem_shared>> -> memref<392x32xf32, #tpu.memory_space<vmem_shared>>
            tpu.enqueue_dma source(%dma_start3A_100 : memref<392x32xf32, #tpu.memory_space<vmem_shared>>) target(%dma_start3A_98 : memref<392x32xf32, #tpu.memory_space<vmem>>) target_semaphore(%run_scoped3A_90 : memref<!tpu.dma_semaphore, #tpu.memory_space<semaphore_mem>>)
            %dma_wait3A = arith.constant 0 : i32
            %dma_wait3A_101 = arith.constant 0 : i32
            %dma_wait3A_102 = tpu.memref_slice %run_scoped3A[%dma_wait3A, %dma_wait3A_101] : memref<400x32xf32, #tpu.memory_space<vmem>> -> memref<392x32xf32, #tpu.memory_space<vmem>>
            %dma_wait3A_103 = arith.constant 0 : i32
            %dma_wait3A_104 = tpu.memref_slice %arg5[%add3A_79, %dma_wait3A_103] : memref<50176x32xf32, #tpu.memory_space<vmem_shared>> -> memref<392x32xf32, #tpu.memory_space<vmem_shared>>
            %dma_wait3A_105 = arith.constant 0 : i32
            %dma_wait3A_106 = arith.constant 0 : i32
            %dma_wait3A_107 = tpu.memref_slice %run_scoped3A[%dma_wait3A_105, %dma_wait3A_106] : memref<400x32xf32, #tpu.memory_space<vmem>> -> memref<392x32xf32, #tpu.memory_space<vmem>>
            %dma_wait3A_108 = arith.constant 0 : i32
            %dma_wait3A_109 = tpu.memref_slice %arg5[%add3A_79, %dma_wait3A_108] : memref<50176x32xf32, #tpu.memory_space<vmem_shared>> -> memref<392x32xf32, #tpu.memory_space<vmem_shared>>
            tpu.wait_dma2 semaphore(%run_scoped3A_90 : memref<!tpu.dma_semaphore, #tpu.memory_space<semaphore_mem>>) src(%dma_wait3A_109 : memref<392x32xf32, #tpu.memory_space<vmem_shared>>) dst(%dma_wait3A_107 : memref<392x32xf32, #tpu.memory_space<vmem>>)
            tpu.yield
          }) : () -> ()
          %mul3A_80 = arith.constant 50176 : i32
          %mul3A_81 = arith.muli %select_n3A, %mul3A_80 : i32
          %mul3A_82 = arith.constant 3136 : i32
          %mul3A_83 = arith.muli %arg1, %mul3A_82 : i32
          %add3A_84 = arith.addi %mul3A_81, %mul3A_83 : i32
          %mul3A_85 = arith.constant 392 : i32
          %mul3A_86 = arith.muli %scan3A_74, %mul3A_85 : i32
          %add3A_87 = arith.addi %add3A_84, %mul3A_86 : i32
          %mul3A_88 = arith.constant 32 : i32
          %mul3A_89 = arith.muli %sub3A_34, %mul3A_88 : i32
          "tpu.region"() ({
            %run_scoped3A_90 = tpu.sem_alloc : memref<!tpu.dma_semaphore, #tpu.memory_space<semaphore_mem>>
            %dma_start3A_91 = arith.constant 0 : i32
            %dma_start3A_92 = arith.constant 0 : i32
            %dma_start3A_93 = tpu.memref_slice %run_scoped3A[%dma_start3A_91, %dma_start3A_92] : memref<400x32xf32, #tpu.memory_space<vmem>> -> memref<392x32xf32, #tpu.memory_space<vmem>>
            %dma_start3A_94 = tpu.memref_slice %arg4[%add3A_87, %mul3A_89] : memref<150528x64xf32, #tpu.memory_space<hbm>> -> memref<392x32xf32, #tpu.memory_space<hbm>>
            %dma_start3A_95 = tpu.memref_slice %arg4[%add3A_87, %mul3A_89] : memref<150528x64xf32, #tpu.memory_space<hbm>> -> memref<392x32xf32, #tpu.memory_space<hbm>>
            %dma_start3A_96 = arith.constant 0 : i32
            %dma_start3A_97 = arith.constant 0 : i32
            %dma_start3A_98 = tpu.memref_slice %run_scoped3A[%dma_start3A_96, %dma_start3A_97] : memref<400x32xf32, #tpu.memory_space<vmem>> -> memref<392x32xf32, #tpu.memory_space<vmem>>
            tpu.enqueue_dma source(%dma_start3A_98 : memref<392x32xf32, #tpu.memory_space<vmem>>) target(%dma_start3A_95 : memref<392x32xf32, #tpu.memory_space<hbm>>) target_semaphore(%run_scoped3A_90 : memref<!tpu.dma_semaphore, #tpu.memory_space<semaphore_mem>>)
            %dma_wait3A = arith.constant 0 : i32
            %dma_wait3A_99 = arith.constant 0 : i32
            %dma_wait3A_100 = tpu.memref_slice %run_scoped3A[%dma_wait3A, %dma_wait3A_99] : memref<400x32xf32, #tpu.memory_space<vmem>> -> memref<392x32xf32, #tpu.memory_space<vmem>>
            %dma_wait3A_101 = tpu.memref_slice %arg4[%add3A_87, %mul3A_89] : memref<150528x64xf32, #tpu.memory_space<hbm>> -> memref<392x32xf32, #tpu.memory_space<hbm>>
            %dma_wait3A_102 = tpu.memref_slice %arg4[%add3A_87, %mul3A_89] : memref<150528x64xf32, #tpu.memory_space<hbm>> -> memref<392x32xf32, #tpu.memory_space<hbm>>
            %dma_wait3A_103 = arith.constant 0 : i32
            %dma_wait3A_104 = arith.constant 0 : i32
            %dma_wait3A_105 = tpu.memref_slice %run_scoped3A[%dma_wait3A_103, %dma_wait3A_104] : memref<400x32xf32, #tpu.memory_space<vmem>> -> memref<392x32xf32, #tpu.memory_space<vmem>>
            tpu.wait_dma2 semaphore(%run_scoped3A_90 : memref<!tpu.dma_semaphore, #tpu.memory_space<semaphore_mem>>) src(%dma_wait3A_105 : memref<392x32xf32, #tpu.memory_space<vmem>>) dst(%dma_wait3A_102 : memref<392x32xf32, #tpu.memory_space<hbm>>)
            tpu.yield
          }) : () -> ()
        }
        %scan3A_73 = arith.constant 8 : i32
      }
      %while3A_14 = arith.constant 1 : i32
      scf.for %while3A_15 = %while3A_12 to %while3A_8 step %while3A_14  : i32 {
        %jit3A = arith.constant 2 : i32
        %div3A = arith.divsi %while3A_15, %jit3A : i32
        %sign3A = arith.constant 0 : i32
        %sign3A_16 = arith.cmpi sgt, %while3A_15, %sign3A : i32
        %sign3A_17 = arith.extui %sign3A_16 : i1 to i32
        %sign3A_18 = arith.constant 0 : i32
        %sign3A_19 = arith.cmpi slt, %while3A_15, %sign3A_18 : i32
        %sign3A_20 = arith.extui %sign3A_19 : i1 to i32
        %sign3A_21 = arith.subi %sign3A_17, %sign3A_20 : i32
        %sign3A_22 = arith.constant 0 : i32
        %sign3A_23 = arith.cmpi sgt, %jit3A, %sign3A_22 : i32
        %sign3A_24 = arith.extui %sign3A_23 : i1 to i32
        %sign3A_25 = arith.constant 0 : i32
        %sign3A_26 = arith.cmpi slt, %jit3A, %sign3A_25 : i32
        %sign3A_27 = arith.extui %sign3A_26 : i1 to i32
        %sign3A_28 = arith.subi %sign3A_24, %sign3A_27 : i32
        %ne3A = arith.cmpi ne, %sign3A_21, %sign3A_28 : i32
        %rem3A = arith.remsi %while3A_15, %jit3A : i32
        %ne3A_29 = arith.constant 0 : i32
        %ne3A_30 = arith.cmpi ne, %rem3A, %ne3A_29 : i32
        %and3A = arith.andi %ne3A, %ne3A_30 : i1
        %sub3A = arith.constant 1 : i32
        %sub3A_31 = arith.subi %div3A, %sub3A : i32
        %select_n3A = arith.select %and3A, %sub3A_31, %div3A : i32
        %mul3A_32 = arith.constant 2 : i32
        %mul3A_33 = arith.muli %select_n3A, %mul3A_32 : i32
        %sub3A_34 = arith.subi %while3A_15, %mul3A_33 : i32
        %mul3A_35 = arith.constant 512 : i32
        %mul3A_36 = arith.muli %while3A_15, %mul3A_35 : i32
        %mul3A_37 = arith.constant 32 : i32
        %mul3A_38 = arith.muli %arg1, %mul3A_37 : i32
        %add3A_39 = arith.addi %mul3A_36, %mul3A_38 : i32
        %mul3A_40 = arith.constant 2 : i32
        %mul3A_41 = arith.muli %add3A_39, %mul3A_40 : i32
        %scan3A = arith.constant 0 : i32
        %scan3A_42 = arith.constant 0 : i32
        %scan3A_43 = arith.constant 392 : i32
        %scan3A_44 = arith.addi %scan3A_42, %scan3A_43 : i32
        %scan3A_45 = arith.constant 1 : i32
        scf.for %scan3A_74 = %scan3A_42 to %scan3A_44 step %scan3A_45  : i32 {
          %broadcast_in_dim3A = arith.constant 0.000000e+00 : f32
          %broadcast_in_dim3A_75 = vector.broadcast %broadcast_in_dim3A : f32 to vector<16xf32>
          %swap3A = arith.index_cast %scan3A_74 : i32 to index
          %swap3A_76 = arith.constant 0 : index
          %swap3A_77 = tpu.vector_load %run_scoped3A[%swap3A, %swap3A_76] {strides = array<i32>} : memref<400x32xf32, #tpu.memory_space<vmem>>, vector<1x16xf32>,
          %swap3A_78 = vector.shape_cast %swap3A_77 : vector<1x16xf32> to vector<16xf32>
          %swap3A_79 = vector.shape_cast %broadcast_in_dim3A_75 : vector<16xf32> to vector<1x16xf32>
          tpu.vector_store %run_scoped3A[%swap3A, %swap3A_76], %swap3A_79 {strides = array<i32>} : memref<400x32xf32, #tpu.memory_space<vmem>>, vector<1x16xf32>,
          %broadcast_in_dim3A_80 = arith.constant 0.000000e+00 : f32
          %broadcast_in_dim3A_81 = vector.broadcast %broadcast_in_dim3A_80 : f32 to vector<16xf32>
          %swap3A_82 = arith.index_cast %scan3A_74 : i32 to index
          %swap3A_83 = arith.constant 16 : index
          %swap3A_84 = tpu.vector_load %run_scoped3A[%swap3A_82, %swap3A_83] {strides = array<i32>} : memref<400x32xf32, #tpu.memory_space<vmem>>, vector<1x16xf32>,
          %swap3A_85 = vector.shape_cast %swap3A_84 : vector<1x16xf32> to vector<16xf32>
          %swap3A_86 = vector.shape_cast %broadcast_in_dim3A_81 : vector<16xf32> to vector<1x16xf32>
          tpu.vector_store %run_scoped3A[%swap3A_82, %swap3A_83], %swap3A_86 {strides = array<i32>} : memref<400x32xf32, #tpu.memory_space<vmem>>, vector<1x16xf32>,
        }
        %scan3A_46 = arith.constant 392 : i32
        %scan3A_47 = arith.constant 0 : i32
        %scan3A_48 = arith.constant 0 : i32
        %scan3A_49 = arith.constant 8 : i32
        %scan3A_50 = arith.addi %scan3A_48, %scan3A_49 : i32
        %scan3A_51 = arith.constant 1 : i32
        scf.for %scan3A_74 = %scan3A_48 to %scan3A_50 step %scan3A_51  : i32 {
          %mul3A_75 = arith.constant 3136 : i32
          %mul3A_76 = arith.muli %arg1, %mul3A_75 : i32
          %mul3A_77 = arith.constant 392 : i32
          %mul3A_78 = arith.muli %scan3A_74, %mul3A_77 : i32
          %add3A_79 = arith.addi %mul3A_76, %mul3A_78 : i32
          "tpu.region"() ({
            %run_scoped3A_80 = tpu.sem_alloc : memref<!tpu.dma_semaphore, #tpu.memory_space<semaphore_mem>>
            %dma_start3A_81 = arith.constant 0 : i32
            %dma_start3A_82 = arith.constant 0 : i32
            %dma_start3A_83 = tpu.memref_slice %run_scoped3A[%dma_start3A_81, %dma_start3A_82] : memref<400x32xf32, #tpu.memory_space<vmem>> -> memref<392x32xf32, #tpu.memory_space<vmem>>
            %dma_start3A_84 = arith.constant 0 : i32
            %dma_start3A_85 = tpu.memref_slice %arg5[%add3A_79, %dma_start3A_84] : memref<50176x32xf32, #tpu.memory_space<vmem_shared>> -> memref<392x32xf32, #tpu.memory_space<vmem_shared>>
            %dma_start3A_86 = arith.constant 0 : i32
            %dma_start3A_87 = tpu.memref_slice %arg5[%add3A_79, %dma_start3A_86] : memref<50176x32xf32, #tpu.memory_space<vmem_shared>> -> memref<392x32xf32, #tpu.memory_space<vmem_shared>>
            %dma_start3A_88 = arith.constant 0 : i32
            %dma_start3A_89 = arith.constant 0 : i32
            %dma_start3A_90 = tpu.memref_slice %run_scoped3A[%dma_start3A_88, %dma_start3A_89] : memref<400x32xf32, #tpu.memory_space<vmem>> -> memref<392x32xf32, #tpu.memory_space<vmem>>
            tpu.enqueue_dma source(%dma_start3A_90 : memref<392x32xf32, #tpu.memory_space<vmem>>) target(%dma_start3A_87 : memref<392x32xf32, #tpu.memory_space<vmem_shared>>) target_semaphore(%run_scoped3A_80 : memref<!tpu.dma_semaphore, #tpu.memory_space<semaphore_mem>>)
            %dma_wait3A = arith.constant 0 : i32
            %dma_wait3A_91 = arith.constant 0 : i32
            %dma_wait3A_92 = tpu.memref_slice %run_scoped3A[%dma_wait3A, %dma_wait3A_91] : memref<400x32xf32, #tpu.memory_space<vmem>> -> memref<392x32xf32, #tpu.memory_space<vmem>>
            %dma_wait3A_93 = arith.constant 0 : i32
            %dma_wait3A_94 = tpu.memref_slice %arg5[%add3A_79, %dma_wait3A_93] : memref<50176x32xf32, #tpu.memory_space<vmem_shared>> -> memref<392x32xf32, #tpu.memory_space<vmem_shared>>
            %dma_wait3A_95 = arith.constant 0 : i32
            %dma_wait3A_96 = tpu.memref_slice %arg5[%add3A_79, %dma_wait3A_95] : memref<50176x32xf32, #tpu.memory_space<vmem_shared>> -> memref<392x32xf32, #tpu.memory_space<vmem_shared>>
            %dma_wait3A_97 = arith.constant 0 : i32
            %dma_wait3A_98 = arith.constant 0 : i32
            %dma_wait3A_99 = tpu.memref_slice %run_scoped3A[%dma_wait3A_97, %dma_wait3A_98] : memref<400x32xf32, #tpu.memory_space<vmem>> -> memref<392x32xf32, #tpu.memory_space<vmem>>
            tpu.wait_dma2 semaphore(%run_scoped3A_80 : memref<!tpu.dma_semaphore, #tpu.memory_space<semaphore_mem>>) src(%dma_wait3A_99 : memref<392x32xf32, #tpu.memory_space<vmem>>) dst(%dma_wait3A_96 : memref<392x32xf32, #tpu.memory_space<vmem_shared>>)
            tpu.yield
          }) : () -> ()
        }
        %scan3A_52 = arith.constant 8 : i32
        %barrier3A = arith.constant 0 : index
        tpu.barrier barrier_id(%barrier3A)
        %add3A_53 = arith.constant 0 : i32
        %add3A_54 = arith.addi %mul3A_41, %add3A_53 : i32
        "tpu.region"() ({
          %run_scoped3A_74 = tpu.sem_alloc : memref<!tpu.dma_semaphore, #tpu.memory_space<semaphore_mem>>
          %dma_start3A_75 = arith.constant 0 : i32
          %dma_start3A_76 = tpu.memref_slice %arg3[%add3A_54, %dma_start3A_75] : memref<6144x400xi32, #tpu.memory_space<hbm>> -> memref<2x400xi32, #tpu.memory_space<hbm>>
          %dma_start3A_77 = arith.constant 0 : i32
          %dma_start3A_78 = tpu.memref_slice %arg3[%add3A_54, %dma_start3A_77] : memref<6144x400xi32, #tpu.memory_space<hbm>> -> memref<2x400xi32, #tpu.memory_space<hbm>>
          tpu.enqueue_dma source(%dma_start3A_78 : memref<2x400xi32, #tpu.memory_space<hbm>>) target(%run_scoped3A_1 : memref<2x400xi32, #tpu.memory_space<vmem>>) target_semaphore(%run_scoped3A_74 : memref<!tpu.dma_semaphore, #tpu.memory_space<semaphore_mem>>)
          %dma_wait3A = arith.constant 0 : i32
          %dma_wait3A_79 = tpu.memref_slice %arg3[%add3A_54, %dma_wait3A] : memref<6144x400xi32, #tpu.memory_space<hbm>> -> memref<2x400xi32, #tpu.memory_space<hbm>>
          %dma_wait3A_80 = arith.constant 0 : i32
          %dma_wait3A_81 = tpu.memref_slice %arg3[%add3A_54, %dma_wait3A_80] : memref<6144x400xi32, #tpu.memory_space<hbm>> -> memref<2x400xi32, #tpu.memory_space<hbm>>
          tpu.wait_dma2 semaphore(%run_scoped3A_74 : memref<!tpu.dma_semaphore, #tpu.memory_space<semaphore_mem>>) src(%dma_wait3A_81 : memref<2x400xi32, #tpu.memory_space<hbm>>) dst(%run_scoped3A_1 : memref<2x400xi32, #tpu.memory_space<vmem>>)
          tpu.yield
        }) : () -> ()
        %dma_start3A = arith.constant 0 : i32
        %dma_start3A_55 = arith.constant 0 : i32
        %dma_start3A_56 = tpu.memref_slice %run_scoped3A_1[%dma_start3A, %dma_start3A_55] : memref<2x400xi32, #tpu.memory_space<vmem>> -> memref<1x400xi32, #tpu.memory_space<vmem>>
        %dma_start3A_57 = tpu.memref_squeeze %dma_start3A_56 : memref<1x400xi32, #tpu.memory_space<vmem>> -> memref<400xi32, #tpu.memory_space<vmem>>
        %dma_start3A_58 = arith.constant 0 : i32
        %dma_start3A_59 = arith.constant 0 : i32
        %dma_start3A_60 = tpu.memref_slice %arg2[%dma_start3A_58, %dma_start3A_59] : memref<301056x32xf32, #tpu.memory_space<hbm>> -> memref<301056x32xf32, #tpu.memory_space<hbm>>
        tpu.enqueue_indirect_dma source(%dma_start3A_60 : memref<301056x32xf32, #tpu.memory_space<hbm>>) target(%run_scoped3A : memref<400x32xf32, #tpu.memory_space<vmem>>) offsets(%dma_start3A_57 : memref<400xi32, #tpu.memory_space<vmem>>) semaphore(%arg6 : memref<!tpu.dma_semaphore, #tpu.memory_space<semaphore_mem>>)
        %scan3A_61 = arith.constant 0 : i32
        %scan3A_62 = arith.constant 0 : i32
        %scan3A_63 = arith.constant 16 : i32
        %scan3A_64 = arith.addi %scan3A_62, %scan3A_63 : i32
        %scan3A_65 = arith.constant 1 : i32
        scf.for %scan3A_74 = %scan3A_62 to %scan3A_64 step %scan3A_65  : i32 {
          %mul3A_75 = arith.constant 2 : i32
          %mul3A_76 = arith.muli %mul3A_75, %scan3A_74 : i32
          %add3A_77 = arith.constant 1 : i32
          %add3A_78 = arith.addi %mul3A_76, %add3A_77 : i32
          %mul3A_79 = arith.constant 2 : i32
          %mul3A_80 = arith.muli %add3A_78, %mul3A_79 : i32
          %add3A_81 = arith.addi %mul3A_41, %mul3A_80 : i32
          "tpu.region"() ({
            %run_scoped3A_106 = tpu.sem_alloc : memref<!tpu.dma_semaphore, #tpu.memory_space<semaphore_mem>>
            %dma_start3A_107 = arith.constant 0 : i32
            %dma_start3A_108 = tpu.memref_slice %arg3[%add3A_81, %dma_start3A_107] : memref<6144x400xi32, #tpu.memory_space<hbm>> -> memref<2x400xi32, #tpu.memory_space<hbm>>
            %dma_start3A_109 = arith.constant 0 : i32
            %dma_start3A_110 = tpu.memref_slice %arg3[%add3A_81, %dma_start3A_109] : memref<6144x400xi32, #tpu.memory_space<hbm>> -> memref<2x400xi32, #tpu.memory_space<hbm>>
            tpu.enqueue_dma source(%dma_start3A_110 : memref<2x400xi32, #tpu.memory_space<hbm>>) target(%run_scoped3A_2 : memref<2x400xi32, #tpu.memory_space<vmem>>) target_semaphore(%run_scoped3A_106 : memref<!tpu.dma_semaphore, #tpu.memory_space<semaphore_mem>>)
            %dma_wait3A_111 = arith.constant 0 : i32
            %dma_wait3A_112 = tpu.memref_slice %arg3[%add3A_81, %dma_wait3A_111] : memref<6144x400xi32, #tpu.memory_space<hbm>> -> memref<2x400xi32, #tpu.memory_space<hbm>>
            %dma_wait3A_113 = arith.constant 0 : i32
            %dma_wait3A_114 = tpu.memref_slice %arg3[%add3A_81, %dma_wait3A_113] : memref<6144x400xi32, #tpu.memory_space<hbm>> -> memref<2x400xi32, #tpu.memory_space<hbm>>
            tpu.wait_dma2 semaphore(%run_scoped3A_106 : memref<!tpu.dma_semaphore, #tpu.memory_space<semaphore_mem>>) src(%dma_wait3A_114 : memref<2x400xi32, #tpu.memory_space<hbm>>) dst(%run_scoped3A_2 : memref<2x400xi32, #tpu.memory_space<vmem>>)
            tpu.yield
          }) : () -> ()
          %dma_start3A_82 = arith.constant 0 : i32
          %dma_start3A_83 = arith.constant 0 : i32
          %dma_start3A_84 = tpu.memref_slice %run_scoped3A_2[%dma_start3A_82, %dma_start3A_83] : memref<2x400xi32, #tpu.memory_space<vmem>> -> memref<1x400xi32, #tpu.memory_space<vmem>>
          %dma_start3A_85 = tpu.memref_squeeze %dma_start3A_84 : memref<1x400xi32, #tpu.memory_space<vmem>> -> memref<400xi32, #tpu.memory_space<vmem>>
          %dma_start3A_86 = arith.constant 0 : i32
          %dma_start3A_87 = arith.constant 0 : i32
          %dma_start3A_88 = tpu.memref_slice %arg2[%dma_start3A_86, %dma_start3A_87] : memref<301056x32xf32, #tpu.memory_space<hbm>> -> memref<301056x32xf32, #tpu.memory_space<hbm>>
          tpu.enqueue_indirect_dma source(%dma_start3A_88 : memref<301056x32xf32, #tpu.memory_space<hbm>>) target(%run_scoped3A_0 : memref<400x32xf32, #tpu.memory_space<vmem>>) offsets(%dma_start3A_85 : memref<400xi32, #tpu.memory_space<vmem>>) semaphore(%arg7 : memref<!tpu.dma_semaphore, #tpu.memory_space<semaphore_mem>>)
          %dma_wait3A = arith.constant 0 : i32
          %dma_wait3A_89 = arith.constant 0 : i32
          %dma_wait3A_90 = tpu.memref_slice %run_scoped3A_1[%dma_wait3A, %dma_wait3A_89] : memref<2x400xi32, #tpu.memory_space<vmem>> -> memref<1x400xi32, #tpu.memory_space<vmem>>
          %dma_wait3A_91 = tpu.memref_squeeze %dma_wait3A_90 : memref<1x400xi32, #tpu.memory_space<vmem>> -> memref<400xi32, #tpu.memory_space<vmem>>
          %dma_wait3A_92 = arith.constant 0 : i32
          %dma_wait3A_93 = arith.constant 0 : i32
          %dma_wait3A_94 = tpu.memref_slice %arg2[%dma_wait3A_92, %dma_wait3A_93] : memref<301056x32xf32, #tpu.memory_space<hbm>> -> memref<301056x32xf32, #tpu.memory_space<hbm>>
          tpu.wait_indirect_dma semaphore(%arg6 : memref<!tpu.dma_semaphore, #tpu.memory_space<semaphore_mem>>) src(%dma_wait3A_94 : memref<301056x32xf32, #tpu.memory_space<hbm>>) dst(%run_scoped3A : memref<400x32xf32, #tpu.memory_space<vmem>>)
          %run_scoped3A_95 = arith.constant 1 : i32
          "tpu.region"() ({
            %run_scoped3A_106 = tpu.sem_alloc : memref<!tpu.dma_semaphore, #tpu.memory_space<semaphore_mem>>
            %dma_start3A_107 = arith.constant 0 : i32
            %dma_start3A_108 = tpu.memref_slice %run_scoped3A_1[%run_scoped3A_95, %dma_start3A_107] : memref<2x400xi32, #tpu.memory_space<vmem>> -> memref<1x400xi32, #tpu.memory_space<vmem>>
            %dma_start3A_109 = tpu.memref_squeeze %dma_start3A_108 : memref<1x400xi32, #tpu.memory_space<vmem>> -> memref<400xi32, #tpu.memory_space<vmem>>
            %dma_start3A_110 = arith.constant 0 : i32
            %dma_start3A_111 = arith.constant 0 : i32
            %dma_start3A_112 = tpu.memref_slice %arg5[%dma_start3A_110, %dma_start3A_111] : memref<50176x32xf32, #tpu.memory_space<vmem_shared>> -> memref<50176x32xf32, #tpu.memory_space<vmem_shared>>
            tpu.enqueue_indirect_dma source(%run_scoped3A : memref<400x32xf32, #tpu.memory_space<vmem>>) target(%dma_start3A_112 : memref<50176x32xf32, #tpu.memory_space<vmem_shared>>) offsets(%dma_start3A_109 : memref<400xi32, #tpu.memory_space<vmem>>) semaphore(%run_scoped3A_106 : memref<!tpu.dma_semaphore, #tpu.memory_space<semaphore_mem>>) {add = true}
            %dma_wait3A_113 = arith.constant 0 : i32
            %dma_wait3A_114 = tpu.memref_slice %run_scoped3A_1[%run_scoped3A_95, %dma_wait3A_113] : memref<2x400xi32, #tpu.memory_space<vmem>> -> memref<1x400xi32, #tpu.memory_space<vmem>>
            %dma_wait3A_115 = tpu.memref_squeeze %dma_wait3A_114 : memref<1x400xi32, #tpu.memory_space<vmem>> -> memref<400xi32, #tpu.memory_space<vmem>>
            %dma_wait3A_116 = arith.constant 0 : i32
            %dma_wait3A_117 = arith.constant 0 : i32
            %dma_wait3A_118 = tpu.memref_slice %arg5[%dma_wait3A_116, %dma_wait3A_117] : memref<50176x32xf32, #tpu.memory_space<vmem_shared>> -> memref<50176x32xf32, #tpu.memory_space<vmem_shared>>
            tpu.wait_indirect_dma semaphore(%run_scoped3A_106 : memref<!tpu.dma_semaphore, #tpu.memory_space<semaphore_mem>>) src(%run_scoped3A : memref<400x32xf32, #tpu.memory_space<vmem>>) dst(%dma_wait3A_118 : memref<50176x32xf32, #tpu.memory_space<vmem_shared>>)
            tpu.yield
          }) : () -> ()
          %lt3A = arith.constant 15 : i32
          %lt3A_96 = arith.cmpi slt, %scan3A_74, %lt3A : i32
          %convert_element_type3A = arith.extui %lt3A_96 : i1 to i32
          %cond3A = arith.constant 0 : i32
          %cond3A_97 = arith.cmpi ne, %convert_element_type3A, %cond3A : i32
          scf.if %cond3A_97 {
            %mul3A_106 = arith.constant 2 : i32
            %mul3A_107 = arith.muli %mul3A_106, %scan3A_74 : i32
            %add3A_108 = arith.constant 2 : i32
            %add3A_109 = arith.addi %mul3A_107, %add3A_108 : i32
            %mul3A_110 = arith.constant 2 : i32
            %mul3A_111 = arith.muli %add3A_109, %mul3A_110 : i32
            %add3A_112 = arith.addi %mul3A_41, %mul3A_111 : i32
            "tpu.region"() ({
              %run_scoped3A_120 = tpu.sem_alloc : memref<!tpu.dma_semaphore, #tpu.memory_space<semaphore_mem>>
              %dma_start3A_121 = arith.constant 0 : i32
              %dma_start3A_122 = tpu.memref_slice %arg3[%add3A_112, %dma_start3A_121] : memref<6144x400xi32, #tpu.memory_space<hbm>> -> memref<2x400xi32, #tpu.memory_space<hbm>>
              %dma_start3A_123 = arith.constant 0 : i32
              %dma_start3A_124 = tpu.memref_slice %arg3[%add3A_112, %dma_start3A_123] : memref<6144x400xi32, #tpu.memory_space<hbm>> -> memref<2x400xi32, #tpu.memory_space<hbm>>
              tpu.enqueue_dma source(%dma_start3A_124 : memref<2x400xi32, #tpu.memory_space<hbm>>) target(%run_scoped3A_1 : memref<2x400xi32, #tpu.memory_space<vmem>>) target_semaphore(%run_scoped3A_120 : memref<!tpu.dma_semaphore, #tpu.memory_space<semaphore_mem>>)
              %dma_wait3A_125 = arith.constant 0 : i32
              %dma_wait3A_126 = tpu.memref_slice %arg3[%add3A_112, %dma_wait3A_125] : memref<6144x400xi32, #tpu.memory_space<hbm>> -> memref<2x400xi32, #tpu.memory_space<hbm>>
              %dma_wait3A_127 = arith.constant 0 : i32
              %dma_wait3A_128 = tpu.memref_slice %arg3[%add3A_112, %dma_wait3A_127] : memref<6144x400xi32, #tpu.memory_space<hbm>> -> memref<2x400xi32, #tpu.memory_space<hbm>>
              tpu.wait_dma2 semaphore(%run_scoped3A_120 : memref<!tpu.dma_semaphore, #tpu.memory_space<semaphore_mem>>) src(%dma_wait3A_128 : memref<2x400xi32, #tpu.memory_space<hbm>>) dst(%run_scoped3A_1 : memref<2x400xi32, #tpu.memory_space<vmem>>)
              tpu.yield
            }) : () -> ()
            %dma_start3A_113 = arith.constant 0 : i32
            %dma_start3A_114 = arith.constant 0 : i32
            %dma_start3A_115 = tpu.memref_slice %run_scoped3A_1[%dma_start3A_113, %dma_start3A_114] : memref<2x400xi32, #tpu.memory_space<vmem>> -> memref<1x400xi32, #tpu.memory_space<vmem>>
            %dma_start3A_116 = tpu.memref_squeeze %dma_start3A_115 : memref<1x400xi32, #tpu.memory_space<vmem>> -> memref<400xi32, #tpu.memory_space<vmem>>
            %dma_start3A_117 = arith.constant 0 : i32
            %dma_start3A_118 = arith.constant 0 : i32
            %dma_start3A_119 = tpu.memref_slice %arg2[%dma_start3A_117, %dma_start3A_118] : memref<301056x32xf32, #tpu.memory_space<hbm>> -> memref<301056x32xf32, #tpu.memory_space<hbm>>
            tpu.enqueue_indirect_dma source(%dma_start3A_119 : memref<301056x32xf32, #tpu.memory_space<hbm>>) target(%run_scoped3A : memref<400x32xf32, #tpu.memory_space<vmem>>) offsets(%dma_start3A_116 : memref<400xi32, #tpu.memory_space<vmem>>) semaphore(%arg6 : memref<!tpu.dma_semaphore, #tpu.memory_space<semaphore_mem>>)
          } else {
          }
          %dma_wait3A_98 = arith.constant 0 : i32
          %dma_wait3A_99 = arith.constant 0 : i32
          %dma_wait3A_100 = tpu.memref_slice %run_scoped3A_2[%dma_wait3A_98, %dma_wait3A_99] : memref<2x400xi32, #tpu.memory_space<vmem>> -> memref<1x400xi32, #tpu.memory_space<vmem>>
          %dma_wait3A_101 = tpu.memref_squeeze %dma_wait3A_100 : memref<1x400xi32, #tpu.memory_space<vmem>> -> memref<400xi32, #tpu.memory_space<vmem>>
          %dma_wait3A_102 = arith.constant 0 : i32
          %dma_wait3A_103 = arith.constant 0 : i32
          %dma_wait3A_104 = tpu.memref_slice %arg2[%dma_wait3A_102, %dma_wait3A_103] : memref<301056x32xf32, #tpu.memory_space<hbm>> -> memref<301056x32xf32, #tpu.memory_space<hbm>>
          tpu.wait_indirect_dma semaphore(%arg7 : memref<!tpu.dma_semaphore, #tpu.memory_space<semaphore_mem>>) src(%dma_wait3A_104 : memref<301056x32xf32, #tpu.memory_space<hbm>>) dst(%run_scoped3A_0 : memref<400x32xf32, #tpu.memory_space<vmem>>)
          %run_scoped3A_105 = arith.constant 1 : i32
          "tpu.region"() ({
            %run_scoped3A_106 = tpu.sem_alloc : memref<!tpu.dma_semaphore, #tpu.memory_space<semaphore_mem>>
            %dma_start3A_107 = arith.constant 0 : i32
            %dma_start3A_108 = tpu.memref_slice %run_scoped3A_2[%run_scoped3A_105, %dma_start3A_107] : memref<2x400xi32, #tpu.memory_space<vmem>> -> memref<1x400xi32, #tpu.memory_space<vmem>>
            %dma_start3A_109 = tpu.memref_squeeze %dma_start3A_108 : memref<1x400xi32, #tpu.memory_space<vmem>> -> memref<400xi32, #tpu.memory_space<vmem>>
            %dma_start3A_110 = arith.constant 0 : i32
            %dma_start3A_111 = arith.constant 0 : i32
            %dma_start3A_112 = tpu.memref_slice %arg5[%dma_start3A_110, %dma_start3A_111] : memref<50176x32xf32, #tpu.memory_space<vmem_shared>> -> memref<50176x32xf32, #tpu.memory_space<vmem_shared>>
            tpu.enqueue_indirect_dma source(%run_scoped3A_0 : memref<400x32xf32, #tpu.memory_space<vmem>>) target(%dma_start3A_112 : memref<50176x32xf32, #tpu.memory_space<vmem_shared>>) offsets(%dma_start3A_109 : memref<400xi32, #tpu.memory_space<vmem>>) semaphore(%run_scoped3A_106 : memref<!tpu.dma_semaphore, #tpu.memory_space<semaphore_mem>>) {add = true}
            %dma_wait3A_113 = arith.constant 0 : i32
            %dma_wait3A_114 = tpu.memref_slice %run_scoped3A_2[%run_scoped3A_105, %dma_wait3A_113] : memref<2x400xi32, #tpu.memory_space<vmem>> -> memref<1x400xi32, #tpu.memory_space<vmem>>
            %dma_wait3A_115 = tpu.memref_squeeze %dma_wait3A_114 : memref<1x400xi32, #tpu.memory_space<vmem>> -> memref<400xi32, #tpu.memory_space<vmem>>
            %dma_wait3A_116 = arith.constant 0 : i32
            %dma_wait3A_117 = arith.constant 0 : i32
            %dma_wait3A_118 = tpu.memref_slice %arg5[%dma_wait3A_116, %dma_wait3A_117] : memref<50176x32xf32, #tpu.memory_space<vmem_shared>> -> memref<50176x32xf32, #tpu.memory_space<vmem_shared>>
            tpu.wait_indirect_dma semaphore(%run_scoped3A_106 : memref<!tpu.dma_semaphore, #tpu.memory_space<semaphore_mem>>) src(%run_scoped3A_0 : memref<400x32xf32, #tpu.memory_space<vmem>>) dst(%dma_wait3A_118 : memref<50176x32xf32, #tpu.memory_space<vmem_shared>>)
            tpu.yield
          }) : () -> ()
        }
        %scan3A_66 = arith.constant 16 : i32
        %barrier3A_67 = arith.constant 0 : index
        tpu.barrier barrier_id(%barrier3A_67)
        %scan3A_68 = arith.constant 0 : i32
        %scan3A_69 = arith.constant 0 : i32
        %scan3A_70 = arith.constant 8 : i32
        %scan3A_71 = arith.addi %scan3A_69, %scan3A_70 : i32
        %scan3A_72 = arith.constant 1 : i32
        scf.for %scan3A_74 = %scan3A_69 to %scan3A_71 step %scan3A_72  : i32 {
          %mul3A_75 = arith.constant 3136 : i32
          %mul3A_76 = arith.muli %arg1, %mul3A_75 : i32
          %mul3A_77 = arith.constant 392 : i32
          %mul3A_78 = arith.muli %scan3A_74, %mul3A_77 : i32
          %add3A_79 = arith.addi %mul3A_76, %mul3A_78 : i32
          "tpu.region"() ({
            %run_scoped3A_90 = tpu.sem_alloc : memref<!tpu.dma_semaphore, #tpu.memory_space<semaphore_mem>>
            %dma_start3A_91 = arith.constant 0 : i32
            %dma_start3A_92 = arith.constant 0 : i32
            %dma_start3A_93 = tpu.memref_slice %run_scoped3A[%dma_start3A_91, %dma_start3A_92] : memref<400x32xf32, #tpu.memory_space<vmem>> -> memref<392x32xf32, #tpu.memory_space<vmem>>
            %dma_start3A_94 = arith.constant 0 : i32
            %dma_start3A_95 = tpu.memref_slice %arg5[%add3A_79, %dma_start3A_94] : memref<50176x32xf32, #tpu.memory_space<vmem_shared>> -> memref<392x32xf32, #tpu.memory_space<vmem_shared>>
            %dma_start3A_96 = arith.constant 0 : i32
            %dma_start3A_97 = arith.constant 0 : i32
            %dma_start3A_98 = tpu.memref_slice %run_scoped3A[%dma_start3A_96, %dma_start3A_97] : memref<400x32xf32, #tpu.memory_space<vmem>> -> memref<392x32xf32, #tpu.memory_space<vmem>>
            %dma_start3A_99 = arith.constant 0 : i32
            %dma_start3A_100 = tpu.memref_slice %arg5[%add3A_79, %dma_start3A_99] : memref<50176x32xf32, #tpu.memory_space<vmem_shared>> -> memref<392x32xf32, #tpu.memory_space<vmem_shared>>
            tpu.enqueue_dma source(%dma_start3A_100 : memref<392x32xf32, #tpu.memory_space<vmem_shared>>) target(%dma_start3A_98 : memref<392x32xf32, #tpu.memory_space<vmem>>) target_semaphore(%run_scoped3A_90 : memref<!tpu.dma_semaphore, #tpu.memory_space<semaphore_mem>>)
            %dma_wait3A = arith.constant 0 : i32
            %dma_wait3A_101 = arith.constant 0 : i32
            %dma_wait3A_102 = tpu.memref_slice %run_scoped3A[%dma_wait3A, %dma_wait3A_101] : memref<400x32xf32, #tpu.memory_space<vmem>> -> memref<392x32xf32, #tpu.memory_space<vmem>>
            %dma_wait3A_103 = arith.constant 0 : i32
            %dma_wait3A_104 = tpu.memref_slice %arg5[%add3A_79, %dma_wait3A_103] : memref<50176x32xf32, #tpu.memory_space<vmem_shared>> -> memref<392x32xf32, #tpu.memory_space<vmem_shared>>
            %dma_wait3A_105 = arith.constant 0 : i32
            %dma_wait3A_106 = arith.constant 0 : i32
            %dma_wait3A_107 = tpu.memref_slice %run_scoped3A[%dma_wait3A_105, %dma_wait3A_106] : memref<400x32xf32, #tpu.memory_space<vmem>> -> memref<392x32xf32, #tpu.memory_space<vmem>>
            %dma_wait3A_108 = arith.constant 0 : i32
            %dma_wait3A_109 = tpu.memref_slice %arg5[%add3A_79, %dma_wait3A_108] : memref<50176x32xf32, #tpu.memory_space<vmem_shared>> -> memref<392x32xf32, #tpu.memory_space<vmem_shared>>
            tpu.wait_dma2 semaphore(%run_scoped3A_90 : memref<!tpu.dma_semaphore, #tpu.memory_space<semaphore_mem>>) src(%dma_wait3A_109 : memref<392x32xf32, #tpu.memory_space<vmem_shared>>) dst(%dma_wait3A_107 : memref<392x32xf32, #tpu.memory_space<vmem>>)
            tpu.yield
          }) : () -> ()
          %mul3A_80 = arith.constant 50176 : i32
          %mul3A_81 = arith.muli %select_n3A, %mul3A_80 : i32
          %mul3A_82 = arith.constant 3136 : i32
          %mul3A_83 = arith.muli %arg1, %mul3A_82 : i32
          %add3A_84 = arith.addi %mul3A_81, %mul3A_83 : i32
          %mul3A_85 = arith.constant 392 : i32
          %mul3A_86 = arith.muli %scan3A_74, %mul3A_85 : i32
          %add3A_87 = arith.addi %add3A_84, %mul3A_86 : i32
          %mul3A_88 = arith.constant 32 : i32
          %mul3A_89 = arith.muli %sub3A_34, %mul3A_88 : i32
          "tpu.region"() ({
            %run_scoped3A_90 = tpu.sem_alloc : memref<!tpu.dma_semaphore, #tpu.memory_space<semaphore_mem>>
            %dma_start3A_91 = arith.constant 0 : i32
            %dma_start3A_92 = arith.constant 0 : i32
            %dma_start3A_93 = tpu.memref_slice %run_scoped3A[%dma_start3A_91, %dma_start3A_92] : memref<400x32xf32, #tpu.memory_space<vmem>> -> memref<392x32xf32, #tpu.memory_space<vmem>>
            %dma_start3A_94 = tpu.memref_slice %arg4[%add3A_87, %mul3A_89] : memref<150528x64xf32, #tpu.memory_space<hbm>> -> memref<392x32xf32, #tpu.memory_space<hbm>>
            %dma_start3A_95 = tpu.memref_slice %arg4[%add3A_87, %mul3A_89] : memref<150528x64xf32, #tpu.memory_space<hbm>> -> memref<392x32xf32, #tpu.memory_space<hbm>>
            %dma_start3A_96 = arith.constant 0 : i32
            %dma_start3A_97 = arith.constant 0 : i32
            %dma_start3A_98 = tpu.memref_slice %run_scoped3A[%dma_start3A_96, %dma_start3A_97] : memref<400x32xf32, #tpu.memory_space<vmem>> -> memref<392x32xf32, #tpu.memory_space<vmem>>
            tpu.enqueue_dma source(%dma_start3A_98 : memref<392x32xf32, #tpu.memory_space<vmem>>) target(%dma_start3A_95 : memref<392x32xf32, #tpu.memory_space<hbm>>) target_semaphore(%run_scoped3A_90 : memref<!tpu.dma_semaphore, #tpu.memory_space<semaphore_mem>>)
            %dma_wait3A = arith.constant 0 : i32
            %dma_wait3A_99 = arith.constant 0 : i32
            %dma_wait3A_100 = tpu.memref_slice %run_scoped3A[%dma_wait3A, %dma_wait3A_99] : memref<400x32xf32, #tpu.memory_space<vmem>> -> memref<392x32xf32, #tpu.memory_space<vmem>>
            %dma_wait3A_101 = tpu.memref_slice %arg4[%add3A_87, %mul3A_89] : memref<150528x64xf32, #tpu.memory_space<hbm>> -> memref<392x32xf32, #tpu.memory_space<hbm>>
            %dma_wait3A_102 = tpu.memref_slice %arg4[%add3A_87, %mul3A_89] : memref<150528x64xf32, #tpu.memory_space<hbm>> -> memref<392x32xf32, #tpu.memory_space<hbm>>
            %dma_wait3A_103 = arith.constant 0 : i32
            %dma_wait3A_104 = arith.constant 0 : i32
            %dma_wait3A_105 = tpu.memref_slice %run_scoped3A[%dma_wait3A_103, %dma_wait3A_104] : memref<400x32xf32, #tpu.memory_space<vmem>> -> memref<392x32xf32, #tpu.memory_space<vmem>>
            tpu.wait_dma2 semaphore(%run_scoped3A_90 : memref<!tpu.dma_semaphore, #tpu.memory_space<semaphore_mem>>) src(%dma_wait3A_105 : memref<392x32xf32, #tpu.memory_space<vmem>>) dst(%dma_wait3A_102 : memref<392x32xf32, #tpu.memory_space<hbm>>)
            tpu.yield
          }) : () -> ()
        }
        %scan3A_73 = arith.constant 8 : i32
      }
      tpu.yield
    }) : () -> ()
    return
  }
}

#map = affine_map<(d0, d1) -> (0, 0)>
module attributes {stable_mosaic.version = 14 : i64} {
  func.func @body(%arg0: i32, %arg1: i32, %arg2: memref<602112x32xf32, #tpu.memory_space<hbm>>, %arg3: memref<12288x400xi32, #tpu.memory_space<hbm>>, %arg4: memref<150528x128xf32, #tpu.memory_space<hbm>>, %arg5: memref<50176x32xf32, #tpu.memory_space<vmem_shared>>, %arg6: memref<!tpu.dma_semaphore, #tpu.memory_space<semaphore_mem>>, %arg7: memref<!tpu.dma_semaphore, #tpu.memory_space<semaphore_mem>>) attributes {dimension_semantics = [#tpu.dimension_semantics<core_parallel>, #tpu.dimension_semantics<subcore_parallel>], iteration_bounds = array<i64: 2, 16>, scalar_prefetch = 0 : i64, scratch_operands = 3 : i64, tpu.core_type = #tpu.core_type<sc_vector_subcore>, window_params = [{transform_indices = #map}, {transform_indices = #map}, {transform_indices = #map}]} {
    "tpu.region"() ({
      %run_scoped3A = memref.alloca() : memref<400x32xf32, #tpu.memory_space<vmem>>
      %run_scoped3A_0 = memref.alloca() : memref<400x32xf32, #tpu.memory_space<vmem>>
      %run_scoped3A_1 = memref.alloca() : memref<2x400xi32, #tpu.memory_space<vmem>>
      %run_scoped3A_2 = memref.alloca() : memref<2x400xi32, #tpu.memory_space<vmem>>
      %mul3A = arith.constant 6 : i32
      %mul3A_3 = arith.muli %arg0, %mul3A : i32
      %add3A = arith.constant 1 : i32
      %add3A_4 = arith.addi %arg0, %add3A : i32
      %mul3A_5 = arith.constant 6 : i32
      %mul3A_6 = arith.muli %add3A_4, %mul3A_5 : i32
      %while3A = arith.constant 0 : i32
      %while3A_7 = arith.subi %mul3A_6, %mul3A_3 : i32
      %while3A_8 = arith.addi %mul3A_3, %while3A_7 : i32
      %while3A_9 = arith.constant 1 : i32
      %while3A_10 = arith.divsi %while3A_7, %while3A_9 : i32
      %while3A_11 = arith.muli %while3A_10, %while3A_9 : i32
      %while3A_12 = arith.addi %mul3A_3, %while3A_11 : i32
      %while3A_13 = arith.constant 1 : i32
      scf.for %while3A_15 = %mul3A_3 to %while3A_12 step %while3A_13  : i32 {
        %jit3A = arith.constant 4 : i32
        %div3A = arith.divsi %while3A_15, %jit3A : i32
        %sign3A = arith.constant 0 : i32
        %sign3A_16 = arith.cmpi sgt, %while3A_15, %sign3A : i32
        %sign3A_17 = arith.extui %sign3A_16 : i1 to i32
        %sign3A_18 = arith.constant 0 : i32
        %sign3A_19 = arith.cmpi slt, %while3A_15, %sign3A_18 : i32
        %sign3A_20 = arith.extui %sign3A_19 : i1 to i32
        %sign3A_21 = arith.subi %sign3A_17, %sign3A_20 : i32
        %sign3A_22 = arith.constant 0 : i32
        %sign3A_23 = arith.cmpi sgt, %jit3A, %sign3A_22 : i32
        %sign3A_24 = arith.extui %sign3A_23 : i1 to i32
        %sign3A_25 = arith.constant 0 : i32
        %sign3A_26 = arith.cmpi slt, %jit3A, %sign3A_25 : i32
        %sign3A_27 = arith.extui %sign3A_26 : i1 to i32
        %sign3A_28 = arith.subi %sign3A_24, %sign3A_27 : i32
        %ne3A = arith.cmpi ne, %sign3A_21, %sign3A_28 : i32
        %rem3A = arith.remsi %while3A_15, %jit3A : i32
        %ne3A_29 = arith.constant 0 : i32
        %ne3A_30 = arith.cmpi ne, %rem3A, %ne3A_29 : i32
        %and3A = arith.andi %ne3A, %ne3A_30 : i1
        %sub3A = arith.constant 1 : i32
        %sub3A_31 = arith.subi %div3A, %sub3A : i32
        %select_n3A = arith.select %and3A, %sub3A_31, %div3A : i32
        %mul3A_32 = arith.constant 4 : i32
        %mul3A_33 = arith.muli %select_n3A, %mul3A_32 : i32
        %sub3A_34 = arith.subi %while3A_15, %mul3A_33 : i32
        %mul3A_35 = arith.constant 512 : i32
        %mul3A_36 = arith.muli %while3A_15, %mul3A_35 : i32
        %mul3A_37 = arith.constant 32 : i32
        %mul3A_38 = arith.muli %arg1, %mul3A_37 : i32
        %add3A_39 = arith.addi %mul3A_36, %mul3A_38 : i32
        %mul3A_40 = arith.constant 2 : i32
        %mul3A_41 = arith.muli %add3A_39, %mul3A_40 : i32
        %scan3A = arith.constant 0 : i32
        %scan3A_42 = arith.constant 0 : i32
        %scan3A_43 = arith.constant 392 : i32
        %scan3A_44 = arith.addi %scan3A_42, %scan3A_43 : i32
        %scan3A_45 = arith.constant 1 : i32
        scf.for %scan3A_74 = %scan3A_42 to %scan3A_44 step %scan3A_45  : i32 {
          %broadcast_in_dim3A = arith.constant 0.000000e+00 : f32
          %broadcast_in_dim3A_75 = vector.broadcast %broadcast_in_dim3A : f32 to vector<16xf32>
          %swap3A = arith.index_cast %scan3A_74 : i32 to index
          %swap3A_76 = arith.constant 0 : index
          %swap3A_77 = tpu.vector_load %run_scoped3A[%swap3A, %swap3A_76] {strides = array<i32>} : memref<400x32xf32, #tpu.memory_space<vmem>>, vector<1x16xf32>,
          %swap3A_78 = vector.shape_cast %swap3A_77 : vector<1x16xf32> to vector<16xf32>
          %swap3A_79 = vector.shape_cast %broadcast_in_dim3A_75 : vector<16xf32> to vector<1x16xf32>
          tpu.vector_store %run_scoped3A[%swap3A, %swap3A_76], %swap3A_79 {strides = array<i32>} : memref<400x32xf32, #tpu.memory_space<vmem>>, vector<1x16xf32>,
          %broadcast_in_dim3A_80 = arith.constant 0.000000e+00 : f32
          %broadcast_in_dim3A_81 = vector.broadcast %broadcast_in_dim3A_80 : f32 to vector<16xf32>
          %swap3A_82 = arith.index_cast %scan3A_74 : i32 to index
          %swap3A_83 = arith.constant 16 : index
          %swap3A_84 = tpu.vector_load %run_scoped3A[%swap3A_82, %swap3A_83] {strides = array<i32>} : memref<400x32xf32, #tpu.memory_space<vmem>>, vector<1x16xf32>,
          %swap3A_85 = vector.shape_cast %swap3A_84 : vector<1x16xf32> to vector<16xf32>
          %swap3A_86 = vector.shape_cast %broadcast_in_dim3A_81 : vector<16xf32> to vector<1x16xf32>
          tpu.vector_store %run_scoped3A[%swap3A_82, %swap3A_83], %swap3A_86 {strides = array<i32>} : memref<400x32xf32, #tpu.memory_space<vmem>>, vector<1x16xf32>,
        }
        %scan3A_46 = arith.constant 392 : i32
        %scan3A_47 = arith.constant 0 : i32
        %scan3A_48 = arith.constant 0 : i32
        %scan3A_49 = arith.constant 8 : i32
        %scan3A_50 = arith.addi %scan3A_48, %scan3A_49 : i32
        %scan3A_51 = arith.constant 1 : i32
        scf.for %scan3A_74 = %scan3A_48 to %scan3A_50 step %scan3A_51  : i32 {
          %mul3A_75 = arith.constant 3136 : i32
          %mul3A_76 = arith.muli %arg1, %mul3A_75 : i32
          %mul3A_77 = arith.constant 392 : i32
          %mul3A_78 = arith.muli %scan3A_74, %mul3A_77 : i32
          %add3A_79 = arith.addi %mul3A_76, %mul3A_78 : i32
          "tpu.region"() ({
            %run_scoped3A_80 = tpu.sem_alloc : memref<!tpu.dma_semaphore, #tpu.memory_space<semaphore_mem>>
            %dma_start3A_81 = arith.constant 0 : i32
            %dma_start3A_82 = arith.constant 0 : i32
            %dma_start3A_83 = tpu.memref_slice %run_scoped3A[%dma_start3A_81, %dma_start3A_82] : memref<400x32xf32, #tpu.memory_space<vmem>> -> memref<392x32xf32, #tpu.memory_space<vmem>>
            %dma_start3A_84 = arith.constant 0 : i32
            %dma_start3A_85 = tpu.memref_slice %arg5[%add3A_79, %dma_start3A_84] : memref<50176x32xf32, #tpu.memory_space<vmem_shared>> -> memref<392x32xf32, #tpu.memory_space<vmem_shared>>
            %dma_start3A_86 = arith.constant 0 : i32
            %dma_start3A_87 = tpu.memref_slice %arg5[%add3A_79, %dma_start3A_86] : memref<50176x32xf32, #tpu.memory_space<vmem_shared>> -> memref<392x32xf32, #tpu.memory_space<vmem_shared>>
            %dma_start3A_88 = arith.constant 0 : i32
            %dma_start3A_89 = arith.constant 0 : i32
            %dma_start3A_90 = tpu.memref_slice %run_scoped3A[%dma_start3A_88, %dma_start3A_89] : memref<400x32xf32, #tpu.memory_space<vmem>> -> memref<392x32xf32, #tpu.memory_space<vmem>>
            tpu.enqueue_dma source(%dma_start3A_90 : memref<392x32xf32, #tpu.memory_space<vmem>>) target(%dma_start3A_87 : memref<392x32xf32, #tpu.memory_space<vmem_shared>>) target_semaphore(%run_scoped3A_80 : memref<!tpu.dma_semaphore, #tpu.memory_space<semaphore_mem>>)
            %dma_wait3A = arith.constant 0 : i32
            %dma_wait3A_91 = arith.constant 0 : i32
            %dma_wait3A_92 = tpu.memref_slice %run_scoped3A[%dma_wait3A, %dma_wait3A_91] : memref<400x32xf32, #tpu.memory_space<vmem>> -> memref<392x32xf32, #tpu.memory_space<vmem>>
            %dma_wait3A_93 = arith.constant 0 : i32
            %dma_wait3A_94 = tpu.memref_slice %arg5[%add3A_79, %dma_wait3A_93] : memref<50176x32xf32, #tpu.memory_space<vmem_shared>> -> memref<392x32xf32, #tpu.memory_space<vmem_shared>>
            %dma_wait3A_95 = arith.constant 0 : i32
            %dma_wait3A_96 = tpu.memref_slice %arg5[%add3A_79, %dma_wait3A_95] : memref<50176x32xf32, #tpu.memory_space<vmem_shared>> -> memref<392x32xf32, #tpu.memory_space<vmem_shared>>
            %dma_wait3A_97 = arith.constant 0 : i32
            %dma_wait3A_98 = arith.constant 0 : i32
            %dma_wait3A_99 = tpu.memref_slice %run_scoped3A[%dma_wait3A_97, %dma_wait3A_98] : memref<400x32xf32, #tpu.memory_space<vmem>> -> memref<392x32xf32, #tpu.memory_space<vmem>>
            tpu.wait_dma2 semaphore(%run_scoped3A_80 : memref<!tpu.dma_semaphore, #tpu.memory_space<semaphore_mem>>) src(%dma_wait3A_99 : memref<392x32xf32, #tpu.memory_space<vmem>>) dst(%dma_wait3A_96 : memref<392x32xf32, #tpu.memory_space<vmem_shared>>)
            tpu.yield
          }) : () -> ()
        }
        %scan3A_52 = arith.constant 8 : i32
        %barrier3A = arith.constant 0 : index
        tpu.barrier barrier_id(%barrier3A)
        %add3A_53 = arith.constant 0 : i32
        %add3A_54 = arith.addi %mul3A_41, %add3A_53 : i32
        "tpu.region"() ({
          %run_scoped3A_74 = tpu.sem_alloc : memref<!tpu.dma_semaphore, #tpu.memory_space<semaphore_mem>>
          %dma_start3A_75 = arith.constant 0 : i32
          %dma_start3A_76 = tpu.memref_slice %arg3[%add3A_54, %dma_start3A_75] : memref<12288x400xi32, #tpu.memory_space<hbm>> -> memref<2x400xi32, #tpu.memory_space<hbm>>
          %dma_start3A_77 = arith.constant 0 : i32
          %dma_start3A_78 = tpu.memref_slice %arg3[%add3A_54, %dma_start3A_77] : memref<12288x400xi32, #tpu.memory_space<hbm>> -> memref<2x400xi32, #tpu.memory_space<hbm>>
          tpu.enqueue_dma source(%dma_start3A_78 : memref<2x400xi32, #tpu.memory_space<hbm>>) target(%run_scoped3A_1 : memref<2x400xi32, #tpu.memory_space<vmem>>) target_semaphore(%run_scoped3A_74 : memref<!tpu.dma_semaphore, #tpu.memory_space<semaphore_mem>>)
          %dma_wait3A = arith.constant 0 : i32
          %dma_wait3A_79 = tpu.memref_slice %arg3[%add3A_54, %dma_wait3A] : memref<12288x400xi32, #tpu.memory_space<hbm>> -> memref<2x400xi32, #tpu.memory_space<hbm>>
          %dma_wait3A_80 = arith.constant 0 : i32
          %dma_wait3A_81 = tpu.memref_slice %arg3[%add3A_54, %dma_wait3A_80] : memref<12288x400xi32, #tpu.memory_space<hbm>> -> memref<2x400xi32, #tpu.memory_space<hbm>>
          tpu.wait_dma2 semaphore(%run_scoped3A_74 : memref<!tpu.dma_semaphore, #tpu.memory_space<semaphore_mem>>) src(%dma_wait3A_81 : memref<2x400xi32, #tpu.memory_space<hbm>>) dst(%run_scoped3A_1 : memref<2x400xi32, #tpu.memory_space<vmem>>)
          tpu.yield
        }) : () -> ()
        %dma_start3A = arith.constant 0 : i32
        %dma_start3A_55 = arith.constant 0 : i32
        %dma_start3A_56 = tpu.memref_slice %run_scoped3A_1[%dma_start3A, %dma_start3A_55] : memref<2x400xi32, #tpu.memory_space<vmem>> -> memref<1x400xi32, #tpu.memory_space<vmem>>
        %dma_start3A_57 = tpu.memref_squeeze %dma_start3A_56 : memref<1x400xi32, #tpu.memory_space<vmem>> -> memref<400xi32, #tpu.memory_space<vmem>>
        %dma_start3A_58 = arith.constant 0 : i32
        %dma_start3A_59 = arith.constant 0 : i32
        %dma_start3A_60 = tpu.memref_slice %arg2[%dma_start3A_58, %dma_start3A_59] : memref<602112x32xf32, #tpu.memory_space<hbm>> -> memref<602112x32xf32, #tpu.memory_space<hbm>>
        tpu.enqueue_indirect_dma source(%dma_start3A_60 : memref<602112x32xf32, #tpu.memory_space<hbm>>) target(%run_scoped3A : memref<400x32xf32, #tpu.memory_space<vmem>>) offsets(%dma_start3A_57 : memref<400xi32, #tpu.memory_space<vmem>>) semaphore(%arg6 : memref<!tpu.dma_semaphore, #tpu.memory_space<semaphore_mem>>)
        %scan3A_61 = arith.constant 0 : i32
        %scan3A_62 = arith.constant 0 : i32
        %scan3A_63 = arith.constant 16 : i32
        %scan3A_64 = arith.addi %scan3A_62, %scan3A_63 : i32
        %scan3A_65 = arith.constant 1 : i32
        scf.for %scan3A_74 = %scan3A_62 to %scan3A_64 step %scan3A_65  : i32 {
          %mul3A_75 = arith.constant 2 : i32
          %mul3A_76 = arith.muli %mul3A_75, %scan3A_74 : i32
          %add3A_77 = arith.constant 1 : i32
          %add3A_78 = arith.addi %mul3A_76, %add3A_77 : i32
          %mul3A_79 = arith.constant 2 : i32
          %mul3A_80 = arith.muli %add3A_78, %mul3A_79 : i32
          %add3A_81 = arith.addi %mul3A_41, %mul3A_80 : i32
          "tpu.region"() ({
            %run_scoped3A_106 = tpu.sem_alloc : memref<!tpu.dma_semaphore, #tpu.memory_space<semaphore_mem>>
            %dma_start3A_107 = arith.constant 0 : i32
            %dma_start3A_108 = tpu.memref_slice %arg3[%add3A_81, %dma_start3A_107] : memref<12288x400xi32, #tpu.memory_space<hbm>> -> memref<2x400xi32, #tpu.memory_space<hbm>>
            %dma_start3A_109 = arith.constant 0 : i32
            %dma_start3A_110 = tpu.memref_slice %arg3[%add3A_81, %dma_start3A_109] : memref<12288x400xi32, #tpu.memory_space<hbm>> -> memref<2x400xi32, #tpu.memory_space<hbm>>
            tpu.enqueue_dma source(%dma_start3A_110 : memref<2x400xi32, #tpu.memory_space<hbm>>) target(%run_scoped3A_2 : memref<2x400xi32, #tpu.memory_space<vmem>>) target_semaphore(%run_scoped3A_106 : memref<!tpu.dma_semaphore, #tpu.memory_space<semaphore_mem>>)
            %dma_wait3A_111 = arith.constant 0 : i32
            %dma_wait3A_112 = tpu.memref_slice %arg3[%add3A_81, %dma_wait3A_111] : memref<12288x400xi32, #tpu.memory_space<hbm>> -> memref<2x400xi32, #tpu.memory_space<hbm>>
            %dma_wait3A_113 = arith.constant 0 : i32
            %dma_wait3A_114 = tpu.memref_slice %arg3[%add3A_81, %dma_wait3A_113] : memref<12288x400xi32, #tpu.memory_space<hbm>> -> memref<2x400xi32, #tpu.memory_space<hbm>>
            tpu.wait_dma2 semaphore(%run_scoped3A_106 : memref<!tpu.dma_semaphore, #tpu.memory_space<semaphore_mem>>) src(%dma_wait3A_114 : memref<2x400xi32, #tpu.memory_space<hbm>>) dst(%run_scoped3A_2 : memref<2x400xi32, #tpu.memory_space<vmem>>)
            tpu.yield
          }) : () -> ()
          %dma_start3A_82 = arith.constant 0 : i32
          %dma_start3A_83 = arith.constant 0 : i32
          %dma_start3A_84 = tpu.memref_slice %run_scoped3A_2[%dma_start3A_82, %dma_start3A_83] : memref<2x400xi32, #tpu.memory_space<vmem>> -> memref<1x400xi32, #tpu.memory_space<vmem>>
          %dma_start3A_85 = tpu.memref_squeeze %dma_start3A_84 : memref<1x400xi32, #tpu.memory_space<vmem>> -> memref<400xi32, #tpu.memory_space<vmem>>
          %dma_start3A_86 = arith.constant 0 : i32
          %dma_start3A_87 = arith.constant 0 : i32
          %dma_start3A_88 = tpu.memref_slice %arg2[%dma_start3A_86, %dma_start3A_87] : memref<602112x32xf32, #tpu.memory_space<hbm>> -> memref<602112x32xf32, #tpu.memory_space<hbm>>
          tpu.enqueue_indirect_dma source(%dma_start3A_88 : memref<602112x32xf32, #tpu.memory_space<hbm>>) target(%run_scoped3A_0 : memref<400x32xf32, #tpu.memory_space<vmem>>) offsets(%dma_start3A_85 : memref<400xi32, #tpu.memory_space<vmem>>) semaphore(%arg7 : memref<!tpu.dma_semaphore, #tpu.memory_space<semaphore_mem>>)
          %dma_wait3A = arith.constant 0 : i32
          %dma_wait3A_89 = arith.constant 0 : i32
          %dma_wait3A_90 = tpu.memref_slice %run_scoped3A_1[%dma_wait3A, %dma_wait3A_89] : memref<2x400xi32, #tpu.memory_space<vmem>> -> memref<1x400xi32, #tpu.memory_space<vmem>>
          %dma_wait3A_91 = tpu.memref_squeeze %dma_wait3A_90 : memref<1x400xi32, #tpu.memory_space<vmem>> -> memref<400xi32, #tpu.memory_space<vmem>>
          %dma_wait3A_92 = arith.constant 0 : i32
          %dma_wait3A_93 = arith.constant 0 : i32
          %dma_wait3A_94 = tpu.memref_slice %arg2[%dma_wait3A_92, %dma_wait3A_93] : memref<602112x32xf32, #tpu.memory_space<hbm>> -> memref<602112x32xf32, #tpu.memory_space<hbm>>
          tpu.wait_indirect_dma semaphore(%arg6 : memref<!tpu.dma_semaphore, #tpu.memory_space<semaphore_mem>>) src(%dma_wait3A_94 : memref<602112x32xf32, #tpu.memory_space<hbm>>) dst(%run_scoped3A : memref<400x32xf32, #tpu.memory_space<vmem>>)
          %run_scoped3A_95 = arith.constant 1 : i32
          "tpu.region"() ({
            %run_scoped3A_106 = tpu.sem_alloc : memref<!tpu.dma_semaphore, #tpu.memory_space<semaphore_mem>>
            %dma_start3A_107 = arith.constant 0 : i32
            %dma_start3A_108 = tpu.memref_slice %run_scoped3A_1[%run_scoped3A_95, %dma_start3A_107] : memref<2x400xi32, #tpu.memory_space<vmem>> -> memref<1x400xi32, #tpu.memory_space<vmem>>
            %dma_start3A_109 = tpu.memref_squeeze %dma_start3A_108 : memref<1x400xi32, #tpu.memory_space<vmem>> -> memref<400xi32, #tpu.memory_space<vmem>>
            %dma_start3A_110 = arith.constant 0 : i32
            %dma_start3A_111 = arith.constant 0 : i32
            %dma_start3A_112 = tpu.memref_slice %arg5[%dma_start3A_110, %dma_start3A_111] : memref<50176x32xf32, #tpu.memory_space<vmem_shared>> -> memref<50176x32xf32, #tpu.memory_space<vmem_shared>>
            tpu.enqueue_indirect_dma source(%run_scoped3A : memref<400x32xf32, #tpu.memory_space<vmem>>) target(%dma_start3A_112 : memref<50176x32xf32, #tpu.memory_space<vmem_shared>>) offsets(%dma_start3A_109 : memref<400xi32, #tpu.memory_space<vmem>>) semaphore(%run_scoped3A_106 : memref<!tpu.dma_semaphore, #tpu.memory_space<semaphore_mem>>) {add = true}
            %dma_wait3A_113 = arith.constant 0 : i32
            %dma_wait3A_114 = tpu.memref_slice %run_scoped3A_1[%run_scoped3A_95, %dma_wait3A_113] : memref<2x400xi32, #tpu.memory_space<vmem>> -> memref<1x400xi32, #tpu.memory_space<vmem>>
            %dma_wait3A_115 = tpu.memref_squeeze %dma_wait3A_114 : memref<1x400xi32, #tpu.memory_space<vmem>> -> memref<400xi32, #tpu.memory_space<vmem>>
            %dma_wait3A_116 = arith.constant 0 : i32
            %dma_wait3A_117 = arith.constant 0 : i32
            %dma_wait3A_118 = tpu.memref_slice %arg5[%dma_wait3A_116, %dma_wait3A_117] : memref<50176x32xf32, #tpu.memory_space<vmem_shared>> -> memref<50176x32xf32, #tpu.memory_space<vmem_shared>>
            tpu.wait_indirect_dma semaphore(%run_scoped3A_106 : memref<!tpu.dma_semaphore, #tpu.memory_space<semaphore_mem>>) src(%run_scoped3A : memref<400x32xf32, #tpu.memory_space<vmem>>) dst(%dma_wait3A_118 : memref<50176x32xf32, #tpu.memory_space<vmem_shared>>)
            tpu.yield
          }) : () -> ()
          %lt3A = arith.constant 15 : i32
          %lt3A_96 = arith.cmpi slt, %scan3A_74, %lt3A : i32
          %convert_element_type3A = arith.extui %lt3A_96 : i1 to i32
          %cond3A = arith.constant 0 : i32
          %cond3A_97 = arith.cmpi ne, %convert_element_type3A, %cond3A : i32
          scf.if %cond3A_97 {
            %mul3A_106 = arith.constant 2 : i32
            %mul3A_107 = arith.muli %mul3A_106, %scan3A_74 : i32
            %add3A_108 = arith.constant 2 : i32
            %add3A_109 = arith.addi %mul3A_107, %add3A_108 : i32
            %mul3A_110 = arith.constant 2 : i32
            %mul3A_111 = arith.muli %add3A_109, %mul3A_110 : i32
            %add3A_112 = arith.addi %mul3A_41, %mul3A_111 : i32
            "tpu.region"() ({
              %run_scoped3A_120 = tpu.sem_alloc : memref<!tpu.dma_semaphore, #tpu.memory_space<semaphore_mem>>
              %dma_start3A_121 = arith.constant 0 : i32
              %dma_start3A_122 = tpu.memref_slice %arg3[%add3A_112, %dma_start3A_121] : memref<12288x400xi32, #tpu.memory_space<hbm>> -> memref<2x400xi32, #tpu.memory_space<hbm>>
              %dma_start3A_123 = arith.constant 0 : i32
              %dma_start3A_124 = tpu.memref_slice %arg3[%add3A_112, %dma_start3A_123] : memref<12288x400xi32, #tpu.memory_space<hbm>> -> memref<2x400xi32, #tpu.memory_space<hbm>>
              tpu.enqueue_dma source(%dma_start3A_124 : memref<2x400xi32, #tpu.memory_space<hbm>>) target(%run_scoped3A_1 : memref<2x400xi32, #tpu.memory_space<vmem>>) target_semaphore(%run_scoped3A_120 : memref<!tpu.dma_semaphore, #tpu.memory_space<semaphore_mem>>)
              %dma_wait3A_125 = arith.constant 0 : i32
              %dma_wait3A_126 = tpu.memref_slice %arg3[%add3A_112, %dma_wait3A_125] : memref<12288x400xi32, #tpu.memory_space<hbm>> -> memref<2x400xi32, #tpu.memory_space<hbm>>
              %dma_wait3A_127 = arith.constant 0 : i32
              %dma_wait3A_128 = tpu.memref_slice %arg3[%add3A_112, %dma_wait3A_127] : memref<12288x400xi32, #tpu.memory_space<hbm>> -> memref<2x400xi32, #tpu.memory_space<hbm>>
              tpu.wait_dma2 semaphore(%run_scoped3A_120 : memref<!tpu.dma_semaphore, #tpu.memory_space<semaphore_mem>>) src(%dma_wait3A_128 : memref<2x400xi32, #tpu.memory_space<hbm>>) dst(%run_scoped3A_1 : memref<2x400xi32, #tpu.memory_space<vmem>>)
              tpu.yield
            }) : () -> ()
            %dma_start3A_113 = arith.constant 0 : i32
            %dma_start3A_114 = arith.constant 0 : i32
            %dma_start3A_115 = tpu.memref_slice %run_scoped3A_1[%dma_start3A_113, %dma_start3A_114] : memref<2x400xi32, #tpu.memory_space<vmem>> -> memref<1x400xi32, #tpu.memory_space<vmem>>
            %dma_start3A_116 = tpu.memref_squeeze %dma_start3A_115 : memref<1x400xi32, #tpu.memory_space<vmem>> -> memref<400xi32, #tpu.memory_space<vmem>>
            %dma_start3A_117 = arith.constant 0 : i32
            %dma_start3A_118 = arith.constant 0 : i32
            %dma_start3A_119 = tpu.memref_slice %arg2[%dma_start3A_117, %dma_start3A_118] : memref<602112x32xf32, #tpu.memory_space<hbm>> -> memref<602112x32xf32, #tpu.memory_space<hbm>>
            tpu.enqueue_indirect_dma source(%dma_start3A_119 : memref<602112x32xf32, #tpu.memory_space<hbm>>) target(%run_scoped3A : memref<400x32xf32, #tpu.memory_space<vmem>>) offsets(%dma_start3A_116 : memref<400xi32, #tpu.memory_space<vmem>>) semaphore(%arg6 : memref<!tpu.dma_semaphore, #tpu.memory_space<semaphore_mem>>)
          } else {
          }
          %dma_wait3A_98 = arith.constant 0 : i32
          %dma_wait3A_99 = arith.constant 0 : i32
          %dma_wait3A_100 = tpu.memref_slice %run_scoped3A_2[%dma_wait3A_98, %dma_wait3A_99] : memref<2x400xi32, #tpu.memory_space<vmem>> -> memref<1x400xi32, #tpu.memory_space<vmem>>
          %dma_wait3A_101 = tpu.memref_squeeze %dma_wait3A_100 : memref<1x400xi32, #tpu.memory_space<vmem>> -> memref<400xi32, #tpu.memory_space<vmem>>
          %dma_wait3A_102 = arith.constant 0 : i32
          %dma_wait3A_103 = arith.constant 0 : i32
          %dma_wait3A_104 = tpu.memref_slice %arg2[%dma_wait3A_102, %dma_wait3A_103] : memref<602112x32xf32, #tpu.memory_space<hbm>> -> memref<602112x32xf32, #tpu.memory_space<hbm>>
          tpu.wait_indirect_dma semaphore(%arg7 : memref<!tpu.dma_semaphore, #tpu.memory_space<semaphore_mem>>) src(%dma_wait3A_104 : memref<602112x32xf32, #tpu.memory_space<hbm>>) dst(%run_scoped3A_0 : memref<400x32xf32, #tpu.memory_space<vmem>>)
          %run_scoped3A_105 = arith.constant 1 : i32
          "tpu.region"() ({
            %run_scoped3A_106 = tpu.sem_alloc : memref<!tpu.dma_semaphore, #tpu.memory_space<semaphore_mem>>
            %dma_start3A_107 = arith.constant 0 : i32
            %dma_start3A_108 = tpu.memref_slice %run_scoped3A_2[%run_scoped3A_105, %dma_start3A_107] : memref<2x400xi32, #tpu.memory_space<vmem>> -> memref<1x400xi32, #tpu.memory_space<vmem>>
            %dma_start3A_109 = tpu.memref_squeeze %dma_start3A_108 : memref<1x400xi32, #tpu.memory_space<vmem>> -> memref<400xi32, #tpu.memory_space<vmem>>
            %dma_start3A_110 = arith.constant 0 : i32
            %dma_start3A_111 = arith.constant 0 : i32
            %dma_start3A_112 = tpu.memref_slice %arg5[%dma_start3A_110, %dma_start3A_111] : memref<50176x32xf32, #tpu.memory_space<vmem_shared>> -> memref<50176x32xf32, #tpu.memory_space<vmem_shared>>
            tpu.enqueue_indirect_dma source(%run_scoped3A_0 : memref<400x32xf32, #tpu.memory_space<vmem>>) target(%dma_start3A_112 : memref<50176x32xf32, #tpu.memory_space<vmem_shared>>) offsets(%dma_start3A_109 : memref<400xi32, #tpu.memory_space<vmem>>) semaphore(%run_scoped3A_106 : memref<!tpu.dma_semaphore, #tpu.memory_space<semaphore_mem>>) {add = true}
            %dma_wait3A_113 = arith.constant 0 : i32
            %dma_wait3A_114 = tpu.memref_slice %run_scoped3A_2[%run_scoped3A_105, %dma_wait3A_113] : memref<2x400xi32, #tpu.memory_space<vmem>> -> memref<1x400xi32, #tpu.memory_space<vmem>>
            %dma_wait3A_115 = tpu.memref_squeeze %dma_wait3A_114 : memref<1x400xi32, #tpu.memory_space<vmem>> -> memref<400xi32, #tpu.memory_space<vmem>>
            %dma_wait3A_116 = arith.constant 0 : i32
            %dma_wait3A_117 = arith.constant 0 : i32
            %dma_wait3A_118 = tpu.memref_slice %arg5[%dma_wait3A_116, %dma_wait3A_117] : memref<50176x32xf32, #tpu.memory_space<vmem_shared>> -> memref<50176x32xf32, #tpu.memory_space<vmem_shared>>
            tpu.wait_indirect_dma semaphore(%run_scoped3A_106 : memref<!tpu.dma_semaphore, #tpu.memory_space<semaphore_mem>>) src(%run_scoped3A_0 : memref<400x32xf32, #tpu.memory_space<vmem>>) dst(%dma_wait3A_118 : memref<50176x32xf32, #tpu.memory_space<vmem_shared>>)
            tpu.yield
          }) : () -> ()
        }
        %scan3A_66 = arith.constant 16 : i32
        %barrier3A_67 = arith.constant 0 : index
        tpu.barrier barrier_id(%barrier3A_67)
        %scan3A_68 = arith.constant 0 : i32
        %scan3A_69 = arith.constant 0 : i32
        %scan3A_70 = arith.constant 8 : i32
        %scan3A_71 = arith.addi %scan3A_69, %scan3A_70 : i32
        %scan3A_72 = arith.constant 1 : i32
        scf.for %scan3A_74 = %scan3A_69 to %scan3A_71 step %scan3A_72  : i32 {
          %mul3A_75 = arith.constant 3136 : i32
          %mul3A_76 = arith.muli %arg1, %mul3A_75 : i32
          %mul3A_77 = arith.constant 392 : i32
          %mul3A_78 = arith.muli %scan3A_74, %mul3A_77 : i32
          %add3A_79 = arith.addi %mul3A_76, %mul3A_78 : i32
          "tpu.region"() ({
            %run_scoped3A_90 = tpu.sem_alloc : memref<!tpu.dma_semaphore, #tpu.memory_space<semaphore_mem>>
            %dma_start3A_91 = arith.constant 0 : i32
            %dma_start3A_92 = arith.constant 0 : i32
            %dma_start3A_93 = tpu.memref_slice %run_scoped3A[%dma_start3A_91, %dma_start3A_92] : memref<400x32xf32, #tpu.memory_space<vmem>> -> memref<392x32xf32, #tpu.memory_space<vmem>>
            %dma_start3A_94 = arith.constant 0 : i32
            %dma_start3A_95 = tpu.memref_slice %arg5[%add3A_79, %dma_start3A_94] : memref<50176x32xf32, #tpu.memory_space<vmem_shared>> -> memref<392x32xf32, #tpu.memory_space<vmem_shared>>
            %dma_start3A_96 = arith.constant 0 : i32
            %dma_start3A_97 = arith.constant 0 : i32
            %dma_start3A_98 = tpu.memref_slice %run_scoped3A[%dma_start3A_96, %dma_start3A_97] : memref<400x32xf32, #tpu.memory_space<vmem>> -> memref<392x32xf32, #tpu.memory_space<vmem>>
            %dma_start3A_99 = arith.constant 0 : i32
            %dma_start3A_100 = tpu.memref_slice %arg5[%add3A_79, %dma_start3A_99] : memref<50176x32xf32, #tpu.memory_space<vmem_shared>> -> memref<392x32xf32, #tpu.memory_space<vmem_shared>>
            tpu.enqueue_dma source(%dma_start3A_100 : memref<392x32xf32, #tpu.memory_space<vmem_shared>>) target(%dma_start3A_98 : memref<392x32xf32, #tpu.memory_space<vmem>>) target_semaphore(%run_scoped3A_90 : memref<!tpu.dma_semaphore, #tpu.memory_space<semaphore_mem>>)
            %dma_wait3A = arith.constant 0 : i32
            %dma_wait3A_101 = arith.constant 0 : i32
            %dma_wait3A_102 = tpu.memref_slice %run_scoped3A[%dma_wait3A, %dma_wait3A_101] : memref<400x32xf32, #tpu.memory_space<vmem>> -> memref<392x32xf32, #tpu.memory_space<vmem>>
            %dma_wait3A_103 = arith.constant 0 : i32
            %dma_wait3A_104 = tpu.memref_slice %arg5[%add3A_79, %dma_wait3A_103] : memref<50176x32xf32, #tpu.memory_space<vmem_shared>> -> memref<392x32xf32, #tpu.memory_space<vmem_shared>>
            %dma_wait3A_105 = arith.constant 0 : i32
            %dma_wait3A_106 = arith.constant 0 : i32
            %dma_wait3A_107 = tpu.memref_slice %run_scoped3A[%dma_wait3A_105, %dma_wait3A_106] : memref<400x32xf32, #tpu.memory_space<vmem>> -> memref<392x32xf32, #tpu.memory_space<vmem>>
            %dma_wait3A_108 = arith.constant 0 : i32
            %dma_wait3A_109 = tpu.memref_slice %arg5[%add3A_79, %dma_wait3A_108] : memref<50176x32xf32, #tpu.memory_space<vmem_shared>> -> memref<392x32xf32, #tpu.memory_space<vmem_shared>>
            tpu.wait_dma2 semaphore(%run_scoped3A_90 : memref<!tpu.dma_semaphore, #tpu.memory_space<semaphore_mem>>) src(%dma_wait3A_109 : memref<392x32xf32, #tpu.memory_space<vmem_shared>>) dst(%dma_wait3A_107 : memref<392x32xf32, #tpu.memory_space<vmem>>)
            tpu.yield
          }) : () -> ()
          %mul3A_80 = arith.constant 50176 : i32
          %mul3A_81 = arith.muli %select_n3A, %mul3A_80 : i32
          %mul3A_82 = arith.constant 3136 : i32
          %mul3A_83 = arith.muli %arg1, %mul3A_82 : i32
          %add3A_84 = arith.addi %mul3A_81, %mul3A_83 : i32
          %mul3A_85 = arith.constant 392 : i32
          %mul3A_86 = arith.muli %scan3A_74, %mul3A_85 : i32
          %add3A_87 = arith.addi %add3A_84, %mul3A_86 : i32
          %mul3A_88 = arith.constant 32 : i32
          %mul3A_89 = arith.muli %sub3A_34, %mul3A_88 : i32
          "tpu.region"() ({
            %run_scoped3A_90 = tpu.sem_alloc : memref<!tpu.dma_semaphore, #tpu.memory_space<semaphore_mem>>
            %dma_start3A_91 = arith.constant 0 : i32
            %dma_start3A_92 = arith.constant 0 : i32
            %dma_start3A_93 = tpu.memref_slice %run_scoped3A[%dma_start3A_91, %dma_start3A_92] : memref<400x32xf32, #tpu.memory_space<vmem>> -> memref<392x32xf32, #tpu.memory_space<vmem>>
            %dma_start3A_94 = tpu.memref_slice %arg4[%add3A_87, %mul3A_89] : memref<150528x128xf32, #tpu.memory_space<hbm>> -> memref<392x32xf32, #tpu.memory_space<hbm>>
            %dma_start3A_95 = tpu.memref_slice %arg4[%add3A_87, %mul3A_89] : memref<150528x128xf32, #tpu.memory_space<hbm>> -> memref<392x32xf32, #tpu.memory_space<hbm>>
            %dma_start3A_96 = arith.constant 0 : i32
            %dma_start3A_97 = arith.constant 0 : i32
            %dma_start3A_98 = tpu.memref_slice %run_scoped3A[%dma_start3A_96, %dma_start3A_97] : memref<400x32xf32, #tpu.memory_space<vmem>> -> memref<392x32xf32, #tpu.memory_space<vmem>>
            tpu.enqueue_dma source(%dma_start3A_98 : memref<392x32xf32, #tpu.memory_space<vmem>>) target(%dma_start3A_95 : memref<392x32xf32, #tpu.memory_space<hbm>>) target_semaphore(%run_scoped3A_90 : memref<!tpu.dma_semaphore, #tpu.memory_space<semaphore_mem>>)
            %dma_wait3A = arith.constant 0 : i32
            %dma_wait3A_99 = arith.constant 0 : i32
            %dma_wait3A_100 = tpu.memref_slice %run_scoped3A[%dma_wait3A, %dma_wait3A_99] : memref<400x32xf32, #tpu.memory_space<vmem>> -> memref<392x32xf32, #tpu.memory_space<vmem>>
            %dma_wait3A_101 = tpu.memref_slice %arg4[%add3A_87, %mul3A_89] : memref<150528x128xf32, #tpu.memory_space<hbm>> -> memref<392x32xf32, #tpu.memory_space<hbm>>
            %dma_wait3A_102 = tpu.memref_slice %arg4[%add3A_87, %mul3A_89] : memref<150528x128xf32, #tpu.memory_space<hbm>> -> memref<392x32xf32, #tpu.memory_space<hbm>>
            %dma_wait3A_103 = arith.constant 0 : i32
            %dma_wait3A_104 = arith.constant 0 : i32
            %dma_wait3A_105 = tpu.memref_slice %run_scoped3A[%dma_wait3A_103, %dma_wait3A_104] : memref<400x32xf32, #tpu.memory_space<vmem>> -> memref<392x32xf32, #tpu.memory_space<vmem>>
            tpu.wait_dma2 semaphore(%run_scoped3A_90 : memref<!tpu.dma_semaphore, #tpu.memory_space<semaphore_mem>>) src(%dma_wait3A_105 : memref<392x32xf32, #tpu.memory_space<vmem>>) dst(%dma_wait3A_102 : memref<392x32xf32, #tpu.memory_space<hbm>>)
            tpu.yield
          }) : () -> ()
        }
        %scan3A_73 = arith.constant 8 : i32
      }
      %while3A_14 = arith.constant 1 : i32
      scf.for %while3A_15 = %while3A_12 to %while3A_8 step %while3A_14  : i32 {
        %jit3A = arith.constant 4 : i32
        %div3A = arith.divsi %while3A_15, %jit3A : i32
        %sign3A = arith.constant 0 : i32
        %sign3A_16 = arith.cmpi sgt, %while3A_15, %sign3A : i32
        %sign3A_17 = arith.extui %sign3A_16 : i1 to i32
        %sign3A_18 = arith.constant 0 : i32
        %sign3A_19 = arith.cmpi slt, %while3A_15, %sign3A_18 : i32
        %sign3A_20 = arith.extui %sign3A_19 : i1 to i32
        %sign3A_21 = arith.subi %sign3A_17, %sign3A_20 : i32
        %sign3A_22 = arith.constant 0 : i32
        %sign3A_23 = arith.cmpi sgt, %jit3A, %sign3A_22 : i32
        %sign3A_24 = arith.extui %sign3A_23 : i1 to i32
        %sign3A_25 = arith.constant 0 : i32
        %sign3A_26 = arith.cmpi slt, %jit3A, %sign3A_25 : i32
        %sign3A_27 = arith.extui %sign3A_26 : i1 to i32
        %sign3A_28 = arith.subi %sign3A_24, %sign3A_27 : i32
        %ne3A = arith.cmpi ne, %sign3A_21, %sign3A_28 : i32
        %rem3A = arith.remsi %while3A_15, %jit3A : i32
        %ne3A_29 = arith.constant 0 : i32
        %ne3A_30 = arith.cmpi ne, %rem3A, %ne3A_29 : i32
        %and3A = arith.andi %ne3A, %ne3A_30 : i1
        %sub3A = arith.constant 1 : i32
        %sub3A_31 = arith.subi %div3A, %sub3A : i32
        %select_n3A = arith.select %and3A, %sub3A_31, %div3A : i32
        %mul3A_32 = arith.constant 4 : i32
        %mul3A_33 = arith.muli %select_n3A, %mul3A_32 : i32
        %sub3A_34 = arith.subi %while3A_15, %mul3A_33 : i32
        %mul3A_35 = arith.constant 512 : i32
        %mul3A_36 = arith.muli %while3A_15, %mul3A_35 : i32
        %mul3A_37 = arith.constant 32 : i32
        %mul3A_38 = arith.muli %arg1, %mul3A_37 : i32
        %add3A_39 = arith.addi %mul3A_36, %mul3A_38 : i32
        %mul3A_40 = arith.constant 2 : i32
        %mul3A_41 = arith.muli %add3A_39, %mul3A_40 : i32
        %scan3A = arith.constant 0 : i32
        %scan3A_42 = arith.constant 0 : i32
        %scan3A_43 = arith.constant 392 : i32
        %scan3A_44 = arith.addi %scan3A_42, %scan3A_43 : i32
        %scan3A_45 = arith.constant 1 : i32
        scf.for %scan3A_74 = %scan3A_42 to %scan3A_44 step %scan3A_45  : i32 {
          %broadcast_in_dim3A = arith.constant 0.000000e+00 : f32
          %broadcast_in_dim3A_75 = vector.broadcast %broadcast_in_dim3A : f32 to vector<16xf32>
          %swap3A = arith.index_cast %scan3A_74 : i32 to index
          %swap3A_76 = arith.constant 0 : index
          %swap3A_77 = tpu.vector_load %run_scoped3A[%swap3A, %swap3A_76] {strides = array<i32>} : memref<400x32xf32, #tpu.memory_space<vmem>>, vector<1x16xf32>,
          %swap3A_78 = vector.shape_cast %swap3A_77 : vector<1x16xf32> to vector<16xf32>
          %swap3A_79 = vector.shape_cast %broadcast_in_dim3A_75 : vector<16xf32> to vector<1x16xf32>
          tpu.vector_store %run_scoped3A[%swap3A, %swap3A_76], %swap3A_79 {strides = array<i32>} : memref<400x32xf32, #tpu.memory_space<vmem>>, vector<1x16xf32>,
          %broadcast_in_dim3A_80 = arith.constant 0.000000e+00 : f32
          %broadcast_in_dim3A_81 = vector.broadcast %broadcast_in_dim3A_80 : f32 to vector<16xf32>
          %swap3A_82 = arith.index_cast %scan3A_74 : i32 to index
          %swap3A_83 = arith.constant 16 : index
          %swap3A_84 = tpu.vector_load %run_scoped3A[%swap3A_82, %swap3A_83] {strides = array<i32>} : memref<400x32xf32, #tpu.memory_space<vmem>>, vector<1x16xf32>,
          %swap3A_85 = vector.shape_cast %swap3A_84 : vector<1x16xf32> to vector<16xf32>
          %swap3A_86 = vector.shape_cast %broadcast_in_dim3A_81 : vector<16xf32> to vector<1x16xf32>
          tpu.vector_store %run_scoped3A[%swap3A_82, %swap3A_83], %swap3A_86 {strides = array<i32>} : memref<400x32xf32, #tpu.memory_space<vmem>>, vector<1x16xf32>,
        }
        %scan3A_46 = arith.constant 392 : i32
        %scan3A_47 = arith.constant 0 : i32
        %scan3A_48 = arith.constant 0 : i32
        %scan3A_49 = arith.constant 8 : i32
        %scan3A_50 = arith.addi %scan3A_48, %scan3A_49 : i32
        %scan3A_51 = arith.constant 1 : i32
        scf.for %scan3A_74 = %scan3A_48 to %scan3A_50 step %scan3A_51  : i32 {
          %mul3A_75 = arith.constant 3136 : i32
          %mul3A_76 = arith.muli %arg1, %mul3A_75 : i32
          %mul3A_77 = arith.constant 392 : i32
          %mul3A_78 = arith.muli %scan3A_74, %mul3A_77 : i32
          %add3A_79 = arith.addi %mul3A_76, %mul3A_78 : i32
          "tpu.region"() ({
            %run_scoped3A_80 = tpu.sem_alloc : memref<!tpu.dma_semaphore, #tpu.memory_space<semaphore_mem>>
            %dma_start3A_81 = arith.constant 0 : i32
            %dma_start3A_82 = arith.constant 0 : i32
            %dma_start3A_83 = tpu.memref_slice %run_scoped3A[%dma_start3A_81, %dma_start3A_82] : memref<400x32xf32, #tpu.memory_space<vmem>> -> memref<392x32xf32, #tpu.memory_space<vmem>>
            %dma_start3A_84 = arith.constant 0 : i32
            %dma_start3A_85 = tpu.memref_slice %arg5[%add3A_79, %dma_start3A_84] : memref<50176x32xf32, #tpu.memory_space<vmem_shared>> -> memref<392x32xf32, #tpu.memory_space<vmem_shared>>
            %dma_start3A_86 = arith.constant 0 : i32
            %dma_start3A_87 = tpu.memref_slice %arg5[%add3A_79, %dma_start3A_86] : memref<50176x32xf32, #tpu.memory_space<vmem_shared>> -> memref<392x32xf32, #tpu.memory_space<vmem_shared>>
            %dma_start3A_88 = arith.constant 0 : i32
            %dma_start3A_89 = arith.constant 0 : i32
            %dma_start3A_90 = tpu.memref_slice %run_scoped3A[%dma_start3A_88, %dma_start3A_89] : memref<400x32xf32, #tpu.memory_space<vmem>> -> memref<392x32xf32, #tpu.memory_space<vmem>>
            tpu.enqueue_dma source(%dma_start3A_90 : memref<392x32xf32, #tpu.memory_space<vmem>>) target(%dma_start3A_87 : memref<392x32xf32, #tpu.memory_space<vmem_shared>>) target_semaphore(%run_scoped3A_80 : memref<!tpu.dma_semaphore, #tpu.memory_space<semaphore_mem>>)
            %dma_wait3A = arith.constant 0 : i32
            %dma_wait3A_91 = arith.constant 0 : i32
            %dma_wait3A_92 = tpu.memref_slice %run_scoped3A[%dma_wait3A, %dma_wait3A_91] : memref<400x32xf32, #tpu.memory_space<vmem>> -> memref<392x32xf32, #tpu.memory_space<vmem>>
            %dma_wait3A_93 = arith.constant 0 : i32
            %dma_wait3A_94 = tpu.memref_slice %arg5[%add3A_79, %dma_wait3A_93] : memref<50176x32xf32, #tpu.memory_space<vmem_shared>> -> memref<392x32xf32, #tpu.memory_space<vmem_shared>>
            %dma_wait3A_95 = arith.constant 0 : i32
            %dma_wait3A_96 = tpu.memref_slice %arg5[%add3A_79, %dma_wait3A_95] : memref<50176x32xf32, #tpu.memory_space<vmem_shared>> -> memref<392x32xf32, #tpu.memory_space<vmem_shared>>
            %dma_wait3A_97 = arith.constant 0 : i32
            %dma_wait3A_98 = arith.constant 0 : i32
            %dma_wait3A_99 = tpu.memref_slice %run_scoped3A[%dma_wait3A_97, %dma_wait3A_98] : memref<400x32xf32, #tpu.memory_space<vmem>> -> memref<392x32xf32, #tpu.memory_space<vmem>>
            tpu.wait_dma2 semaphore(%run_scoped3A_80 : memref<!tpu.dma_semaphore, #tpu.memory_space<semaphore_mem>>) src(%dma_wait3A_99 : memref<392x32xf32, #tpu.memory_space<vmem>>) dst(%dma_wait3A_96 : memref<392x32xf32, #tpu.memory_space<vmem_shared>>)
            tpu.yield
          }) : () -> ()
        }
        %scan3A_52 = arith.constant 8 : i32
        %barrier3A = arith.constant 0 : index
        tpu.barrier barrier_id(%barrier3A)
        %add3A_53 = arith.constant 0 : i32
        %add3A_54 = arith.addi %mul3A_41, %add3A_53 : i32
        "tpu.region"() ({
          %run_scoped3A_74 = tpu.sem_alloc : memref<!tpu.dma_semaphore, #tpu.memory_space<semaphore_mem>>
          %dma_start3A_75 = arith.constant 0 : i32
          %dma_start3A_76 = tpu.memref_slice %arg3[%add3A_54, %dma_start3A_75] : memref<12288x400xi32, #tpu.memory_space<hbm>> -> memref<2x400xi32, #tpu.memory_space<hbm>>
          %dma_start3A_77 = arith.constant 0 : i32
          %dma_start3A_78 = tpu.memref_slice %arg3[%add3A_54, %dma_start3A_77] : memref<12288x400xi32, #tpu.memory_space<hbm>> -> memref<2x400xi32, #tpu.memory_space<hbm>>
          tpu.enqueue_dma source(%dma_start3A_78 : memref<2x400xi32, #tpu.memory_space<hbm>>) target(%run_scoped3A_1 : memref<2x400xi32, #tpu.memory_space<vmem>>) target_semaphore(%run_scoped3A_74 : memref<!tpu.dma_semaphore, #tpu.memory_space<semaphore_mem>>)
          %dma_wait3A = arith.constant 0 : i32
          %dma_wait3A_79 = tpu.memref_slice %arg3[%add3A_54, %dma_wait3A] : memref<12288x400xi32, #tpu.memory_space<hbm>> -> memref<2x400xi32, #tpu.memory_space<hbm>>
          %dma_wait3A_80 = arith.constant 0 : i32
          %dma_wait3A_81 = tpu.memref_slice %arg3[%add3A_54, %dma_wait3A_80] : memref<12288x400xi32, #tpu.memory_space<hbm>> -> memref<2x400xi32, #tpu.memory_space<hbm>>
          tpu.wait_dma2 semaphore(%run_scoped3A_74 : memref<!tpu.dma_semaphore, #tpu.memory_space<semaphore_mem>>) src(%dma_wait3A_81 : memref<2x400xi32, #tpu.memory_space<hbm>>) dst(%run_scoped3A_1 : memref<2x400xi32, #tpu.memory_space<vmem>>)
          tpu.yield
        }) : () -> ()
        %dma_start3A = arith.constant 0 : i32
        %dma_start3A_55 = arith.constant 0 : i32
        %dma_start3A_56 = tpu.memref_slice %run_scoped3A_1[%dma_start3A, %dma_start3A_55] : memref<2x400xi32, #tpu.memory_space<vmem>> -> memref<1x400xi32, #tpu.memory_space<vmem>>
        %dma_start3A_57 = tpu.memref_squeeze %dma_start3A_56 : memref<1x400xi32, #tpu.memory_space<vmem>> -> memref<400xi32, #tpu.memory_space<vmem>>
        %dma_start3A_58 = arith.constant 0 : i32
        %dma_start3A_59 = arith.constant 0 : i32
        %dma_start3A_60 = tpu.memref_slice %arg2[%dma_start3A_58, %dma_start3A_59] : memref<602112x32xf32, #tpu.memory_space<hbm>> -> memref<602112x32xf32, #tpu.memory_space<hbm>>
        tpu.enqueue_indirect_dma source(%dma_start3A_60 : memref<602112x32xf32, #tpu.memory_space<hbm>>) target(%run_scoped3A : memref<400x32xf32, #tpu.memory_space<vmem>>) offsets(%dma_start3A_57 : memref<400xi32, #tpu.memory_space<vmem>>) semaphore(%arg6 : memref<!tpu.dma_semaphore, #tpu.memory_space<semaphore_mem>>)
        %scan3A_61 = arith.constant 0 : i32
        %scan3A_62 = arith.constant 0 : i32
        %scan3A_63 = arith.constant 16 : i32
        %scan3A_64 = arith.addi %scan3A_62, %scan3A_63 : i32
        %scan3A_65 = arith.constant 1 : i32
        scf.for %scan3A_74 = %scan3A_62 to %scan3A_64 step %scan3A_65  : i32 {
          %mul3A_75 = arith.constant 2 : i32
          %mul3A_76 = arith.muli %mul3A_75, %scan3A_74 : i32
          %add3A_77 = arith.constant 1 : i32
          %add3A_78 = arith.addi %mul3A_76, %add3A_77 : i32
          %mul3A_79 = arith.constant 2 : i32
          %mul3A_80 = arith.muli %add3A_78, %mul3A_79 : i32
          %add3A_81 = arith.addi %mul3A_41, %mul3A_80 : i32
          "tpu.region"() ({
            %run_scoped3A_106 = tpu.sem_alloc : memref<!tpu.dma_semaphore, #tpu.memory_space<semaphore_mem>>
            %dma_start3A_107 = arith.constant 0 : i32
            %dma_start3A_108 = tpu.memref_slice %arg3[%add3A_81, %dma_start3A_107] : memref<12288x400xi32, #tpu.memory_space<hbm>> -> memref<2x400xi32, #tpu.memory_space<hbm>>
            %dma_start3A_109 = arith.constant 0 : i32
            %dma_start3A_110 = tpu.memref_slice %arg3[%add3A_81, %dma_start3A_109] : memref<12288x400xi32, #tpu.memory_space<hbm>> -> memref<2x400xi32, #tpu.memory_space<hbm>>
            tpu.enqueue_dma source(%dma_start3A_110 : memref<2x400xi32, #tpu.memory_space<hbm>>) target(%run_scoped3A_2 : memref<2x400xi32, #tpu.memory_space<vmem>>) target_semaphore(%run_scoped3A_106 : memref<!tpu.dma_semaphore, #tpu.memory_space<semaphore_mem>>)
            %dma_wait3A_111 = arith.constant 0 : i32
            %dma_wait3A_112 = tpu.memref_slice %arg3[%add3A_81, %dma_wait3A_111] : memref<12288x400xi32, #tpu.memory_space<hbm>> -> memref<2x400xi32, #tpu.memory_space<hbm>>
            %dma_wait3A_113 = arith.constant 0 : i32
            %dma_wait3A_114 = tpu.memref_slice %arg3[%add3A_81, %dma_wait3A_113] : memref<12288x400xi32, #tpu.memory_space<hbm>> -> memref<2x400xi32, #tpu.memory_space<hbm>>
            tpu.wait_dma2 semaphore(%run_scoped3A_106 : memref<!tpu.dma_semaphore, #tpu.memory_space<semaphore_mem>>) src(%dma_wait3A_114 : memref<2x400xi32, #tpu.memory_space<hbm>>) dst(%run_scoped3A_2 : memref<2x400xi32, #tpu.memory_space<vmem>>)
            tpu.yield
          }) : () -> ()
          %dma_start3A_82 = arith.constant 0 : i32
          %dma_start3A_83 = arith.constant 0 : i32
          %dma_start3A_84 = tpu.memref_slice %run_scoped3A_2[%dma_start3A_82, %dma_start3A_83] : memref<2x400xi32, #tpu.memory_space<vmem>> -> memref<1x400xi32, #tpu.memory_space<vmem>>
          %dma_start3A_85 = tpu.memref_squeeze %dma_start3A_84 : memref<1x400xi32, #tpu.memory_space<vmem>> -> memref<400xi32, #tpu.memory_space<vmem>>
          %dma_start3A_86 = arith.constant 0 : i32
          %dma_start3A_87 = arith.constant 0 : i32
          %dma_start3A_88 = tpu.memref_slice %arg2[%dma_start3A_86, %dma_start3A_87] : memref<602112x32xf32, #tpu.memory_space<hbm>> -> memref<602112x32xf32, #tpu.memory_space<hbm>>
          tpu.enqueue_indirect_dma source(%dma_start3A_88 : memref<602112x32xf32, #tpu.memory_space<hbm>>) target(%run_scoped3A_0 : memref<400x32xf32, #tpu.memory_space<vmem>>) offsets(%dma_start3A_85 : memref<400xi32, #tpu.memory_space<vmem>>) semaphore(%arg7 : memref<!tpu.dma_semaphore, #tpu.memory_space<semaphore_mem>>)
          %dma_wait3A = arith.constant 0 : i32
          %dma_wait3A_89 = arith.constant 0 : i32
          %dma_wait3A_90 = tpu.memref_slice %run_scoped3A_1[%dma_wait3A, %dma_wait3A_89] : memref<2x400xi32, #tpu.memory_space<vmem>> -> memref<1x400xi32, #tpu.memory_space<vmem>>
          %dma_wait3A_91 = tpu.memref_squeeze %dma_wait3A_90 : memref<1x400xi32, #tpu.memory_space<vmem>> -> memref<400xi32, #tpu.memory_space<vmem>>
          %dma_wait3A_92 = arith.constant 0 : i32
          %dma_wait3A_93 = arith.constant 0 : i32
          %dma_wait3A_94 = tpu.memref_slice %arg2[%dma_wait3A_92, %dma_wait3A_93] : memref<602112x32xf32, #tpu.memory_space<hbm>> -> memref<602112x32xf32, #tpu.memory_space<hbm>>
          tpu.wait_indirect_dma semaphore(%arg6 : memref<!tpu.dma_semaphore, #tpu.memory_space<semaphore_mem>>) src(%dma_wait3A_94 : memref<602112x32xf32, #tpu.memory_space<hbm>>) dst(%run_scoped3A : memref<400x32xf32, #tpu.memory_space<vmem>>)
          %run_scoped3A_95 = arith.constant 1 : i32
          "tpu.region"() ({
            %run_scoped3A_106 = tpu.sem_alloc : memref<!tpu.dma_semaphore, #tpu.memory_space<semaphore_mem>>
            %dma_start3A_107 = arith.constant 0 : i32
            %dma_start3A_108 = tpu.memref_slice %run_scoped3A_1[%run_scoped3A_95, %dma_start3A_107] : memref<2x400xi32, #tpu.memory_space<vmem>> -> memref<1x400xi32, #tpu.memory_space<vmem>>
            %dma_start3A_109 = tpu.memref_squeeze %dma_start3A_108 : memref<1x400xi32, #tpu.memory_space<vmem>> -> memref<400xi32, #tpu.memory_space<vmem>>
            %dma_start3A_110 = arith.constant 0 : i32
            %dma_start3A_111 = arith.constant 0 : i32
            %dma_start3A_112 = tpu.memref_slice %arg5[%dma_start3A_110, %dma_start3A_111] : memref<50176x32xf32, #tpu.memory_space<vmem_shared>> -> memref<50176x32xf32, #tpu.memory_space<vmem_shared>>
            tpu.enqueue_indirect_dma source(%run_scoped3A : memref<400x32xf32, #tpu.memory_space<vmem>>) target(%dma_start3A_112 : memref<50176x32xf32, #tpu.memory_space<vmem_shared>>) offsets(%dma_start3A_109 : memref<400xi32, #tpu.memory_space<vmem>>) semaphore(%run_scoped3A_106 : memref<!tpu.dma_semaphore, #tpu.memory_space<semaphore_mem>>) {add = true}
            %dma_wait3A_113 = arith.constant 0 : i32
            %dma_wait3A_114 = tpu.memref_slice %run_scoped3A_1[%run_scoped3A_95, %dma_wait3A_113] : memref<2x400xi32, #tpu.memory_space<vmem>> -> memref<1x400xi32, #tpu.memory_space<vmem>>
            %dma_wait3A_115 = tpu.memref_squeeze %dma_wait3A_114 : memref<1x400xi32, #tpu.memory_space<vmem>> -> memref<400xi32, #tpu.memory_space<vmem>>
            %dma_wait3A_116 = arith.constant 0 : i32
            %dma_wait3A_117 = arith.constant 0 : i32
            %dma_wait3A_118 = tpu.memref_slice %arg5[%dma_wait3A_116, %dma_wait3A_117] : memref<50176x32xf32, #tpu.memory_space<vmem_shared>> -> memref<50176x32xf32, #tpu.memory_space<vmem_shared>>
            tpu.wait_indirect_dma semaphore(%run_scoped3A_106 : memref<!tpu.dma_semaphore, #tpu.memory_space<semaphore_mem>>) src(%run_scoped3A : memref<400x32xf32, #tpu.memory_space<vmem>>) dst(%dma_wait3A_118 : memref<50176x32xf32, #tpu.memory_space<vmem_shared>>)
            tpu.yield
          }) : () -> ()
          %lt3A = arith.constant 15 : i32
          %lt3A_96 = arith.cmpi slt, %scan3A_74, %lt3A : i32
          %convert_element_type3A = arith.extui %lt3A_96 : i1 to i32
          %cond3A = arith.constant 0 : i32
          %cond3A_97 = arith.cmpi ne, %convert_element_type3A, %cond3A : i32
          scf.if %cond3A_97 {
            %mul3A_106 = arith.constant 2 : i32
            %mul3A_107 = arith.muli %mul3A_106, %scan3A_74 : i32
            %add3A_108 = arith.constant 2 : i32
            %add3A_109 = arith.addi %mul3A_107, %add3A_108 : i32
            %mul3A_110 = arith.constant 2 : i32
            %mul3A_111 = arith.muli %add3A_109, %mul3A_110 : i32
            %add3A_112 = arith.addi %mul3A_41, %mul3A_111 : i32
            "tpu.region"() ({
              %run_scoped3A_120 = tpu.sem_alloc : memref<!tpu.dma_semaphore, #tpu.memory_space<semaphore_mem>>
              %dma_start3A_121 = arith.constant 0 : i32
              %dma_start3A_122 = tpu.memref_slice %arg3[%add3A_112, %dma_start3A_121] : memref<12288x400xi32, #tpu.memory_space<hbm>> -> memref<2x400xi32, #tpu.memory_space<hbm>>
              %dma_start3A_123 = arith.constant 0 : i32
              %dma_start3A_124 = tpu.memref_slice %arg3[%add3A_112, %dma_start3A_123] : memref<12288x400xi32, #tpu.memory_space<hbm>> -> memref<2x400xi32, #tpu.memory_space<hbm>>
              tpu.enqueue_dma source(%dma_start3A_124 : memref<2x400xi32, #tpu.memory_space<hbm>>) target(%run_scoped3A_1 : memref<2x400xi32, #tpu.memory_space<vmem>>) target_semaphore(%run_scoped3A_120 : memref<!tpu.dma_semaphore, #tpu.memory_space<semaphore_mem>>)
              %dma_wait3A_125 = arith.constant 0 : i32
              %dma_wait3A_126 = tpu.memref_slice %arg3[%add3A_112, %dma_wait3A_125] : memref<12288x400xi32, #tpu.memory_space<hbm>> -> memref<2x400xi32, #tpu.memory_space<hbm>>
              %dma_wait3A_127 = arith.constant 0 : i32
              %dma_wait3A_128 = tpu.memref_slice %arg3[%add3A_112, %dma_wait3A_127] : memref<12288x400xi32, #tpu.memory_space<hbm>> -> memref<2x400xi32, #tpu.memory_space<hbm>>
              tpu.wait_dma2 semaphore(%run_scoped3A_120 : memref<!tpu.dma_semaphore, #tpu.memory_space<semaphore_mem>>) src(%dma_wait3A_128 : memref<2x400xi32, #tpu.memory_space<hbm>>) dst(%run_scoped3A_1 : memref<2x400xi32, #tpu.memory_space<vmem>>)
              tpu.yield
            }) : () -> ()
            %dma_start3A_113 = arith.constant 0 : i32
            %dma_start3A_114 = arith.constant 0 : i32
            %dma_start3A_115 = tpu.memref_slice %run_scoped3A_1[%dma_start3A_113, %dma_start3A_114] : memref<2x400xi32, #tpu.memory_space<vmem>> -> memref<1x400xi32, #tpu.memory_space<vmem>>
            %dma_start3A_116 = tpu.memref_squeeze %dma_start3A_115 : memref<1x400xi32, #tpu.memory_space<vmem>> -> memref<400xi32, #tpu.memory_space<vmem>>
            %dma_start3A_117 = arith.constant 0 : i32
            %dma_start3A_118 = arith.constant 0 : i32
            %dma_start3A_119 = tpu.memref_slice %arg2[%dma_start3A_117, %dma_start3A_118] : memref<602112x32xf32, #tpu.memory_space<hbm>> -> memref<602112x32xf32, #tpu.memory_space<hbm>>
            tpu.enqueue_indirect_dma source(%dma_start3A_119 : memref<602112x32xf32, #tpu.memory_space<hbm>>) target(%run_scoped3A : memref<400x32xf32, #tpu.memory_space<vmem>>) offsets(%dma_start3A_116 : memref<400xi32, #tpu.memory_space<vmem>>) semaphore(%arg6 : memref<!tpu.dma_semaphore, #tpu.memory_space<semaphore_mem>>)
          } else {
          }
          %dma_wait3A_98 = arith.constant 0 : i32
          %dma_wait3A_99 = arith.constant 0 : i32
          %dma_wait3A_100 = tpu.memref_slice %run_scoped3A_2[%dma_wait3A_98, %dma_wait3A_99] : memref<2x400xi32, #tpu.memory_space<vmem>> -> memref<1x400xi32, #tpu.memory_space<vmem>>
          %dma_wait3A_101 = tpu.memref_squeeze %dma_wait3A_100 : memref<1x400xi32, #tpu.memory_space<vmem>> -> memref<400xi32, #tpu.memory_space<vmem>>
          %dma_wait3A_102 = arith.constant 0 : i32
          %dma_wait3A_103 = arith.constant 0 : i32
          %dma_wait3A_104 = tpu.memref_slice %arg2[%dma_wait3A_102, %dma_wait3A_103] : memref<602112x32xf32, #tpu.memory_space<hbm>> -> memref<602112x32xf32, #tpu.memory_space<hbm>>
          tpu.wait_indirect_dma semaphore(%arg7 : memref<!tpu.dma_semaphore, #tpu.memory_space<semaphore_mem>>) src(%dma_wait3A_104 : memref<602112x32xf32, #tpu.memory_space<hbm>>) dst(%run_scoped3A_0 : memref<400x32xf32, #tpu.memory_space<vmem>>)
          %run_scoped3A_105 = arith.constant 1 : i32
          "tpu.region"() ({
            %run_scoped3A_106 = tpu.sem_alloc : memref<!tpu.dma_semaphore, #tpu.memory_space<semaphore_mem>>
            %dma_start3A_107 = arith.constant 0 : i32
            %dma_start3A_108 = tpu.memref_slice %run_scoped3A_2[%run_scoped3A_105, %dma_start3A_107] : memref<2x400xi32, #tpu.memory_space<vmem>> -> memref<1x400xi32, #tpu.memory_space<vmem>>
            %dma_start3A_109 = tpu.memref_squeeze %dma_start3A_108 : memref<1x400xi32, #tpu.memory_space<vmem>> -> memref<400xi32, #tpu.memory_space<vmem>>
            %dma_start3A_110 = arith.constant 0 : i32
            %dma_start3A_111 = arith.constant 0 : i32
            %dma_start3A_112 = tpu.memref_slice %arg5[%dma_start3A_110, %dma_start3A_111] : memref<50176x32xf32, #tpu.memory_space<vmem_shared>> -> memref<50176x32xf32, #tpu.memory_space<vmem_shared>>
            tpu.enqueue_indirect_dma source(%run_scoped3A_0 : memref<400x32xf32, #tpu.memory_space<vmem>>) target(%dma_start3A_112 : memref<50176x32xf32, #tpu.memory_space<vmem_shared>>) offsets(%dma_start3A_109 : memref<400xi32, #tpu.memory_space<vmem>>) semaphore(%run_scoped3A_106 : memref<!tpu.dma_semaphore, #tpu.memory_space<semaphore_mem>>) {add = true}
            %dma_wait3A_113 = arith.constant 0 : i32
            %dma_wait3A_114 = tpu.memref_slice %run_scoped3A_2[%run_scoped3A_105, %dma_wait3A_113] : memref<2x400xi32, #tpu.memory_space<vmem>> -> memref<1x400xi32, #tpu.memory_space<vmem>>
            %dma_wait3A_115 = tpu.memref_squeeze %dma_wait3A_114 : memref<1x400xi32, #tpu.memory_space<vmem>> -> memref<400xi32, #tpu.memory_space<vmem>>
            %dma_wait3A_116 = arith.constant 0 : i32
            %dma_wait3A_117 = arith.constant 0 : i32
            %dma_wait3A_118 = tpu.memref_slice %arg5[%dma_wait3A_116, %dma_wait3A_117] : memref<50176x32xf32, #tpu.memory_space<vmem_shared>> -> memref<50176x32xf32, #tpu.memory_space<vmem_shared>>
            tpu.wait_indirect_dma semaphore(%run_scoped3A_106 : memref<!tpu.dma_semaphore, #tpu.memory_space<semaphore_mem>>) src(%run_scoped3A_0 : memref<400x32xf32, #tpu.memory_space<vmem>>) dst(%dma_wait3A_118 : memref<50176x32xf32, #tpu.memory_space<vmem_shared>>)
            tpu.yield
          }) : () -> ()
        }
        %scan3A_66 = arith.constant 16 : i32
        %barrier3A_67 = arith.constant 0 : index
        tpu.barrier barrier_id(%barrier3A_67)
        %scan3A_68 = arith.constant 0 : i32
        %scan3A_69 = arith.constant 0 : i32
        %scan3A_70 = arith.constant 8 : i32
        %scan3A_71 = arith.addi %scan3A_69, %scan3A_70 : i32
        %scan3A_72 = arith.constant 1 : i32
        scf.for %scan3A_74 = %scan3A_69 to %scan3A_71 step %scan3A_72  : i32 {
          %mul3A_75 = arith.constant 3136 : i32
          %mul3A_76 = arith.muli %arg1, %mul3A_75 : i32
          %mul3A_77 = arith.constant 392 : i32
          %mul3A_78 = arith.muli %scan3A_74, %mul3A_77 : i32
          %add3A_79 = arith.addi %mul3A_76, %mul3A_78 : i32
          "tpu.region"() ({
            %run_scoped3A_90 = tpu.sem_alloc : memref<!tpu.dma_semaphore, #tpu.memory_space<semaphore_mem>>
            %dma_start3A_91 = arith.constant 0 : i32
            %dma_start3A_92 = arith.constant 0 : i32
            %dma_start3A_93 = tpu.memref_slice %run_scoped3A[%dma_start3A_91, %dma_start3A_92] : memref<400x32xf32, #tpu.memory_space<vmem>> -> memref<392x32xf32, #tpu.memory_space<vmem>>
            %dma_start3A_94 = arith.constant 0 : i32
            %dma_start3A_95 = tpu.memref_slice %arg5[%add3A_79, %dma_start3A_94] : memref<50176x32xf32, #tpu.memory_space<vmem_shared>> -> memref<392x32xf32, #tpu.memory_space<vmem_shared>>
            %dma_start3A_96 = arith.constant 0 : i32
            %dma_start3A_97 = arith.constant 0 : i32
            %dma_start3A_98 = tpu.memref_slice %run_scoped3A[%dma_start3A_96, %dma_start3A_97] : memref<400x32xf32, #tpu.memory_space<vmem>> -> memref<392x32xf32, #tpu.memory_space<vmem>>
            %dma_start3A_99 = arith.constant 0 : i32
            %dma_start3A_100 = tpu.memref_slice %arg5[%add3A_79, %dma_start3A_99] : memref<50176x32xf32, #tpu.memory_space<vmem_shared>> -> memref<392x32xf32, #tpu.memory_space<vmem_shared>>
            tpu.enqueue_dma source(%dma_start3A_100 : memref<392x32xf32, #tpu.memory_space<vmem_shared>>) target(%dma_start3A_98 : memref<392x32xf32, #tpu.memory_space<vmem>>) target_semaphore(%run_scoped3A_90 : memref<!tpu.dma_semaphore, #tpu.memory_space<semaphore_mem>>)
            %dma_wait3A = arith.constant 0 : i32
            %dma_wait3A_101 = arith.constant 0 : i32
            %dma_wait3A_102 = tpu.memref_slice %run_scoped3A[%dma_wait3A, %dma_wait3A_101] : memref<400x32xf32, #tpu.memory_space<vmem>> -> memref<392x32xf32, #tpu.memory_space<vmem>>
            %dma_wait3A_103 = arith.constant 0 : i32
            %dma_wait3A_104 = tpu.memref_slice %arg5[%add3A_79, %dma_wait3A_103] : memref<50176x32xf32, #tpu.memory_space<vmem_shared>> -> memref<392x32xf32, #tpu.memory_space<vmem_shared>>
            %dma_wait3A_105 = arith.constant 0 : i32
            %dma_wait3A_106 = arith.constant 0 : i32
            %dma_wait3A_107 = tpu.memref_slice %run_scoped3A[%dma_wait3A_105, %dma_wait3A_106] : memref<400x32xf32, #tpu.memory_space<vmem>> -> memref<392x32xf32, #tpu.memory_space<vmem>>
            %dma_wait3A_108 = arith.constant 0 : i32
            %dma_wait3A_109 = tpu.memref_slice %arg5[%add3A_79, %dma_wait3A_108] : memref<50176x32xf32, #tpu.memory_space<vmem_shared>> -> memref<392x32xf32, #tpu.memory_space<vmem_shared>>
            tpu.wait_dma2 semaphore(%run_scoped3A_90 : memref<!tpu.dma_semaphore, #tpu.memory_space<semaphore_mem>>) src(%dma_wait3A_109 : memref<392x32xf32, #tpu.memory_space<vmem_shared>>) dst(%dma_wait3A_107 : memref<392x32xf32, #tpu.memory_space<vmem>>)
            tpu.yield
          }) : () -> ()
          %mul3A_80 = arith.constant 50176 : i32
          %mul3A_81 = arith.muli %select_n3A, %mul3A_80 : i32
          %mul3A_82 = arith.constant 3136 : i32
          %mul3A_83 = arith.muli %arg1, %mul3A_82 : i32
          %add3A_84 = arith.addi %mul3A_81, %mul3A_83 : i32
          %mul3A_85 = arith.constant 392 : i32
          %mul3A_86 = arith.muli %scan3A_74, %mul3A_85 : i32
          %add3A_87 = arith.addi %add3A_84, %mul3A_86 : i32
          %mul3A_88 = arith.constant 32 : i32
          %mul3A_89 = arith.muli %sub3A_34, %mul3A_88 : i32
          "tpu.region"() ({
            %run_scoped3A_90 = tpu.sem_alloc : memref<!tpu.dma_semaphore, #tpu.memory_space<semaphore_mem>>
            %dma_start3A_91 = arith.constant 0 : i32
            %dma_start3A_92 = arith.constant 0 : i32
            %dma_start3A_93 = tpu.memref_slice %run_scoped3A[%dma_start3A_91, %dma_start3A_92] : memref<400x32xf32, #tpu.memory_space<vmem>> -> memref<392x32xf32, #tpu.memory_space<vmem>>
            %dma_start3A_94 = tpu.memref_slice %arg4[%add3A_87, %mul3A_89] : memref<150528x128xf32, #tpu.memory_space<hbm>> -> memref<392x32xf32, #tpu.memory_space<hbm>>
            %dma_start3A_95 = tpu.memref_slice %arg4[%add3A_87, %mul3A_89] : memref<150528x128xf32, #tpu.memory_space<hbm>> -> memref<392x32xf32, #tpu.memory_space<hbm>>
            %dma_start3A_96 = arith.constant 0 : i32
            %dma_start3A_97 = arith.constant 0 : i32
            %dma_start3A_98 = tpu.memref_slice %run_scoped3A[%dma_start3A_96, %dma_start3A_97] : memref<400x32xf32, #tpu.memory_space<vmem>> -> memref<392x32xf32, #tpu.memory_space<vmem>>
            tpu.enqueue_dma source(%dma_start3A_98 : memref<392x32xf32, #tpu.memory_space<vmem>>) target(%dma_start3A_95 : memref<392x32xf32, #tpu.memory_space<hbm>>) target_semaphore(%run_scoped3A_90 : memref<!tpu.dma_semaphore, #tpu.memory_space<semaphore_mem>>)
            %dma_wait3A = arith.constant 0 : i32
            %dma_wait3A_99 = arith.constant 0 : i32
            %dma_wait3A_100 = tpu.memref_slice %run_scoped3A[%dma_wait3A, %dma_wait3A_99] : memref<400x32xf32, #tpu.memory_space<vmem>> -> memref<392x32xf32, #tpu.memory_space<vmem>>
            %dma_wait3A_101 = tpu.memref_slice %arg4[%add3A_87, %mul3A_89] : memref<150528x128xf32, #tpu.memory_space<hbm>> -> memref<392x32xf32, #tpu.memory_space<hbm>>
            %dma_wait3A_102 = tpu.memref_slice %arg4[%add3A_87, %mul3A_89] : memref<150528x128xf32, #tpu.memory_space<hbm>> -> memref<392x32xf32, #tpu.memory_space<hbm>>
            %dma_wait3A_103 = arith.constant 0 : i32
            %dma_wait3A_104 = arith.constant 0 : i32
            %dma_wait3A_105 = tpu.memref_slice %run_scoped3A[%dma_wait3A_103, %dma_wait3A_104] : memref<400x32xf32, #tpu.memory_space<vmem>> -> memref<392x32xf32, #tpu.memory_space<vmem>>
            tpu.wait_dma2 semaphore(%run_scoped3A_90 : memref<!tpu.dma_semaphore, #tpu.memory_space<semaphore_mem>>) src(%dma_wait3A_105 : memref<392x32xf32, #tpu.memory_space<vmem>>) dst(%dma_wait3A_102 : memref<392x32xf32, #tpu.memory_space<hbm>>)
            tpu.yield
          }) : () -> ()
        }
        %scan3A_73 = arith.constant 8 : i32
      }
      tpu.yield
    }) : () -> ()
    return
  }
}

#map = affine_map<(d0, d1) -> (0, 0)>
module attributes {stable_mosaic.version = 14 : i64} {
  func.func @body(%arg0: i32, %arg1: i32, %arg2: memref<602112x32xf32, #tpu.memory_space<hbm>>, %arg3: memref<12288x400xi32, #tpu.memory_space<hbm>>, %arg4: memref<150528x128xf32, #tpu.memory_space<hbm>>, %arg5: memref<50176x32xf32, #tpu.memory_space<vmem_shared>>, %arg6: memref<!tpu.dma_semaphore, #tpu.memory_space<semaphore_mem>>, %arg7: memref<!tpu.dma_semaphore, #tpu.memory_space<semaphore_mem>>) attributes {dimension_semantics = [#tpu.dimension_semantics<core_parallel>, #tpu.dimension_semantics<subcore_parallel>], iteration_bounds = array<i64: 2, 16>, scalar_prefetch = 0 : i64, scratch_operands = 3 : i64, tpu.core_type = #tpu.core_type<sc_vector_subcore>, window_params = [{transform_indices = #map}, {transform_indices = #map}, {transform_indices = #map}]} {
    "tpu.region"() ({
      %run_scoped3A = memref.alloca() : memref<400x32xf32, #tpu.memory_space<vmem>>
      %run_scoped3A_0 = memref.alloca() : memref<400x32xf32, #tpu.memory_space<vmem>>
      %run_scoped3A_1 = memref.alloca() : memref<2x400xi32, #tpu.memory_space<vmem>>
      %run_scoped3A_2 = memref.alloca() : memref<2x400xi32, #tpu.memory_space<vmem>>
      %mul3A = arith.constant 6 : i32
      %mul3A_3 = arith.muli %arg0, %mul3A : i32
      %add3A = arith.constant 1 : i32
      %add3A_4 = arith.addi %arg0, %add3A : i32
      %mul3A_5 = arith.constant 6 : i32
      %mul3A_6 = arith.muli %add3A_4, %mul3A_5 : i32
      %while3A = arith.constant 0 : i32
      %while3A_7 = arith.subi %mul3A_6, %mul3A_3 : i32
      %while3A_8 = arith.addi %mul3A_3, %while3A_7 : i32
      %while3A_9 = arith.constant 1 : i32
      %while3A_10 = arith.divsi %while3A_7, %while3A_9 : i32
      %while3A_11 = arith.muli %while3A_10, %while3A_9 : i32
      %while3A_12 = arith.addi %mul3A_3, %while3A_11 : i32
      %while3A_13 = arith.constant 1 : i32
      scf.for %while3A_15 = %mul3A_3 to %while3A_12 step %while3A_13  : i32 {
        %jit3A = arith.constant 4 : i32
        %div3A = arith.divsi %while3A_15, %jit3A : i32
        %sign3A = arith.constant 0 : i32
        %sign3A_16 = arith.cmpi sgt, %while3A_15, %sign3A : i32
        %sign3A_17 = arith.extui %sign3A_16 : i1 to i32
        %sign3A_18 = arith.constant 0 : i32
        %sign3A_19 = arith.cmpi slt, %while3A_15, %sign3A_18 : i32
        %sign3A_20 = arith.extui %sign3A_19 : i1 to i32
        %sign3A_21 = arith.subi %sign3A_17, %sign3A_20 : i32
        %sign3A_22 = arith.constant 0 : i32
        %sign3A_23 = arith.cmpi sgt, %jit3A, %sign3A_22 : i32
        %sign3A_24 = arith.extui %sign3A_23 : i1 to i32
        %sign3A_25 = arith.constant 0 : i32
        %sign3A_26 = arith.cmpi slt, %jit3A, %sign3A_25 : i32
        %sign3A_27 = arith.extui %sign3A_26 : i1 to i32
        %sign3A_28 = arith.subi %sign3A_24, %sign3A_27 : i32
        %ne3A = arith.cmpi ne, %sign3A_21, %sign3A_28 : i32
        %rem3A = arith.remsi %while3A_15, %jit3A : i32
        %ne3A_29 = arith.constant 0 : i32
        %ne3A_30 = arith.cmpi ne, %rem3A, %ne3A_29 : i32
        %and3A = arith.andi %ne3A, %ne3A_30 : i1
        %sub3A = arith.constant 1 : i32
        %sub3A_31 = arith.subi %div3A, %sub3A : i32
        %select_n3A = arith.select %and3A, %sub3A_31, %div3A : i32
        %mul3A_32 = arith.constant 4 : i32
        %mul3A_33 = arith.muli %select_n3A, %mul3A_32 : i32
        %sub3A_34 = arith.subi %while3A_15, %mul3A_33 : i32
        %mul3A_35 = arith.constant 512 : i32
        %mul3A_36 = arith.muli %while3A_15, %mul3A_35 : i32
        %mul3A_37 = arith.constant 32 : i32
        %mul3A_38 = arith.muli %arg1, %mul3A_37 : i32
        %add3A_39 = arith.addi %mul3A_36, %mul3A_38 : i32
        %mul3A_40 = arith.constant 2 : i32
        %mul3A_41 = arith.muli %add3A_39, %mul3A_40 : i32
        %scan3A = arith.constant 0 : i32
        %scan3A_42 = arith.constant 0 : i32
        %scan3A_43 = arith.constant 392 : i32
        %scan3A_44 = arith.addi %scan3A_42, %scan3A_43 : i32
        %scan3A_45 = arith.constant 1 : i32
        scf.for %scan3A_74 = %scan3A_42 to %scan3A_44 step %scan3A_45  : i32 {
          %broadcast_in_dim3A = arith.constant 0.000000e+00 : f32
          %broadcast_in_dim3A_75 = vector.broadcast %broadcast_in_dim3A : f32 to vector<16xf32>
          %swap3A = arith.index_cast %scan3A_74 : i32 to index
          %swap3A_76 = arith.constant 0 : index
          %swap3A_77 = tpu.vector_load %run_scoped3A[%swap3A, %swap3A_76] {strides = array<i32>} : memref<400x32xf32, #tpu.memory_space<vmem>>, vector<1x16xf32>,
          %swap3A_78 = vector.shape_cast %swap3A_77 : vector<1x16xf32> to vector<16xf32>
          %swap3A_79 = vector.shape_cast %broadcast_in_dim3A_75 : vector<16xf32> to vector<1x16xf32>
          tpu.vector_store %run_scoped3A[%swap3A, %swap3A_76], %swap3A_79 {strides = array<i32>} : memref<400x32xf32, #tpu.memory_space<vmem>>, vector<1x16xf32>,
          %broadcast_in_dim3A_80 = arith.constant 0.000000e+00 : f32
          %broadcast_in_dim3A_81 = vector.broadcast %broadcast_in_dim3A_80 : f32 to vector<16xf32>
          %swap3A_82 = arith.index_cast %scan3A_74 : i32 to index
          %swap3A_83 = arith.constant 16 : index
          %swap3A_84 = tpu.vector_load %run_scoped3A[%swap3A_82, %swap3A_83] {strides = array<i32>} : memref<400x32xf32, #tpu.memory_space<vmem>>, vector<1x16xf32>,
          %swap3A_85 = vector.shape_cast %swap3A_84 : vector<1x16xf32> to vector<16xf32>
          %swap3A_86 = vector.shape_cast %broadcast_in_dim3A_81 : vector<16xf32> to vector<1x16xf32>
          tpu.vector_store %run_scoped3A[%swap3A_82, %swap3A_83], %swap3A_86 {strides = array<i32>} : memref<400x32xf32, #tpu.memory_space<vmem>>, vector<1x16xf32>,
        }
        %scan3A_46 = arith.constant 392 : i32
        %scan3A_47 = arith.constant 0 : i32
        %scan3A_48 = arith.constant 0 : i32
        %scan3A_49 = arith.constant 8 : i32
        %scan3A_50 = arith.addi %scan3A_48, %scan3A_49 : i32
        %scan3A_51 = arith.constant 1 : i32
        scf.for %scan3A_74 = %scan3A_48 to %scan3A_50 step %scan3A_51  : i32 {
          %mul3A_75 = arith.constant 3136 : i32
          %mul3A_76 = arith.muli %arg1, %mul3A_75 : i32
          %mul3A_77 = arith.constant 392 : i32
          %mul3A_78 = arith.muli %scan3A_74, %mul3A_77 : i32
          %add3A_79 = arith.addi %mul3A_76, %mul3A_78 : i32
          "tpu.region"() ({
            %run_scoped3A_80 = tpu.sem_alloc : memref<!tpu.dma_semaphore, #tpu.memory_space<semaphore_mem>>
            %dma_start3A_81 = arith.constant 0 : i32
            %dma_start3A_82 = arith.constant 0 : i32
            %dma_start3A_83 = tpu.memref_slice %run_scoped3A[%dma_start3A_81, %dma_start3A_82] : memref<400x32xf32, #tpu.memory_space<vmem>> -> memref<392x32xf32, #tpu.memory_space<vmem>>
            %dma_start3A_84 = arith.constant 0 : i32
            %dma_start3A_85 = tpu.memref_slice %arg5[%add3A_79, %dma_start3A_84] : memref<50176x32xf32, #tpu.memory_space<vmem_shared>> -> memref<392x32xf32, #tpu.memory_space<vmem_shared>>
            %dma_start3A_86 = arith.constant 0 : i32
            %dma_start3A_87 = tpu.memref_slice %arg5[%add3A_79, %dma_start3A_86] : memref<50176x32xf32, #tpu.memory_space<vmem_shared>> -> memref<392x32xf32, #tpu.memory_space<vmem_shared>>
            %dma_start3A_88 = arith.constant 0 : i32
            %dma_start3A_89 = arith.constant 0 : i32
            %dma_start3A_90 = tpu.memref_slice %run_scoped3A[%dma_start3A_88, %dma_start3A_89] : memref<400x32xf32, #tpu.memory_space<vmem>> -> memref<392x32xf32, #tpu.memory_space<vmem>>
            tpu.enqueue_dma source(%dma_start3A_90 : memref<392x32xf32, #tpu.memory_space<vmem>>) target(%dma_start3A_87 : memref<392x32xf32, #tpu.memory_space<vmem_shared>>) target_semaphore(%run_scoped3A_80 : memref<!tpu.dma_semaphore, #tpu.memory_space<semaphore_mem>>)
            %dma_wait3A = arith.constant 0 : i32
            %dma_wait3A_91 = arith.constant 0 : i32
            %dma_wait3A_92 = tpu.memref_slice %run_scoped3A[%dma_wait3A, %dma_wait3A_91] : memref<400x32xf32, #tpu.memory_space<vmem>> -> memref<392x32xf32, #tpu.memory_space<vmem>>
            %dma_wait3A_93 = arith.constant 0 : i32
            %dma_wait3A_94 = tpu.memref_slice %arg5[%add3A_79, %dma_wait3A_93] : memref<50176x32xf32, #tpu.memory_space<vmem_shared>> -> memref<392x32xf32, #tpu.memory_space<vmem_shared>>
            %dma_wait3A_95 = arith.constant 0 : i32
            %dma_wait3A_96 = tpu.memref_slice %arg5[%add3A_79, %dma_wait3A_95] : memref<50176x32xf32, #tpu.memory_space<vmem_shared>> -> memref<392x32xf32, #tpu.memory_space<vmem_shared>>
            %dma_wait3A_97 = arith.constant 0 : i32
            %dma_wait3A_98 = arith.constant 0 : i32
            %dma_wait3A_99 = tpu.memref_slice %run_scoped3A[%dma_wait3A_97, %dma_wait3A_98] : memref<400x32xf32, #tpu.memory_space<vmem>> -> memref<392x32xf32, #tpu.memory_space<vmem>>
            tpu.wait_dma2 semaphore(%run_scoped3A_80 : memref<!tpu.dma_semaphore, #tpu.memory_space<semaphore_mem>>) src(%dma_wait3A_99 : memref<392x32xf32, #tpu.memory_space<vmem>>) dst(%dma_wait3A_96 : memref<392x32xf32, #tpu.memory_space<vmem_shared>>)
            tpu.yield
          }) : () -> ()
        }
        %scan3A_52 = arith.constant 8 : i32
        %barrier3A = arith.constant 0 : index
        tpu.barrier barrier_id(%barrier3A)
        %add3A_53 = arith.constant 0 : i32
        %add3A_54 = arith.addi %mul3A_41, %add3A_53 : i32
        "tpu.region"() ({
          %run_scoped3A_74 = tpu.sem_alloc : memref<!tpu.dma_semaphore, #tpu.memory_space<semaphore_mem>>
          %dma_start3A_75 = arith.constant 0 : i32
          %dma_start3A_76 = tpu.memref_slice %arg3[%add3A_54, %dma_start3A_75] : memref<12288x400xi32, #tpu.memory_space<hbm>> -> memref<2x400xi32, #tpu.memory_space<hbm>>
          %dma_start3A_77 = arith.constant 0 : i32
          %dma_start3A_78 = tpu.memref_slice %arg3[%add3A_54, %dma_start3A_77] : memref<12288x400xi32, #tpu.memory_space<hbm>> -> memref<2x400xi32, #tpu.memory_space<hbm>>
          tpu.enqueue_dma source(%dma_start3A_78 : memref<2x400xi32, #tpu.memory_space<hbm>>) target(%run_scoped3A_1 : memref<2x400xi32, #tpu.memory_space<vmem>>) target_semaphore(%run_scoped3A_74 : memref<!tpu.dma_semaphore, #tpu.memory_space<semaphore_mem>>)
          %dma_wait3A = arith.constant 0 : i32
          %dma_wait3A_79 = tpu.memref_slice %arg3[%add3A_54, %dma_wait3A] : memref<12288x400xi32, #tpu.memory_space<hbm>> -> memref<2x400xi32, #tpu.memory_space<hbm>>
          %dma_wait3A_80 = arith.constant 0 : i32
          %dma_wait3A_81 = tpu.memref_slice %arg3[%add3A_54, %dma_wait3A_80] : memref<12288x400xi32, #tpu.memory_space<hbm>> -> memref<2x400xi32, #tpu.memory_space<hbm>>
          tpu.wait_dma2 semaphore(%run_scoped3A_74 : memref<!tpu.dma_semaphore, #tpu.memory_space<semaphore_mem>>) src(%dma_wait3A_81 : memref<2x400xi32, #tpu.memory_space<hbm>>) dst(%run_scoped3A_1 : memref<2x400xi32, #tpu.memory_space<vmem>>)
          tpu.yield
        }) : () -> ()
        %dma_start3A = arith.constant 0 : i32
        %dma_start3A_55 = arith.constant 0 : i32
        %dma_start3A_56 = tpu.memref_slice %run_scoped3A_1[%dma_start3A, %dma_start3A_55] : memref<2x400xi32, #tpu.memory_space<vmem>> -> memref<1x400xi32, #tpu.memory_space<vmem>>
        %dma_start3A_57 = tpu.memref_squeeze %dma_start3A_56 : memref<1x400xi32, #tpu.memory_space<vmem>> -> memref<400xi32, #tpu.memory_space<vmem>>
        %dma_start3A_58 = arith.constant 0 : i32
        %dma_start3A_59 = arith.constant 0 : i32
        %dma_start3A_60 = tpu.memref_slice %arg2[%dma_start3A_58, %dma_start3A_59] : memref<602112x32xf32, #tpu.memory_space<hbm>> -> memref<602112x32xf32, #tpu.memory_space<hbm>>
        tpu.enqueue_indirect_dma source(%dma_start3A_60 : memref<602112x32xf32, #tpu.memory_space<hbm>>) target(%run_scoped3A : memref<400x32xf32, #tpu.memory_space<vmem>>) offsets(%dma_start3A_57 : memref<400xi32, #tpu.memory_space<vmem>>) semaphore(%arg6 : memref<!tpu.dma_semaphore, #tpu.memory_space<semaphore_mem>>)
        %scan3A_61 = arith.constant 0 : i32
        %scan3A_62 = arith.constant 0 : i32
        %scan3A_63 = arith.constant 16 : i32
        %scan3A_64 = arith.addi %scan3A_62, %scan3A_63 : i32
        %scan3A_65 = arith.constant 1 : i32
        scf.for %scan3A_74 = %scan3A_62 to %scan3A_64 step %scan3A_65  : i32 {
          %mul3A_75 = arith.constant 2 : i32
          %mul3A_76 = arith.muli %mul3A_75, %scan3A_74 : i32
          %add3A_77 = arith.constant 1 : i32
          %add3A_78 = arith.addi %mul3A_76, %add3A_77 : i32
          %mul3A_79 = arith.constant 2 : i32
          %mul3A_80 = arith.muli %add3A_78, %mul3A_79 : i32
          %add3A_81 = arith.addi %mul3A_41, %mul3A_80 : i32
          "tpu.region"() ({
            %run_scoped3A_106 = tpu.sem_alloc : memref<!tpu.dma_semaphore, #tpu.memory_space<semaphore_mem>>
            %dma_start3A_107 = arith.constant 0 : i32
            %dma_start3A_108 = tpu.memref_slice %arg3[%add3A_81, %dma_start3A_107] : memref<12288x400xi32, #tpu.memory_space<hbm>> -> memref<2x400xi32, #tpu.memory_space<hbm>>
            %dma_start3A_109 = arith.constant 0 : i32
            %dma_start3A_110 = tpu.memref_slice %arg3[%add3A_81, %dma_start3A_109] : memref<12288x400xi32, #tpu.memory_space<hbm>> -> memref<2x400xi32, #tpu.memory_space<hbm>>
            tpu.enqueue_dma source(%dma_start3A_110 : memref<2x400xi32, #tpu.memory_space<hbm>>) target(%run_scoped3A_2 : memref<2x400xi32, #tpu.memory_space<vmem>>) target_semaphore(%run_scoped3A_106 : memref<!tpu.dma_semaphore, #tpu.memory_space<semaphore_mem>>)
            %dma_wait3A_111 = arith.constant 0 : i32
            %dma_wait3A_112 = tpu.memref_slice %arg3[%add3A_81, %dma_wait3A_111] : memref<12288x400xi32, #tpu.memory_space<hbm>> -> memref<2x400xi32, #tpu.memory_space<hbm>>
            %dma_wait3A_113 = arith.constant 0 : i32
            %dma_wait3A_114 = tpu.memref_slice %arg3[%add3A_81, %dma_wait3A_113] : memref<12288x400xi32, #tpu.memory_space<hbm>> -> memref<2x400xi32, #tpu.memory_space<hbm>>
            tpu.wait_dma2 semaphore(%run_scoped3A_106 : memref<!tpu.dma_semaphore, #tpu.memory_space<semaphore_mem>>) src(%dma_wait3A_114 : memref<2x400xi32, #tpu.memory_space<hbm>>) dst(%run_scoped3A_2 : memref<2x400xi32, #tpu.memory_space<vmem>>)
            tpu.yield
          }) : () -> ()
          %dma_start3A_82 = arith.constant 0 : i32
          %dma_start3A_83 = arith.constant 0 : i32
          %dma_start3A_84 = tpu.memref_slice %run_scoped3A_2[%dma_start3A_82, %dma_start3A_83] : memref<2x400xi32, #tpu.memory_space<vmem>> -> memref<1x400xi32, #tpu.memory_space<vmem>>
          %dma_start3A_85 = tpu.memref_squeeze %dma_start3A_84 : memref<1x400xi32, #tpu.memory_space<vmem>> -> memref<400xi32, #tpu.memory_space<vmem>>
          %dma_start3A_86 = arith.constant 0 : i32
          %dma_start3A_87 = arith.constant 0 : i32
          %dma_start3A_88 = tpu.memref_slice %arg2[%dma_start3A_86, %dma_start3A_87] : memref<602112x32xf32, #tpu.memory_space<hbm>> -> memref<602112x32xf32, #tpu.memory_space<hbm>>
          tpu.enqueue_indirect_dma source(%dma_start3A_88 : memref<602112x32xf32, #tpu.memory_space<hbm>>) target(%run_scoped3A_0 : memref<400x32xf32, #tpu.memory_space<vmem>>) offsets(%dma_start3A_85 : memref<400xi32, #tpu.memory_space<vmem>>) semaphore(%arg7 : memref<!tpu.dma_semaphore, #tpu.memory_space<semaphore_mem>>)
          %dma_wait3A = arith.constant 0 : i32
          %dma_wait3A_89 = arith.constant 0 : i32
          %dma_wait3A_90 = tpu.memref_slice %run_scoped3A_1[%dma_wait3A, %dma_wait3A_89] : memref<2x400xi32, #tpu.memory_space<vmem>> -> memref<1x400xi32, #tpu.memory_space<vmem>>
          %dma_wait3A_91 = tpu.memref_squeeze %dma_wait3A_90 : memref<1x400xi32, #tpu.memory_space<vmem>> -> memref<400xi32, #tpu.memory_space<vmem>>
          %dma_wait3A_92 = arith.constant 0 : i32
          %dma_wait3A_93 = arith.constant 0 : i32
          %dma_wait3A_94 = tpu.memref_slice %arg2[%dma_wait3A_92, %dma_wait3A_93] : memref<602112x32xf32, #tpu.memory_space<hbm>> -> memref<602112x32xf32, #tpu.memory_space<hbm>>
          tpu.wait_indirect_dma semaphore(%arg6 : memref<!tpu.dma_semaphore, #tpu.memory_space<semaphore_mem>>) src(%dma_wait3A_94 : memref<602112x32xf32, #tpu.memory_space<hbm>>) dst(%run_scoped3A : memref<400x32xf32, #tpu.memory_space<vmem>>)
          %run_scoped3A_95 = arith.constant 1 : i32
          "tpu.region"() ({
            %run_scoped3A_106 = tpu.sem_alloc : memref<!tpu.dma_semaphore, #tpu.memory_space<semaphore_mem>>
            %dma_start3A_107 = arith.constant 0 : i32
            %dma_start3A_108 = tpu.memref_slice %run_scoped3A_1[%run_scoped3A_95, %dma_start3A_107] : memref<2x400xi32, #tpu.memory_space<vmem>> -> memref<1x400xi32, #tpu.memory_space<vmem>>
            %dma_start3A_109 = tpu.memref_squeeze %dma_start3A_108 : memref<1x400xi32, #tpu.memory_space<vmem>> -> memref<400xi32, #tpu.memory_space<vmem>>
            %dma_start3A_110 = arith.constant 0 : i32
            %dma_start3A_111 = arith.constant 0 : i32
            %dma_start3A_112 = tpu.memref_slice %arg5[%dma_start3A_110, %dma_start3A_111] : memref<50176x32xf32, #tpu.memory_space<vmem_shared>> -> memref<50176x32xf32, #tpu.memory_space<vmem_shared>>
            tpu.enqueue_indirect_dma source(%run_scoped3A : memref<400x32xf32, #tpu.memory_space<vmem>>) target(%dma_start3A_112 : memref<50176x32xf32, #tpu.memory_space<vmem_shared>>) offsets(%dma_start3A_109 : memref<400xi32, #tpu.memory_space<vmem>>) semaphore(%run_scoped3A_106 : memref<!tpu.dma_semaphore, #tpu.memory_space<semaphore_mem>>) {add = true}
            %dma_wait3A_113 = arith.constant 0 : i32
            %dma_wait3A_114 = tpu.memref_slice %run_scoped3A_1[%run_scoped3A_95, %dma_wait3A_113] : memref<2x400xi32, #tpu.memory_space<vmem>> -> memref<1x400xi32, #tpu.memory_space<vmem>>
            %dma_wait3A_115 = tpu.memref_squeeze %dma_wait3A_114 : memref<1x400xi32, #tpu.memory_space<vmem>> -> memref<400xi32, #tpu.memory_space<vmem>>
            %dma_wait3A_116 = arith.constant 0 : i32
            %dma_wait3A_117 = arith.constant 0 : i32
            %dma_wait3A_118 = tpu.memref_slice %arg5[%dma_wait3A_116, %dma_wait3A_117] : memref<50176x32xf32, #tpu.memory_space<vmem_shared>> -> memref<50176x32xf32, #tpu.memory_space<vmem_shared>>
            tpu.wait_indirect_dma semaphore(%run_scoped3A_106 : memref<!tpu.dma_semaphore, #tpu.memory_space<semaphore_mem>>) src(%run_scoped3A : memref<400x32xf32, #tpu.memory_space<vmem>>) dst(%dma_wait3A_118 : memref<50176x32xf32, #tpu.memory_space<vmem_shared>>)
            tpu.yield
          }) : () -> ()
          %lt3A = arith.constant 15 : i32
          %lt3A_96 = arith.cmpi slt, %scan3A_74, %lt3A : i32
          %convert_element_type3A = arith.extui %lt3A_96 : i1 to i32
          %cond3A = arith.constant 0 : i32
          %cond3A_97 = arith.cmpi ne, %convert_element_type3A, %cond3A : i32
          scf.if %cond3A_97 {
            %mul3A_106 = arith.constant 2 : i32
            %mul3A_107 = arith.muli %mul3A_106, %scan3A_74 : i32
            %add3A_108 = arith.constant 2 : i32
            %add3A_109 = arith.addi %mul3A_107, %add3A_108 : i32
            %mul3A_110 = arith.constant 2 : i32
            %mul3A_111 = arith.muli %add3A_109, %mul3A_110 : i32
            %add3A_112 = arith.addi %mul3A_41, %mul3A_111 : i32
            "tpu.region"() ({
              %run_scoped3A_120 = tpu.sem_alloc : memref<!tpu.dma_semaphore, #tpu.memory_space<semaphore_mem>>
              %dma_start3A_121 = arith.constant 0 : i32
              %dma_start3A_122 = tpu.memref_slice %arg3[%add3A_112, %dma_start3A_121] : memref<12288x400xi32, #tpu.memory_space<hbm>> -> memref<2x400xi32, #tpu.memory_space<hbm>>
              %dma_start3A_123 = arith.constant 0 : i32
              %dma_start3A_124 = tpu.memref_slice %arg3[%add3A_112, %dma_start3A_123] : memref<12288x400xi32, #tpu.memory_space<hbm>> -> memref<2x400xi32, #tpu.memory_space<hbm>>
              tpu.enqueue_dma source(%dma_start3A_124 : memref<2x400xi32, #tpu.memory_space<hbm>>) target(%run_scoped3A_1 : memref<2x400xi32, #tpu.memory_space<vmem>>) target_semaphore(%run_scoped3A_120 : memref<!tpu.dma_semaphore, #tpu.memory_space<semaphore_mem>>)
              %dma_wait3A_125 = arith.constant 0 : i32
              %dma_wait3A_126 = tpu.memref_slice %arg3[%add3A_112, %dma_wait3A_125] : memref<12288x400xi32, #tpu.memory_space<hbm>> -> memref<2x400xi32, #tpu.memory_space<hbm>>
              %dma_wait3A_127 = arith.constant 0 : i32
              %dma_wait3A_128 = tpu.memref_slice %arg3[%add3A_112, %dma_wait3A_127] : memref<12288x400xi32, #tpu.memory_space<hbm>> -> memref<2x400xi32, #tpu.memory_space<hbm>>
              tpu.wait_dma2 semaphore(%run_scoped3A_120 : memref<!tpu.dma_semaphore, #tpu.memory_space<semaphore_mem>>) src(%dma_wait3A_128 : memref<2x400xi32, #tpu.memory_space<hbm>>) dst(%run_scoped3A_1 : memref<2x400xi32, #tpu.memory_space<vmem>>)
              tpu.yield
            }) : () -> ()
            %dma_start3A_113 = arith.constant 0 : i32
            %dma_start3A_114 = arith.constant 0 : i32
            %dma_start3A_115 = tpu.memref_slice %run_scoped3A_1[%dma_start3A_113, %dma_start3A_114] : memref<2x400xi32, #tpu.memory_space<vmem>> -> memref<1x400xi32, #tpu.memory_space<vmem>>
            %dma_start3A_116 = tpu.memref_squeeze %dma_start3A_115 : memref<1x400xi32, #tpu.memory_space<vmem>> -> memref<400xi32, #tpu.memory_space<vmem>>
            %dma_start3A_117 = arith.constant 0 : i32
            %dma_start3A_118 = arith.constant 0 : i32
            %dma_start3A_119 = tpu.memref_slice %arg2[%dma_start3A_117, %dma_start3A_118] : memref<602112x32xf32, #tpu.memory_space<hbm>> -> memref<602112x32xf32, #tpu.memory_space<hbm>>
            tpu.enqueue_indirect_dma source(%dma_start3A_119 : memref<602112x32xf32, #tpu.memory_space<hbm>>) target(%run_scoped3A : memref<400x32xf32, #tpu.memory_space<vmem>>) offsets(%dma_start3A_116 : memref<400xi32, #tpu.memory_space<vmem>>) semaphore(%arg6 : memref<!tpu.dma_semaphore, #tpu.memory_space<semaphore_mem>>)
          } else {
          }
          %dma_wait3A_98 = arith.constant 0 : i32
          %dma_wait3A_99 = arith.constant 0 : i32
          %dma_wait3A_100 = tpu.memref_slice %run_scoped3A_2[%dma_wait3A_98, %dma_wait3A_99] : memref<2x400xi32, #tpu.memory_space<vmem>> -> memref<1x400xi32, #tpu.memory_space<vmem>>
          %dma_wait3A_101 = tpu.memref_squeeze %dma_wait3A_100 : memref<1x400xi32, #tpu.memory_space<vmem>> -> memref<400xi32, #tpu.memory_space<vmem>>
          %dma_wait3A_102 = arith.constant 0 : i32
          %dma_wait3A_103 = arith.constant 0 : i32
          %dma_wait3A_104 = tpu.memref_slice %arg2[%dma_wait3A_102, %dma_wait3A_103] : memref<602112x32xf32, #tpu.memory_space<hbm>> -> memref<602112x32xf32, #tpu.memory_space<hbm>>
          tpu.wait_indirect_dma semaphore(%arg7 : memref<!tpu.dma_semaphore, #tpu.memory_space<semaphore_mem>>) src(%dma_wait3A_104 : memref<602112x32xf32, #tpu.memory_space<hbm>>) dst(%run_scoped3A_0 : memref<400x32xf32, #tpu.memory_space<vmem>>)
          %run_scoped3A_105 = arith.constant 1 : i32
          "tpu.region"() ({
            %run_scoped3A_106 = tpu.sem_alloc : memref<!tpu.dma_semaphore, #tpu.memory_space<semaphore_mem>>
            %dma_start3A_107 = arith.constant 0 : i32
            %dma_start3A_108 = tpu.memref_slice %run_scoped3A_2[%run_scoped3A_105, %dma_start3A_107] : memref<2x400xi32, #tpu.memory_space<vmem>> -> memref<1x400xi32, #tpu.memory_space<vmem>>
            %dma_start3A_109 = tpu.memref_squeeze %dma_start3A_108 : memref<1x400xi32, #tpu.memory_space<vmem>> -> memref<400xi32, #tpu.memory_space<vmem>>
            %dma_start3A_110 = arith.constant 0 : i32
            %dma_start3A_111 = arith.constant 0 : i32
            %dma_start3A_112 = tpu.memref_slice %arg5[%dma_start3A_110, %dma_start3A_111] : memref<50176x32xf32, #tpu.memory_space<vmem_shared>> -> memref<50176x32xf32, #tpu.memory_space<vmem_shared>>
            tpu.enqueue_indirect_dma source(%run_scoped3A_0 : memref<400x32xf32, #tpu.memory_space<vmem>>) target(%dma_start3A_112 : memref<50176x32xf32, #tpu.memory_space<vmem_shared>>) offsets(%dma_start3A_109 : memref<400xi32, #tpu.memory_space<vmem>>) semaphore(%run_scoped3A_106 : memref<!tpu.dma_semaphore, #tpu.memory_space<semaphore_mem>>) {add = true}
            %dma_wait3A_113 = arith.constant 0 : i32
            %dma_wait3A_114 = tpu.memref_slice %run_scoped3A_2[%run_scoped3A_105, %dma_wait3A_113] : memref<2x400xi32, #tpu.memory_space<vmem>> -> memref<1x400xi32, #tpu.memory_space<vmem>>
            %dma_wait3A_115 = tpu.memref_squeeze %dma_wait3A_114 : memref<1x400xi32, #tpu.memory_space<vmem>> -> memref<400xi32, #tpu.memory_space<vmem>>
            %dma_wait3A_116 = arith.constant 0 : i32
            %dma_wait3A_117 = arith.constant 0 : i32
            %dma_wait3A_118 = tpu.memref_slice %arg5[%dma_wait3A_116, %dma_wait3A_117] : memref<50176x32xf32, #tpu.memory_space<vmem_shared>> -> memref<50176x32xf32, #tpu.memory_space<vmem_shared>>
            tpu.wait_indirect_dma semaphore(%run_scoped3A_106 : memref<!tpu.dma_semaphore, #tpu.memory_space<semaphore_mem>>) src(%run_scoped3A_0 : memref<400x32xf32, #tpu.memory_space<vmem>>) dst(%dma_wait3A_118 : memref<50176x32xf32, #tpu.memory_space<vmem_shared>>)
            tpu.yield
          }) : () -> ()
        }
        %scan3A_66 = arith.constant 16 : i32
        %barrier3A_67 = arith.constant 0 : index
        tpu.barrier barrier_id(%barrier3A_67)
        %scan3A_68 = arith.constant 0 : i32
        %scan3A_69 = arith.constant 0 : i32
        %scan3A_70 = arith.constant 8 : i32
        %scan3A_71 = arith.addi %scan3A_69, %scan3A_70 : i32
        %scan3A_72 = arith.constant 1 : i32
        scf.for %scan3A_74 = %scan3A_69 to %scan3A_71 step %scan3A_72  : i32 {
          %mul3A_75 = arith.constant 3136 : i32
          %mul3A_76 = arith.muli %arg1, %mul3A_75 : i32
          %mul3A_77 = arith.constant 392 : i32
          %mul3A_78 = arith.muli %scan3A_74, %mul3A_77 : i32
          %add3A_79 = arith.addi %mul3A_76, %mul3A_78 : i32
          "tpu.region"() ({
            %run_scoped3A_90 = tpu.sem_alloc : memref<!tpu.dma_semaphore, #tpu.memory_space<semaphore_mem>>
            %dma_start3A_91 = arith.constant 0 : i32
            %dma_start3A_92 = arith.constant 0 : i32
            %dma_start3A_93 = tpu.memref_slice %run_scoped3A[%dma_start3A_91, %dma_start3A_92] : memref<400x32xf32, #tpu.memory_space<vmem>> -> memref<392x32xf32, #tpu.memory_space<vmem>>
            %dma_start3A_94 = arith.constant 0 : i32
            %dma_start3A_95 = tpu.memref_slice %arg5[%add3A_79, %dma_start3A_94] : memref<50176x32xf32, #tpu.memory_space<vmem_shared>> -> memref<392x32xf32, #tpu.memory_space<vmem_shared>>
            %dma_start3A_96 = arith.constant 0 : i32
            %dma_start3A_97 = arith.constant 0 : i32
            %dma_start3A_98 = tpu.memref_slice %run_scoped3A[%dma_start3A_96, %dma_start3A_97] : memref<400x32xf32, #tpu.memory_space<vmem>> -> memref<392x32xf32, #tpu.memory_space<vmem>>
            %dma_start3A_99 = arith.constant 0 : i32
            %dma_start3A_100 = tpu.memref_slice %arg5[%add3A_79, %dma_start3A_99] : memref<50176x32xf32, #tpu.memory_space<vmem_shared>> -> memref<392x32xf32, #tpu.memory_space<vmem_shared>>
            tpu.enqueue_dma source(%dma_start3A_100 : memref<392x32xf32, #tpu.memory_space<vmem_shared>>) target(%dma_start3A_98 : memref<392x32xf32, #tpu.memory_space<vmem>>) target_semaphore(%run_scoped3A_90 : memref<!tpu.dma_semaphore, #tpu.memory_space<semaphore_mem>>)
            %dma_wait3A = arith.constant 0 : i32
            %dma_wait3A_101 = arith.constant 0 : i32
            %dma_wait3A_102 = tpu.memref_slice %run_scoped3A[%dma_wait3A, %dma_wait3A_101] : memref<400x32xf32, #tpu.memory_space<vmem>> -> memref<392x32xf32, #tpu.memory_space<vmem>>
            %dma_wait3A_103 = arith.constant 0 : i32
            %dma_wait3A_104 = tpu.memref_slice %arg5[%add3A_79, %dma_wait3A_103] : memref<50176x32xf32, #tpu.memory_space<vmem_shared>> -> memref<392x32xf32, #tpu.memory_space<vmem_shared>>
            %dma_wait3A_105 = arith.constant 0 : i32
            %dma_wait3A_106 = arith.constant 0 : i32
            %dma_wait3A_107 = tpu.memref_slice %run_scoped3A[%dma_wait3A_105, %dma_wait3A_106] : memref<400x32xf32, #tpu.memory_space<vmem>> -> memref<392x32xf32, #tpu.memory_space<vmem>>
            %dma_wait3A_108 = arith.constant 0 : i32
            %dma_wait3A_109 = tpu.memref_slice %arg5[%add3A_79, %dma_wait3A_108] : memref<50176x32xf32, #tpu.memory_space<vmem_shared>> -> memref<392x32xf32, #tpu.memory_space<vmem_shared>>
            tpu.wait_dma2 semaphore(%run_scoped3A_90 : memref<!tpu.dma_semaphore, #tpu.memory_space<semaphore_mem>>) src(%dma_wait3A_109 : memref<392x32xf32, #tpu.memory_space<vmem_shared>>) dst(%dma_wait3A_107 : memref<392x32xf32, #tpu.memory_space<vmem>>)
            tpu.yield
          }) : () -> ()
          %mul3A_80 = arith.constant 50176 : i32
          %mul3A_81 = arith.muli %select_n3A, %mul3A_80 : i32
          %mul3A_82 = arith.constant 3136 : i32
          %mul3A_83 = arith.muli %arg1, %mul3A_82 : i32
          %add3A_84 = arith.addi %mul3A_81, %mul3A_83 : i32
          %mul3A_85 = arith.constant 392 : i32
          %mul3A_86 = arith.muli %scan3A_74, %mul3A_85 : i32
          %add3A_87 = arith.addi %add3A_84, %mul3A_86 : i32
          %mul3A_88 = arith.constant 32 : i32
          %mul3A_89 = arith.muli %sub3A_34, %mul3A_88 : i32
          "tpu.region"() ({
            %run_scoped3A_90 = tpu.sem_alloc : memref<!tpu.dma_semaphore, #tpu.memory_space<semaphore_mem>>
            %dma_start3A_91 = arith.constant 0 : i32
            %dma_start3A_92 = arith.constant 0 : i32
            %dma_start3A_93 = tpu.memref_slice %run_scoped3A[%dma_start3A_91, %dma_start3A_92] : memref<400x32xf32, #tpu.memory_space<vmem>> -> memref<392x32xf32, #tpu.memory_space<vmem>>
            %dma_start3A_94 = tpu.memref_slice %arg4[%add3A_87, %mul3A_89] : memref<150528x128xf32, #tpu.memory_space<hbm>> -> memref<392x32xf32, #tpu.memory_space<hbm>>
            %dma_start3A_95 = tpu.memref_slice %arg4[%add3A_87, %mul3A_89] : memref<150528x128xf32, #tpu.memory_space<hbm>> -> memref<392x32xf32, #tpu.memory_space<hbm>>
            %dma_start3A_96 = arith.constant 0 : i32
            %dma_start3A_97 = arith.constant 0 : i32
            %dma_start3A_98 = tpu.memref_slice %run_scoped3A[%dma_start3A_96, %dma_start3A_97] : memref<400x32xf32, #tpu.memory_space<vmem>> -> memref<392x32xf32, #tpu.memory_space<vmem>>
            tpu.enqueue_dma source(%dma_start3A_98 : memref<392x32xf32, #tpu.memory_space<vmem>>) target(%dma_start3A_95 : memref<392x32xf32, #tpu.memory_space<hbm>>) target_semaphore(%run_scoped3A_90 : memref<!tpu.dma_semaphore, #tpu.memory_space<semaphore_mem>>)
            %dma_wait3A = arith.constant 0 : i32
            %dma_wait3A_99 = arith.constant 0 : i32
            %dma_wait3A_100 = tpu.memref_slice %run_scoped3A[%dma_wait3A, %dma_wait3A_99] : memref<400x32xf32, #tpu.memory_space<vmem>> -> memref<392x32xf32, #tpu.memory_space<vmem>>
            %dma_wait3A_101 = tpu.memref_slice %arg4[%add3A_87, %mul3A_89] : memref<150528x128xf32, #tpu.memory_space<hbm>> -> memref<392x32xf32, #tpu.memory_space<hbm>>
            %dma_wait3A_102 = tpu.memref_slice %arg4[%add3A_87, %mul3A_89] : memref<150528x128xf32, #tpu.memory_space<hbm>> -> memref<392x32xf32, #tpu.memory_space<hbm>>
            %dma_wait3A_103 = arith.constant 0 : i32
            %dma_wait3A_104 = arith.constant 0 : i32
            %dma_wait3A_105 = tpu.memref_slice %run_scoped3A[%dma_wait3A_103, %dma_wait3A_104] : memref<400x32xf32, #tpu.memory_space<vmem>> -> memref<392x32xf32, #tpu.memory_space<vmem>>
            tpu.wait_dma2 semaphore(%run_scoped3A_90 : memref<!tpu.dma_semaphore, #tpu.memory_space<semaphore_mem>>) src(%dma_wait3A_105 : memref<392x32xf32, #tpu.memory_space<vmem>>) dst(%dma_wait3A_102 : memref<392x32xf32, #tpu.memory_space<hbm>>)
            tpu.yield
          }) : () -> ()
        }
        %scan3A_73 = arith.constant 8 : i32
      }
      %while3A_14 = arith.constant 1 : i32
      scf.for %while3A_15 = %while3A_12 to %while3A_8 step %while3A_14  : i32 {
        %jit3A = arith.constant 4 : i32
        %div3A = arith.divsi %while3A_15, %jit3A : i32
        %sign3A = arith.constant 0 : i32
        %sign3A_16 = arith.cmpi sgt, %while3A_15, %sign3A : i32
        %sign3A_17 = arith.extui %sign3A_16 : i1 to i32
        %sign3A_18 = arith.constant 0 : i32
        %sign3A_19 = arith.cmpi slt, %while3A_15, %sign3A_18 : i32
        %sign3A_20 = arith.extui %sign3A_19 : i1 to i32
        %sign3A_21 = arith.subi %sign3A_17, %sign3A_20 : i32
        %sign3A_22 = arith.constant 0 : i32
        %sign3A_23 = arith.cmpi sgt, %jit3A, %sign3A_22 : i32
        %sign3A_24 = arith.extui %sign3A_23 : i1 to i32
        %sign3A_25 = arith.constant 0 : i32
        %sign3A_26 = arith.cmpi slt, %jit3A, %sign3A_25 : i32
        %sign3A_27 = arith.extui %sign3A_26 : i1 to i32
        %sign3A_28 = arith.subi %sign3A_24, %sign3A_27 : i32
        %ne3A = arith.cmpi ne, %sign3A_21, %sign3A_28 : i32
        %rem3A = arith.remsi %while3A_15, %jit3A : i32
        %ne3A_29 = arith.constant 0 : i32
        %ne3A_30 = arith.cmpi ne, %rem3A, %ne3A_29 : i32
        %and3A = arith.andi %ne3A, %ne3A_30 : i1
        %sub3A = arith.constant 1 : i32
        %sub3A_31 = arith.subi %div3A, %sub3A : i32
        %select_n3A = arith.select %and3A, %sub3A_31, %div3A : i32
        %mul3A_32 = arith.constant 4 : i32
        %mul3A_33 = arith.muli %select_n3A, %mul3A_32 : i32
        %sub3A_34 = arith.subi %while3A_15, %mul3A_33 : i32
        %mul3A_35 = arith.constant 512 : i32
        %mul3A_36 = arith.muli %while3A_15, %mul3A_35 : i32
        %mul3A_37 = arith.constant 32 : i32
        %mul3A_38 = arith.muli %arg1, %mul3A_37 : i32
        %add3A_39 = arith.addi %mul3A_36, %mul3A_38 : i32
        %mul3A_40 = arith.constant 2 : i32
        %mul3A_41 = arith.muli %add3A_39, %mul3A_40 : i32
        %scan3A = arith.constant 0 : i32
        %scan3A_42 = arith.constant 0 : i32
        %scan3A_43 = arith.constant 392 : i32
        %scan3A_44 = arith.addi %scan3A_42, %scan3A_43 : i32
        %scan3A_45 = arith.constant 1 : i32
        scf.for %scan3A_74 = %scan3A_42 to %scan3A_44 step %scan3A_45  : i32 {
          %broadcast_in_dim3A = arith.constant 0.000000e+00 : f32
          %broadcast_in_dim3A_75 = vector.broadcast %broadcast_in_dim3A : f32 to vector<16xf32>
          %swap3A = arith.index_cast %scan3A_74 : i32 to index
          %swap3A_76 = arith.constant 0 : index
          %swap3A_77 = tpu.vector_load %run_scoped3A[%swap3A, %swap3A_76] {strides = array<i32>} : memref<400x32xf32, #tpu.memory_space<vmem>>, vector<1x16xf32>,
          %swap3A_78 = vector.shape_cast %swap3A_77 : vector<1x16xf32> to vector<16xf32>
          %swap3A_79 = vector.shape_cast %broadcast_in_dim3A_75 : vector<16xf32> to vector<1x16xf32>
          tpu.vector_store %run_scoped3A[%swap3A, %swap3A_76], %swap3A_79 {strides = array<i32>} : memref<400x32xf32, #tpu.memory_space<vmem>>, vector<1x16xf32>,
          %broadcast_in_dim3A_80 = arith.constant 0.000000e+00 : f32
          %broadcast_in_dim3A_81 = vector.broadcast %broadcast_in_dim3A_80 : f32 to vector<16xf32>
          %swap3A_82 = arith.index_cast %scan3A_74 : i32 to index
          %swap3A_83 = arith.constant 16 : index
          %swap3A_84 = tpu.vector_load %run_scoped3A[%swap3A_82, %swap3A_83] {strides = array<i32>} : memref<400x32xf32, #tpu.memory_space<vmem>>, vector<1x16xf32>,
          %swap3A_85 = vector.shape_cast %swap3A_84 : vector<1x16xf32> to vector<16xf32>
          %swap3A_86 = vector.shape_cast %broadcast_in_dim3A_81 : vector<16xf32> to vector<1x16xf32>
          tpu.vector_store %run_scoped3A[%swap3A_82, %swap3A_83], %swap3A_86 {strides = array<i32>} : memref<400x32xf32, #tpu.memory_space<vmem>>, vector<1x16xf32>,
        }
        %scan3A_46 = arith.constant 392 : i32
        %scan3A_47 = arith.constant 0 : i32
        %scan3A_48 = arith.constant 0 : i32
        %scan3A_49 = arith.constant 8 : i32
        %scan3A_50 = arith.addi %scan3A_48, %scan3A_49 : i32
        %scan3A_51 = arith.constant 1 : i32
        scf.for %scan3A_74 = %scan3A_48 to %scan3A_50 step %scan3A_51  : i32 {
          %mul3A_75 = arith.constant 3136 : i32
          %mul3A_76 = arith.muli %arg1, %mul3A_75 : i32
          %mul3A_77 = arith.constant 392 : i32
          %mul3A_78 = arith.muli %scan3A_74, %mul3A_77 : i32
          %add3A_79 = arith.addi %mul3A_76, %mul3A_78 : i32
          "tpu.region"() ({
            %run_scoped3A_80 = tpu.sem_alloc : memref<!tpu.dma_semaphore, #tpu.memory_space<semaphore_mem>>
            %dma_start3A_81 = arith.constant 0 : i32
            %dma_start3A_82 = arith.constant 0 : i32
            %dma_start3A_83 = tpu.memref_slice %run_scoped3A[%dma_start3A_81, %dma_start3A_82] : memref<400x32xf32, #tpu.memory_space<vmem>> -> memref<392x32xf32, #tpu.memory_space<vmem>>
            %dma_start3A_84 = arith.constant 0 : i32
            %dma_start3A_85 = tpu.memref_slice %arg5[%add3A_79, %dma_start3A_84] : memref<50176x32xf32, #tpu.memory_space<vmem_shared>> -> memref<392x32xf32, #tpu.memory_space<vmem_shared>>
            %dma_start3A_86 = arith.constant 0 : i32
            %dma_start3A_87 = tpu.memref_slice %arg5[%add3A_79, %dma_start3A_86] : memref<50176x32xf32, #tpu.memory_space<vmem_shared>> -> memref<392x32xf32, #tpu.memory_space<vmem_shared>>
            %dma_start3A_88 = arith.constant 0 : i32
            %dma_start3A_89 = arith.constant 0 : i32
            %dma_start3A_90 = tpu.memref_slice %run_scoped3A[%dma_start3A_88, %dma_start3A_89] : memref<400x32xf32, #tpu.memory_space<vmem>> -> memref<392x32xf32, #tpu.memory_space<vmem>>
            tpu.enqueue_dma source(%dma_start3A_90 : memref<392x32xf32, #tpu.memory_space<vmem>>) target(%dma_start3A_87 : memref<392x32xf32, #tpu.memory_space<vmem_shared>>) target_semaphore(%run_scoped3A_80 : memref<!tpu.dma_semaphore, #tpu.memory_space<semaphore_mem>>)
            %dma_wait3A = arith.constant 0 : i32
            %dma_wait3A_91 = arith.constant 0 : i32
            %dma_wait3A_92 = tpu.memref_slice %run_scoped3A[%dma_wait3A, %dma_wait3A_91] : memref<400x32xf32, #tpu.memory_space<vmem>> -> memref<392x32xf32, #tpu.memory_space<vmem>>
            %dma_wait3A_93 = arith.constant 0 : i32
            %dma_wait3A_94 = tpu.memref_slice %arg5[%add3A_79, %dma_wait3A_93] : memref<50176x32xf32, #tpu.memory_space<vmem_shared>> -> memref<392x32xf32, #tpu.memory_space<vmem_shared>>
            %dma_wait3A_95 = arith.constant 0 : i32
            %dma_wait3A_96 = tpu.memref_slice %arg5[%add3A_79, %dma_wait3A_95] : memref<50176x32xf32, #tpu.memory_space<vmem_shared>> -> memref<392x32xf32, #tpu.memory_space<vmem_shared>>
            %dma_wait3A_97 = arith.constant 0 : i32
            %dma_wait3A_98 = arith.constant 0 : i32
            %dma_wait3A_99 = tpu.memref_slice %run_scoped3A[%dma_wait3A_97, %dma_wait3A_98] : memref<400x32xf32, #tpu.memory_space<vmem>> -> memref<392x32xf32, #tpu.memory_space<vmem>>
            tpu.wait_dma2 semaphore(%run_scoped3A_80 : memref<!tpu.dma_semaphore, #tpu.memory_space<semaphore_mem>>) src(%dma_wait3A_99 : memref<392x32xf32, #tpu.memory_space<vmem>>) dst(%dma_wait3A_96 : memref<392x32xf32, #tpu.memory_space<vmem_shared>>)
            tpu.yield
          }) : () -> ()
        }
        %scan3A_52 = arith.constant 8 : i32
        %barrier3A = arith.constant 0 : index
        tpu.barrier barrier_id(%barrier3A)
        %add3A_53 = arith.constant 0 : i32
        %add3A_54 = arith.addi %mul3A_41, %add3A_53 : i32
        "tpu.region"() ({
          %run_scoped3A_74 = tpu.sem_alloc : memref<!tpu.dma_semaphore, #tpu.memory_space<semaphore_mem>>
          %dma_start3A_75 = arith.constant 0 : i32
          %dma_start3A_76 = tpu.memref_slice %arg3[%add3A_54, %dma_start3A_75] : memref<12288x400xi32, #tpu.memory_space<hbm>> -> memref<2x400xi32, #tpu.memory_space<hbm>>
          %dma_start3A_77 = arith.constant 0 : i32
          %dma_start3A_78 = tpu.memref_slice %arg3[%add3A_54, %dma_start3A_77] : memref<12288x400xi32, #tpu.memory_space<hbm>> -> memref<2x400xi32, #tpu.memory_space<hbm>>
          tpu.enqueue_dma source(%dma_start3A_78 : memref<2x400xi32, #tpu.memory_space<hbm>>) target(%run_scoped3A_1 : memref<2x400xi32, #tpu.memory_space<vmem>>) target_semaphore(%run_scoped3A_74 : memref<!tpu.dma_semaphore, #tpu.memory_space<semaphore_mem>>)
          %dma_wait3A = arith.constant 0 : i32
          %dma_wait3A_79 = tpu.memref_slice %arg3[%add3A_54, %dma_wait3A] : memref<12288x400xi32, #tpu.memory_space<hbm>> -> memref<2x400xi32, #tpu.memory_space<hbm>>
          %dma_wait3A_80 = arith.constant 0 : i32
          %dma_wait3A_81 = tpu.memref_slice %arg3[%add3A_54, %dma_wait3A_80] : memref<12288x400xi32, #tpu.memory_space<hbm>> -> memref<2x400xi32, #tpu.memory_space<hbm>>
          tpu.wait_dma2 semaphore(%run_scoped3A_74 : memref<!tpu.dma_semaphore, #tpu.memory_space<semaphore_mem>>) src(%dma_wait3A_81 : memref<2x400xi32, #tpu.memory_space<hbm>>) dst(%run_scoped3A_1 : memref<2x400xi32, #tpu.memory_space<vmem>>)
          tpu.yield
        }) : () -> ()
        %dma_start3A = arith.constant 0 : i32
        %dma_start3A_55 = arith.constant 0 : i32
        %dma_start3A_56 = tpu.memref_slice %run_scoped3A_1[%dma_start3A, %dma_start3A_55] : memref<2x400xi32, #tpu.memory_space<vmem>> -> memref<1x400xi32, #tpu.memory_space<vmem>>
        %dma_start3A_57 = tpu.memref_squeeze %dma_start3A_56 : memref<1x400xi32, #tpu.memory_space<vmem>> -> memref<400xi32, #tpu.memory_space<vmem>>
        %dma_start3A_58 = arith.constant 0 : i32
        %dma_start3A_59 = arith.constant 0 : i32
        %dma_start3A_60 = tpu.memref_slice %arg2[%dma_start3A_58, %dma_start3A_59] : memref<602112x32xf32, #tpu.memory_space<hbm>> -> memref<602112x32xf32, #tpu.memory_space<hbm>>
        tpu.enqueue_indirect_dma source(%dma_start3A_60 : memref<602112x32xf32, #tpu.memory_space<hbm>>) target(%run_scoped3A : memref<400x32xf32, #tpu.memory_space<vmem>>) offsets(%dma_start3A_57 : memref<400xi32, #tpu.memory_space<vmem>>) semaphore(%arg6 : memref<!tpu.dma_semaphore, #tpu.memory_space<semaphore_mem>>)
        %scan3A_61 = arith.constant 0 : i32
        %scan3A_62 = arith.constant 0 : i32
        %scan3A_63 = arith.constant 16 : i32
        %scan3A_64 = arith.addi %scan3A_62, %scan3A_63 : i32
        %scan3A_65 = arith.constant 1 : i32
        scf.for %scan3A_74 = %scan3A_62 to %scan3A_64 step %scan3A_65  : i32 {
          %mul3A_75 = arith.constant 2 : i32
          %mul3A_76 = arith.muli %mul3A_75, %scan3A_74 : i32
          %add3A_77 = arith.constant 1 : i32
          %add3A_78 = arith.addi %mul3A_76, %add3A_77 : i32
          %mul3A_79 = arith.constant 2 : i32
          %mul3A_80 = arith.muli %add3A_78, %mul3A_79 : i32
          %add3A_81 = arith.addi %mul3A_41, %mul3A_80 : i32
          "tpu.region"() ({
            %run_scoped3A_106 = tpu.sem_alloc : memref<!tpu.dma_semaphore, #tpu.memory_space<semaphore_mem>>
            %dma_start3A_107 = arith.constant 0 : i32
            %dma_start3A_108 = tpu.memref_slice %arg3[%add3A_81, %dma_start3A_107] : memref<12288x400xi32, #tpu.memory_space<hbm>> -> memref<2x400xi32, #tpu.memory_space<hbm>>
            %dma_start3A_109 = arith.constant 0 : i32
            %dma_start3A_110 = tpu.memref_slice %arg3[%add3A_81, %dma_start3A_109] : memref<12288x400xi32, #tpu.memory_space<hbm>> -> memref<2x400xi32, #tpu.memory_space<hbm>>
            tpu.enqueue_dma source(%dma_start3A_110 : memref<2x400xi32, #tpu.memory_space<hbm>>) target(%run_scoped3A_2 : memref<2x400xi32, #tpu.memory_space<vmem>>) target_semaphore(%run_scoped3A_106 : memref<!tpu.dma_semaphore, #tpu.memory_space<semaphore_mem>>)
            %dma_wait3A_111 = arith.constant 0 : i32
            %dma_wait3A_112 = tpu.memref_slice %arg3[%add3A_81, %dma_wait3A_111] : memref<12288x400xi32, #tpu.memory_space<hbm>> -> memref<2x400xi32, #tpu.memory_space<hbm>>
            %dma_wait3A_113 = arith.constant 0 : i32
            %dma_wait3A_114 = tpu.memref_slice %arg3[%add3A_81, %dma_wait3A_113] : memref<12288x400xi32, #tpu.memory_space<hbm>> -> memref<2x400xi32, #tpu.memory_space<hbm>>
            tpu.wait_dma2 semaphore(%run_scoped3A_106 : memref<!tpu.dma_semaphore, #tpu.memory_space<semaphore_mem>>) src(%dma_wait3A_114 : memref<2x400xi32, #tpu.memory_space<hbm>>) dst(%run_scoped3A_2 : memref<2x400xi32, #tpu.memory_space<vmem>>)
            tpu.yield
          }) : () -> ()
          %dma_start3A_82 = arith.constant 0 : i32
          %dma_start3A_83 = arith.constant 0 : i32
          %dma_start3A_84 = tpu.memref_slice %run_scoped3A_2[%dma_start3A_82, %dma_start3A_83] : memref<2x400xi32, #tpu.memory_space<vmem>> -> memref<1x400xi32, #tpu.memory_space<vmem>>
          %dma_start3A_85 = tpu.memref_squeeze %dma_start3A_84 : memref<1x400xi32, #tpu.memory_space<vmem>> -> memref<400xi32, #tpu.memory_space<vmem>>
          %dma_start3A_86 = arith.constant 0 : i32
          %dma_start3A_87 = arith.constant 0 : i32
          %dma_start3A_88 = tpu.memref_slice %arg2[%dma_start3A_86, %dma_start3A_87] : memref<602112x32xf32, #tpu.memory_space<hbm>> -> memref<602112x32xf32, #tpu.memory_space<hbm>>
          tpu.enqueue_indirect_dma source(%dma_start3A_88 : memref<602112x32xf32, #tpu.memory_space<hbm>>) target(%run_scoped3A_0 : memref<400x32xf32, #tpu.memory_space<vmem>>) offsets(%dma_start3A_85 : memref<400xi32, #tpu.memory_space<vmem>>) semaphore(%arg7 : memref<!tpu.dma_semaphore, #tpu.memory_space<semaphore_mem>>)
          %dma_wait3A = arith.constant 0 : i32
          %dma_wait3A_89 = arith.constant 0 : i32
          %dma_wait3A_90 = tpu.memref_slice %run_scoped3A_1[%dma_wait3A, %dma_wait3A_89] : memref<2x400xi32, #tpu.memory_space<vmem>> -> memref<1x400xi32, #tpu.memory_space<vmem>>
          %dma_wait3A_91 = tpu.memref_squeeze %dma_wait3A_90 : memref<1x400xi32, #tpu.memory_space<vmem>> -> memref<400xi32, #tpu.memory_space<vmem>>
          %dma_wait3A_92 = arith.constant 0 : i32
          %dma_wait3A_93 = arith.constant 0 : i32
          %dma_wait3A_94 = tpu.memref_slice %arg2[%dma_wait3A_92, %dma_wait3A_93] : memref<602112x32xf32, #tpu.memory_space<hbm>> -> memref<602112x32xf32, #tpu.memory_space<hbm>>
          tpu.wait_indirect_dma semaphore(%arg6 : memref<!tpu.dma_semaphore, #tpu.memory_space<semaphore_mem>>) src(%dma_wait3A_94 : memref<602112x32xf32, #tpu.memory_space<hbm>>) dst(%run_scoped3A : memref<400x32xf32, #tpu.memory_space<vmem>>)
          %run_scoped3A_95 = arith.constant 1 : i32
          "tpu.region"() ({
            %run_scoped3A_106 = tpu.sem_alloc : memref<!tpu.dma_semaphore, #tpu.memory_space<semaphore_mem>>
            %dma_start3A_107 = arith.constant 0 : i32
            %dma_start3A_108 = tpu.memref_slice %run_scoped3A_1[%run_scoped3A_95, %dma_start3A_107] : memref<2x400xi32, #tpu.memory_space<vmem>> -> memref<1x400xi32, #tpu.memory_space<vmem>>
            %dma_start3A_109 = tpu.memref_squeeze %dma_start3A_108 : memref<1x400xi32, #tpu.memory_space<vmem>> -> memref<400xi32, #tpu.memory_space<vmem>>
            %dma_start3A_110 = arith.constant 0 : i32
            %dma_start3A_111 = arith.constant 0 : i32
            %dma_start3A_112 = tpu.memref_slice %arg5[%dma_start3A_110, %dma_start3A_111] : memref<50176x32xf32, #tpu.memory_space<vmem_shared>> -> memref<50176x32xf32, #tpu.memory_space<vmem_shared>>
            tpu.enqueue_indirect_dma source(%run_scoped3A : memref<400x32xf32, #tpu.memory_space<vmem>>) target(%dma_start3A_112 : memref<50176x32xf32, #tpu.memory_space<vmem_shared>>) offsets(%dma_start3A_109 : memref<400xi32, #tpu.memory_space<vmem>>) semaphore(%run_scoped3A_106 : memref<!tpu.dma_semaphore, #tpu.memory_space<semaphore_mem>>) {add = true}
            %dma_wait3A_113 = arith.constant 0 : i32
            %dma_wait3A_114 = tpu.memref_slice %run_scoped3A_1[%run_scoped3A_95, %dma_wait3A_113] : memref<2x400xi32, #tpu.memory_space<vmem>> -> memref<1x400xi32, #tpu.memory_space<vmem>>
            %dma_wait3A_115 = tpu.memref_squeeze %dma_wait3A_114 : memref<1x400xi32, #tpu.memory_space<vmem>> -> memref<400xi32, #tpu.memory_space<vmem>>
            %dma_wait3A_116 = arith.constant 0 : i32
            %dma_wait3A_117 = arith.constant 0 : i32
            %dma_wait3A_118 = tpu.memref_slice %arg5[%dma_wait3A_116, %dma_wait3A_117] : memref<50176x32xf32, #tpu.memory_space<vmem_shared>> -> memref<50176x32xf32, #tpu.memory_space<vmem_shared>>
            tpu.wait_indirect_dma semaphore(%run_scoped3A_106 : memref<!tpu.dma_semaphore, #tpu.memory_space<semaphore_mem>>) src(%run_scoped3A : memref<400x32xf32, #tpu.memory_space<vmem>>) dst(%dma_wait3A_118 : memref<50176x32xf32, #tpu.memory_space<vmem_shared>>)
            tpu.yield
          }) : () -> ()
          %lt3A = arith.constant 15 : i32
          %lt3A_96 = arith.cmpi slt, %scan3A_74, %lt3A : i32
          %convert_element_type3A = arith.extui %lt3A_96 : i1 to i32
          %cond3A = arith.constant 0 : i32
          %cond3A_97 = arith.cmpi ne, %convert_element_type3A, %cond3A : i32
          scf.if %cond3A_97 {
            %mul3A_106 = arith.constant 2 : i32
            %mul3A_107 = arith.muli %mul3A_106, %scan3A_74 : i32
            %add3A_108 = arith.constant 2 : i32
            %add3A_109 = arith.addi %mul3A_107, %add3A_108 : i32
            %mul3A_110 = arith.constant 2 : i32
            %mul3A_111 = arith.muli %add3A_109, %mul3A_110 : i32
            %add3A_112 = arith.addi %mul3A_41, %mul3A_111 : i32
            "tpu.region"() ({
              %run_scoped3A_120 = tpu.sem_alloc : memref<!tpu.dma_semaphore, #tpu.memory_space<semaphore_mem>>
              %dma_start3A_121 = arith.constant 0 : i32
              %dma_start3A_122 = tpu.memref_slice %arg3[%add3A_112, %dma_start3A_121] : memref<12288x400xi32, #tpu.memory_space<hbm>> -> memref<2x400xi32, #tpu.memory_space<hbm>>
              %dma_start3A_123 = arith.constant 0 : i32
              %dma_start3A_124 = tpu.memref_slice %arg3[%add3A_112, %dma_start3A_123] : memref<12288x400xi32, #tpu.memory_space<hbm>> -> memref<2x400xi32, #tpu.memory_space<hbm>>
              tpu.enqueue_dma source(%dma_start3A_124 : memref<2x400xi32, #tpu.memory_space<hbm>>) target(%run_scoped3A_1 : memref<2x400xi32, #tpu.memory_space<vmem>>) target_semaphore(%run_scoped3A_120 : memref<!tpu.dma_semaphore, #tpu.memory_space<semaphore_mem>>)
              %dma_wait3A_125 = arith.constant 0 : i32
              %dma_wait3A_126 = tpu.memref_slice %arg3[%add3A_112, %dma_wait3A_125] : memref<12288x400xi32, #tpu.memory_space<hbm>> -> memref<2x400xi32, #tpu.memory_space<hbm>>
              %dma_wait3A_127 = arith.constant 0 : i32
              %dma_wait3A_128 = tpu.memref_slice %arg3[%add3A_112, %dma_wait3A_127] : memref<12288x400xi32, #tpu.memory_space<hbm>> -> memref<2x400xi32, #tpu.memory_space<hbm>>
              tpu.wait_dma2 semaphore(%run_scoped3A_120 : memref<!tpu.dma_semaphore, #tpu.memory_space<semaphore_mem>>) src(%dma_wait3A_128 : memref<2x400xi32, #tpu.memory_space<hbm>>) dst(%run_scoped3A_1 : memref<2x400xi32, #tpu.memory_space<vmem>>)
              tpu.yield
            }) : () -> ()
            %dma_start3A_113 = arith.constant 0 : i32
            %dma_start3A_114 = arith.constant 0 : i32
            %dma_start3A_115 = tpu.memref_slice %run_scoped3A_1[%dma_start3A_113, %dma_start3A_114] : memref<2x400xi32, #tpu.memory_space<vmem>> -> memref<1x400xi32, #tpu.memory_space<vmem>>
            %dma_start3A_116 = tpu.memref_squeeze %dma_start3A_115 : memref<1x400xi32, #tpu.memory_space<vmem>> -> memref<400xi32, #tpu.memory_space<vmem>>
            %dma_start3A_117 = arith.constant 0 : i32
            %dma_start3A_118 = arith.constant 0 : i32
            %dma_start3A_119 = tpu.memref_slice %arg2[%dma_start3A_117, %dma_start3A_118] : memref<602112x32xf32, #tpu.memory_space<hbm>> -> memref<602112x32xf32, #tpu.memory_space<hbm>>
            tpu.enqueue_indirect_dma source(%dma_start3A_119 : memref<602112x32xf32, #tpu.memory_space<hbm>>) target(%run_scoped3A : memref<400x32xf32, #tpu.memory_space<vmem>>) offsets(%dma_start3A_116 : memref<400xi32, #tpu.memory_space<vmem>>) semaphore(%arg6 : memref<!tpu.dma_semaphore, #tpu.memory_space<semaphore_mem>>)
          } else {
          }
          %dma_wait3A_98 = arith.constant 0 : i32
          %dma_wait3A_99 = arith.constant 0 : i32
          %dma_wait3A_100 = tpu.memref_slice %run_scoped3A_2[%dma_wait3A_98, %dma_wait3A_99] : memref<2x400xi32, #tpu.memory_space<vmem>> -> memref<1x400xi32, #tpu.memory_space<vmem>>
          %dma_wait3A_101 = tpu.memref_squeeze %dma_wait3A_100 : memref<1x400xi32, #tpu.memory_space<vmem>> -> memref<400xi32, #tpu.memory_space<vmem>>
          %dma_wait3A_102 = arith.constant 0 : i32
          %dma_wait3A_103 = arith.constant 0 : i32
          %dma_wait3A_104 = tpu.memref_slice %arg2[%dma_wait3A_102, %dma_wait3A_103] : memref<602112x32xf32, #tpu.memory_space<hbm>> -> memref<602112x32xf32, #tpu.memory_space<hbm>>
          tpu.wait_indirect_dma semaphore(%arg7 : memref<!tpu.dma_semaphore, #tpu.memory_space<semaphore_mem>>) src(%dma_wait3A_104 : memref<602112x32xf32, #tpu.memory_space<hbm>>) dst(%run_scoped3A_0 : memref<400x32xf32, #tpu.memory_space<vmem>>)
          %run_scoped3A_105 = arith.constant 1 : i32
          "tpu.region"() ({
            %run_scoped3A_106 = tpu.sem_alloc : memref<!tpu.dma_semaphore, #tpu.memory_space<semaphore_mem>>
            %dma_start3A_107 = arith.constant 0 : i32
            %dma_start3A_108 = tpu.memref_slice %run_scoped3A_2[%run_scoped3A_105, %dma_start3A_107] : memref<2x400xi32, #tpu.memory_space<vmem>> -> memref<1x400xi32, #tpu.memory_space<vmem>>
            %dma_start3A_109 = tpu.memref_squeeze %dma_start3A_108 : memref<1x400xi32, #tpu.memory_space<vmem>> -> memref<400xi32, #tpu.memory_space<vmem>>
            %dma_start3A_110 = arith.constant 0 : i32
            %dma_start3A_111 = arith.constant 0 : i32
            %dma_start3A_112 = tpu.memref_slice %arg5[%dma_start3A_110, %dma_start3A_111] : memref<50176x32xf32, #tpu.memory_space<vmem_shared>> -> memref<50176x32xf32, #tpu.memory_space<vmem_shared>>
            tpu.enqueue_indirect_dma source(%run_scoped3A_0 : memref<400x32xf32, #tpu.memory_space<vmem>>) target(%dma_start3A_112 : memref<50176x32xf32, #tpu.memory_space<vmem_shared>>) offsets(%dma_start3A_109 : memref<400xi32, #tpu.memory_space<vmem>>) semaphore(%run_scoped3A_106 : memref<!tpu.dma_semaphore, #tpu.memory_space<semaphore_mem>>) {add = true}
            %dma_wait3A_113 = arith.constant 0 : i32
            %dma_wait3A_114 = tpu.memref_slice %run_scoped3A_2[%run_scoped3A_105, %dma_wait3A_113] : memref<2x400xi32, #tpu.memory_space<vmem>> -> memref<1x400xi32, #tpu.memory_space<vmem>>
            %dma_wait3A_115 = tpu.memref_squeeze %dma_wait3A_114 : memref<1x400xi32, #tpu.memory_space<vmem>> -> memref<400xi32, #tpu.memory_space<vmem>>
            %dma_wait3A_116 = arith.constant 0 : i32
            %dma_wait3A_117 = arith.constant 0 : i32
            %dma_wait3A_118 = tpu.memref_slice %arg5[%dma_wait3A_116, %dma_wait3A_117] : memref<50176x32xf32, #tpu.memory_space<vmem_shared>> -> memref<50176x32xf32, #tpu.memory_space<vmem_shared>>
            tpu.wait_indirect_dma semaphore(%run_scoped3A_106 : memref<!tpu.dma_semaphore, #tpu.memory_space<semaphore_mem>>) src(%run_scoped3A_0 : memref<400x32xf32, #tpu.memory_space<vmem>>) dst(%dma_wait3A_118 : memref<50176x32xf32, #tpu.memory_space<vmem_shared>>)
            tpu.yield
          }) : () -> ()
        }
        %scan3A_66 = arith.constant 16 : i32
        %barrier3A_67 = arith.constant 0 : index
        tpu.barrier barrier_id(%barrier3A_67)
        %scan3A_68 = arith.constant 0 : i32
        %scan3A_69 = arith.constant 0 : i32
        %scan3A_70 = arith.constant 8 : i32
        %scan3A_71 = arith.addi %scan3A_69, %scan3A_70 : i32
        %scan3A_72 = arith.constant 1 : i32
        scf.for %scan3A_74 = %scan3A_69 to %scan3A_71 step %scan3A_72  : i32 {
          %mul3A_75 = arith.constant 3136 : i32
          %mul3A_76 = arith.muli %arg1, %mul3A_75 : i32
          %mul3A_77 = arith.constant 392 : i32
          %mul3A_78 = arith.muli %scan3A_74, %mul3A_77 : i32
          %add3A_79 = arith.addi %mul3A_76, %mul3A_78 : i32
          "tpu.region"() ({
            %run_scoped3A_90 = tpu.sem_alloc : memref<!tpu.dma_semaphore, #tpu.memory_space<semaphore_mem>>
            %dma_start3A_91 = arith.constant 0 : i32
            %dma_start3A_92 = arith.constant 0 : i32
            %dma_start3A_93 = tpu.memref_slice %run_scoped3A[%dma_start3A_91, %dma_start3A_92] : memref<400x32xf32, #tpu.memory_space<vmem>> -> memref<392x32xf32, #tpu.memory_space<vmem>>
            %dma_start3A_94 = arith.constant 0 : i32
            %dma_start3A_95 = tpu.memref_slice %arg5[%add3A_79, %dma_start3A_94] : memref<50176x32xf32, #tpu.memory_space<vmem_shared>> -> memref<392x32xf32, #tpu.memory_space<vmem_shared>>
            %dma_start3A_96 = arith.constant 0 : i32
            %dma_start3A_97 = arith.constant 0 : i32
            %dma_start3A_98 = tpu.memref_slice %run_scoped3A[%dma_start3A_96, %dma_start3A_97] : memref<400x32xf32, #tpu.memory_space<vmem>> -> memref<392x32xf32, #tpu.memory_space<vmem>>
            %dma_start3A_99 = arith.constant 0 : i32
            %dma_start3A_100 = tpu.memref_slice %arg5[%add3A_79, %dma_start3A_99] : memref<50176x32xf32, #tpu.memory_space<vmem_shared>> -> memref<392x32xf32, #tpu.memory_space<vmem_shared>>
            tpu.enqueue_dma source(%dma_start3A_100 : memref<392x32xf32, #tpu.memory_space<vmem_shared>>) target(%dma_start3A_98 : memref<392x32xf32, #tpu.memory_space<vmem>>) target_semaphore(%run_scoped3A_90 : memref<!tpu.dma_semaphore, #tpu.memory_space<semaphore_mem>>)
            %dma_wait3A = arith.constant 0 : i32
            %dma_wait3A_101 = arith.constant 0 : i32
            %dma_wait3A_102 = tpu.memref_slice %run_scoped3A[%dma_wait3A, %dma_wait3A_101] : memref<400x32xf32, #tpu.memory_space<vmem>> -> memref<392x32xf32, #tpu.memory_space<vmem>>
            %dma_wait3A_103 = arith.constant 0 : i32
            %dma_wait3A_104 = tpu.memref_slice %arg5[%add3A_79, %dma_wait3A_103] : memref<50176x32xf32, #tpu.memory_space<vmem_shared>> -> memref<392x32xf32, #tpu.memory_space<vmem_shared>>
            %dma_wait3A_105 = arith.constant 0 : i32
            %dma_wait3A_106 = arith.constant 0 : i32
            %dma_wait3A_107 = tpu.memref_slice %run_scoped3A[%dma_wait3A_105, %dma_wait3A_106] : memref<400x32xf32, #tpu.memory_space<vmem>> -> memref<392x32xf32, #tpu.memory_space<vmem>>
            %dma_wait3A_108 = arith.constant 0 : i32
            %dma_wait3A_109 = tpu.memref_slice %arg5[%add3A_79, %dma_wait3A_108] : memref<50176x32xf32, #tpu.memory_space<vmem_shared>> -> memref<392x32xf32, #tpu.memory_space<vmem_shared>>
            tpu.wait_dma2 semaphore(%run_scoped3A_90 : memref<!tpu.dma_semaphore, #tpu.memory_space<semaphore_mem>>) src(%dma_wait3A_109 : memref<392x32xf32, #tpu.memory_space<vmem_shared>>) dst(%dma_wait3A_107 : memref<392x32xf32, #tpu.memory_space<vmem>>)
            tpu.yield
          }) : () -> ()
          %mul3A_80 = arith.constant 50176 : i32
          %mul3A_81 = arith.muli %select_n3A, %mul3A_80 : i32
          %mul3A_82 = arith.constant 3136 : i32
          %mul3A_83 = arith.muli %arg1, %mul3A_82 : i32
          %add3A_84 = arith.addi %mul3A_81, %mul3A_83 : i32
          %mul3A_85 = arith.constant 392 : i32
          %mul3A_86 = arith.muli %scan3A_74, %mul3A_85 : i32
          %add3A_87 = arith.addi %add3A_84, %mul3A_86 : i32
          %mul3A_88 = arith.constant 32 : i32
          %mul3A_89 = arith.muli %sub3A_34, %mul3A_88 : i32
          "tpu.region"() ({
            %run_scoped3A_90 = tpu.sem_alloc : memref<!tpu.dma_semaphore, #tpu.memory_space<semaphore_mem>>
            %dma_start3A_91 = arith.constant 0 : i32
            %dma_start3A_92 = arith.constant 0 : i32
            %dma_start3A_93 = tpu.memref_slice %run_scoped3A[%dma_start3A_91, %dma_start3A_92] : memref<400x32xf32, #tpu.memory_space<vmem>> -> memref<392x32xf32, #tpu.memory_space<vmem>>
            %dma_start3A_94 = tpu.memref_slice %arg4[%add3A_87, %mul3A_89] : memref<150528x128xf32, #tpu.memory_space<hbm>> -> memref<392x32xf32, #tpu.memory_space<hbm>>
            %dma_start3A_95 = tpu.memref_slice %arg4[%add3A_87, %mul3A_89] : memref<150528x128xf32, #tpu.memory_space<hbm>> -> memref<392x32xf32, #tpu.memory_space<hbm>>
            %dma_start3A_96 = arith.constant 0 : i32
            %dma_start3A_97 = arith.constant 0 : i32
            %dma_start3A_98 = tpu.memref_slice %run_scoped3A[%dma_start3A_96, %dma_start3A_97] : memref<400x32xf32, #tpu.memory_space<vmem>> -> memref<392x32xf32, #tpu.memory_space<vmem>>
            tpu.enqueue_dma source(%dma_start3A_98 : memref<392x32xf32, #tpu.memory_space<vmem>>) target(%dma_start3A_95 : memref<392x32xf32, #tpu.memory_space<hbm>>) target_semaphore(%run_scoped3A_90 : memref<!tpu.dma_semaphore, #tpu.memory_space<semaphore_mem>>)
            %dma_wait3A = arith.constant 0 : i32
            %dma_wait3A_99 = arith.constant 0 : i32
            %dma_wait3A_100 = tpu.memref_slice %run_scoped3A[%dma_wait3A, %dma_wait3A_99] : memref<400x32xf32, #tpu.memory_space<vmem>> -> memref<392x32xf32, #tpu.memory_space<vmem>>
            %dma_wait3A_101 = tpu.memref_slice %arg4[%add3A_87, %mul3A_89] : memref<150528x128xf32, #tpu.memory_space<hbm>> -> memref<392x32xf32, #tpu.memory_space<hbm>>
            %dma_wait3A_102 = tpu.memref_slice %arg4[%add3A_87, %mul3A_89] : memref<150528x128xf32, #tpu.memory_space<hbm>> -> memref<392x32xf32, #tpu.memory_space<hbm>>
            %dma_wait3A_103 = arith.constant 0 : i32
            %dma_wait3A_104 = arith.constant 0 : i32
            %dma_wait3A_105 = tpu.memref_slice %run_scoped3A[%dma_wait3A_103, %dma_wait3A_104] : memref<400x32xf32, #tpu.memory_space<vmem>> -> memref<392x32xf32, #tpu.memory_space<vmem>>
            tpu.wait_dma2 semaphore(%run_scoped3A_90 : memref<!tpu.dma_semaphore, #tpu.memory_space<semaphore_mem>>) src(%dma_wait3A_105 : memref<392x32xf32, #tpu.memory_space<vmem>>) dst(%dma_wait3A_102 : memref<392x32xf32, #tpu.memory_space<hbm>>)
            tpu.yield
          }) : () -> ()
        }
        %scan3A_73 = arith.constant 8 : i32
      }
      tpu.yield
    }) : () -> ()
    return
  }
}

module attributes {stable_mosaic.version = 14 : i64} {
  func.func @_mm_body(%arg0: i32, %arg1: memref<1024x128xf32, #tpu.memory_space<vmem>>, %arg2: memref<128x384xf32, #tpu.memory_space<vmem>>, %arg3: memref<1024x384xf32, #tpu.memory_space<vmem>>) attributes {dimension_semantics = [#tpu.dimension_semantics<arbitrary>], iteration_bounds = array<i64: 49>, scalar_prefetch = 0 : i64, scratch_operands = 0 : i64, tpu.core_type = #tpu.core_type<tc>, window_params = [{transform_indices = @transform_0, window_bounds = array<i64: 1024, 128>}, {pipeline_mode = #tpu.pipeline_mode<synchronous>, transform_indices = @transform_1, window_bounds = array<i64: 128, 384>}, {transform_indices = @transform_2, window_bounds = array<i64: 1024, 384>}]} {
    %get3A = arith.constant 0 : index
    %get3A_0 = arith.constant 0 : index
    %get3A_1 = vector.load %arg1[%get3A, %get3A_0] : memref<1024x128xf32, #tpu.memory_space<vmem>>, vector<1024x128xf32>
    %get3A_2 = arith.constant 0 : index
    %get3A_3 = arith.constant 0 : index
    %get3A_4 = vector.load %arg2[%get3A_2, %get3A_3] : memref<128x384xf32, #tpu.memory_space<vmem>>, vector<128x384xf32>
    %dot_general3A = arith.constant dense<0.000000e+00> : vector<1024x384xf32>
    %dot_general3A_5 = tpu.matmul %get3A_1, %get3A_4, %dot_general3A {dimension_numbers = #tpu.dot_dimension_numbers<[1], [0], [0], [1], [0, 0, 1, 1], [], []>, transpose_lhs_hint = false} : vector<1024x128xf32>, vector<128x384xf32>, vector<1024x384xf32> -> vector<1024x384xf32>
    %swap3A = arith.constant 0 : index
    %swap3A_6 = arith.constant 0 : index
    %swap3A_7 = vector.load %arg3[%swap3A, %swap3A_6] : memref<1024x384xf32, #tpu.memory_space<vmem>>, vector<1024x384xf32>
    tpu.vector_store %arg3[%swap3A, %swap3A_6], %dot_general3A_5 {strides = array<i32>} : memref<1024x384xf32, #tpu.memory_space<vmem>>, vector<1024x384xf32>,
    return
  }
  func.func @transform_0(%arg0: i32) -> (i32, i32) {
    %c0_i32 = arith.constant 0 : i32
    %c0_i32_0 = arith.constant 0 : i32
    return %arg0, %c0_i32 : i32, i32
  }
  func.func @transform_1(%arg0: i32) -> (i32, i32) {
    %c0_i32 = arith.constant 0 : i32
    %c0_i32_0 = arith.constant 0 : i32
    %c0_i32_1 = arith.constant 0 : i32
    return %c0_i32, %c0_i32_0 : i32, i32
  }
  func.func @transform_2(%arg0: i32) -> (i32, i32) {
    %c0_i32 = arith.constant 0 : i32
    %c0_i32_0 = arith.constant 0 : i32
    return %arg0, %c0_i32 : i32, i32
  }
}

module attributes {stable_mosaic.version = 14 : i64} {
  func.func @_epi_body(%arg0: i32, %arg1: memref<3x1024x128xf32, #tpu.memory_space<vmem>>, %arg2: memref<3x1024x1xf32, #tpu.memory_space<vmem>>, %arg3: memref<1024x128xf32, #tpu.memory_space<vmem>>, %arg4: memref<128x128xf32, #tpu.memory_space<vmem>>, %arg5: memref<1x128xf32, #tpu.memory_space<vmem>>, %arg6: memref<128x384xf32, #tpu.memory_space<vmem>>, %arg7: memref<1024x128xf32, #tpu.memory_space<vmem>>, %arg8: memref<1024x384xf32, #tpu.memory_space<vmem>>) attributes {dimension_semantics = [#tpu.dimension_semantics<arbitrary>], iteration_bounds = array<i64: 49>, scalar_prefetch = 0 : i64, scratch_operands = 0 : i64, tpu.core_type = #tpu.core_type<tc>, window_params = [{transform_indices = @transform_0, window_bounds = array<i64: 3, 1024, 128>}, {transform_indices = @transform_1, window_bounds = array<i64: 3, 1024, 1>}, {transform_indices = @transform_2, window_bounds = array<i64: 1024, 128>}, {pipeline_mode = #tpu.pipeline_mode<synchronous>, transform_indices = @transform_3, window_bounds = array<i64: 128, 128>}, {pipeline_mode = #tpu.pipeline_mode<synchronous>, transform_indices = @transform_4, window_bounds = array<i64: 1, 128>}, {pipeline_mode = #tpu.pipeline_mode<synchronous>, transform_indices = @transform_5, window_bounds = array<i64: 128, 384>}, {transform_indices = @transform_6, window_bounds = array<i64: 1024, 128>}, {transform_indices = @transform_7, window_bounds = array<i64: 1024, 384>}]} {
    %get3A = arith.constant 0 : index
    %get3A_0 = arith.constant 0 : index
    %get3A_1 = arith.constant 0 : index
    %get3A_2 = vector.load %arg2[%get3A, %get3A_0, %get3A_1] : memref<3x1024x1xf32, #tpu.memory_space<vmem>>, vector<3x1024x1xf32>
    %max3A = arith.constant 1.000000e+00 : f32
    %max3A_3 = vector.broadcast %max3A : f32 to vector<3x1024x1xf32>
    %max3A_4 = arith.maximumf %get3A_2, %max3A_3 : vector<3x1024x1xf32>
    %div3A = arith.constant 1.000000e+00 : f32
    %div3A_5 = vector.broadcast %div3A : f32 to vector<3x1024x1xf32>
    %div3A_6 = arith.divf %div3A_5, %max3A_4 : vector<3x1024x1xf32>
    %get3A_7 = arith.constant 0 : index
    %get3A_8 = arith.constant 0 : index
    %get3A_9 = arith.constant 0 : index
    %get3A_10 = vector.load %arg1[%get3A_7, %get3A_8, %get3A_9] : memref<3x1024x128xf32, #tpu.memory_space<vmem>>, vector<3x1024x128xf32>
    %mul3A = vector.broadcast %div3A_6 : vector<3x1024x1xf32> to vector<3x1024x128xf32>
    %mul3A_11 = arith.mulf %get3A_10, %mul3A : vector<3x1024x128xf32>
    %reduce_sum3A = arith.constant dense<0.000000e+00> : vector<1024x128xf32>
    %reduce_sum3A_12 = vector.multi_reduction <add>, %mul3A_11, %reduce_sum3A [0] : vector<3x1024x128xf32> to vector<1024x128xf32>
    %get3A_13 = arith.constant 0 : index
    %get3A_14 = arith.constant 0 : index
    %get3A_15 = vector.load %arg3[%get3A_13, %get3A_14] : memref<1024x128xf32, #tpu.memory_space<vmem>>, vector<1024x128xf32>
    %get3A_16 = arith.constant 0 : index
    %get3A_17 = arith.constant 0 : index
    %get3A_18 = vector.load %arg4[%get3A_16, %get3A_17] : memref<128x128xf32, #tpu.memory_space<vmem>>, vector<128x128xf32>
    %dot_general3A = arith.constant dense<0.000000e+00> : vector<1024x128xf32>
    %dot_general3A_19 = tpu.matmul %get3A_15, %get3A_18, %dot_general3A {dimension_numbers = #tpu.dot_dimension_numbers<[1], [0], [0], [1], [0, 0, 1, 1], [], []>, transpose_lhs_hint = false} : vector<1024x128xf32>, vector<128x128xf32>, vector<1024x128xf32> -> vector<1024x128xf32>
    %add3A = arith.addf %reduce_sum3A_12, %dot_general3A_19 : vector<1024x128xf32>
    %get3A_20 = arith.constant 0 : index
    %get3A_21 = arith.constant 0 : index
    %get3A_22 = vector.load %arg5[%get3A_20, %get3A_21] : memref<1x128xf32, #tpu.memory_space<vmem>>, vector<1x128xf32>
    %add3A_23 = vector.broadcast %get3A_22 : vector<1x128xf32> to vector<1024x128xf32>
    %add3A_24 = arith.addf %add3A, %add3A_23 : vector<1024x128xf32>
    %max3A_25 = arith.constant 0.000000e+00 : f32
    %max3A_26 = vector.broadcast %max3A_25 : f32 to vector<1024x128xf32>
    %max3A_27 = arith.maximumf %add3A_24, %max3A_26 : vector<1024x128xf32>
    %swap3A = arith.constant 0 : index
    %swap3A_28 = arith.constant 0 : index
    %swap3A_29 = vector.load %arg7[%swap3A, %swap3A_28] : memref<1024x128xf32, #tpu.memory_space<vmem>>, vector<1024x128xf32>
    tpu.vector_store %arg7[%swap3A, %swap3A_28], %max3A_27 {strides = array<i32>} : memref<1024x128xf32, #tpu.memory_space<vmem>>, vector<1024x128xf32>,
    %get3A_30 = arith.constant 0 : index
    %get3A_31 = arith.constant 0 : index
    %get3A_32 = vector.load %arg6[%get3A_30, %get3A_31] : memref<128x384xf32, #tpu.memory_space<vmem>>, vector<128x384xf32>
    %dot_general3A_33 = arith.constant dense<0.000000e+00> : vector<1024x384xf32>
    %dot_general3A_34 = tpu.matmul %max3A_27, %get3A_32, %dot_general3A_33 {dimension_numbers = #tpu.dot_dimension_numbers<[1], [0], [0], [1], [0, 0, 1, 1], [], []>, transpose_lhs_hint = false} : vector<1024x128xf32>, vector<128x384xf32>, vector<1024x384xf32> -> vector<1024x384xf32>
    %swap3A_35 = arith.constant 0 : index
    %swap3A_36 = arith.constant 0 : index
    %swap3A_37 = vector.load %arg8[%swap3A_35, %swap3A_36] : memref<1024x384xf32, #tpu.memory_space<vmem>>, vector<1024x384xf32>
    tpu.vector_store %arg8[%swap3A_35, %swap3A_36], %dot_general3A_34 {strides = array<i32>} : memref<1024x384xf32, #tpu.memory_space<vmem>>, vector<1024x384xf32>,
    return
  }
  func.func @transform_0(%arg0: i32) -> (i32, i32, i32) {
    %c0_i32 = arith.constant 0 : i32
    %c0_i32_0 = arith.constant 0 : i32
    %c0_i32_1 = arith.constant 0 : i32
    return %c0_i32, %arg0, %c0_i32_0 : i32, i32, i32
  }
  func.func @transform_1(%arg0: i32) -> (i32, i32, i32) {
    %c0_i32 = arith.constant 0 : i32
    %c0_i32_0 = arith.constant 0 : i32
    %c0_i32_1 = arith.constant 0 : i32
    return %c0_i32, %arg0, %c0_i32_0 : i32, i32, i32
  }
  func.func @transform_2(%arg0: i32) -> (i32, i32) {
    %c0_i32 = arith.constant 0 : i32
    %c0_i32_0 = arith.constant 0 : i32
    return %arg0, %c0_i32 : i32, i32
  }
  func.func @transform_3(%arg0: i32) -> (i32, i32) {
    %c0_i32 = arith.constant 0 : i32
    %c0_i32_0 = arith.constant 0 : i32
    %c0_i32_1 = arith.constant 0 : i32
    return %c0_i32, %c0_i32_0 : i32, i32
  }
  func.func @transform_4(%arg0: i32) -> (i32, i32) {
    %c0_i32 = arith.constant 0 : i32
    %c0_i32_0 = arith.constant 0 : i32
    %c0_i32_1 = arith.constant 0 : i32
    return %c0_i32, %c0_i32_0 : i32, i32
  }
  func.func @transform_5(%arg0: i32) -> (i32, i32) {
    %c0_i32 = arith.constant 0 : i32
    %c0_i32_0 = arith.constant 0 : i32
    %c0_i32_1 = arith.constant 0 : i32
    return %c0_i32, %c0_i32_0 : i32, i32
  }
  func.func @transform_6(%arg0: i32) -> (i32, i32) {
    %c0_i32 = arith.constant 0 : i32
    %c0_i32_0 = arith.constant 0 : i32
    return %arg0, %c0_i32 : i32, i32
  }
  func.func @transform_7(%arg0: i32) -> (i32, i32) {
    %c0_i32 = arith.constant 0 : i32
    %c0_i32_0 = arith.constant 0 : i32
    return %arg0, %c0_i32 : i32, i32
  }
}

module attributes {stable_mosaic.version = 14 : i64} {
  func.func @_epi_body(%arg0: i32, %arg1: memref<3x1024x128xf32, #tpu.memory_space<vmem>>, %arg2: memref<3x1024x1xf32, #tpu.memory_space<vmem>>, %arg3: memref<1024x128xf32, #tpu.memory_space<vmem>>, %arg4: memref<128x128xf32, #tpu.memory_space<vmem>>, %arg5: memref<1x128xf32, #tpu.memory_space<vmem>>, %arg6: memref<128x192xf32, #tpu.memory_space<vmem>>, %arg7: memref<1024x128xf32, #tpu.memory_space<vmem>>, %arg8: memref<1024x192xf32, #tpu.memory_space<vmem>>) attributes {dimension_semantics = [#tpu.dimension_semantics<arbitrary>], iteration_bounds = array<i64: 49>, scalar_prefetch = 0 : i64, scratch_operands = 0 : i64, tpu.core_type = #tpu.core_type<tc>, window_params = [{transform_indices = @transform_0, window_bounds = array<i64: 3, 1024, 128>}, {transform_indices = @transform_1, window_bounds = array<i64: 3, 1024, 1>}, {transform_indices = @transform_2, window_bounds = array<i64: 1024, 128>}, {pipeline_mode = #tpu.pipeline_mode<synchronous>, transform_indices = @transform_3, window_bounds = array<i64: 128, 128>}, {pipeline_mode = #tpu.pipeline_mode<synchronous>, transform_indices = @transform_4, window_bounds = array<i64: 1, 128>}, {pipeline_mode = #tpu.pipeline_mode<synchronous>, transform_indices = @transform_5, window_bounds = array<i64: 128, 192>}, {transform_indices = @transform_6, window_bounds = array<i64: 1024, 128>}, {transform_indices = @transform_7, window_bounds = array<i64: 1024, 192>}]} {
    %get3A = arith.constant 0 : index
    %get3A_0 = arith.constant 0 : index
    %get3A_1 = arith.constant 0 : index
    %get3A_2 = vector.load %arg2[%get3A, %get3A_0, %get3A_1] : memref<3x1024x1xf32, #tpu.memory_space<vmem>>, vector<3x1024x1xf32>
    %max3A = arith.constant 1.000000e+00 : f32
    %max3A_3 = vector.broadcast %max3A : f32 to vector<3x1024x1xf32>
    %max3A_4 = arith.maximumf %get3A_2, %max3A_3 : vector<3x1024x1xf32>
    %div3A = arith.constant 1.000000e+00 : f32
    %div3A_5 = vector.broadcast %div3A : f32 to vector<3x1024x1xf32>
    %div3A_6 = arith.divf %div3A_5, %max3A_4 : vector<3x1024x1xf32>
    %get3A_7 = arith.constant 0 : index
    %get3A_8 = arith.constant 0 : index
    %get3A_9 = arith.constant 0 : index
    %get3A_10 = vector.load %arg1[%get3A_7, %get3A_8, %get3A_9] : memref<3x1024x128xf32, #tpu.memory_space<vmem>>, vector<3x1024x128xf32>
    %mul3A = vector.broadcast %div3A_6 : vector<3x1024x1xf32> to vector<3x1024x128xf32>
    %mul3A_11 = arith.mulf %get3A_10, %mul3A : vector<3x1024x128xf32>
    %reduce_sum3A = arith.constant dense<0.000000e+00> : vector<1024x128xf32>
    %reduce_sum3A_12 = vector.multi_reduction <add>, %mul3A_11, %reduce_sum3A [0] : vector<3x1024x128xf32> to vector<1024x128xf32>
    %get3A_13 = arith.constant 0 : index
    %get3A_14 = arith.constant 0 : index
    %get3A_15 = vector.load %arg3[%get3A_13, %get3A_14] : memref<1024x128xf32, #tpu.memory_space<vmem>>, vector<1024x128xf32>
    %get3A_16 = arith.constant 0 : index
    %get3A_17 = arith.constant 0 : index
    %get3A_18 = vector.load %arg4[%get3A_16, %get3A_17] : memref<128x128xf32, #tpu.memory_space<vmem>>, vector<128x128xf32>
    %dot_general3A = arith.constant dense<0.000000e+00> : vector<1024x128xf32>
    %dot_general3A_19 = tpu.matmul %get3A_15, %get3A_18, %dot_general3A {dimension_numbers = #tpu.dot_dimension_numbers<[1], [0], [0], [1], [0, 0, 1, 1], [], []>, transpose_lhs_hint = false} : vector<1024x128xf32>, vector<128x128xf32>, vector<1024x128xf32> -> vector<1024x128xf32>
    %add3A = arith.addf %reduce_sum3A_12, %dot_general3A_19 : vector<1024x128xf32>
    %get3A_20 = arith.constant 0 : index
    %get3A_21 = arith.constant 0 : index
    %get3A_22 = vector.load %arg5[%get3A_20, %get3A_21] : memref<1x128xf32, #tpu.memory_space<vmem>>, vector<1x128xf32>
    %add3A_23 = vector.broadcast %get3A_22 : vector<1x128xf32> to vector<1024x128xf32>
    %add3A_24 = arith.addf %add3A, %add3A_23 : vector<1024x128xf32>
    %max3A_25 = arith.constant 0.000000e+00 : f32
    %max3A_26 = vector.broadcast %max3A_25 : f32 to vector<1024x128xf32>
    %max3A_27 = arith.maximumf %add3A_24, %max3A_26 : vector<1024x128xf32>
    %swap3A = arith.constant 0 : index
    %swap3A_28 = arith.constant 0 : index
    %swap3A_29 = vector.load %arg7[%swap3A, %swap3A_28] : memref<1024x128xf32, #tpu.memory_space<vmem>>, vector<1024x128xf32>
    tpu.vector_store %arg7[%swap3A, %swap3A_28], %max3A_27 {strides = array<i32>} : memref<1024x128xf32, #tpu.memory_space<vmem>>, vector<1024x128xf32>,
    %get3A_30 = arith.constant 0 : index
    %get3A_31 = arith.constant 0 : index
    %get3A_32 = vector.load %arg6[%get3A_30, %get3A_31] : memref<128x192xf32, #tpu.memory_space<vmem>>, vector<128x192xf32>
    %dot_general3A_33 = arith.constant dense<0.000000e+00> : vector<1024x192xf32>
    %dot_general3A_34 = tpu.matmul %max3A_27, %get3A_32, %dot_general3A_33 {dimension_numbers = #tpu.dot_dimension_numbers<[1], [0], [0], [1], [0, 0, 1, 1], [], []>, transpose_lhs_hint = false} : vector<1024x128xf32>, vector<128x192xf32>, vector<1024x192xf32> -> vector<1024x192xf32>
    %swap3A_35 = arith.constant 0 : index
    %swap3A_36 = arith.constant 0 : index
    %swap3A_37 = vector.load %arg8[%swap3A_35, %swap3A_36] : memref<1024x192xf32, #tpu.memory_space<vmem>>, vector<1024x192xf32>
    tpu.vector_store %arg8[%swap3A_35, %swap3A_36], %dot_general3A_34 {strides = array<i32>} : memref<1024x192xf32, #tpu.memory_space<vmem>>, vector<1024x192xf32>,
    return
  }
  func.func @transform_0(%arg0: i32) -> (i32, i32, i32) {
    %c0_i32 = arith.constant 0 : i32
    %c0_i32_0 = arith.constant 0 : i32
    %c0_i32_1 = arith.constant 0 : i32
    return %c0_i32, %arg0, %c0_i32_0 : i32, i32, i32
  }
  func.func @transform_1(%arg0: i32) -> (i32, i32, i32) {
    %c0_i32 = arith.constant 0 : i32
    %c0_i32_0 = arith.constant 0 : i32
    %c0_i32_1 = arith.constant 0 : i32
    return %c0_i32, %arg0, %c0_i32_0 : i32, i32, i32
  }
  func.func @transform_2(%arg0: i32) -> (i32, i32) {
    %c0_i32 = arith.constant 0 : i32
    %c0_i32_0 = arith.constant 0 : i32
    return %arg0, %c0_i32 : i32, i32
  }
  func.func @transform_3(%arg0: i32) -> (i32, i32) {
    %c0_i32 = arith.constant 0 : i32
    %c0_i32_0 = arith.constant 0 : i32
    %c0_i32_1 = arith.constant 0 : i32
    return %c0_i32, %c0_i32_0 : i32, i32
  }
  func.func @transform_4(%arg0: i32) -> (i32, i32) {
    %c0_i32 = arith.constant 0 : i32
    %c0_i32_0 = arith.constant 0 : i32
    %c0_i32_1 = arith.constant 0 : i32
    return %c0_i32, %c0_i32_0 : i32, i32
  }
  func.func @transform_5(%arg0: i32) -> (i32, i32) {
    %c0_i32 = arith.constant 0 : i32
    %c0_i32_0 = arith.constant 0 : i32
    %c0_i32_1 = arith.constant 0 : i32
    return %c0_i32, %c0_i32_0 : i32, i32
  }
  func.func @transform_6(%arg0: i32) -> (i32, i32) {
    %c0_i32 = arith.constant 0 : i32
    %c0_i32_0 = arith.constant 0 : i32
    return %arg0, %c0_i32 : i32, i32
  }
  func.func @transform_7(%arg0: i32) -> (i32, i32) {
    %c0_i32 = arith.constant 0 : i32
    %c0_i32_0 = arith.constant 0 : i32
    return %arg0, %c0_i32 : i32, i32
  }
}

module attributes {stable_mosaic.version = 14 : i64} {
  func.func @body(%arg0: i32, %arg1: memref<3x1024x64xf32, #tpu.memory_space<vmem>>, %arg2: memref<3x1024x1xf32, #tpu.memory_space<vmem>>, %arg3: memref<1024x128xf32, #tpu.memory_space<vmem>>, %arg4: memref<128x64xf32, #tpu.memory_space<vmem>>, %arg5: memref<1x64xf32, #tpu.memory_space<vmem>>, %arg6: memref<1024x64xf32, #tpu.memory_space<vmem>>) attributes {dimension_semantics = [#tpu.dimension_semantics<arbitrary>], iteration_bounds = array<i64: 49>, scalar_prefetch = 0 : i64, scratch_operands = 0 : i64, tpu.core_type = #tpu.core_type<tc>, window_params = [{transform_indices = @transform_0, window_bounds = array<i64: 3, 1024, 64>}, {transform_indices = @transform_1, window_bounds = array<i64: 3, 1024, 1>}, {transform_indices = @transform_2, window_bounds = array<i64: 1024, 128>}, {pipeline_mode = #tpu.pipeline_mode<synchronous>, transform_indices = @transform_3, window_bounds = array<i64: 128, 64>}, {pipeline_mode = #tpu.pipeline_mode<synchronous>, transform_indices = @transform_4, window_bounds = array<i64: 1, 64>}, {transform_indices = @transform_5, window_bounds = array<i64: 1024, 64>}]} {
    %get3A = arith.constant 0 : index
    %get3A_0 = arith.constant 0 : index
    %get3A_1 = arith.constant 0 : index
    %get3A_2 = vector.load %arg2[%get3A, %get3A_0, %get3A_1] : memref<3x1024x1xf32, #tpu.memory_space<vmem>>, vector<3x1024x1xf32>
    %max3A = arith.constant 1.000000e+00 : f32
    %max3A_3 = vector.broadcast %max3A : f32 to vector<3x1024x1xf32>
    %max3A_4 = arith.maximumf %get3A_2, %max3A_3 : vector<3x1024x1xf32>
    %div3A = arith.constant 1.000000e+00 : f32
    %div3A_5 = vector.broadcast %div3A : f32 to vector<3x1024x1xf32>
    %div3A_6 = arith.divf %div3A_5, %max3A_4 : vector<3x1024x1xf32>
    %get3A_7 = arith.constant 0 : index
    %get3A_8 = arith.constant 0 : index
    %get3A_9 = arith.constant 0 : index
    %get3A_10 = vector.load %arg1[%get3A_7, %get3A_8, %get3A_9] : memref<3x1024x64xf32, #tpu.memory_space<vmem>>, vector<3x1024x64xf32>
    %mul3A = vector.broadcast %div3A_6 : vector<3x1024x1xf32> to vector<3x1024x64xf32>
    %mul3A_11 = arith.mulf %get3A_10, %mul3A : vector<3x1024x64xf32>
    %reduce_sum3A = arith.constant dense<0.000000e+00> : vector<1024x64xf32>
    %reduce_sum3A_12 = vector.multi_reduction <add>, %mul3A_11, %reduce_sum3A [0] : vector<3x1024x64xf32> to vector<1024x64xf32>
    %get3A_13 = arith.constant 0 : index
    %get3A_14 = arith.constant 0 : index
    %get3A_15 = vector.load %arg3[%get3A_13, %get3A_14] : memref<1024x128xf32, #tpu.memory_space<vmem>>, vector<1024x128xf32>
    %get3A_16 = arith.constant 0 : index
    %get3A_17 = arith.constant 0 : index
    %get3A_18 = vector.load %arg4[%get3A_16, %get3A_17] : memref<128x64xf32, #tpu.memory_space<vmem>>, vector<128x64xf32>
    %dot_general3A = arith.constant dense<0.000000e+00> : vector<1024x64xf32>
    %dot_general3A_19 = tpu.matmul %get3A_15, %get3A_18, %dot_general3A {dimension_numbers = #tpu.dot_dimension_numbers<[1], [0], [0], [1], [0, 0, 1, 1], [], []>, transpose_lhs_hint = false} : vector<1024x128xf32>, vector<128x64xf32>, vector<1024x64xf32> -> vector<1024x64xf32>
    %add3A = arith.addf %reduce_sum3A_12, %dot_general3A_19 : vector<1024x64xf32>
    %get3A_20 = arith.constant 0 : index
    %get3A_21 = arith.constant 0 : index
    %get3A_22 = vector.load %arg5[%get3A_20, %get3A_21] : memref<1x64xf32, #tpu.memory_space<vmem>>, vector<1x64xf32>
    %add3A_23 = vector.broadcast %get3A_22 : vector<1x64xf32> to vector<1024x64xf32>
    %add3A_24 = arith.addf %add3A, %add3A_23 : vector<1024x64xf32>
    %swap3A = arith.constant 0 : index
    %swap3A_25 = arith.constant 0 : index
    %swap3A_26 = vector.load %arg6[%swap3A, %swap3A_25] : memref<1024x64xf32, #tpu.memory_space<vmem>>, vector<1024x64xf32>
    tpu.vector_store %arg6[%swap3A, %swap3A_25], %add3A_24 {strides = array<i32>} : memref<1024x64xf32, #tpu.memory_space<vmem>>, vector<1024x64xf32>,
    return
  }
  func.func @transform_0(%arg0: i32) -> (i32, i32, i32) {
    %c0_i32 = arith.constant 0 : i32
    %c0_i32_0 = arith.constant 0 : i32
    %c0_i32_1 = arith.constant 0 : i32
    return %c0_i32, %arg0, %c0_i32_0 : i32, i32, i32
  }
  func.func @transform_1(%arg0: i32) -> (i32, i32, i32) {
    %c0_i32 = arith.constant 0 : i32
    %c0_i32_0 = arith.constant 0 : i32
    %c0_i32_1 = arith.constant 0 : i32
    return %c0_i32, %arg0, %c0_i32_0 : i32, i32, i32
  }
  func.func @transform_2(%arg0: i32) -> (i32, i32) {
    %c0_i32 = arith.constant 0 : i32
    %c0_i32_0 = arith.constant 0 : i32
    return %arg0, %c0_i32 : i32, i32
  }
  func.func @transform_3(%arg0: i32) -> (i32, i32) {
    %c0_i32 = arith.constant 0 : i32
    %c0_i32_0 = arith.constant 0 : i32
    %c0_i32_1 = arith.constant 0 : i32
    return %c0_i32, %c0_i32_0 : i32, i32
  }
  func.func @transform_4(%arg0: i32) -> (i32, i32) {
    %c0_i32 = arith.constant 0 : i32
    %c0_i32_0 = arith.constant 0 : i32
    %c0_i32_1 = arith.constant 0 : i32
    return %c0_i32, %c0_i32_0 : i32, i32
  }
  func.func @transform_5(%arg0: i32) -> (i32, i32) {
    %c0_i32 = arith.constant 0 : i32
    %c0_i32_0 = arith.constant 0 : i32
    return %arg0, %c0_i32 : i32, i32
  }
}

</mosaic_0001>

<sc_bundles>
// kernel: kernel.10.cloned.1.call-start
scs
__scs_entry_jumppad:
0x0: {  	(pc) =	sbr.rel $0x88, $3  }
0x1: {  	(tag) =	ssettag $0x0;
	lr =	simm.s32 $0x1  }
0x2: {  	[smem:$0x3F8E] =	sst lr;
	_ =	strace $0xD0000000  }
0x3: {  	_ = 	snop  }
0x4: {  	_ = 	snop  }
0x5: {  	_ = 	snop  }
0x6: {  	_ = 	snop  }
0x7: {  	_ = 	snop  }
__scs_overlays_trampoline_lowered:
0x8: {  	[smem:$0x3F9D] =	sst s0  }
0x9: {  	[smem:$0x3F9E] =	sst s1  }
0xa: {  	[smem:$0x3F9F] =	sst s2  }
0xb: {  	[smem:$0x3FA0] =	sst s3  }
0xc: {  	[smem:$0x3FA1] =	sst s4  }
0xd: {  	[smem:$0x3FA2] =	sst s5  }
0xe: {  	[smem:$0x3FA3] =	sst s6  }
0xf: {  	[smem:$0x3FA4] =	sst s7  }
0x10: {  	[smem:$0x3FA5] =	sst s8  }
0x11: {  	[smem:$0x3FA6] =	sst s9;
	s0 =	simm.s32 @!p0 $0x0  }
0x12: {  	s1 =	sld [smem:$0x3F8C];
	s0 =	simm.s32 @p0 $0x1  }
0x13: {  	[smem:$0x3FA7] =	sst s0;
	s0 =	simm.s32 @!p1 $0x0  }
0x14: {  	s2 =	sld [smem:$0x3F8B];
	s0 =	simm.s32 @p1 $0x1  }
0x15: {  	[smem:$0x3FA8] =	sst s0;
	s0 =	simm.s32 @!p2 $0x0  }
0x16: {  	s3 =	sld [smem:$0x3FDB];
	s0 =	simm.s32 @p2 $0x1  }
0x17: {  	s4 =	simm.s32 $0x1BF5;
	[smem:$0x3FAA] =	sst s0  }
0x18: {  	s0 =	sld [smem:$0x3F8D];
	_ =	swait.ge [sflag:s4], $0x0  }
0x19: {  	s7 =	sld [smem:$0x3F8E]  }
0x1a: {  	s8 =	sadd.s32 $0xFFFFE003, lr  }
0x1b: {  	s9 =	sadd.s32 $0xFFFFFEF7, lr;
	s5 =	simm.s32 $0xFFFFFFFF;
	p2 =	slt.u32 s8, $0xFFFFF086  }
0x1c: {  	p1 =	slt.u32 s9, $0xF7A;
	s5 =	simm.s32 @!p2 $0x0  }
0x1d: {  	s5 =	simm.s32 @p1 $0x1;
	p0 =	seq.s32 s7, s2  }
0x1e: {  	s7 =	smul.u32 @!p0 $0xF7A, s2;
	p2 =	seq.s32 @!p0 s5, $0x0  }
0x1f: {  	s9 =	smul.u32 $0xF7A, s1;
	s8 =	simm.s32 @!p0 $0x1BF5;
	p2 =	por !p2, p0  }
0x20: {  	[sflag:s8] =	ssyncset.s32 @!p0 $0xFFFFF086;
	s6 =	sadd.s32 @!p0 s3, s7;
	s7 =	simm.s32 @!p0 $0x108  }
0x21: {  	s3 =	sadd.s32 s3, s9;
	s6 =	sadd.s32 @!p0 $0x88, s6;
	s7 =	simm.s32 @p2 $0x1082  }
0x22: {  	[simem:s7], [sflag:s8] =	dma.local @!p0 [hbm:s6], $0xF7A  }
0x23: {  	s9 =	sor.u32 $0xD0000000, s2;
	s6 =	simm.s32 $0x108;
	_ =	swait.ge @!p0 [sflag:s8], $0x0  }
0x24: {  	s3 =	sadd.s32 $0x88, s3;
	s6 =	simm.s32 @!p1 $0x1082;
	[sflag:s4] =	ssyncset.s32 $0xFFFFF086  }
0x25: {  	[simem:s6], [sflag:s4] =	dma.local [hbm:s3], $0xF7A  }
0x26: {  	[smem:$0x3F8E] =	sst s1;
	(tag) =	ssettag s2;
	_ =	strace s9  }
0x27: {  	s1 =	sld [smem:$0x3F9E]  }
0x28: {  	s2 =	sld [smem:$0x3F9F]  }
0x29: {  	s4 =	sld [smem:$0x3FA1]  }
0x2a: {  	p0 =	seq.s32 s5, $0x0;
	s5 =	sld [smem:$0x3FA2]  }
0x2b: {  	s6 =	sld [smem:$0x3FA3]  }
0x2c: {  	s7 =	sld [smem:$0x3FA4]  }
0x2d: {  	s3 =	simm.s32 $0x108;
	s8 =	sld [smem:$0x3FA5]  }
0x2e: {  	s3 =	simm.s32 @!p0 $0x1082;
	s9 =	sld [smem:$0x3FA6]  }
0x2f: {  	lr =	sadd.s32 s0, s3;
	s0 =	sld [smem:$0x3F9D]  }
0x30: {  	s3 =	sld [smem:$0x3FA0]  }
0x31: {  	[smem:$0x3FA9] =	sst s10  }
0x32: {  	s10 =	sld [smem:$0x3FA7];
	_ =	sdelay $0x3  }
0x33: {  	p0 =	seq.s32 s10, $0x1;
	s10 =	sld [smem:$0x3FA9];
	_ =	sdelay $0x3  }
0x34: {  	[smem:$0x3FA9] =	sst s10  }
0x35: {  	s10 =	sld [smem:$0x3FA8];
	_ =	sdelay $0x3  }
0x36: {  	p1 =	seq.s32 s10, $0x1;
	s10 =	sld [smem:$0x3FA9];
	_ =	sdelay $0x3  }
0x37: {  	[smem:$0x3FA9] =	sst s10  }
0x38: {  	s10 =	sld [smem:$0x3FAA]  }
0x39: {  	_ = 	snop;
	(pc) =	sbr.ind lr, $3  }
0x3a: {  	_ = 	snop  }
0x3b: {  	_ = 	snop  }
0x3c: {  	p2 =	seq.s32 s10, $0x1;
	s10 =	sld [smem:$0x3FA9]  }
0x3d: {  	_ =	shalt  }
0x3e: {  	_ =	shalt  }
0x3f: {  	_ =	shalt  }
0x40: {  	_ =	shalt  }
0x41: {  	_ =	shalt  }
0x42: {  	_ =	shalt  }
0x43: {  	_ =	shalt  }
0x44: {  	_ =	shalt  }
0x45: {  	_ =	shalt  }
0x46: {  	_ =	shalt  }
0x47: {  	_ =	shalt  }
0x48: {  	_ =	shalt  }
0x49: {  	_ =	shalt  }
0x4a: {  	_ =	shalt  }
0x4b: {  	_ =	shalt  }
0x4c: {  	_ =	shalt  }
0x4d: {  	_ =	shalt  }
0x4e: {  	_ =	shalt  }
0x4f: {  	_ =	shalt  }
0x50: {  	_ =	shalt  }
0x51: {  	_ =	shalt  }
0x52: {  	_ =	shalt  }
0x53: {  	_ =	shalt  }
0x54: {  	_ =	shalt  }
0x55: {  	_ =	shalt  }
0x56: {  	_ =	shalt  }
0x57: {  	_ =	shalt  }
0x58: {  	_ =	shalt  }
0x59: {  	_ =	shalt  }
0x5a: {  	_ =	shalt  }
0x5b: {  	_ =	shalt  }
0x5c: {  	_ =	shalt  }
0x5d: {  	_ =	shalt  }
0x5e: {  	_ =	shalt  }
0x5f: {  	_ =	shalt  }
0x60: {  	_ =	shalt  }
0x61: {  	_ =	shalt  }
0x62: {  	_ =	shalt  }
0x63: {  	_ =	shalt  }
0x64: {  	_ =	shalt  }
0x65: {  	_ =	shalt  }
0x66: {  	_ =	shalt  }
0x67: {  	_ =	shalt  }
0x68: {  	_ =	shalt  }
0x69: {  	_ =	shalt  }
0x6a: {  	_ =	shalt  }
0x6b: {  	_ =	shalt  }
0x6c: {  	_ =	shalt  }
0x6d: {  	_ =	shalt  }
0x6e: {  	_ =	shalt  }
0x6f: {  	_ =	shalt  }
0x70: {  	_ =	shalt  }
0x71: {  	_ =	shalt  }
0x72: {  	_ =	shalt  }
0x73: {  	_ =	shalt  }
0x74: {  	_ =	shalt  }
0x75: {  	_ =	shalt  }
0x76: {  	_ =	shalt  }
0x77: {  	_ =	shalt  }
0x78: {  	_ =	shalt  }
0x79: {  	_ =	shalt  }
0x7a: {  	_ =	shalt  }
0x7b: {  	_ =	shalt  }
0x7c: {  	_ =	shalt  }
0x7d: {  	_ =	shalt  }
0x7e: {  	_ =	shalt  }
0x7f: {  	_ =	shalt  }
0x80: {  	_ =	shalt  }
0x81: {  	_ =	shalt  }
0x82: {  	_ =	shalt  }
0x83: {  	_ =	shalt  }
0x84: {  	_ =	shalt  }
0x85: {  	_ =	shalt  }
0x86: {  	_ =	shalt  }
0x87: {  	_ =	shalt  }
.Lfunc_end0:
.L_simem_size_0:
called_computation_lowered:
.L_overlay_start_0:
0x88: {  	s2 =	sld [smem:$0x3FD9]  }
0x89: {  	s3 =	sld [smem:$0x3FFE];
	_ =	sdelay $0x1  }
0x8a: {  	s1 =	srdreg.scid  }
0x8b: {  	s0 =	sand.u32 $0x1, s1  }
0x8c: {  	s16 =	sshll.u32 s0, $0xA;
	s2 =	sadd.s32 s3, s2  }
0x8d: {  	s2 =	sadd.s32 s2, s16  }
0x8e: {  	[smem:$0x3FB5] =	sst s2  }
0x8f: {  	_ = 	snop  }
0x90: {  	(tm) =	ssettm $0x1  }
0x91: {  	s17 =	sld [smem:$0x3FFB];
	_ =	sdelay $0x3  }
0x92: {  	_ =	strace s17  }
0x93: {  	s2 =	sld [smem:$0x3FFC];
	_ =	sdelay $0x3  }
0x94: {  	_ =	strace s2  }
0x95: {  	s2 =	sld [smem:$0x3FFD];
	_ =	sdelay $0x3  }
0x96: {  	_ =	strace s2  }
0x97: {  	_ =	strace $0x8FFFFFFF  }
0x98: {  	s18 =	sld [smem:$0x3FDB];
	_ =	sdelay $0x1  }
0x99: {  	s19 =	simm.s32 $_scs_section_size  }
0x9a: {  	s4 =	simm.s32 $_size__tile_overlayer_lowered;
	s5 =	simm.s32 $_tile_overlayer_lowered  }
0x9b: {  	s22 =	simm.s32 $0x1BFF;
	s21 =	sshll.u32 s5, $0x1;
	s2 =	sadd.s32 s19, s18  }
0x9c: {  	s6 =	simm.s32 $0x0;
	s20 =	sshll.u32 s4, $0x1;
	s4 =	sadd.s32 s21, s2  }
0x9d: {  	[timem:s6], [sflag:s22] =	dma.local [hbm:s4], s20  }
0x9e: {  	_ =	swait.ge [sflag:s22], s20  }
0x9f: {  	s3 =	ssub.s32 $0x0, s20;
	[sflag:s22] =	ssyncset.done $0x0  }
0xa0: {  	[sflag:s22] =	ssyncadd.s32 s3;
	_ =	sdelay $0x1  }
0xa1: {  	s23 =	simm.s32 $0x1B8B  }
0xa2: {  	_ =	swait.ge [sflag:s23], $0x1  }
0xa3: {  	[sflag:s23] =	ssyncset.done $0x0  }
0xa4: {  	s25 =	simm.s32 $0x1B8E;
	s24 =	sld [smem:$0x3FFE];
	[sflag:s23] =	ssyncadd.s32 $0xFFFFFFFF  }
0xa5: {  	s26 =	simm.s32 $execute0_lowered;
	[smem:$0x3FD2] =	sst s25  }
0xa6: {  	s4 =	sshll.u32 s26, $0x1;
	_ =	strace $0x80000046;
	[dreg:$0x1] =	wrdreg $0xFFFFFFFF  }
0xa7: {  	s28 =	simm.s32 $_size_execute0_lowered;
	s2 =	sadd.s32 s2, s4;
	[dreg:$0x0] =	wrdreg $0x0  }
0xa8: {  	s4 =	sshll.u32 s28, $0x1;
	[dreg:$0x2] =	wrdreg s2  }
0xa9: {  	[dreg:$0x3] =	wrdreg s4  }
0xaa: {  	[dreg:$0x4] =	wrdreg $0xC0  }
0xab: {  	_ =	task [dreg:s6], $0x5FFFF  }
0xac: {  	[dreg:$0x1] =	wrdreg $0xFFFFFFFF  }
0xad: {  	[dreg:$0x0] =	wrdreg $0x60  }
0xae: {  	[dreg:$0x2] =	wrdreg s24  }
0xaf: {  	[dreg:$0x3] =	wrdreg $0x27E00  }
0xb0: {  	[dreg:$0x4] =	wrdreg $0x9  }
0xb1: {  	_ =	task.clear_ibuf [dreg:s6], $0x5FFFF;
	_ =	strace $0x90000046  }
0xb2: {  	s29 =	simm.s32 $0x9;
	_ =	strace $0x80000048  }
0xb3: {  	_ =	swait.ge [sflag:s29], $0x1  }
0xb4: {  	[sflag:s29] =	ssyncadd.s32 $0xFFFFFFFF  }
0xb5: {  	_ =	strace $0x90000048  }
0xb6: {  	_ =	sfence  }
0xb7: {  	s30 =	sld [smem:$0x0];
	_ =	sdelay $0x2  }
0xb8: {  	s31 =	sshll.u32 s1, $0xD;
	s1 =	sshrl.u32 s1, $0x2  }
0xb9: {  	s3 =	sand.u32 $0x4000, s31;
	s1 =	sadd.s32 s1, s30  }
0xba: {  	s0 =	sor.u32 s3, s0;
	s1 =	sshll.u32 s1, $0x11  }
0xbb: {  	s0 =	sor.u32 s1, s0  }
0xbc: {  	s0 =	sadd.s32 $0x8F2B, s0  }
0xbd: {  	[sflag:s0] =	ssyncadd.remote.s32 $0x1  }
0xbe: {  	_ =	sfence.sel $0xFFFF  }
0xbf: {  	[dreg:$0x0] =	wrdreg $0xFFFFFFFF;
	(pc) =	sbr.abs _section_cstart, $3  }
0xc0: {  	[dreg:$0x1] =	wrdreg $0xFFFFFFFF  }
0xc1: {  	_ =	task.clear_ibuf [dreg:s6], $0x2FFFF;
	_ =	strace $0x9FFFFFFF  }
0xc2: {  	(tm) =	ssettm $0x7FFFFFFF  }
0xc3: {  	_ =	shalt  }
tec
execute0_lowered:
.L_overlay_start_1:
0x0: {  	(tag) =	ssettag $0x1  }
0x1: {  	s4 =	rddreg [dreg:$0x0]  }
0x2: {  	s2 =	rddreg [dreg:$0x1]  }
0x3: {  	s0 =	rddreg [dreg:$0x2];
	s1 =	stileid.u32  }
0x4: {  	s3 =	simm.s32 $0x0;
	s6 =	srdreg.scid;
	s5 =	smul.u32 $0x640, s1  }
0x5: {  	s14 =	simm.s32 $0x1;
	s15 =	simm.s32 $0x190;
	s29 =	smul.u32 $0x9300, s1  }
0x6: {  	s16 =	simm.s32 $0x0;
	[smem:$0x7FF] =	sst s3;
	s31 =	smul.u32 $0xC40, s1  }
0x7: {  	s13 =	sand.u32 $0x1, s6;
	s8 =	sadd.s32 $0x15000, s4;
	s9 =	smul.u32 $0x1880, s1  }
0x8: {  	_ =	strace $0x80000047;
	s30 =	ssub.s32 $0x2, s13;
	p0 =	sne.s32 s13, $0x0  }
0x9: {  	s13 =	simm.s32 $0x320;
	s12 =	sadd.s32 s5, s4;
	s7 =	sshrl.u32 s30, $0x1  }
.Ltmp0:
0xa: {  	s5 =	sshrl.u32 s29, $0x2;
	s6 =	sadd.s32 $0x18800, s31;
	(pc) =	sbr.rel .LBB2_1-.Ltmp0, $4  }
0xb: {  	s11 =	sshrl.u32 s9, $0x3;
	s10 =	ssub.s32 s30, s7;
	s4 =	sadd.s32 s5, s2  }
0xc: {  	s5 =	sadd.s32 s6, s2;
	s6 =	sshrl.u32 s6, $0x3;
	s7 =	sadd.s32 s9, s2  }
0xd: {  	s6 =	sadd.s32 s8, s6;
	s8 =	sadd.s32 s8, s11;
	s9 =	smax.u32 s10, $0x1  }
0xe: {  	v0 =	vimm.f32 $1.000000000e+00;
	v1 =	vimm.f32 $0.0e+00;
	s10 =	sadd.s32 $0x2400, s12;
	s11 =	sadd.s32 $0xEC00, s12;
	s12 =	sadd.s32 $0x8800, s12  }
.LBB2_11:
0xf: {  	s17 =	sadd.s32 s17, s11;
	[sflag:s14] =	ssyncadd.s32 $0xFFFFFE70  }
0x10: {  	[tilespmem:s15], [sflag:$0x1] =	stream.linear.gather [hbm4b:s17+s3], $0x190, $0x38;
	[tilespmem:$0x4CA0] =	vst v63  }
0x11: {  	_ =	swait.ge [sflag:s14], $0x190  }
0x12: {  	[sflag:s14] =	ssyncset.done $0x0  }
0x13: {  	[sflag:s14] =	ssyncadd.s32 $0xFFFFFE70  }
0x14: {  	[spmem:s2] =	stream.indirect.scatter.add.f32 [tilespmem:s3], [sflag:$0x1], $0x1, s15, s15, $0xb8;
	[tilespmem:$0x4CA0] =	vst v63  }
0x15: {  	_ =	swait.ge [sflag:s14], $0x190  }
0x16: {  	[sflag:s14] =	ssyncset.done $0x0  }
0x17: {  	[sflag:s14] =	ssyncadd.s32 $0xFFFFFE70  }
0x18: {  	[bflag:$0x0] =	sbarrier.arrive $0xFFFF  }
0x19: {  	[tilespmem:s13], [sflag:$0x1] =	stream.linear.gather [spmem:s5], $0xC40, $0x38;
	[tilespmem:$0x4CA0] =	vst v63  }
0x1a: {  	_ =	swait.ge [sflag:s14], $0xC40  }
0x1b: {  	[sflag:s14] =	ssyncset.done $0x0  }
0x1c: {  	[sflag:s14] =	ssyncadd.s32 $0xFFFFF3C0  }
0x1d: {  	[hbm4b:s6+s3] =	stream.linear.scatter [tilespmem:s13], [sflag:$0x1], $0xC40, $0x38;
	[tilespmem:$0x4CA0] =	vst v63  }
0x1e: {  	_ =	swait.ge [sflag:s14], $0xC40  }
0x1f: {  	[sflag:s14] =	ssyncset.done $0x0  }
0x20: {  	[sflag:s14] =	ssyncadd.s32 $0xFFFFF3C0  }
.LBB2_12:
0x21: {  	s16 =	sadd.s32 $0x1, s16  }
0x22: {  	p1 =	sne.s32 s16, s9  }
.Ltmp1:
0x23: {  	_ = 	snop;
	(pc) =	sbr.rel @!p1 .LBB2_13-.Ltmp1, $1  }
0x24: {  	_ =	sdelay $0x3  }
.LBB2_1:
0x25: {  	[tilespmem:$0x0] =	vst v0  }
0x26: {  	[tilespmem:$0x10] =	vst v0  }
0x27: {  	[tilespmem:$0x20] =	vst v0  }
0x28: {  	[tilespmem:$0x30] =	vst v0  }
0x29: {  	[tilespmem:$0x40] =	vst v0  }
0x2a: {  	[tilespmem:$0x50] =	vst v0  }
0x2b: {  	[tilespmem:$0x60] =	vst v0  }
0x2c: {  	[tilespmem:$0x70] =	vst v0  }
0x2d: {  	[tilespmem:$0x80] =	vst v0  }
0x2e: {  	[tilespmem:$0x90] =	vst v0  }
0x2f: {  	[tilespmem:$0xA0] =	vst v0  }
0x30: {  	[tilespmem:$0xB0] =	vst v0  }
0x31: {  	[tilespmem:$0xC0] =	vst v0  }
0x32: {  	[tilespmem:$0xD0] =	vst v0  }
0x33: {  	[tilespmem:$0xE0] =	vst v0  }
0x34: {  	[tilespmem:$0xF0] =	vst v0  }
0x35: {  	[tilespmem:$0x100] =	vst v0  }
0x36: {  	[tilespmem:$0x110] =	vst v0  }
0x37: {  	[tilespmem:$0x120] =	vst v0  }
0x38: {  	[tilespmem:$0x130] =	vst v0  }
0x39: {  	[tilespmem:$0x140] =	vst v0  }
0x3a: {  	[tilespmem:$0x150] =	vst v0  }
0x3b: {  	[tilespmem:$0x160] =	vst v0  }
0x3c: {  	[tilespmem:$0x170] =	vst v0  }
0x3d: {  	[tilespmem:$0x180] =	vst v0;
	s17 =	simm.s32 $0x40;
	s18 =	simm.s32 $0x0  }
.LBB2_2:
0x3e: {  	p1 =	sne.s32 s17, $0x92C0;
	[tilespmem:s18+$0x320] =	vst v1;
	s18 =	smov.u32 s17;
	s17 =	sadd.s32 $0x40, s17  }
.Ltmp2:
0x3f: {  	(pc) =	sbr.rel @p1 .LBB2_2-.Ltmp2, $2  }
0x40: {  	_ =	sdelay $0x2  }
0x41: {  	s18 =	sshra.s32 s18, $0x2  }
0x42: {  	[tilespmem:s18+$0x320] =	vst v1  }
0x43: {  	[spmem:s4] =	stream.linear.scatter [tilespmem:s13], [sflag:$0x1], $0x24C0, $0x38;
	[tilespmem:$0x4CA0] =	vst v63  }
.Ltmp3:
0x44: {  	_ =	swait.ge [sflag:s14], $0x24C0;
	(pc) =	sbr.rel @p0 .LBB2_9-.Ltmp3, $4  }
0x45: {  	[sflag:s14] =	ssyncset.done $0x0  }
0x46: {  	[sflag:s14] =	ssyncadd.s32 $0xFFFFDB40  }
0x47: {  	[bflag:$0x0] =	sbarrier.arrive $0xFFFF  }
0x48: {  	s18 =	simm.s32 $0x0  }
0x49: {  	s17 =	sadd.s32 $0x0, s10  }
0x4a: {  	[tilespmem:s15], [sflag:$0x1] =	stream.linear.gather [hbm4b:s17+s18], $0x190, $0x38;
	[tilespmem:$0x4CA0] =	vst v63  }
0x4b: {  	_ =	swait.ge [sflag:s14], $0x190  }
0x4c: {  	[sflag:s14] =	ssyncset.done $0x0  }
0x4d: {  	[sflag:s14] =	ssyncadd.s32 $0xFFFFFE70  }
0x4e: {  	[spmem:s2] =	stream.indirect.scatter.add.f32 [tilespmem:s18], [sflag:$0x1], $0x1, s15, s15, $0xb8;
	[tilespmem:$0x4CA0] =	vst v63  }
0x4f: {  	s20 =	simm.s32 $0x64;
	_ =	swait.ge [sflag:s14], $0x190  }
0x50: {  	s19 =	simm.s32 $0x32;
	s17 =	simm.s32 $0x32;
	[sflag:s14] =	ssyncset.done $0x0  }
.LBB2_5:
0x51: {  	s21 =	sadd.s32 s19, s10  }
0x52: {  	[sflag:s14] =	ssyncadd.s32 $0xFFFFFE70;
	s19 =	smov.u32 s20;
	s22 =	sadd.s32 $0x32, s20  }
0x53: {  	[tilespmem:s15], [sflag:$0x1] =	stream.linear.gather [hbm4b:s21+s18], $0x190, $0x38;
	[tilespmem:$0x4CA0] =	vst v63  }
0x54: {  	p1 =	sne.s32 s20, $0x60E;
	_ =	swait.ge [sflag:s14], $0x190  }
.Ltmp4:
0x55: {  	[sflag:s14] =	ssyncset.done $0x0;
	(pc) =	sbr.rel @p1 .LBB2_5-.Ltmp4, $4  }
0x56: {  	[sflag:s14] =	ssyncadd.s32 $0xFFFFFE70  }
0x57: {  	[spmem:s2] =	stream.indirect.scatter.add.f32 [tilespmem:s18], [sflag:$0x1], $0x1, s15, s15, $0xb8;
	[tilespmem:$0x4CA0] =	vst v63  }
0x58: {  	_ =	swait.ge [sflag:s14], $0x190  }
0x59: {  	s20 =	smov.u32 s22;
	[sflag:s14] =	ssyncset.done $0x0  }
0x5a: {  	s19 =	sadd.s32 s19, s10;
	[sflag:s14] =	ssyncadd.s32 $0xFFFFFE70  }
0x5b: {  	[tilespmem:s15], [sflag:$0x1] =	stream.linear.gather [hbm4b:s19+s18], $0x190, $0x38;
	[tilespmem:$0x4CA0] =	vst v63  }
0x5c: {  	_ =	swait.ge [sflag:s14], $0x190  }
0x5d: {  	[sflag:s14] =	ssyncset.done $0x0  }
0x5e: {  	[sflag:s14] =	ssyncadd.s32 $0xFFFFFE70  }
0x5f: {  	[spmem:s2] =	stream.indirect.scatter.add.f32 [tilespmem:s18], [sflag:$0x1], $0x1, s15, s15, $0xb8;
	[tilespmem:$0x4CA0] =	vst v63  }
0x60: {  	_ =	swait.ge [sflag:s14], $0x190  }
0x61: {  	[sflag:s14] =	ssyncset.done $0x0  }
0x62: {  	s31 =	sadd.s32 $0x0, s12;
	[sflag:s14] =	ssyncadd.s32 $0xFFFFFE70  }
0x63: {  	[tilespmem:s15], [sflag:$0x1] =	stream.linear.gather [hbm4b:s31+s3], $0x190, $0x38;
	[tilespmem:$0x4CA0] =	vst v63  }
0x64: {  	_ =	swait.ge [sflag:s14], $0x190  }
0x65: {  	[sflag:s14] =	ssyncset.done $0x0  }
0x66: {  	[sflag:s14] =	ssyncadd.s32 $0xFFFFFE70  }
0x67: {  	[spmem:s2] =	stream.indirect.scatter.add.f32 [tilespmem:s3], [sflag:$0x1], $0x1, s15, s15, $0xb8;
	[tilespmem:$0x4CA0] =	vst v63  }
0x68: {  	_ =	swait.ge [sflag:s14], $0x190  }
0x69: {  	s18 =	simm.s32 $0x64;
	[sflag:s14] =	ssyncset.done $0x0  }
.LBB2_7:
0x6a: {  	s19 =	sadd.s32 s17, s12  }
0x6b: {  	[sflag:s14] =	ssyncadd.s32 $0xFFFFFE70;
	s17 =	smov.u32 s18;
	s20 =	sadd.s32 $0x32, s18  }
0x6c: {  	[tilespmem:s15], [sflag:$0x1] =	stream.linear.gather [hbm4b:s19+s3], $0x190, $0x38;
	[tilespmem:$0x4CA0] =	vst v63  }
0x6d: {  	p1 =	sne.s32 s18, $0x60E;
	_ =	swait.ge [sflag:s14], $0x190  }
.Ltmp5:
0x6e: {  	[sflag:s14] =	ssyncset.done $0x0;
	(pc) =	sbr.rel @p1 .LBB2_7-.Ltmp5, $4  }
0x6f: {  	[sflag:s14] =	ssyncadd.s32 $0xFFFFFE70  }
0x70: {  	[spmem:s2] =	stream.indirect.scatter.add.f32 [tilespmem:s3], [sflag:$0x1], $0x1, s15, s15, $0xb8;
	[tilespmem:$0x4CA0] =	vst v63  }
0x71: {  	_ =	swait.ge [sflag:s14], $0x190  }
0x72: {  	s18 =	smov.u32 s20;
	[sflag:s14] =	ssyncset.done $0x0  }
0x73: {  	s17 =	sadd.s32 s17, s12;
	[sflag:s14] =	ssyncadd.s32 $0xFFFFFE70  }
0x74: {  	[tilespmem:s15], [sflag:$0x1] =	stream.linear.gather [hbm4b:s17+s3], $0x190, $0x38;
	[tilespmem:$0x4CA0] =	vst v63  }
0x75: {  	_ =	swait.ge [sflag:s14], $0x190  }
0x76: {  	[sflag:s14] =	ssyncset.done $0x0  }
0x77: {  	[sflag:s14] =	ssyncadd.s32 $0xFFFFFE70  }
0x78: {  	[spmem:s2] =	stream.indirect.scatter.add.f32 [tilespmem:s3], [sflag:$0x1], $0x1, s15, s15, $0xb8;
	[tilespmem:$0x4CA0] =	vst v63  }
0x79: {  	_ =	swait.ge [sflag:s14], $0x190  }
0x7a: {  	[sflag:s14] =	ssyncset.done $0x0  }
0x7b: {  	[sflag:s14] =	ssyncadd.s32 $0xFFFFFE70  }
0x7c: {  	[bflag:$0x0] =	sbarrier.arrive $0xFFFF  }
0x7d: {  	[tilespmem:s13], [sflag:$0x1] =	stream.linear.gather [spmem:s7], $0x1880, $0x38;
	[tilespmem:$0x4CA0] =	vst v63  }
0x7e: {  	_ =	swait.ge [sflag:s14], $0x1880  }
0x7f: {  	[sflag:s14] =	ssyncset.done $0x0  }
.Ltmp6:
0x80: {  	[sflag:s14] =	ssyncadd.s32 $0xFFFFE780;
	(pc) =	sbr.rel .LBB2_12-.Ltmp6, $4  }
0x81: {  	[hbm4b:s8+s3] =	stream.linear.scatter [tilespmem:s13], [sflag:$0x1], $0x1880, $0x38;
	[tilespmem:$0x4CA0] =	vst v63  }
0x82: {  	_ =	swait.ge [sflag:s14], $0x1880  }
0x83: {  	[sflag:s14] =	ssyncset.done $0x0  }
0x84: {  	[sflag:s14] =	ssyncadd.s32 $0xFFFFE780  }
.LBB2_9:
0x85: {  	s17 =	sadd.s32 $0x0, s11  }
0x86: {  	[tilespmem:s15], [sflag:$0x1] =	stream.linear.gather [hbm4b:s17+s3], $0x190, $0x38;
	[tilespmem:$0x4CA0] =	vst v63  }
0x87: {  	_ =	swait.ge [sflag:s14], $0x190  }
0x88: {  	[sflag:s14] =	ssyncset.done $0x0  }
0x89: {  	[sflag:s14] =	ssyncadd.s32 $0xFFFFFE70  }
0x8a: {  	[spmem:s2] =	stream.indirect.scatter.add.f32 [tilespmem:s3], [sflag:$0x1], $0x1, s15, s15, $0xb8;
	[tilespmem:$0x4CA0] =	vst v63  }
0x8b: {  	_ =	swait.ge [sflag:s14], $0x190  }
0x8c: {  	s18 =	simm.s32 $0x64;
	s17 =	simm.s32 $0x32;
	[sflag:s14] =	ssyncset.done $0x0  }
.LBB2_10:
0x8d: {  	s19 =	sadd.s32 s17, s11  }
0x8e: {  	[sflag:s14] =	ssyncadd.s32 $0xFFFFFE70;
	s17 =	smov.u32 s18;
	s20 =	sadd.s32 $0x32, s18  }
0x8f: {  	[tilespmem:s15], [sflag:$0x1] =	stream.linear.gather [hbm4b:s19+s3], $0x190, $0x38;
	[tilespmem:$0x4CA0] =	vst v63  }
0x90: {  	p1 =	sne.s32 s18, $0x60E;
	_ =	swait.ge [sflag:s14], $0x190  }
.Ltmp7:
0x91: {  	[sflag:s14] =	ssyncset.done $0x0;
	(pc) =	sbr.rel @p1 .LBB2_10-.Ltmp7, $4  }
0x92: {  	[sflag:s14] =	ssyncadd.s32 $0xFFFFFE70  }
0x93: {  	[spmem:s2] =	stream.indirect.scatter.add.f32 [tilespmem:s3], [sflag:$0x1], $0x1, s15, s15, $0xb8;
	[tilespmem:$0x4CA0] =	vst v63  }
0x94: {  	_ =	swait.ge [sflag:s14], $0x190  }
0x95: {  	s18 =	smov.u32 s20;
	[sflag:s14] =	ssyncset.done $0x0  }
.Ltmp8:
0x96: {  	_ = 	snop;
	(pc) =	sbr.rel .LBB2_11-.Ltmp8, $1  }
0x97: {  	_ =	sdelay $0x3  }
.LBB2_13:
0x98: {  	_ =	sfence.sel $0x180000  }
0x99: {  	[bflag:$0x0] =	sbarrier.arrive $0xFFFF  }
0x9a: {  	p0 =	sne.s32 s1, $0x0;
	_ =	strace $0x90000047  }
0x9b: {  	s0 =	sadd.s32 @!p0 $0x100000, s0;
	[bflag:$0x2] =	sbarrier.arrive $0xFFFF  }
0x9c: {  	[sflag:s0] =	ssyncadd.tile.s32 @!p0 $0x1;
	_ =	shalt  }
.Lfunc_end2:
_tile_overlayer_lowered:
.L_overlay_start_2:
0x9d: {  	(tag) =	ssettag $0x2  }
0x9e: {  	s0 =	rddreg [dreg:$0x0];
	s2 =	stileid.u32  }
0x9f: {  	s1 =	rddreg [dreg:$0x1];
	p0 =	sne.s32 s2, $0x0  }
0xa0: {  	s3 =	rddreg [dreg:$0x2];
	[bflag:$0x3] =	sbarrier.arrive $0xFFFF;
	s2 =	simm.s32 @!p0 $0x1C01  }
0xa1: {  	[timem:s3], [sflag:s2] =	dma.local @!p0 [hbm:s0], s1  }
0xa2: {  	s0 =	simm.s32 @!p0 $0x1  }
0xa3: {  	_ =	swait.ge @!p0 [sflag:s0], s1  }
0xa4: {  	s1 =	ssub.s32 @!p0 $0x0, s1;
	[sflag:s0] =	ssyncset.done @!p0 $0x0  }
0xa5: {  	[sflag:s0] =	ssyncadd.s32 @!p0 s1  }
0xa6: {  	[bflag:$0x3] =	sbarrier.arrive $0xFFFF  }
0xa7: {  	_ =	shalt  }

// kernel: kernel.13.cloned.1.call-start
scs
__scs_entry_jumppad:
0x0: {  	(pc) =	sbr.rel $0x88, $3  }
0x1: {  	(tag) =	ssettag $0x0;
	lr =	simm.s32 $0x1  }
0x2: {  	[smem:$0x3F8E] =	sst lr;
	_ =	strace $0xD0000000  }
0x3: {  	_ = 	snop  }
0x4: {  	_ = 	snop  }
0x5: {  	_ = 	snop  }
0x6: {  	_ = 	snop  }
0x7: {  	_ = 	snop  }
__scs_overlays_trampoline_lowered:
0x8: {  	[smem:$0x3F9D] =	sst s0  }
0x9: {  	[smem:$0x3F9E] =	sst s1  }
0xa: {  	[smem:$0x3F9F] =	sst s2  }
0xb: {  	[smem:$0x3FA0] =	sst s3  }
0xc: {  	[smem:$0x3FA1] =	sst s4  }
0xd: {  	[smem:$0x3FA2] =	sst s5  }
0xe: {  	[smem:$0x3FA3] =	sst s6  }
0xf: {  	[smem:$0x3FA4] =	sst s7  }
0x10: {  	[smem:$0x3FA5] =	sst s8  }
0x11: {  	[smem:$0x3FA6] =	sst s9;
	s0 =	simm.s32 @!p0 $0x0  }
0x12: {  	s1 =	sld [smem:$0x3F8C];
	s0 =	simm.s32 @p0 $0x1  }
0x13: {  	[smem:$0x3FA7] =	sst s0;
	s0 =	simm.s32 @!p1 $0x0  }
0x14: {  	s2 =	sld [smem:$0x3F8B];
	s0 =	simm.s32 @p1 $0x1  }
0x15: {  	[smem:$0x3FA8] =	sst s0;
	s0 =	simm.s32 @!p2 $0x0  }
0x16: {  	s3 =	sld [smem:$0x3FDB];
	s0 =	simm.s32 @p2 $0x1  }
0x17: {  	s4 =	simm.s32 $0x1BF5;
	[smem:$0x3FAA] =	sst s0  }
0x18: {  	s0 =	sld [smem:$0x3F8D];
	_ =	swait.ge [sflag:s4], $0x0  }
0x19: {  	s7 =	sld [smem:$0x3F8E]  }
0x1a: {  	s8 =	sadd.s32 $0xFFFFE003, lr  }
0x1b: {  	s9 =	sadd.s32 $0xFFFFFEF7, lr;
	s5 =	simm.s32 $0xFFFFFFFF;
	p2 =	slt.u32 s8, $0xFFFFF086  }
0x1c: {  	p1 =	slt.u32 s9, $0xF7A;
	s5 =	simm.s32 @!p2 $0x0  }
0x1d: {  	s5 =	simm.s32 @p1 $0x1;
	p0 =	seq.s32 s7, s2  }
0x1e: {  	s7 =	smul.u32 @!p0 $0xF7A, s2;
	p2 =	seq.s32 @!p0 s5, $0x0  }
0x1f: {  	s9 =	smul.u32 $0xF7A, s1;
	s8 =	simm.s32 @!p0 $0x1BF5;
	p2 =	por !p2, p0  }
0x20: {  	[sflag:s8] =	ssyncset.s32 @!p0 $0xFFFFF086;
	s6 =	sadd.s32 @!p0 s3, s7;
	s7 =	simm.s32 @!p0 $0x108  }
0x21: {  	s3 =	sadd.s32 s3, s9;
	s6 =	sadd.s32 @!p0 $0x88, s6;
	s7 =	simm.s32 @p2 $0x1082  }
0x22: {  	[simem:s7], [sflag:s8] =	dma.local @!p0 [hbm:s6], $0xF7A  }
0x23: {  	s9 =	sor.u32 $0xD0000000, s2;
	s6 =	simm.s32 $0x108;
	_ =	swait.ge @!p0 [sflag:s8], $0x0  }
0x24: {  	s3 =	sadd.s32 $0x88, s3;
	s6 =	simm.s32 @!p1 $0x1082;
	[sflag:s4] =	ssyncset.s32 $0xFFFFF086  }
0x25: {  	[simem:s6], [sflag:s4] =	dma.local [hbm:s3], $0xF7A  }
0x26: {  	[smem:$0x3F8E] =	sst s1;
	(tag) =	ssettag s2;
	_ =	strace s9  }
0x27: {  	s1 =	sld [smem:$0x3F9E]  }
0x28: {  	s2 =	sld [smem:$0x3F9F]  }
0x29: {  	s4 =	sld [smem:$0x3FA1]  }
0x2a: {  	p0 =	seq.s32 s5, $0x0;
	s5 =	sld [smem:$0x3FA2]  }
0x2b: {  	s6 =	sld [smem:$0x3FA3]  }
0x2c: {  	s7 =	sld [smem:$0x3FA4]  }
0x2d: {  	s3 =	simm.s32 $0x108;
	s8 =	sld [smem:$0x3FA5]  }
0x2e: {  	s3 =	simm.s32 @!p0 $0x1082;
	s9 =	sld [smem:$0x3FA6]  }
0x2f: {  	lr =	sadd.s32 s0, s3;
	s0 =	sld [smem:$0x3F9D]  }
0x30: {  	s3 =	sld [smem:$0x3FA0]  }
0x31: {  	[smem:$0x3FA9] =	sst s10  }
0x32: {  	s10 =	sld [smem:$0x3FA7];
	_ =	sdelay $0x3  }
0x33: {  	p0 =	seq.s32 s10, $0x1;
	s10 =	sld [smem:$0x3FA9];
	_ =	sdelay $0x3  }
0x34: {  	[smem:$0x3FA9] =	sst s10  }
0x35: {  	s10 =	sld [smem:$0x3FA8];
	_ =	sdelay $0x3  }
0x36: {  	p1 =	seq.s32 s10, $0x1;
	s10 =	sld [smem:$0x3FA9];
	_ =	sdelay $0x3  }
0x37: {  	[smem:$0x3FA9] =	sst s10  }
0x38: {  	s10 =	sld [smem:$0x3FAA]  }
0x39: {  	_ = 	snop;
	(pc) =	sbr.ind lr, $3  }
0x3a: {  	_ = 	snop  }
0x3b: {  	_ = 	snop  }
0x3c: {  	p2 =	seq.s32 s10, $0x1;
	s10 =	sld [smem:$0x3FA9]  }
0x3d: {  	_ =	shalt  }
0x3e: {  	_ =	shalt  }
0x3f: {  	_ =	shalt  }
0x40: {  	_ =	shalt  }
0x41: {  	_ =	shalt  }
0x42: {  	_ =	shalt  }
0x43: {  	_ =	shalt  }
0x44: {  	_ =	shalt  }
0x45: {  	_ =	shalt  }
0x46: {  	_ =	shalt  }
0x47: {  	_ =	shalt  }
0x48: {  	_ =	shalt  }
0x49: {  	_ =	shalt  }
0x4a: {  	_ =	shalt  }
0x4b: {  	_ =	shalt  }
0x4c: {  	_ =	shalt  }
0x4d: {  	_ =	shalt  }
0x4e: {  	_ =	shalt  }
0x4f: {  	_ =	shalt  }
0x50: {  	_ =	shalt  }
0x51: {  	_ =	shalt  }
0x52: {  	_ =	shalt  }
0x53: {  	_ =	shalt  }
0x54: {  	_ =	shalt  }
0x55: {  	_ =	shalt  }
0x56: {  	_ =	shalt  }
0x57: {  	_ =	shalt  }
0x58: {  	_ =	shalt  }
0x59: {  	_ =	shalt  }
0x5a: {  	_ =	shalt  }
0x5b: {  	_ =	shalt  }
0x5c: {  	_ =	shalt  }
0x5d: {  	_ =	shalt  }
0x5e: {  	_ =	shalt  }
0x5f: {  	_ =	shalt  }
0x60: {  	_ =	shalt  }
0x61: {  	_ =	shalt  }
0x62: {  	_ =	shalt  }
0x63: {  	_ =	shalt  }
0x64: {  	_ =	shalt  }
0x65: {  	_ =	shalt  }
0x66: {  	_ =	shalt  }
0x67: {  	_ =	shalt  }
0x68: {  	_ =	shalt  }
0x69: {  	_ =	shalt  }
0x6a: {  	_ =	shalt  }
0x6b: {  	_ =	shalt  }
0x6c: {  	_ =	shalt  }
0x6d: {  	_ =	shalt  }
0x6e: {  	_ =	shalt  }
0x6f: {  	_ =	shalt  }
0x70: {  	_ =	shalt  }
0x71: {  	_ =	shalt  }
0x72: {  	_ =	shalt  }
0x73: {  	_ =	shalt  }
0x74: {  	_ =	shalt  }
0x75: {  	_ =	shalt  }
0x76: {  	_ =	shalt  }
0x77: {  	_ =	shalt  }
0x78: {  	_ =	shalt  }
0x79: {  	_ =	shalt  }
0x7a: {  	_ =	shalt  }
0x7b: {  	_ =	shalt  }
0x7c: {  	_ =	shalt  }
0x7d: {  	_ =	shalt  }
0x7e: {  	_ =	shalt  }
0x7f: {  	_ =	shalt  }
0x80: {  	_ =	shalt  }
0x81: {  	_ =	shalt  }
0x82: {  	_ =	shalt  }
0x83: {  	_ =	shalt  }
0x84: {  	_ =	shalt  }
0x85: {  	_ =	shalt  }
0x86: {  	_ =	shalt  }
0x87: {  	_ =	shalt  }
.Lfunc_end0:
.L_simem_size_0:
called_computation.1_lowered:
.L_overlay_start_0:
0x88: {  	s2 =	sld [smem:$0x3FD9]  }
0x89: {  	s3 =	sld [smem:$0x3FFE];
	_ =	sdelay $0x1  }
0x8a: {  	s1 =	srdreg.scid  }
0x8b: {  	s0 =	sand.u32 $0x1, s1  }
0x8c: {  	s17 =	sshll.u32 s0, $0xA;
	s2 =	sadd.s32 s3, s2  }
0x8d: {  	s2 =	sadd.s32 s2, s17  }
0x8e: {  	[smem:$0x3FB5] =	sst s2  }
0x8f: {  	_ = 	snop  }
0x90: {  	(tm) =	ssettm $0x1  }
0x91: {  	s18 =	sld [smem:$0x3FFB];
	_ =	sdelay $0x3  }
0x92: {  	_ =	strace s18  }
0x93: {  	s2 =	sld [smem:$0x3FFC];
	_ =	sdelay $0x3  }
0x94: {  	_ =	strace s2  }
0x95: {  	s2 =	sld [smem:$0x3FFD];
	_ =	sdelay $0x3  }
0x96: {  	_ =	strace s2  }
0x97: {  	_ =	strace $0x8FFFFFFF  }
0x98: {  	s19 =	sld [smem:$0x3FDB];
	_ =	sdelay $0x1  }
0x99: {  	s20 =	simm.s32 $_scs_section_size  }
0x9a: {  	s4 =	simm.s32 $_size__tile_overlayer_lowered;
	s5 =	simm.s32 $_tile_overlayer_lowered  }
0x9b: {  	s6 =	simm.s32 $0x1BFF;
	s21 =	sshll.u32 s5, $0x1;
	s3 =	sadd.s32 s20, s19  }
0x9c: {  	s22 =	simm.s32 $0x0;
	s4 =	sshll.u32 s4, $0x1;
	s5 =	sadd.s32 s21, s3  }
0x9d: {  	[timem:s22], [sflag:s6] =	dma.local [hbm:s5], s4  }
0x9e: {  	_ =	swait.ge [sflag:s6], s4  }
0x9f: {  	s4 =	ssub.s32 $0x0, s4;
	[sflag:s6] =	ssyncset.done $0x0  }
0xa0: {  	[sflag:s6] =	ssyncadd.s32 s4;
	_ =	sdelay $0x1  }
0xa1: {  	s23 =	simm.s32 $0x1B8B  }
0xa2: {  	_ =	swait.ge [sflag:s23], $0x1  }
0xa3: {  	[sflag:s23] =	ssyncset.done $0x0  }
0xa4: {  	[sflag:s23] =	ssyncadd.s32 $0xFFFFFFFF  }
0xa5: {  	s4 =	sld [smem:$0x0]  }
0xa6: {  	s5 =	sand.u32 $0xFFFFFFFE, s1  }
0xa7: {  	p0 =	sne.s32 s1, s5  }
0xa8: {  	s5 =	sshll.u32 @p0 s5, $0xE  }
0xa9: {  	s5 =	sadd.s32 @p0 $0x11B8D, s5;
	s6 =	sshll.u32 @p0 s4, $0x11  }
0xaa: {  	s5 =	sor.u32 @p0 s6, s5  }
0xab: {  	[sflag:s5] =	ssyncadd.remote.s32 @p0 $0x1;
	_ =	sdelay $0x1  }
0xac: {  	s5 =	simm.s32 @p0 $0x1B8D  }
0xad: {  	_ =	swait.eq @p0 [sflag:s5], $0x1  }
0xae: {  	[sflag:s5] =	ssyncadd.s32 @p0 $0xFFFFFFFF  }
0xaf: {  	s6 =	sshll.u32 @!p0 s1, $0xE  }
0xb0: {  	s6 =	sor.u32 @!p0 $0x4000, s6;
	s5 =	simm.s32 @!p0 $0x1B8D  }
0xb1: {  	s4 =	sshll.u32 @!p0 s4, $0x11;
	s6 =	sadd.s32 @!p0 $0x11B8D, s6;
	_ =	swait.eq @!p0 [sflag:s5], $0x1  }
0xb2: {  	s4 =	sor.u32 @!p0 s4, s6;
	[sflag:s5] =	ssyncadd.s32 @!p0 $0xFFFFFFFF  }
0xb3: {  	s25 =	simm.s32 $0x1B8E;
	s24 =	sld [smem:$0x3FFE];
	[sflag:s4] =	ssyncadd.remote.s32 @!p0 $0x1  }
0xb4: {  	s26 =	simm.s32 $execute0_lowered;
	[smem:$0x3FD2] =	sst s25  }
0xb5: {  	s5 =	sshll.u32 s26, $0x1;
	_ =	strace $0x80000049;
	[dreg:$0x1] =	wrdreg $0xFFFFFFFF  }
0xb6: {  	s28 =	simm.s32 $_size_execute0_lowered;
	s3 =	sadd.s32 s3, s5;
	[dreg:$0x0] =	wrdreg $0x0  }
0xb7: {  	s5 =	sshll.u32 s28, $0x1;
	[dreg:$0x2] =	wrdreg s3  }
0xb8: {  	[dreg:$0x3] =	wrdreg s5  }
0xb9: {  	[dreg:$0x4] =	wrdreg $0xC0  }
0xba: {  	_ =	task [dreg:s22], $0x5FFFF  }
0xbb: {  	[dreg:$0x1] =	wrdreg $0xFFFFFFFF  }
0xbc: {  	[dreg:$0x0] =	wrdreg $0x60  }
0xbd: {  	[dreg:$0x2] =	wrdreg s24  }
0xbe: {  	[dreg:$0x3] =	wrdreg $0x0  }
0xbf: {  	[dreg:$0x4] =	wrdreg $0xA  }
0xc0: {  	_ =	task.clear_ibuf [dreg:s22], $0x5FFFF;
	_ =	strace $0x90000049  }
0xc1: {  	s29 =	simm.s32 $0xA;
	_ =	strace $0x8000004B  }
0xc2: {  	_ =	swait.ge [sflag:s29], $0x1  }
0xc3: {  	[sflag:s29] =	ssyncadd.s32 $0xFFFFFFFF  }
0xc4: {  	_ =	strace $0x9000004B  }
0xc5: {  	_ =	sfence  }
0xc6: {  	s30 =	sld [smem:$0x0];
	_ =	sdelay $0x2  }
0xc7: {  	s31 =	sshll.u32 s1, $0xD;
	s1 =	sshrl.u32 s1, $0x2  }
0xc8: {  	s4 =	sand.u32 $0x4000, s31;
	s1 =	sadd.s32 s1, s30  }
0xc9: {  	s0 =	sor.u32 s4, s0;
	s1 =	sshll.u32 s1, $0x11  }
0xca: {  	s0 =	sor.u32 s1, s0  }
0xcb: {  	s0 =	sadd.s32 $0x8F2B, s0  }
0xcc: {  	[sflag:s0] =	ssyncadd.remote.s32 $0x1  }
0xcd: {  	_ =	sfence.sel $0xFFFF  }
0xce: {  	[dreg:$0x0] =	wrdreg $0xFFFFFFFF;
	(pc) =	sbr.abs _section_cstart, $3  }
0xcf: {  	[dreg:$0x1] =	wrdreg $0xFFFFFFFF  }
0xd0: {  	_ =	task.clear_ibuf [dreg:s22], $0x2FFFF;
	_ =	strace $0x9FFFFFFF  }
0xd1: {  	(tm) =	ssettm $0x7FFFFFFF  }
tec
execute0_lowered:
.L_overlay_start_1:
0x0: {  	(tag) =	ssettag $0x1  }
0x1: {  	s0 =	rddreg [dreg:$0x0]  }
0x2: {  	s1 =	rddreg [dreg:$0x1];
	s3 =	simm.s32 $0x0  }
0x3: {  	s2 =	srdreg.scid;
	s9 =	stileid.u32;
	s28 =	simm.s32 $0x1  }
0x4: {  	s29 =	simm.s32 $0x1ED90;
	s30 =	simm.s32 $0x2;
	s31 =	simm.s32 $0x1F0B0  }
0x5: {  	[smem:$0x7FF] =	sst s3;
	s7 =	smul.u32 $0x62000, s9;
	s4 =	sadd.s32 $0x4AB600, s0  }
0x6: {  	s2 =	sand.u32 $0x1, s2;
	s10 =	sadd.s32 $0x105600, s0;
	s22 =	smul.u32 $0xC40, s9  }
0x7: {  	s6 =	sadd.s32 $0x25F600, s0;
	s21 =	sshll.u32 s9, $0x6;
	s25 =	smul.u32 $0xC80, s9  }
0x8: {  	_ =	strace $0x8000004A;
	s20 =	smul.u32 $0x6, s2;
	[dreg:$0x5] =	wrdreg s21  }
0x9: {  	s5 =	ssub.s32 $0x2, s2;
	s24 =	smul.u32 $0x4B000, s2;
	[dreg:$0x3] =	wrdreg s10  }
0xa: {  	s21 =	simm.s32 $0x18800;
	s2 =	simm.s32 $0x80;
	s8 =	sshrl.u32 s5, $0x1  }
0xb: {  	s19 =	sshrl.u32 s7, $0x2;
	[dreg:$0x6] =	wrdreg s22;
	s22 =	simm.s32 $0x3  }
0xc: {  	s7 =	simm.s32 $0x0;
	s18 =	ssub.s32 s5, s8;
	s19 =	sadd.s32 s19, s1  }
0xd: {  	[dreg:$0x4] =	wrdreg s20;
	s26 =	sadd.s32 $0x5, s20;
	s0 =	smax.u32 s18, $0x1  }
0xe: {  	s23 =	sadd.s32 $0x3100, s19;
	s13 =	sadd.s32 $0x6200, s19;
	s14 =	sadd.s32 $0x9300, s19  }
0xf: {  	s15 =	sadd.s32 $0xC400, s19;
	s16 =	sadd.s32 $0xF500, s19;
	[dreg:$0x9] =	wrdreg s26  }
0x10: {  	s17 =	sadd.s32 $0x12600, s19;
	s18 =	sadd.s32 $0x15700, s19;
	[dreg:$0x7] =	wrdreg s0  }
0x11: {  	s26 =	simm.s32 $0x1BA00;
	[dreg:$0x8] =	wrdreg s23;
	s0 =	sadd.s32 s24, s10  }
0x12: {  	s23 =	simm.s32 $0x1EC00;
	s24 =	simm.s32 $0x190;
	s0 =	sadd.s32 s25, s0  }
0x13: {  	v0 =	vimm.f32 $0.0e+00;
	s25 =	simm.s32 $0x1EF20;
	[dreg:$0xa] =	wrdreg s0;
	s0 =	simm.s32 $0x20  }
.LBB2_1:
0x14: {  	[dreg:$0xb] =	wrdreg s7  }
0x15: {  	s20 =	rddreg [dreg:$0xa]  }
0x16: {  	s7 =	rddreg [dreg:$0x4]  }
.LBB2_2:
0x17: {  	s5 =	simm.s32 $0x80;
	s8 =	simm.s32 $0x0  }
.LBB2_3:
0x18: {  	p0 =	sne.s32 s5, $0xC380;
	[tilespmem:s8+$0x18800] =	vst v0;
	s11 =	smov.u32 s5;
	s5 =	sadd.s32 $0x80, s5  }
.Ltmp0:
0x19: {  	[tilespmem:s8+$0x18810] =	vst v0;
	(pc) =	sbr.rel @p0 .LBB2_3-.Ltmp0, $2  }
0x1a: {  	_ =	sdelay $0x2  }
0x1b: {  	s8 =	sshra.s32 s11, $0x2  }
0x1c: {  	[tilespmem:s8+$0x18800] =	vst v0  }
0x1d: {  	[tilespmem:s8+$0x18810] =	vst v0  }
0x1e: {  	[spmem:s19] =	stream.linear.scatter [tilespmem:s21], [sflag:$0x3], $0x3100, $0x38;
	[tilespmem:$0x1F240] =	vst v63  }
0x1f: {  	_ =	swait.ge [sflag:s22], $0x3100  }
0x20: {  	[sflag:s22] =	ssyncset.done $0x0  }
0x21: {  	s5 =	rddreg [dreg:$0x8];
	[sflag:s22] =	ssyncadd.s32 $0xFFFFCF00  }
0x22: {  	[spmem:s5] =	stream.linear.scatter [tilespmem:s21], [sflag:$0x3], $0x3100, $0x38;
	[tilespmem:$0x1F240] =	vst v63  }
0x23: {  	_ =	swait.ge [sflag:s22], $0x3100  }
0x24: {  	[sflag:s22] =	ssyncset.done $0x0  }
0x25: {  	[sflag:s22] =	ssyncadd.s32 $0xFFFFCF00  }
0x26: {  	[spmem:s13] =	stream.linear.scatter [tilespmem:s21], [sflag:$0x3], $0x3100, $0x38;
	[tilespmem:$0x1F240] =	vst v63  }
0x27: {  	_ =	swait.ge [sflag:s22], $0x3100  }
0x28: {  	[sflag:s22] =	ssyncset.done $0x0  }
0x29: {  	[sflag:s22] =	ssyncadd.s32 $0xFFFFCF00  }
0x2a: {  	[spmem:s14] =	stream.linear.scatter [tilespmem:s21], [sflag:$0x3], $0x3100, $0x38;
	[tilespmem:$0x1F240] =	vst v63  }
0x2b: {  	_ =	swait.ge [sflag:s22], $0x3100  }
0x2c: {  	[sflag:s22] =	ssyncset.done $0x0  }
0x2d: {  	[sflag:s22] =	ssyncadd.s32 $0xFFFFCF00  }
0x2e: {  	[spmem:s15] =	stream.linear.scatter [tilespmem:s21], [sflag:$0x3], $0x3100, $0x38;
	[tilespmem:$0x1F240] =	vst v63  }
0x2f: {  	_ =	swait.ge [sflag:s22], $0x3100  }
0x30: {  	[sflag:s22] =	ssyncset.done $0x0  }
0x31: {  	[sflag:s22] =	ssyncadd.s32 $0xFFFFCF00  }
0x32: {  	[spmem:s16] =	stream.linear.scatter [tilespmem:s21], [sflag:$0x3], $0x3100, $0x38;
	[tilespmem:$0x1F240] =	vst v63  }
0x33: {  	_ =	swait.ge [sflag:s22], $0x3100  }
0x34: {  	[sflag:s22] =	ssyncset.done $0x0  }
0x35: {  	[sflag:s22] =	ssyncadd.s32 $0xFFFFCF00  }
0x36: {  	[spmem:s17] =	stream.linear.scatter [tilespmem:s21], [sflag:$0x3], $0x3100, $0x38;
	[tilespmem:$0x1F240] =	vst v63  }
0x37: {  	_ =	swait.ge [sflag:s22], $0x3100  }
0x38: {  	[sflag:s22] =	ssyncset.done $0x0  }
0x39: {  	s12 =	smov.u32 s19;
	[sflag:s22] =	ssyncadd.s32 $0xFFFFCF00  }
0x3a: {  	[spmem:s18] =	stream.linear.scatter [tilespmem:s21], [sflag:$0x3], $0x3100, $0x38;
	[tilespmem:$0x1F240] =	vst v63  }
0x3b: {  	s11 =	sshll.u32 s7, $0xA;
	s19 =	rddreg [dreg:$0x5];
	_ =	swait.ge [sflag:s22], $0x3100  }
0x3c: {  	s5 =	sor.u32 s19, s11;
	[sflag:s22] =	ssyncset.done $0x0  }
0x3d: {  	s5 =	smul.u32 $0x190, s5;
	[sflag:s22] =	ssyncadd.s32 $0xFFFFCF00  }
0x3e: {  	[bflag:$0x0] =	sbarrier.arrive $0xFFFF  }
0x3f: {  	s5 =	sshrl.u32 s5, $0x3;
	s9 =	rddreg [dreg:$0x3]  }
0x40: {  	s11 =	sadd.s32 s9, s5  }
0x41: {  	[tilespmem:s23], [sflag:$0x3] =	stream.linear.gather [hbm4b:s11+s3], $0x320, $0x38;
	[tilespmem:$0x1F240] =	vst v63  }
0x42: {  	_ =	swait.ge [sflag:s22], $0x320  }
0x43: {  	[sflag:s22] =	ssyncset.done $0x0  }
0x44: {  	s10 =	sadd.s32 $0xFFFFF448, s20;
	[sflag:s22] =	ssyncadd.s32 $0xFFFFFCE0  }
0x45: {  	[tilespmem:s21], [sflag:$0x1] =	stream.indirect.gather [hbm4b:s4+s24], $0x20, s23, s24, $0xb8;
	[tilespmem:$0x1F240] =	vst v63  }
0x46: {  	s19 =	sadd.s32 $0xC1C, s10  }
0x47: {  	[tilespmem:s25], [sflag:$0x3] =	stream.linear.gather [hbm4b:s19+s3], $0x320, $0x38;
	[tilespmem:$0x1F240] =	vst v63  }
0x48: {  	_ =	swait.ge [sflag:s22], $0x320  }
0x49: {  	[sflag:s22] =	ssyncset.done $0x0  }
0x4a: {  	[sflag:s22] =	ssyncadd.s32 $0xFFFFFCE0  }
0x4b: {  	[tilespmem:s26], [sflag:$0x2] =	stream.indirect.gather [hbm4b:s4+s24], $0x20, s25, s24, $0xb8;
	[tilespmem:$0x1F240] =	vst v63  }
0x4c: {  	_ =	swait.ge [sflag:s28], $0x3200  }
0x4d: {  	[sflag:s28] =	ssyncset.done $0x0  }
0x4e: {  	[sflag:s28] =	ssyncadd.s32 $0xFFFFCE00  }
0x4f: {  	[spmem:s1] =	stream.indirect.scatter.add.f32 [tilespmem:s21], [sflag:$0x3], $0x20, s29, s24, $0xb8;
	[tilespmem:$0x1F240] =	vst v63  }
0x50: {  	_ =	swait.ge [sflag:s22], $0x3200  }
0x51: {  	[sflag:s22] =	ssyncset.done $0x0  }
0x52: {  	s5 =	sadd.s32 $0xC80, s10;
	[sflag:s22] =	ssyncadd.s32 $0xFFFFCE00  }
0x53: {  	[tilespmem:s23], [sflag:$0x3] =	stream.linear.gather [hbm4b:s5+s3], $0x320, $0x38;
	[tilespmem:$0x1F240] =	vst v63  }
0x54: {  	_ =	swait.ge [sflag:s22], $0x320  }
0x55: {  	[sflag:s22] =	ssyncset.done $0x0  }
0x56: {  	[sflag:s22] =	ssyncadd.s32 $0xFFFFFCE0  }
0x57: {  	[tilespmem:s21], [sflag:$0x1] =	stream.indirect.gather [hbm4b:s4+s24], $0x20, s23, s24, $0xb8;
	[tilespmem:$0x1F240] =	vst v63  }
0x58: {  	_ =	swait.ge [sflag:s30], $0x3200  }
0x59: {  	[sflag:s30] =	ssyncset.done $0x0  }
0x5a: {  	[sflag:s30] =	ssyncadd.s32 $0xFFFFCE00  }
0x5b: {  	[spmem:s1] =	stream.indirect.scatter.add.f32 [tilespmem:s26], [sflag:$0x3], $0x20, s31, s24, $0xb8;
	[tilespmem:$0x1F240] =	vst v63  }
0x5c: {  	_ =	swait.ge [sflag:s22], $0x3200  }
0x5d: {  	s8 =	simm.s32 $0xFFFFF5D8;
	s5 =	sadd.s32 $0xFFFFF510, s20;
	[sflag:s22] =	ssyncset.done $0x0  }
.LBB2_5:
0x5e: {  	s10 =	sadd.s32 $0xC1C, s5  }
0x5f: {  	[sflag:s22] =	ssyncadd.s32 $0xFFFFCE00;
	s19 =	smov.u32 s8;
	s9 =	sadd.s32 $0xC8, s8  }
0x60: {  	[tilespmem:s25], [sflag:$0x3] =	stream.linear.gather [hbm4b:s10+s3], $0x320, $0x38;
	[tilespmem:$0x1F240] =	vst v63  }
0x61: {  	p0 =	sne.s32 s8, $0xFFFFFF38;
	_ =	swait.ge [sflag:s22], $0x320  }
0x62: {  	[sflag:s22] =	ssyncset.done $0x0  }
0x63: {  	[sflag:s22] =	ssyncadd.s32 $0xFFFFFCE0  }
0x64: {  	[tilespmem:s26], [sflag:$0x2] =	stream.indirect.gather [hbm4b:s4+s24], $0x20, s25, s24, $0xb8;
	[tilespmem:$0x1F240] =	vst v63  }
0x65: {  	_ =	swait.ge [sflag:s28], $0x3200  }
0x66: {  	[sflag:s28] =	ssyncset.done $0x0  }
0x67: {  	[sflag:s28] =	ssyncadd.s32 $0xFFFFCE00  }
0x68: {  	[spmem:s1] =	stream.indirect.scatter.add.f32 [tilespmem:s21], [sflag:$0x3], $0x20, s29, s24, $0xb8;
	[tilespmem:$0x1F240] =	vst v63  }
0x69: {  	_ =	swait.ge [sflag:s22], $0x3200  }
0x6a: {  	[sflag:s22] =	ssyncset.done $0x0  }
0x6b: {  	s5 =	sadd.s32 $0xC80, s5;
	[sflag:s22] =	ssyncadd.s32 $0xFFFFCE00  }
0x6c: {  	[tilespmem:s23], [sflag:$0x3] =	stream.linear.gather [hbm4b:s5+s3], $0x320, $0x38;
	[tilespmem:$0x1F240] =	vst v63  }
0x6d: {  	_ =	swait.ge [sflag:s22], $0x320  }
0x6e: {  	[sflag:s22] =	ssyncset.done $0x0  }
0x6f: {  	[sflag:s22] =	ssyncadd.s32 $0xFFFFFCE0  }
0x70: {  	[tilespmem:s21], [sflag:$0x1] =	stream.indirect.gather [hbm4b:s4+s24], $0x20, s23, s24, $0xb8;
	[tilespmem:$0x1F240] =	vst v63  }
0x71: {  	_ =	swait.ge [sflag:s30], $0x3200  }
.Ltmp1:
0x72: {  	[sflag:s30] =	ssyncset.done $0x0;
	(pc) =	sbr.rel @p0 .LBB2_5-.Ltmp1, $4  }
0x73: {  	[sflag:s30] =	ssyncadd.s32 $0xFFFFCE00  }
0x74: {  	[spmem:s1] =	stream.indirect.scatter.add.f32 [tilespmem:s26], [sflag:$0x3], $0x20, s31, s24, $0xb8;
	[tilespmem:$0x1F240] =	vst v63  }
0x75: {  	_ =	swait.ge [sflag:s22], $0x3200  }
0x76: {  	s8 =	smov.u32 s9;
	s5 =	sadd.s32 s19, s20;
	[sflag:s22] =	ssyncset.done $0x0  }
0x77: {  	s8 =	sadd.s32 $0xC1C, s5;
	[sflag:s22] =	ssyncadd.s32 $0xFFFFCE00  }
0x78: {  	[tilespmem:s25], [sflag:$0x3] =	stream.linear.gather [hbm4b:s8+s3], $0x320, $0x38;
	[tilespmem:$0x1F240] =	vst v63  }
0x79: {  	_ =	swait.ge [sflag:s22], $0x320  }
0x7a: {  	[sflag:s22] =	ssyncset.done $0x0  }
0x7b: {  	[sflag:s22] =	ssyncadd.s32 $0xFFFFFCE0  }
0x7c: {  	[tilespmem:s26], [sflag:$0x2] =	stream.indirect.gather [hbm4b:s4+s24], $0x20, s25, s24, $0xb8;
	[tilespmem:$0x1F240] =	vst v63  }
0x7d: {  	_ =	swait.ge [sflag:s28], $0x3200  }
0x7e: {  	[sflag:s28] =	ssyncset.done $0x0  }
0x7f: {  	[sflag:s28] =	ssyncadd.s32 $0xFFFFCE00  }
0x80: {  	[spmem:s1] =	stream.indirect.scatter.add.f32 [tilespmem:s21], [sflag:$0x3], $0x20, s29, s24, $0xb8;
	[tilespmem:$0x1F240] =	vst v63  }
0x81: {  	_ =	swait.ge [sflag:s22], $0x3200  }
0x82: {  	[sflag:s22] =	ssyncset.done $0x0  }
0x83: {  	s10 =	sadd.s32 $0xC80, s5;
	[sflag:s22] =	ssyncadd.s32 $0xFFFFCE00  }
0x84: {  	[tilespmem:s23], [sflag:$0x3] =	stream.linear.gather [hbm4b:s10+s3], $0x320, $0x38;
	[tilespmem:$0x1F240] =	vst v63  }
0x85: {  	_ =	swait.ge [sflag:s22], $0x320  }
0x86: {  	[sflag:s22] =	ssyncset.done $0x0  }
0x87: {  	[sflag:s22] =	ssyncadd.s32 $0xFFFFFCE0  }
0x88: {  	[tilespmem:s21], [sflag:$0x1] =	stream.indirect.gather [hbm4b:s4+s24], $0x20, s23, s24, $0xb8;
	[tilespmem:$0x1F240] =	vst v63  }
0x89: {  	_ =	swait.ge [sflag:s30], $0x3200  }
0x8a: {  	[sflag:s30] =	ssyncset.done $0x0  }
0x8b: {  	[sflag:s30] =	ssyncadd.s32 $0xFFFFCE00  }
0x8c: {  	[spmem:s1] =	stream.indirect.scatter.add.f32 [tilespmem:s26], [sflag:$0x3], $0x20, s31, s24, $0xb8;
	[tilespmem:$0x1F240] =	vst v63  }
0x8d: {  	_ =	swait.ge [sflag:s22], $0x3200  }
0x8e: {  	[sflag:s22] =	ssyncset.done $0x0  }
0x8f: {  	s11 =	sadd.s32 $0xC1C, s11;
	[sflag:s22] =	ssyncadd.s32 $0xFFFFCE00  }
0x90: {  	[tilespmem:s25], [sflag:$0x3] =	stream.linear.gather [hbm4b:s11+s3], $0x320, $0x38;
	[tilespmem:$0x1F240] =	vst v63  }
0x91: {  	_ =	swait.ge [sflag:s22], $0x320  }
0x92: {  	[sflag:s22] =	ssyncset.done $0x0  }
0x93: {  	[sflag:s22] =	ssyncadd.s32 $0xFFFFFCE0  }
0x94: {  	[tilespmem:s26], [sflag:$0x2] =	stream.indirect.gather [hbm4b:s4+s24], $0x20, s25, s24, $0xb8;
	[tilespmem:$0x1F240] =	vst v63  }
0x95: {  	_ =	swait.ge [sflag:s28], $0x3200  }
0x96: {  	[sflag:s28] =	ssyncset.done $0x0  }
0x97: {  	[sflag:s28] =	ssyncadd.s32 $0xFFFFCE00  }
0x98: {  	[spmem:s1] =	stream.indirect.scatter.add.f32 [tilespmem:s21], [sflag:$0x3], $0x20, s29, s24, $0xb8;
	[tilespmem:$0x1F240] =	vst v63  }
0x99: {  	_ =	swait.ge [sflag:s22], $0x3200  }
0x9a: {  	[sflag:s22] =	ssyncset.done $0x0  }
0x9b: {  	[sflag:s22] =	ssyncadd.s32 $0xFFFFCE00  }
0x9c: {  	_ =	swait.ge [sflag:s30], $0x3200  }
0x9d: {  	[sflag:s30] =	ssyncset.done $0x0  }
0x9e: {  	[sflag:s30] =	ssyncadd.s32 $0xFFFFCE00  }
0x9f: {  	[spmem:s1] =	stream.indirect.scatter.add.f32 [tilespmem:s26], [sflag:$0x3], $0x20, s31, s24, $0xb8;
	[tilespmem:$0x1F240] =	vst v63  }
0xa0: {  	_ =	swait.ge [sflag:s22], $0x3200  }
0xa1: {  	[sflag:s22] =	ssyncset.done $0x0  }
0xa2: {  	[sflag:s22] =	ssyncadd.s32 $0xFFFFCE00  }
0xa3: {  	s19 =	sshrl.u32 s7, $0x2;
	[bflag:$0x0] =	sbarrier.arrive $0xFFFF  }
0xa4: {  	s10 =	smul.u32 $0xC400, s19;
	s9 =	rddreg [dreg:$0x6]  }
0xa5: {  	[tilespmem:s21], [sflag:$0x3] =	stream.linear.gather [spmem:s12], $0x3100, $0x38;
	[tilespmem:$0x1F240] =	vst v63  }
0xa6: {  	s5 =	sshll.u32 s19, $0x7;
	s11 =	sshll.u32 s7, $0x5;
	s8 =	sadd.s32 s10, s9  }
0xa7: {  	s5 =	ssub.s32 s11, s5;
	s8 =	sshll.u32 s8, $0x7  }
0xa8: {  	_ =	swait.ge [sflag:s22], $0x3100;
	s11 =	sadd.s32 s8, s5  }
0xa9: {  	[sflag:s22] =	ssyncset.done $0x0;
	s5 =	sshrl.u32 s11, $0x3  }
0xaa: {  	[sflag:s22] =	ssyncadd.s32 $0xFFFFCF00;
	s5 =	sadd.s32 s6, s5  }
0xab: {  	[hbm4b:s5+s0] =	stream.strided.scatter [tilespmem:s21], [sflag:$0x3], $0x3100, s2, s0, $0x38;
	[tilespmem:$0x1F240] =	vst v63  }
0xac: {  	_ =	swait.ge [sflag:s22], $0x3100  }
0xad: {  	[sflag:s22] =	ssyncset.done $0x0  }
0xae: {  	s8 =	rddreg [dreg:$0x8];
	[sflag:s22] =	ssyncadd.s32 $0xFFFFCF00  }
0xaf: {  	[tilespmem:s21], [sflag:$0x3] =	stream.linear.gather [spmem:s8], $0x3100, $0x38;
	[tilespmem:$0x1F240] =	vst v63  }
0xb0: {  	s9 =	sadd.s32 $0xC400, s11;
	_ =	swait.ge [sflag:s22], $0x3100  }
0xb1: {  	s5 =	sshrl.u32 s9, $0x3;
	[sflag:s22] =	ssyncset.done $0x0  }
0xb2: {  	s5 =	sadd.s32 s6, s5;
	[sflag:s22] =	ssyncadd.s32 $0xFFFFCF00  }
0xb3: {  	[hbm4b:s5+s0] =	stream.strided.scatter [tilespmem:s21], [sflag:$0x3], $0x3100, s2, s0, $0x38;
	[tilespmem:$0x1F240] =	vst v63  }
0xb4: {  	_ =	swait.ge [sflag:s22], $0x3100  }
0xb5: {  	[sflag:s22] =	ssyncset.done $0x0  }
0xb6: {  	[sflag:s22] =	ssyncadd.s32 $0xFFFFCF00  }
0xb7: {  	[tilespmem:s21], [sflag:$0x3] =	stream.linear.gather [spmem:s13], $0x3100, $0x38;
	[tilespmem:$0x1F240] =	vst v63  }
0xb8: {  	s10 =	sadd.s32 $0x18800, s11;
	_ =	swait.ge [sflag:s22], $0x3100  }
0xb9: {  	s5 =	sshrl.u32 s10, $0x3;
	[sflag:s22] =	ssyncset.done $0x0  }
0xba: {  	s5 =	sadd.s32 s6, s5;
	[sflag:s22] =	ssyncadd.s32 $0xFFFFCF00  }
0xbb: {  	[hbm4b:s5+s0] =	stream.strided.scatter [tilespmem:s21], [sflag:$0x3], $0x3100, s2, s0, $0x38;
	[tilespmem:$0x1F240] =	vst v63  }
0xbc: {  	_ =	swait.ge [sflag:s22], $0x3100  }
0xbd: {  	[sflag:s22] =	ssyncset.done $0x0  }
0xbe: {  	[sflag:s22] =	ssyncadd.s32 $0xFFFFCF00  }
0xbf: {  	[tilespmem:s21], [sflag:$0x3] =	stream.linear.gather [spmem:s14], $0x3100, $0x38;
	[tilespmem:$0x1F240] =	vst v63  }
0xc0: {  	s19 =	smov.u32 s12;
	s12 =	sadd.s32 $0x24C00, s11;
	_ =	swait.ge [sflag:s22], $0x3100  }
0xc1: {  	s5 =	sshrl.u32 s12, $0x3;
	[sflag:s22] =	ssyncset.done $0x0  }
0xc2: {  	s5 =	sadd.s32 s6, s5;
	[sflag:s22] =	ssyncadd.s32 $0xFFFFCF00  }
0xc3: {  	[hbm4b:s5+s0] =	stream.strided.scatter [tilespmem:s21], [sflag:$0x3], $0x3100, s2, s0, $0x38;
	[tilespmem:$0x1F240] =	vst v63  }
0xc4: {  	_ =	swait.ge [sflag:s22], $0x3100  }
0xc5: {  	[sflag:s22] =	ssyncset.done $0x0  }
0xc6: {  	[sflag:s22] =	ssyncadd.s32 $0xFFFFCF00  }
0xc7: {  	[tilespmem:s21], [sflag:$0x3] =	stream.linear.gather [spmem:s15], $0x3100, $0x38;
	[tilespmem:$0x1F240] =	vst v63  }
0xc8: {  	s8 =	sadd.s32 $0x31000, s11;
	_ =	swait.ge [sflag:s22], $0x3100  }
0xc9: {  	s5 =	sshrl.u32 s8, $0x3;
	[sflag:s22] =	ssyncset.done $0x0  }
0xca: {  	s5 =	sadd.s32 s6, s5;
	[sflag:s22] =	ssyncadd.s32 $0xFFFFCF00  }
0xcb: {  	[hbm4b:s5+s0] =	stream.strided.scatter [tilespmem:s21], [sflag:$0x3], $0x3100, s2, s0, $0x38;
	[tilespmem:$0x1F240] =	vst v63  }
0xcc: {  	_ =	swait.ge [sflag:s22], $0x3100  }
0xcd: {  	[sflag:s22] =	ssyncset.done $0x0  }
0xce: {  	[sflag:s22] =	ssyncadd.s32 $0xFFFFCF00  }
0xcf: {  	[tilespmem:s21], [sflag:$0x3] =	stream.linear.gather [spmem:s16], $0x3100, $0x38;
	[tilespmem:$0x1F240] =	vst v63  }
0xd0: {  	s9 =	sadd.s32 $0x3D400, s11;
	_ =	swait.ge [sflag:s22], $0x3100  }
0xd1: {  	s5 =	sshrl.u32 s9, $0x3;
	[sflag:s22] =	ssyncset.done $0x0  }
0xd2: {  	s5 =	sadd.s32 s6, s5;
	[sflag:s22] =	ssyncadd.s32 $0xFFFFCF00  }
0xd3: {  	[hbm4b:s5+s0] =	stream.strided.scatter [tilespmem:s21], [sflag:$0x3], $0x3100, s2, s0, $0x38;
	[tilespmem:$0x1F240] =	vst v63  }
0xd4: {  	_ =	swait.ge [sflag:s22], $0x3100  }
0xd5: {  	[sflag:s22] =	ssyncset.done $0x0  }
0xd6: {  	[sflag:s22] =	ssyncadd.s32 $0xFFFFCF00  }
0xd7: {  	[tilespmem:s21], [sflag:$0x3] =	stream.linear.gather [spmem:s17], $0x3100, $0x38;
	[tilespmem:$0x1F240] =	vst v63  }
0xd8: {  	s10 =	sadd.s32 $0x49800, s11;
	_ =	swait.ge [sflag:s22], $0x3100  }
0xd9: {  	s5 =	sshrl.u32 s10, $0x3;
	[sflag:s22] =	ssyncset.done $0x0  }
0xda: {  	s5 =	sadd.s32 s6, s5;
	[sflag:s22] =	ssyncadd.s32 $0xFFFFCF00  }
0xdb: {  	[hbm4b:s5+s0] =	stream.strided.scatter [tilespmem:s21], [sflag:$0x3], $0x3100, s2, s0, $0x38;
	[tilespmem:$0x1F240] =	vst v63  }
0xdc: {  	_ =	swait.ge [sflag:s22], $0x3100  }
0xdd: {  	[sflag:s22] =	ssyncset.done $0x0  }
0xde: {  	[sflag:s22] =	ssyncadd.s32 $0xFFFFCF00  }
0xdf: {  	[tilespmem:s21], [sflag:$0x3] =	stream.linear.gather [spmem:s18], $0x3100, $0x38;
	[tilespmem:$0x1F240] =	vst v63  }
0xe0: {  	s11 =	sadd.s32 $0x55C00, s11;
	_ =	swait.ge [sflag:s22], $0x3100  }
0xe1: {  	s5 =	sshrl.u32 s11, $0x3;
	[sflag:s22] =	ssyncset.done $0x0  }
0xe2: {  	s5 =	sadd.s32 s6, s5;
	[sflag:s22] =	ssyncadd.s32 $0xFFFFCF00  }
0xe3: {  	[hbm4b:s5+s0] =	stream.strided.scatter [tilespmem:s21], [sflag:$0x3], $0x3100, s2, s0, $0x38;
	[tilespmem:$0x1F240] =	vst v63  }
0xe4: {  	_ =	swait.ge [sflag:s22], $0x3100  }
0xe5: {  	s12 =	rddreg [dreg:$0x9]  }
0xe6: {  	p0 =	sne.s32 s7, s12  }
.Ltmp2:
0xe7: {  	_ = 	snop;
	(pc) =	sbr.rel @p0 .LBB2_2-.Ltmp2, $3  }
0xe8: {  	_ =	sdelay $0x1  }
0xe9: {  	[sflag:s22] =	ssyncset.done $0x0  }
0xea: {  	s20 =	sadd.s32 $0xC800, s20;
	s7 =	sadd.s32 $0x1, s7;
	[sflag:s22] =	ssyncadd.s32 $0xFFFFCF00  }
0xeb: {  	s7 =	rddreg [dreg:$0xb]  }
0xec: {  	s5 =	rddreg [dreg:$0x7];
	s7 =	sadd.s32 $0x1, s7  }
0xed: {  	p0 =	sne.s32 s7, s5  }
.Ltmp3:
0xee: {  	_ = 	snop;
	(pc) =	sbr.rel @p0 .LBB2_1-.Ltmp3, $1  }
0xef: {  	_ =	sdelay $0x3  }
0xf0: {  	_ =	sfence.sel $0x180000  }
0xf1: {  	[bflag:$0x0] =	sbarrier.arrive $0xFFFF  }
0xf2: {  	_ =	strace $0x9000004A  }
0xf3: {  	s0 =	stileid.u32;
	[bflag:$0x2] =	sbarrier.arrive $0xFFFF  }
0xf4: {  	p0 =	sne.s32 s0, $0x0;
	s0 =	rddreg [dreg:$0x2]  }
0xf5: {  	s0 =	sadd.s32 @!p0 $0x100000, s0  }
0xf6: {  	[sflag:s0] =	ssyncadd.tile.s32 @!p0 $0x1;
	_ =	shalt  }
.Lfunc_end2:
_tile_overlayer_lowered:
.L_overlay_start_2:
0xf7: {  	(tag) =	ssettag $0x2  }
0xf8: {  	s0 =	rddreg [dreg:$0x0];
	s2 =	stileid.u32  }
0xf9: {  	s1 =	rddreg [dreg:$0x1];
	p0 =	sne.s32 s2, $0x0  }
0xfa: {  	s3 =	rddreg [dreg:$0x2];
	[bflag:$0x3] =	sbarrier.arrive $0xFFFF;
	s2 =	simm.s32 @!p0 $0x1C03  }
0xfb: {  	[timem:s3], [sflag:s2] =	dma.local @!p0 [hbm:s0], s1  }
0xfc: {  	s0 =	simm.s32 @!p0 $0x3  }
0xfd: {  	_ =	swait.ge @!p0 [sflag:s0], s1  }
0xfe: {  	s1 =	ssub.s32 @!p0 $0x0, s1;
	[sflag:s0] =	ssyncset.done @!p0 $0x0  }
0xff: {  	[sflag:s0] =	ssyncadd.s32 @!p0 s1  }
0x100: {  	[bflag:$0x3] =	sbarrier.arrive $0xFFFF  }
0x101: {  	_ =	shalt  }

// kernel: kernel.16.cloned.1.call-start
scs
__scs_entry_jumppad:
0x0: {  	(pc) =	sbr.rel $0x88, $3  }
0x1: {  	(tag) =	ssettag $0x0;
	lr =	simm.s32 $0x1  }
0x2: {  	[smem:$0x3F8E] =	sst lr;
	_ =	strace $0xD0000000  }
0x3: {  	_ = 	snop  }
0x4: {  	_ = 	snop  }
0x5: {  	_ = 	snop  }
0x6: {  	_ = 	snop  }
0x7: {  	_ = 	snop  }
__scs_overlays_trampoline_lowered:
0x8: {  	[smem:$0x3F9D] =	sst s0  }
0x9: {  	[smem:$0x3F9E] =	sst s1  }
0xa: {  	[smem:$0x3F9F] =	sst s2  }
0xb: {  	[smem:$0x3FA0] =	sst s3  }
0xc: {  	[smem:$0x3FA1] =	sst s4  }
0xd: {  	[smem:$0x3FA2] =	sst s5  }
0xe: {  	[smem:$0x3FA3] =	sst s6  }
0xf: {  	[smem:$0x3FA4] =	sst s7  }
0x10: {  	[smem:$0x3FA5] =	sst s8  }
0x11: {  	[smem:$0x3FA6] =	sst s9;
	s0 =	simm.s32 @!p0 $0x0  }
0x12: {  	s1 =	sld [smem:$0x3F8C];
	s0 =	simm.s32 @p0 $0x1  }
0x13: {  	[smem:$0x3FA7] =	sst s0;
	s0 =	simm.s32 @!p1 $0x0  }
0x14: {  	s2 =	sld [smem:$0x3F8B];
	s0 =	simm.s32 @p1 $0x1  }
0x15: {  	[smem:$0x3FA8] =	sst s0;
	s0 =	simm.s32 @!p2 $0x0  }
0x16: {  	s3 =	sld [smem:$0x3FDB];
	s0 =	simm.s32 @p2 $0x1  }
0x17: {  	s4 =	simm.s32 $0x1BF5;
	[smem:$0x3FAA] =	sst s0  }
0x18: {  	s0 =	sld [smem:$0x3F8D];
	_ =	swait.ge [sflag:s4], $0x0  }
0x19: {  	s7 =	sld [smem:$0x3F8E]  }
0x1a: {  	s8 =	sadd.s32 $0xFFFFE003, lr  }
0x1b: {  	s9 =	sadd.s32 $0xFFFFFEF7, lr;
	s5 =	simm.s32 $0xFFFFFFFF;
	p2 =	slt.u32 s8, $0xFFFFF086  }
0x1c: {  	p1 =	slt.u32 s9, $0xF7A;
	s5 =	simm.s32 @!p2 $0x0  }
0x1d: {  	s5 =	simm.s32 @p1 $0x1;
	p0 =	seq.s32 s7, s2  }
0x1e: {  	s7 =	smul.u32 @!p0 $0xF7A, s2;
	p2 =	seq.s32 @!p0 s5, $0x0  }
0x1f: {  	s9 =	smul.u32 $0xF7A, s1;
	s8 =	simm.s32 @!p0 $0x1BF5;
	p2 =	por !p2, p0  }
0x20: {  	[sflag:s8] =	ssyncset.s32 @!p0 $0xFFFFF086;
	s6 =	sadd.s32 @!p0 s3, s7;
	s7 =	simm.s32 @!p0 $0x108  }
0x21: {  	s3 =	sadd.s32 s3, s9;
	s6 =	sadd.s32 @!p0 $0x88, s6;
	s7 =	simm.s32 @p2 $0x1082  }
0x22: {  	[simem:s7], [sflag:s8] =	dma.local @!p0 [hbm:s6], $0xF7A  }
0x23: {  	s9 =	sor.u32 $0xD0000000, s2;
	s6 =	simm.s32 $0x108;
	_ =	swait.ge @!p0 [sflag:s8], $0x0  }
0x24: {  	s3 =	sadd.s32 $0x88, s3;
	s6 =	simm.s32 @!p1 $0x1082;
	[sflag:s4] =	ssyncset.s32 $0xFFFFF086  }
0x25: {  	[simem:s6], [sflag:s4] =	dma.local [hbm:s3], $0xF7A  }
0x26: {  	[smem:$0x3F8E] =	sst s1;
	(tag) =	ssettag s2;
	_ =	strace s9  }
0x27: {  	s1 =	sld [smem:$0x3F9E]  }
0x28: {  	s2 =	sld [smem:$0x3F9F]  }
0x29: {  	s4 =	sld [smem:$0x3FA1]  }
0x2a: {  	p0 =	seq.s32 s5, $0x0;
	s5 =	sld [smem:$0x3FA2]  }
0x2b: {  	s6 =	sld [smem:$0x3FA3]  }
0x2c: {  	s7 =	sld [smem:$0x3FA4]  }
0x2d: {  	s3 =	simm.s32 $0x108;
	s8 =	sld [smem:$0x3FA5]  }
0x2e: {  	s3 =	simm.s32 @!p0 $0x1082;
	s9 =	sld [smem:$0x3FA6]  }
0x2f: {  	lr =	sadd.s32 s0, s3;
	s0 =	sld [smem:$0x3F9D]  }
0x30: {  	s3 =	sld [smem:$0x3FA0]  }
0x31: {  	[smem:$0x3FA9] =	sst s10  }
0x32: {  	s10 =	sld [smem:$0x3FA7];
	_ =	sdelay $0x3  }
0x33: {  	p0 =	seq.s32 s10, $0x1;
	s10 =	sld [smem:$0x3FA9];
	_ =	sdelay $0x3  }
0x34: {  	[smem:$0x3FA9] =	sst s10  }
0x35: {  	s10 =	sld [smem:$0x3FA8];
	_ =	sdelay $0x3  }
0x36: {  	p1 =	seq.s32 s10, $0x1;
	s10 =	sld [smem:$0x3FA9];
	_ =	sdelay $0x3  }
0x37: {  	[smem:$0x3FA9] =	sst s10  }
0x38: {  	s10 =	sld [smem:$0x3FAA]  }
0x39: {  	_ = 	snop;
	(pc) =	sbr.ind lr, $3  }
0x3a: {  	_ = 	snop  }
0x3b: {  	_ = 	snop  }
0x3c: {  	p2 =	seq.s32 s10, $0x1;
	s10 =	sld [smem:$0x3FA9]  }
0x3d: {  	_ =	shalt  }
0x3e: {  	_ =	shalt  }
0x3f: {  	_ =	shalt  }
0x40: {  	_ =	shalt  }
0x41: {  	_ =	shalt  }
0x42: {  	_ =	shalt  }
0x43: {  	_ =	shalt  }
0x44: {  	_ =	shalt  }
0x45: {  	_ =	shalt  }
0x46: {  	_ =	shalt  }
0x47: {  	_ =	shalt  }
0x48: {  	_ =	shalt  }
0x49: {  	_ =	shalt  }
0x4a: {  	_ =	shalt  }
0x4b: {  	_ =	shalt  }
0x4c: {  	_ =	shalt  }
0x4d: {  	_ =	shalt  }
0x4e: {  	_ =	shalt  }
0x4f: {  	_ =	shalt  }
0x50: {  	_ =	shalt  }
0x51: {  	_ =	shalt  }
0x52: {  	_ =	shalt  }
0x53: {  	_ =	shalt  }
0x54: {  	_ =	shalt  }
0x55: {  	_ =	shalt  }
0x56: {  	_ =	shalt  }
0x57: {  	_ =	shalt  }
0x58: {  	_ =	shalt  }
0x59: {  	_ =	shalt  }
0x5a: {  	_ =	shalt  }
0x5b: {  	_ =	shalt  }
0x5c: {  	_ =	shalt  }
0x5d: {  	_ =	shalt  }
0x5e: {  	_ =	shalt  }
0x5f: {  	_ =	shalt  }
0x60: {  	_ =	shalt  }
0x61: {  	_ =	shalt  }
0x62: {  	_ =	shalt  }
0x63: {  	_ =	shalt  }
0x64: {  	_ =	shalt  }
0x65: {  	_ =	shalt  }
0x66: {  	_ =	shalt  }
0x67: {  	_ =	shalt  }
0x68: {  	_ =	shalt  }
0x69: {  	_ =	shalt  }
0x6a: {  	_ =	shalt  }
0x6b: {  	_ =	shalt  }
0x6c: {  	_ =	shalt  }
0x6d: {  	_ =	shalt  }
0x6e: {  	_ =	shalt  }
0x6f: {  	_ =	shalt  }
0x70: {  	_ =	shalt  }
0x71: {  	_ =	shalt  }
0x72: {  	_ =	shalt  }
0x73: {  	_ =	shalt  }
0x74: {  	_ =	shalt  }
0x75: {  	_ =	shalt  }
0x76: {  	_ =	shalt  }
0x77: {  	_ =	shalt  }
0x78: {  	_ =	shalt  }
0x79: {  	_ =	shalt  }
0x7a: {  	_ =	shalt  }
0x7b: {  	_ =	shalt  }
0x7c: {  	_ =	shalt  }
0x7d: {  	_ =	shalt  }
0x7e: {  	_ =	shalt  }
0x7f: {  	_ =	shalt  }
0x80: {  	_ =	shalt  }
0x81: {  	_ =	shalt  }
0x82: {  	_ =	shalt  }
0x83: {  	_ =	shalt  }
0x84: {  	_ =	shalt  }
0x85: {  	_ =	shalt  }
0x86: {  	_ =	shalt  }
0x87: {  	_ =	shalt  }
.Lfunc_end0:
.L_simem_size_0:
called_computation.2_lowered:
.L_overlay_start_0:
0x88: {  	s2 =	sld [smem:$0x3FD9]  }
0x89: {  	s3 =	sld [smem:$0x3FFE];
	_ =	sdelay $0x1  }
0x8a: {  	s1 =	srdreg.scid  }
0x8b: {  	s0 =	sand.u32 $0x1, s1  }
0x8c: {  	s16 =	sshll.u32 s0, $0xA;
	s2 =	sadd.s32 s3, s2  }
0x8d: {  	s2 =	sadd.s32 s2, s16  }
0x8e: {  	[smem:$0x3FB5] =	sst s2  }
0x8f: {  	_ = 	snop  }
0x90: {  	(tm) =	ssettm $0x1  }
0x91: {  	s17 =	sld [smem:$0x3FFB];
	_ =	sdelay $0x3  }
0x92: {  	_ =	strace s17  }
0x93: {  	s2 =	sld [smem:$0x3FFC];
	_ =	sdelay $0x3  }
0x94: {  	_ =	strace s2  }
0x95: {  	s2 =	sld [smem:$0x3FFD];
	_ =	sdelay $0x3  }
0x96: {  	_ =	strace s2  }
0x97: {  	_ =	strace $0x8FFFFFFF  }
0x98: {  	s18 =	sld [smem:$0x3FDB];
	_ =	sdelay $0x1  }
0x99: {  	s19 =	simm.s32 $_scs_section_size  }
0x9a: {  	s4 =	simm.s32 $_size__tile_overlayer_lowered;
	s5 =	simm.s32 $_tile_overlayer_lowered  }
0x9b: {  	s22 =	simm.s32 $0x1BFF;
	s21 =	sshll.u32 s5, $0x1;
	s2 =	sadd.s32 s19, s18  }
0x9c: {  	s6 =	simm.s32 $0x0;
	s20 =	sshll.u32 s4, $0x1;
	s4 =	sadd.s32 s21, s2  }
0x9d: {  	[timem:s6], [sflag:s22] =	dma.local [hbm:s4], s20  }
0x9e: {  	_ =	swait.ge [sflag:s22], s20  }
0x9f: {  	s3 =	ssub.s32 $0x0, s20;
	[sflag:s22] =	ssyncset.done $0x0  }
0xa0: {  	[sflag:s22] =	ssyncadd.s32 s3;
	_ =	sdelay $0x1  }
0xa1: {  	s23 =	simm.s32 $0x1B8B  }
0xa2: {  	_ =	swait.ge [sflag:s23], $0x1  }
0xa3: {  	[sflag:s23] =	ssyncset.done $0x0  }
0xa4: {  	s25 =	simm.s32 $0x1B8E;
	s24 =	sld [smem:$0x3FFE];
	[sflag:s23] =	ssyncadd.s32 $0xFFFFFFFF  }
0xa5: {  	s26 =	simm.s32 $execute0_lowered;
	[smem:$0x3FD2] =	sst s25  }
0xa6: {  	s4 =	sshll.u32 s26, $0x1;
	_ =	strace $0x8000004C;
	[dreg:$0x1] =	wrdreg $0xFFFFFFFF  }
0xa7: {  	s28 =	simm.s32 $_size_execute0_lowered;
	s2 =	sadd.s32 s2, s4;
	[dreg:$0x0] =	wrdreg $0x0  }
0xa8: {  	s4 =	sshll.u32 s28, $0x1;
	[dreg:$0x2] =	wrdreg s2  }
0xa9: {  	[dreg:$0x3] =	wrdreg s4  }
0xaa: {  	[dreg:$0x4] =	wrdreg $0xC0  }
0xab: {  	_ =	task [dreg:s6], $0x5FFFF  }
0xac: {  	[dreg:$0x1] =	wrdreg $0xFFFFFFFF  }
0xad: {  	[dreg:$0x0] =	wrdreg $0x60  }
0xae: {  	[dreg:$0x2] =	wrdreg s24  }
0xaf: {  	[dreg:$0x3] =	wrdreg $0x0  }
0xb0: {  	[dreg:$0x4] =	wrdreg $0x9  }
0xb1: {  	_ =	task.clear_ibuf [dreg:s6], $0x5FFFF;
	_ =	strace $0x9000004C  }
0xb2: {  	s29 =	simm.s32 $0x9;
	_ =	strace $0x8000004E  }
0xb3: {  	_ =	swait.ge [sflag:s29], $0x1  }
0xb4: {  	[sflag:s29] =	ssyncadd.s32 $0xFFFFFFFF  }
0xb5: {  	_ =	strace $0x9000004E  }
0xb6: {  	_ =	sfence  }
0xb7: {  	s30 =	sld [smem:$0x0];
	_ =	sdelay $0x2  }
0xb8: {  	s31 =	sshll.u32 s1, $0xD;
	s1 =	sshrl.u32 s1, $0x2  }
0xb9: {  	s3 =	sand.u32 $0x4000, s31;
	s1 =	sadd.s32 s1, s30  }
0xba: {  	s0 =	sor.u32 s3, s0;
	s1 =	sshll.u32 s1, $0x11  }
0xbb: {  	s0 =	sor.u32 s1, s0  }
0xbc: {  	s0 =	sadd.s32 $0x8F2B, s0  }
0xbd: {  	[sflag:s0] =	ssyncadd.remote.s32 $0x1  }
0xbe: {  	_ =	sfence.sel $0xFFFF  }
0xbf: {  	[dreg:$0x0] =	wrdreg $0xFFFFFFFF;
	(pc) =	sbr.abs _section_cstart, $3  }
0xc0: {  	[dreg:$0x1] =	wrdreg $0xFFFFFFFF  }
0xc1: {  	_ =	task.clear_ibuf [dreg:s6], $0x2FFFF;
	_ =	strace $0x9FFFFFFF  }
0xc2: {  	(tm) =	ssettm $0x7FFFFFFF  }
0xc3: {  	_ =	shalt  }
tec
execute0_lowered:
.L_overlay_start_1:
0x0: {  	(tag) =	ssettag $0x1  }
0x1: {  	s0 =	rddreg [dreg:$0x0]  }
0x2: {  	s1 =	rddreg [dreg:$0x1];
	s3 =	simm.s32 $0x0  }
0x3: {  	s2 =	srdreg.scid;
	s9 =	stileid.u32;
	s28 =	simm.s32 $0x1  }
0x4: {  	s29 =	simm.s32 $0x1ED90;
	s30 =	simm.s32 $0x2;
	s31 =	simm.s32 $0x1F0B0  }
0x5: {  	[smem:$0x7FF] =	sst s3;
	s7 =	smul.u32 $0x62000, s9;
	s4 =	sadd.s32 $0x19B600, s0  }
0x6: {  	s2 =	sand.u32 $0x1, s2;
	s10 =	sadd.s32 $0x105600, s0;
	s22 =	smul.u32 $0xC40, s9  }
0x7: {  	s6 =	sadd.s32 $0x3E7600, s0;
	s21 =	sshll.u32 s9, $0x6;
	s25 =	smul.u32 $0xC80, s9  }
0x8: {  	_ =	strace $0x8000004D;
	s20 =	smul.u32 $0x6, s2;
	[dreg:$0x5] =	wrdreg s21  }
0x9: {  	s5 =	ssub.s32 $0x2, s2;
	s24 =	smul.u32 $0x4B000, s2;
	[dreg:$0x3] =	wrdreg s10  }
0xa: {  	s21 =	simm.s32 $0x18800;
	s2 =	simm.s32 $0x80;
	s8 =	sshrl.u32 s5, $0x1  }
0xb: {  	s19 =	sshrl.u32 s7, $0x2;
	[dreg:$0x6] =	wrdreg s22;
	s22 =	simm.s32 $0x3  }
0xc: {  	s7 =	simm.s32 $0x0;
	s18 =	ssub.s32 s5, s8;
	s19 =	sadd.s32 s19, s1  }
0xd: {  	[dreg:$0x4] =	wrdreg s20;
	s26 =	sadd.s32 $0x5, s20;
	s0 =	smax.u32 s18, $0x1  }
0xe: {  	s23 =	sadd.s32 $0x3100, s19;
	s13 =	sadd.s32 $0x6200, s19;
	s14 =	sadd.s32 $0x9300, s19  }
0xf: {  	s15 =	sadd.s32 $0xC400, s19;
	s16 =	sadd.s32 $0xF500, s19;
	[dreg:$0x9] =	wrdreg s26  }
0x10: {  	s17 =	sadd.s32 $0x12600, s19;
	s18 =	sadd.s32 $0x15700, s19;
	[dreg:$0x7] =	wrdreg s0  }
0x11: {  	s26 =	simm.s32 $0x1BA00;
	[dreg:$0x8] =	wrdreg s23;
	s0 =	sadd.s32 s24, s10  }
0x12: {  	s23 =	simm.s32 $0x1EC00;
	s24 =	simm.s32 $0x190;
	s0 =	sadd.s32 s25, s0  }
0x13: {  	v0 =	vimm.f32 $0.0e+00;
	s25 =	simm.s32 $0x1EF20;
	[dreg:$0xa] =	wrdreg s0;
	s0 =	simm.s32 $0x20  }
.LBB2_1:
0x14: {  	[dreg:$0xb] =	wrdreg s7  }
0x15: {  	s20 =	rddreg [dreg:$0xa]  }
0x16: {  	s7 =	rddreg [dreg:$0x4]  }
.LBB2_2:
0x17: {  	s5 =	simm.s32 $0x80;
	s8 =	simm.s32 $0x0  }
.LBB2_3:
0x18: {  	p0 =	sne.s32 s5, $0xC380;
	[tilespmem:s8+$0x18800] =	vst v0;
	s11 =	smov.u32 s5;
	s5 =	sadd.s32 $0x80, s5  }
.Ltmp0:
0x19: {  	[tilespmem:s8+$0x18810] =	vst v0;
	(pc) =	sbr.rel @p0 .LBB2_3-.Ltmp0, $2  }
0x1a: {  	_ =	sdelay $0x2  }
0x1b: {  	s8 =	sshra.s32 s11, $0x2  }
0x1c: {  	[tilespmem:s8+$0x18800] =	vst v0  }
0x1d: {  	[tilespmem:s8+$0x18810] =	vst v0  }
0x1e: {  	[spmem:s19] =	stream.linear.scatter [tilespmem:s21], [sflag:$0x3], $0x3100, $0x38;
	[tilespmem:$0x1F240] =	vst v63  }
0x1f: {  	_ =	swait.ge [sflag:s22], $0x3100  }
0x20: {  	[sflag:s22] =	ssyncset.done $0x0  }
0x21: {  	s5 =	rddreg [dreg:$0x8];
	[sflag:s22] =	ssyncadd.s32 $0xFFFFCF00  }
0x22: {  	[spmem:s5] =	stream.linear.scatter [tilespmem:s21], [sflag:$0x3], $0x3100, $0x38;
	[tilespmem:$0x1F240] =	vst v63  }
0x23: {  	_ =	swait.ge [sflag:s22], $0x3100  }
0x24: {  	[sflag:s22] =	ssyncset.done $0x0  }
0x25: {  	[sflag:s22] =	ssyncadd.s32 $0xFFFFCF00  }
0x26: {  	[spmem:s13] =	stream.linear.scatter [tilespmem:s21], [sflag:$0x3], $0x3100, $0x38;
	[tilespmem:$0x1F240] =	vst v63  }
0x27: {  	_ =	swait.ge [sflag:s22], $0x3100  }
0x28: {  	[sflag:s22] =	ssyncset.done $0x0  }
0x29: {  	[sflag:s22] =	ssyncadd.s32 $0xFFFFCF00  }
0x2a: {  	[spmem:s14] =	stream.linear.scatter [tilespmem:s21], [sflag:$0x3], $0x3100, $0x38;
	[tilespmem:$0x1F240] =	vst v63  }
0x2b: {  	_ =	swait.ge [sflag:s22], $0x3100  }
0x2c: {  	[sflag:s22] =	ssyncset.done $0x0  }
0x2d: {  	[sflag:s22] =	ssyncadd.s32 $0xFFFFCF00  }
0x2e: {  	[spmem:s15] =	stream.linear.scatter [tilespmem:s21], [sflag:$0x3], $0x3100, $0x38;
	[tilespmem:$0x1F240] =	vst v63  }
0x2f: {  	_ =	swait.ge [sflag:s22], $0x3100  }
0x30: {  	[sflag:s22] =	ssyncset.done $0x0  }
0x31: {  	[sflag:s22] =	ssyncadd.s32 $0xFFFFCF00  }
0x32: {  	[spmem:s16] =	stream.linear.scatter [tilespmem:s21], [sflag:$0x3], $0x3100, $0x38;
	[tilespmem:$0x1F240] =	vst v63  }
0x33: {  	_ =	swait.ge [sflag:s22], $0x3100  }
0x34: {  	[sflag:s22] =	ssyncset.done $0x0  }
0x35: {  	[sflag:s22] =	ssyncadd.s32 $0xFFFFCF00  }
0x36: {  	[spmem:s17] =	stream.linear.scatter [tilespmem:s21], [sflag:$0x3], $0x3100, $0x38;
	[tilespmem:$0x1F240] =	vst v63  }
0x37: {  	_ =	swait.ge [sflag:s22], $0x3100  }
0x38: {  	[sflag:s22] =	ssyncset.done $0x0  }
0x39: {  	s12 =	smov.u32 s19;
	[sflag:s22] =	ssyncadd.s32 $0xFFFFCF00  }
0x3a: {  	[spmem:s18] =	stream.linear.scatter [tilespmem:s21], [sflag:$0x3], $0x3100, $0x38;
	[tilespmem:$0x1F240] =	vst v63  }
0x3b: {  	s11 =	sshll.u32 s7, $0xA;
	s19 =	rddreg [dreg:$0x5];
	_ =	swait.ge [sflag:s22], $0x3100  }
0x3c: {  	s5 =	sor.u32 s19, s11;
	[sflag:s22] =	ssyncset.done $0x0  }
0x3d: {  	s5 =	smul.u32 $0x190, s5;
	[sflag:s22] =	ssyncadd.s32 $0xFFFFCF00  }
0x3e: {  	[bflag:$0x0] =	sbarrier.arrive $0xFFFF  }
0x3f: {  	s5 =	sshrl.u32 s5, $0x3;
	s9 =	rddreg [dreg:$0x3]  }
0x40: {  	s11 =	sadd.s32 s9, s5  }
0x41: {  	[tilespmem:s23], [sflag:$0x3] =	stream.linear.gather [hbm4b:s11+s3], $0x320, $0x38;
	[tilespmem:$0x1F240] =	vst v63  }
0x42: {  	_ =	swait.ge [sflag:s22], $0x320  }
0x43: {  	[sflag:s22] =	ssyncset.done $0x0  }
0x44: {  	s10 =	sadd.s32 $0xFFFFF448, s20;
	[sflag:s22] =	ssyncadd.s32 $0xFFFFFCE0  }
0x45: {  	[tilespmem:s21], [sflag:$0x1] =	stream.indirect.gather [hbm4b:s4+s24], $0x20, s23, s24, $0xb8;
	[tilespmem:$0x1F240] =	vst v63  }
0x46: {  	s19 =	sadd.s32 $0xC1C, s10  }
0x47: {  	[tilespmem:s25], [sflag:$0x3] =	stream.linear.gather [hbm4b:s19+s3], $0x320, $0x38;
	[tilespmem:$0x1F240] =	vst v63  }
0x48: {  	_ =	swait.ge [sflag:s22], $0x320  }
0x49: {  	[sflag:s22] =	ssyncset.done $0x0  }
0x4a: {  	[sflag:s22] =	ssyncadd.s32 $0xFFFFFCE0  }
0x4b: {  	[tilespmem:s26], [sflag:$0x2] =	stream.indirect.gather [hbm4b:s4+s24], $0x20, s25, s24, $0xb8;
	[tilespmem:$0x1F240] =	vst v63  }
0x4c: {  	_ =	swait.ge [sflag:s28], $0x3200  }
0x4d: {  	[sflag:s28] =	ssyncset.done $0x0  }
0x4e: {  	[sflag:s28] =	ssyncadd.s32 $0xFFFFCE00  }
0x4f: {  	[spmem:s1] =	stream.indirect.scatter.add.f32 [tilespmem:s21], [sflag:$0x3], $0x20, s29, s24, $0xb8;
	[tilespmem:$0x1F240] =	vst v63  }
0x50: {  	_ =	swait.ge [sflag:s22], $0x3200  }
0x51: {  	[sflag:s22] =	ssyncset.done $0x0  }
0x52: {  	s5 =	sadd.s32 $0xC80, s10;
	[sflag:s22] =	ssyncadd.s32 $0xFFFFCE00  }
0x53: {  	[tilespmem:s23], [sflag:$0x3] =	stream.linear.gather [hbm4b:s5+s3], $0x320, $0x38;
	[tilespmem:$0x1F240] =	vst v63  }
0x54: {  	_ =	swait.ge [sflag:s22], $0x320  }
0x55: {  	[sflag:s22] =	ssyncset.done $0x0  }
0x56: {  	[sflag:s22] =	ssyncadd.s32 $0xFFFFFCE0  }
0x57: {  	[tilespmem:s21], [sflag:$0x1] =	stream.indirect.gather [hbm4b:s4+s24], $0x20, s23, s24, $0xb8;
	[tilespmem:$0x1F240] =	vst v63  }
0x58: {  	_ =	swait.ge [sflag:s30], $0x3200  }
0x59: {  	[sflag:s30] =	ssyncset.done $0x0  }
0x5a: {  	[sflag:s30] =	ssyncadd.s32 $0xFFFFCE00  }
0x5b: {  	[spmem:s1] =	stream.indirect.scatter.add.f32 [tilespmem:s26], [sflag:$0x3], $0x20, s31, s24, $0xb8;
	[tilespmem:$0x1F240] =	vst v63  }
0x5c: {  	_ =	swait.ge [sflag:s22], $0x3200  }
0x5d: {  	s8 =	simm.s32 $0xFFFFF5D8;
	s5 =	sadd.s32 $0xFFFFF510, s20;
	[sflag:s22] =	ssyncset.done $0x0  }
.LBB2_5:
0x5e: {  	s10 =	sadd.s32 $0xC1C, s5  }
0x5f: {  	[sflag:s22] =	ssyncadd.s32 $0xFFFFCE00;
	s19 =	smov.u32 s8;
	s9 =	sadd.s32 $0xC8, s8  }
0x60: {  	[tilespmem:s25], [sflag:$0x3] =	stream.linear.gather [hbm4b:s10+s3], $0x320, $0x38;
	[tilespmem:$0x1F240] =	vst v63  }
0x61: {  	p0 =	sne.s32 s8, $0xFFFFFF38;
	_ =	swait.ge [sflag:s22], $0x320  }
0x62: {  	[sflag:s22] =	ssyncset.done $0x0  }
0x63: {  	[sflag:s22] =	ssyncadd.s32 $0xFFFFFCE0  }
0x64: {  	[tilespmem:s26], [sflag:$0x2] =	stream.indirect.gather [hbm4b:s4+s24], $0x20, s25, s24, $0xb8;
	[tilespmem:$0x1F240] =	vst v63  }
0x65: {  	_ =	swait.ge [sflag:s28], $0x3200  }
0x66: {  	[sflag:s28] =	ssyncset.done $0x0  }
0x67: {  	[sflag:s28] =	ssyncadd.s32 $0xFFFFCE00  }
0x68: {  	[spmem:s1] =	stream.indirect.scatter.add.f32 [tilespmem:s21], [sflag:$0x3], $0x20, s29, s24, $0xb8;
	[tilespmem:$0x1F240] =	vst v63  }
0x69: {  	_ =	swait.ge [sflag:s22], $0x3200  }
0x6a: {  	[sflag:s22] =	ssyncset.done $0x0  }
0x6b: {  	s5 =	sadd.s32 $0xC80, s5;
	[sflag:s22] =	ssyncadd.s32 $0xFFFFCE00  }
0x6c: {  	[tilespmem:s23], [sflag:$0x3] =	stream.linear.gather [hbm4b:s5+s3], $0x320, $0x38;
	[tilespmem:$0x1F240] =	vst v63  }
0x6d: {  	_ =	swait.ge [sflag:s22], $0x320  }
0x6e: {  	[sflag:s22] =	ssyncset.done $0x0  }
0x6f: {  	[sflag:s22] =	ssyncadd.s32 $0xFFFFFCE0  }
0x70: {  	[tilespmem:s21], [sflag:$0x1] =	stream.indirect.gather [hbm4b:s4+s24], $0x20, s23, s24, $0xb8;
	[tilespmem:$0x1F240] =	vst v63  }
0x71: {  	_ =	swait.ge [sflag:s30], $0x3200  }
.Ltmp1:
0x72: {  	[sflag:s30] =	ssyncset.done $0x0;
	(pc) =	sbr.rel @p0 .LBB2_5-.Ltmp1, $4  }
0x73: {  	[sflag:s30] =	ssyncadd.s32 $0xFFFFCE00  }
0x74: {  	[spmem:s1] =	stream.indirect.scatter.add.f32 [tilespmem:s26], [sflag:$0x3], $0x20, s31, s24, $0xb8;
	[tilespmem:$0x1F240] =	vst v63  }
0x75: {  	_ =	swait.ge [sflag:s22], $0x3200  }
0x76: {  	s8 =	smov.u32 s9;
	s5 =	sadd.s32 s19, s20;
	[sflag:s22] =	ssyncset.done $0x0  }
0x77: {  	s8 =	sadd.s32 $0xC1C, s5;
	[sflag:s22] =	ssyncadd.s32 $0xFFFFCE00  }
0x78: {  	[tilespmem:s25], [sflag:$0x3] =	stream.linear.gather [hbm4b:s8+s3], $0x320, $0x38;
	[tilespmem:$0x1F240] =	vst v63  }
0x79: {  	_ =	swait.ge [sflag:s22], $0x320  }
0x7a: {  	[sflag:s22] =	ssyncset.done $0x0  }
0x7b: {  	[sflag:s22] =	ssyncadd.s32 $0xFFFFFCE0  }
0x7c: {  	[tilespmem:s26], [sflag:$0x2] =	stream.indirect.gather [hbm4b:s4+s24], $0x20, s25, s24, $0xb8;
	[tilespmem:$0x1F240] =	vst v63  }
0x7d: {  	_ =	swait.ge [sflag:s28], $0x3200  }
0x7e: {  	[sflag:s28] =	ssyncset.done $0x0  }
0x7f: {  	[sflag:s28] =	ssyncadd.s32 $0xFFFFCE00  }
0x80: {  	[spmem:s1] =	stream.indirect.scatter.add.f32 [tilespmem:s21], [sflag:$0x3], $0x20, s29, s24, $0xb8;
	[tilespmem:$0x1F240] =	vst v63  }
0x81: {  	_ =	swait.ge [sflag:s22], $0x3200  }
0x82: {  	[sflag:s22] =	ssyncset.done $0x0  }
0x83: {  	s10 =	sadd.s32 $0xC80, s5;
	[sflag:s22] =	ssyncadd.s32 $0xFFFFCE00  }
0x84: {  	[tilespmem:s23], [sflag:$0x3] =	stream.linear.gather [hbm4b:s10+s3], $0x320, $0x38;
	[tilespmem:$0x1F240] =	vst v63  }
0x85: {  	_ =	swait.ge [sflag:s22], $0x320  }
0x86: {  	[sflag:s22] =	ssyncset.done $0x0  }
0x87: {  	[sflag:s22] =	ssyncadd.s32 $0xFFFFFCE0  }
0x88: {  	[tilespmem:s21], [sflag:$0x1] =	stream.indirect.gather [hbm4b:s4+s24], $0x20, s23, s24, $0xb8;
	[tilespmem:$0x1F240] =	vst v63  }
0x89: {  	_ =	swait.ge [sflag:s30], $0x3200  }
0x8a: {  	[sflag:s30] =	ssyncset.done $0x0  }
0x8b: {  	[sflag:s30] =	ssyncadd.s32 $0xFFFFCE00  }
0x8c: {  	[spmem:s1] =	stream.indirect.scatter.add.f32 [tilespmem:s26], [sflag:$0x3], $0x20, s31, s24, $0xb8;
	[tilespmem:$0x1F240] =	vst v63  }
0x8d: {  	_ =	swait.ge [sflag:s22], $0x3200  }
0x8e: {  	[sflag:s22] =	ssyncset.done $0x0  }
0x8f: {  	s11 =	sadd.s32 $0xC1C, s11;
	[sflag:s22] =	ssyncadd.s32 $0xFFFFCE00  }
0x90: {  	[tilespmem:s25], [sflag:$0x3] =	stream.linear.gather [hbm4b:s11+s3], $0x320, $0x38;
	[tilespmem:$0x1F240] =	vst v63  }
0x91: {  	_ =	swait.ge [sflag:s22], $0x320  }
0x92: {  	[sflag:s22] =	ssyncset.done $0x0  }
0x93: {  	[sflag:s22] =	ssyncadd.s32 $0xFFFFFCE0  }
0x94: {  	[tilespmem:s26], [sflag:$0x2] =	stream.indirect.gather [hbm4b:s4+s24], $0x20, s25, s24, $0xb8;
	[tilespmem:$0x1F240] =	vst v63  }
0x95: {  	_ =	swait.ge [sflag:s28], $0x3200  }
0x96: {  	[sflag:s28] =	ssyncset.done $0x0  }
0x97: {  	[sflag:s28] =	ssyncadd.s32 $0xFFFFCE00  }
0x98: {  	[spmem:s1] =	stream.indirect.scatter.add.f32 [tilespmem:s21], [sflag:$0x3], $0x20, s29, s24, $0xb8;
	[tilespmem:$0x1F240] =	vst v63  }
0x99: {  	_ =	swait.ge [sflag:s22], $0x3200  }
0x9a: {  	[sflag:s22] =	ssyncset.done $0x0  }
0x9b: {  	[sflag:s22] =	ssyncadd.s32 $0xFFFFCE00  }
0x9c: {  	_ =	swait.ge [sflag:s30], $0x3200  }
0x9d: {  	[sflag:s30] =	ssyncset.done $0x0  }
0x9e: {  	[sflag:s30] =	ssyncadd.s32 $0xFFFFCE00  }
0x9f: {  	[spmem:s1] =	stream.indirect.scatter.add.f32 [tilespmem:s26], [sflag:$0x3], $0x20, s31, s24, $0xb8;
	[tilespmem:$0x1F240] =	vst v63  }
0xa0: {  	_ =	swait.ge [sflag:s22], $0x3200  }
0xa1: {  	[sflag:s22] =	ssyncset.done $0x0  }
0xa2: {  	[sflag:s22] =	ssyncadd.s32 $0xFFFFCE00  }
0xa3: {  	s19 =	sshrl.u32 s7, $0x2;
	[bflag:$0x0] =	sbarrier.arrive $0xFFFF  }
0xa4: {  	s10 =	smul.u32 $0xC400, s19;
	s9 =	rddreg [dreg:$0x6]  }
0xa5: {  	[tilespmem:s21], [sflag:$0x3] =	stream.linear.gather [spmem:s12], $0x3100, $0x38;
	[tilespmem:$0x1F240] =	vst v63  }
0xa6: {  	s5 =	sshll.u32 s19, $0x7;
	s11 =	sshll.u32 s7, $0x5;
	s8 =	sadd.s32 s10, s9  }
0xa7: {  	s5 =	ssub.s32 s11, s5;
	s8 =	sshll.u32 s8, $0x7  }
0xa8: {  	_ =	swait.ge [sflag:s22], $0x3100;
	s11 =	sadd.s32 s8, s5  }
0xa9: {  	[sflag:s22] =	ssyncset.done $0x0;
	s5 =	sshrl.u32 s11, $0x3  }
0xaa: {  	[sflag:s22] =	ssyncadd.s32 $0xFFFFCF00;
	s5 =	sadd.s32 s6, s5  }
0xab: {  	[hbm4b:s5+s0] =	stream.strided.scatter [tilespmem:s21], [sflag:$0x3], $0x3100, s2, s0, $0x38;
	[tilespmem:$0x1F240] =	vst v63  }
0xac: {  	_ =	swait.ge [sflag:s22], $0x3100  }
0xad: {  	[sflag:s22] =	ssyncset.done $0x0  }
0xae: {  	s8 =	rddreg [dreg:$0x8];
	[sflag:s22] =	ssyncadd.s32 $0xFFFFCF00  }
0xaf: {  	[tilespmem:s21], [sflag:$0x3] =	stream.linear.gather [spmem:s8], $0x3100, $0x38;
	[tilespmem:$0x1F240] =	vst v63  }
0xb0: {  	s9 =	sadd.s32 $0xC400, s11;
	_ =	swait.ge [sflag:s22], $0x3100  }
0xb1: {  	s5 =	sshrl.u32 s9, $0x3;
	[sflag:s22] =	ssyncset.done $0x0  }
0xb2: {  	s5 =	sadd.s32 s6, s5;
	[sflag:s22] =	ssyncadd.s32 $0xFFFFCF00  }
0xb3: {  	[hbm4b:s5+s0] =	stream.strided.scatter [tilespmem:s21], [sflag:$0x3], $0x3100, s2, s0, $0x38;
	[tilespmem:$0x1F240] =	vst v63  }
0xb4: {  	_ =	swait.ge [sflag:s22], $0x3100  }
0xb5: {  	[sflag:s22] =	ssyncset.done $0x0  }
0xb6: {  	[sflag:s22] =	ssyncadd.s32 $0xFFFFCF00  }
0xb7: {  	[tilespmem:s21], [sflag:$0x3] =	stream.linear.gather [spmem:s13], $0x3100, $0x38;
	[tilespmem:$0x1F240] =	vst v63  }
0xb8: {  	s10 =	sadd.s32 $0x18800, s11;
	_ =	swait.ge [sflag:s22], $0x3100  }
0xb9: {  	s5 =	sshrl.u32 s10, $0x3;
	[sflag:s22] =	ssyncset.done $0x0  }
0xba: {  	s5 =	sadd.s32 s6, s5;
	[sflag:s22] =	ssyncadd.s32 $0xFFFFCF00  }
0xbb: {  	[hbm4b:s5+s0] =	stream.strided.scatter [tilespmem:s21], [sflag:$0x3], $0x3100, s2, s0, $0x38;
	[tilespmem:$0x1F240] =	vst v63  }
0xbc: {  	_ =	swait.ge [sflag:s22], $0x3100  }
0xbd: {  	[sflag:s22] =	ssyncset.done $0x0  }
0xbe: {  	[sflag:s22] =	ssyncadd.s32 $0xFFFFCF00  }
0xbf: {  	[tilespmem:s21], [sflag:$0x3] =	stream.linear.gather [spmem:s14], $0x3100, $0x38;
	[tilespmem:$0x1F240] =	vst v63  }
0xc0: {  	s19 =	smov.u32 s12;
	s12 =	sadd.s32 $0x24C00, s11;
	_ =	swait.ge [sflag:s22], $0x3100  }
0xc1: {  	s5 =	sshrl.u32 s12, $0x3;
	[sflag:s22] =	ssyncset.done $0x0  }
0xc2: {  	s5 =	sadd.s32 s6, s5;
	[sflag:s22] =	ssyncadd.s32 $0xFFFFCF00  }
0xc3: {  	[hbm4b:s5+s0] =	stream.strided.scatter [tilespmem:s21], [sflag:$0x3], $0x3100, s2, s0, $0x38;
	[tilespmem:$0x1F240] =	vst v63  }
0xc4: {  	_ =	swait.ge [sflag:s22], $0x3100  }
0xc5: {  	[sflag:s22] =	ssyncset.done $0x0  }
0xc6: {  	[sflag:s22] =	ssyncadd.s32 $0xFFFFCF00  }
0xc7: {  	[tilespmem:s21], [sflag:$0x3] =	stream.linear.gather [spmem:s15], $0x3100, $0x38;
	[tilespmem:$0x1F240] =	vst v63  }
0xc8: {  	s8 =	sadd.s32 $0x31000, s11;
	_ =	swait.ge [sflag:s22], $0x3100  }
0xc9: {  	s5 =	sshrl.u32 s8, $0x3;
	[sflag:s22] =	ssyncset.done $0x0  }
0xca: {  	s5 =	sadd.s32 s6, s5;
	[sflag:s22] =	ssyncadd.s32 $0xFFFFCF00  }
0xcb: {  	[hbm4b:s5+s0] =	stream.strided.scatter [tilespmem:s21], [sflag:$0x3], $0x3100, s2, s0, $0x38;
	[tilespmem:$0x1F240] =	vst v63  }
0xcc: {  	_ =	swait.ge [sflag:s22], $0x3100  }
0xcd: {  	[sflag:s22] =	ssyncset.done $0x0  }
0xce: {  	[sflag:s22] =	ssyncadd.s32 $0xFFFFCF00  }
0xcf: {  	[tilespmem:s21], [sflag:$0x3] =	stream.linear.gather [spmem:s16], $0x3100, $0x38;
	[tilespmem:$0x1F240] =	vst v63  }
0xd0: {  	s9 =	sadd.s32 $0x3D400, s11;
	_ =	swait.ge [sflag:s22], $0x3100  }
0xd1: {  	s5 =	sshrl.u32 s9, $0x3;
	[sflag:s22] =	ssyncset.done $0x0  }
0xd2: {  	s5 =	sadd.s32 s6, s5;
	[sflag:s22] =	ssyncadd.s32 $0xFFFFCF00  }
0xd3: {  	[hbm4b:s5+s0] =	stream.strided.scatter [tilespmem:s21], [sflag:$0x3], $0x3100, s2, s0, $0x38;
	[tilespmem:$0x1F240] =	vst v63  }
0xd4: {  	_ =	swait.ge [sflag:s22], $0x3100  }
0xd5: {  	[sflag:s22] =	ssyncset.done $0x0  }
0xd6: {  	[sflag:s22] =	ssyncadd.s32 $0xFFFFCF00  }
0xd7: {  	[tilespmem:s21], [sflag:$0x3] =	stream.linear.gather [spmem:s17], $0x3100, $0x38;
	[tilespmem:$0x1F240] =	vst v63  }
0xd8: {  	s10 =	sadd.s32 $0x49800, s11;
	_ =	swait.ge [sflag:s22], $0x3100  }
0xd9: {  	s5 =	sshrl.u32 s10, $0x3;
	[sflag:s22] =	ssyncset.done $0x0  }
0xda: {  	s5 =	sadd.s32 s6, s5;
	[sflag:s22] =	ssyncadd.s32 $0xFFFFCF00  }
0xdb: {  	[hbm4b:s5+s0] =	stream.strided.scatter [tilespmem:s21], [sflag:$0x3], $0x3100, s2, s0, $0x38;
	[tilespmem:$0x1F240] =	vst v63  }
0xdc: {  	_ =	swait.ge [sflag:s22], $0x3100  }
0xdd: {  	[sflag:s22] =	ssyncset.done $0x0  }
0xde: {  	[sflag:s22] =	ssyncadd.s32 $0xFFFFCF00  }
0xdf: {  	[tilespmem:s21], [sflag:$0x3] =	stream.linear.gather [spmem:s18], $0x3100, $0x38;
	[tilespmem:$0x1F240] =	vst v63  }
0xe0: {  	s11 =	sadd.s32 $0x55C00, s11;
	_ =	swait.ge [sflag:s22], $0x3100  }
0xe1: {  	s5 =	sshrl.u32 s11, $0x3;
	[sflag:s22] =	ssyncset.done $0x0  }
0xe2: {  	s5 =	sadd.s32 s6, s5;
	[sflag:s22] =	ssyncadd.s32 $0xFFFFCF00  }
0xe3: {  	[hbm4b:s5+s0] =	stream.strided.scatter [tilespmem:s21], [sflag:$0x3], $0x3100, s2, s0, $0x38;
	[tilespmem:$0x1F240] =	vst v63  }
0xe4: {  	_ =	swait.ge [sflag:s22], $0x3100  }
0xe5: {  	s12 =	rddreg [dreg:$0x9]  }
0xe6: {  	p0 =	sne.s32 s7, s12  }
.Ltmp2:
0xe7: {  	_ = 	snop;
	(pc) =	sbr.rel @p0 .LBB2_2-.Ltmp2, $3  }
0xe8: {  	_ =	sdelay $0x1  }
0xe9: {  	[sflag:s22] =	ssyncset.done $0x0  }
0xea: {  	s20 =	sadd.s32 $0xC800, s20;
	s7 =	sadd.s32 $0x1, s7;
	[sflag:s22] =	ssyncadd.s32 $0xFFFFCF00  }
0xeb: {  	s7 =	rddreg [dreg:$0xb]  }
0xec: {  	s5 =	rddreg [dreg:$0x7];
	s7 =	sadd.s32 $0x1, s7  }
0xed: {  	p0 =	sne.s32 s7, s5  }
.Ltmp3:
0xee: {  	_ = 	snop;
	(pc) =	sbr.rel @p0 .LBB2_1-.Ltmp3, $1  }
0xef: {  	_ =	sdelay $0x3  }
0xf0: {  	_ =	sfence.sel $0x180000  }
0xf1: {  	[bflag:$0x0] =	sbarrier.arrive $0xFFFF  }
0xf2: {  	_ =	strace $0x9000004D  }
0xf3: {  	s0 =	stileid.u32;
	[bflag:$0x2] =	sbarrier.arrive $0xFFFF  }
0xf4: {  	p0 =	sne.s32 s0, $0x0;
	s0 =	rddreg [dreg:$0x2]  }
0xf5: {  	s0 =	sadd.s32 @!p0 $0x100000, s0  }
0xf6: {  	[sflag:s0] =	ssyncadd.tile.s32 @!p0 $0x1;
	_ =	shalt  }
.Lfunc_end2:
_tile_overlayer_lowered:
.L_overlay_start_2:
0xf7: {  	(tag) =	ssettag $0x2  }
0xf8: {  	s0 =	rddreg [dreg:$0x0];
	s2 =	stileid.u32  }
0xf9: {  	s1 =	rddreg [dreg:$0x1];
	p0 =	sne.s32 s2, $0x0  }
0xfa: {  	s3 =	rddreg [dreg:$0x2];
	[bflag:$0x3] =	sbarrier.arrive $0xFFFF;
	s2 =	simm.s32 @!p0 $0x1C03  }
0xfb: {  	[timem:s3], [sflag:s2] =	dma.local @!p0 [hbm:s0], s1  }
0xfc: {  	s0 =	simm.s32 @!p0 $0x3  }
0xfd: {  	_ =	swait.ge @!p0 [sflag:s0], s1  }
0xfe: {  	s1 =	ssub.s32 @!p0 $0x0, s1;
	[sflag:s0] =	ssyncset.done @!p0 $0x0  }
0xff: {  	[sflag:s0] =	ssyncadd.s32 @!p0 s1  }
0x100: {  	[bflag:$0x3] =	sbarrier.arrive $0xFFFF  }
0x101: {  	_ =	shalt  }

// kernel: kernel.19.cloned.1.call-start
scs
__scs_entry_jumppad:
0x0: {  	(pc) =	sbr.rel $0x88, $3  }
0x1: {  	(tag) =	ssettag $0x0;
	lr =	simm.s32 $0x1  }
0x2: {  	[smem:$0x3F8E] =	sst lr;
	_ =	strace $0xD0000000  }
0x3: {  	_ = 	snop  }
0x4: {  	_ = 	snop  }
0x5: {  	_ = 	snop  }
0x6: {  	_ = 	snop  }
0x7: {  	_ = 	snop  }
__scs_overlays_trampoline_lowered:
0x8: {  	[smem:$0x3F9D] =	sst s0  }
0x9: {  	[smem:$0x3F9E] =	sst s1  }
0xa: {  	[smem:$0x3F9F] =	sst s2  }
0xb: {  	[smem:$0x3FA0] =	sst s3  }
0xc: {  	[smem:$0x3FA1] =	sst s4  }
0xd: {  	[smem:$0x3FA2] =	sst s5  }
0xe: {  	[smem:$0x3FA3] =	sst s6  }
0xf: {  	[smem:$0x3FA4] =	sst s7  }
0x10: {  	[smem:$0x3FA5] =	sst s8  }
0x11: {  	[smem:$0x3FA6] =	sst s9;
	s0 =	simm.s32 @!p0 $0x0  }
0x12: {  	s1 =	sld [smem:$0x3F8C];
	s0 =	simm.s32 @p0 $0x1  }
0x13: {  	[smem:$0x3FA7] =	sst s0;
	s0 =	simm.s32 @!p1 $0x0  }
0x14: {  	s2 =	sld [smem:$0x3F8B];
	s0 =	simm.s32 @p1 $0x1  }
0x15: {  	[smem:$0x3FA8] =	sst s0;
	s0 =	simm.s32 @!p2 $0x0  }
0x16: {  	s3 =	sld [smem:$0x3FDB];
	s0 =	simm.s32 @p2 $0x1  }
0x17: {  	s4 =	simm.s32 $0x1BF5;
	[smem:$0x3FAA] =	sst s0  }
0x18: {  	s0 =	sld [smem:$0x3F8D];
	_ =	swait.ge [sflag:s4], $0x0  }
0x19: {  	s7 =	sld [smem:$0x3F8E]  }
0x1a: {  	s8 =	sadd.s32 $0xFFFFE003, lr  }
0x1b: {  	s9 =	sadd.s32 $0xFFFFFEF7, lr;
	s5 =	simm.s32 $0xFFFFFFFF;
	p2 =	slt.u32 s8, $0xFFFFF086  }
0x1c: {  	p1 =	slt.u32 s9, $0xF7A;
	s5 =	simm.s32 @!p2 $0x0  }
0x1d: {  	s5 =	simm.s32 @p1 $0x1;
	p0 =	seq.s32 s7, s2  }
0x1e: {  	s7 =	smul.u32 @!p0 $0xF7A, s2;
	p2 =	seq.s32 @!p0 s5, $0x0  }
0x1f: {  	s9 =	smul.u32 $0xF7A, s1;
	s8 =	simm.s32 @!p0 $0x1BF5;
	p2 =	por !p2, p0  }
0x20: {  	[sflag:s8] =	ssyncset.s32 @!p0 $0xFFFFF086;
	s6 =	sadd.s32 @!p0 s3, s7;
	s7 =	simm.s32 @!p0 $0x108  }
0x21: {  	s3 =	sadd.s32 s3, s9;
	s6 =	sadd.s32 @!p0 $0x88, s6;
	s7 =	simm.s32 @p2 $0x1082  }
0x22: {  	[simem:s7], [sflag:s8] =	dma.local @!p0 [hbm:s6], $0xF7A  }
0x23: {  	s9 =	sor.u32 $0xD0000000, s2;
	s6 =	simm.s32 $0x108;
	_ =	swait.ge @!p0 [sflag:s8], $0x0  }
0x24: {  	s3 =	sadd.s32 $0x88, s3;
	s6 =	simm.s32 @!p1 $0x1082;
	[sflag:s4] =	ssyncset.s32 $0xFFFFF086  }
0x25: {  	[simem:s6], [sflag:s4] =	dma.local [hbm:s3], $0xF7A  }
0x26: {  	[smem:$0x3F8E] =	sst s1;
	(tag) =	ssettag s2;
	_ =	strace s9  }
0x27: {  	s1 =	sld [smem:$0x3F9E]  }
0x28: {  	s2 =	sld [smem:$0x3F9F]  }
0x29: {  	s4 =	sld [smem:$0x3FA1]  }
0x2a: {  	p0 =	seq.s32 s5, $0x0;
	s5 =	sld [smem:$0x3FA2]  }
0x2b: {  	s6 =	sld [smem:$0x3FA3]  }
0x2c: {  	s7 =	sld [smem:$0x3FA4]  }
0x2d: {  	s3 =	simm.s32 $0x108;
	s8 =	sld [smem:$0x3FA5]  }
0x2e: {  	s3 =	simm.s32 @!p0 $0x1082;
	s9 =	sld [smem:$0x3FA6]  }
0x2f: {  	lr =	sadd.s32 s0, s3;
	s0 =	sld [smem:$0x3F9D]  }
0x30: {  	s3 =	sld [smem:$0x3FA0]  }
0x31: {  	[smem:$0x3FA9] =	sst s10  }
0x32: {  	s10 =	sld [smem:$0x3FA7];
	_ =	sdelay $0x3  }
0x33: {  	p0 =	seq.s32 s10, $0x1;
	s10 =	sld [smem:$0x3FA9];
	_ =	sdelay $0x3  }
0x34: {  	[smem:$0x3FA9] =	sst s10  }
0x35: {  	s10 =	sld [smem:$0x3FA8];
	_ =	sdelay $0x3  }
0x36: {  	p1 =	seq.s32 s10, $0x1;
	s10 =	sld [smem:$0x3FA9];
	_ =	sdelay $0x3  }
0x37: {  	[smem:$0x3FA9] =	sst s10  }
0x38: {  	s10 =	sld [smem:$0x3FAA]  }
0x39: {  	_ = 	snop;
	(pc) =	sbr.ind lr, $3  }
0x3a: {  	_ = 	snop  }
0x3b: {  	_ = 	snop  }
0x3c: {  	p2 =	seq.s32 s10, $0x1;
	s10 =	sld [smem:$0x3FA9]  }
0x3d: {  	_ =	shalt  }
0x3e: {  	_ =	shalt  }
0x3f: {  	_ =	shalt  }
0x40: {  	_ =	shalt  }
0x41: {  	_ =	shalt  }
0x42: {  	_ =	shalt  }
0x43: {  	_ =	shalt  }
0x44: {  	_ =	shalt  }
0x45: {  	_ =	shalt  }
0x46: {  	_ =	shalt  }
0x47: {  	_ =	shalt  }
0x48: {  	_ =	shalt  }
0x49: {  	_ =	shalt  }
0x4a: {  	_ =	shalt  }
0x4b: {  	_ =	shalt  }
0x4c: {  	_ =	shalt  }
0x4d: {  	_ =	shalt  }
0x4e: {  	_ =	shalt  }
0x4f: {  	_ =	shalt  }
0x50: {  	_ =	shalt  }
0x51: {  	_ =	shalt  }
0x52: {  	_ =	shalt  }
0x53: {  	_ =	shalt  }
0x54: {  	_ =	shalt  }
0x55: {  	_ =	shalt  }
0x56: {  	_ =	shalt  }
0x57: {  	_ =	shalt  }
0x58: {  	_ =	shalt  }
0x59: {  	_ =	shalt  }
0x5a: {  	_ =	shalt  }
0x5b: {  	_ =	shalt  }
0x5c: {  	_ =	shalt  }
0x5d: {  	_ =	shalt  }
0x5e: {  	_ =	shalt  }
0x5f: {  	_ =	shalt  }
0x60: {  	_ =	shalt  }
0x61: {  	_ =	shalt  }
0x62: {  	_ =	shalt  }
0x63: {  	_ =	shalt  }
0x64: {  	_ =	shalt  }
0x65: {  	_ =	shalt  }
0x66: {  	_ =	shalt  }
0x67: {  	_ =	shalt  }
0x68: {  	_ =	shalt  }
0x69: {  	_ =	shalt  }
0x6a: {  	_ =	shalt  }
0x6b: {  	_ =	shalt  }
0x6c: {  	_ =	shalt  }
0x6d: {  	_ =	shalt  }
0x6e: {  	_ =	shalt  }
0x6f: {  	_ =	shalt  }
0x70: {  	_ =	shalt  }
0x71: {  	_ =	shalt  }
0x72: {  	_ =	shalt  }
0x73: {  	_ =	shalt  }
0x74: {  	_ =	shalt  }
0x75: {  	_ =	shalt  }
0x76: {  	_ =	shalt  }
0x77: {  	_ =	shalt  }
0x78: {  	_ =	shalt  }
0x79: {  	_ =	shalt  }
0x7a: {  	_ =	shalt  }
0x7b: {  	_ =	shalt  }
0x7c: {  	_ =	shalt  }
0x7d: {  	_ =	shalt  }
0x7e: {  	_ =	shalt  }
0x7f: {  	_ =	shalt  }
0x80: {  	_ =	shalt  }
0x81: {  	_ =	shalt  }
0x82: {  	_ =	shalt  }
0x83: {  	_ =	shalt  }
0x84: {  	_ =	shalt  }
0x85: {  	_ =	shalt  }
0x86: {  	_ =	shalt  }
0x87: {  	_ =	shalt  }
.Lfunc_end0:
.L_simem_size_0:
called_computation.3_lowered:
.L_overlay_start_0:
0x88: {  	s2 =	sld [smem:$0x3FD9]  }
0x89: {  	s3 =	sld [smem:$0x3FFE];
	_ =	sdelay $0x1  }
0x8a: {  	s1 =	srdreg.scid  }
0x8b: {  	s0 =	sand.u32 $0x1, s1  }
0x8c: {  	s17 =	sshll.u32 s0, $0xA;
	s2 =	sadd.s32 s3, s2  }
0x8d: {  	s2 =	sadd.s32 s2, s17  }
0x8e: {  	[smem:$0x3FB5] =	sst s2  }
0x8f: {  	_ = 	snop  }
0x90: {  	s2 =	sld [smem:$0x3FD0];
	(tm) =	ssettm $0x1  }
0x91: {  	s18 =	sld [smem:$0x3FFB];
	_ =	sdelay $0x3  }
0x92: {  	_ =	strace s18  }
0x93: {  	s3 =	sld [smem:$0x3FFC];
	_ =	sdelay $0x3  }
0x94: {  	_ =	strace s3  }
0x95: {  	s3 =	sld [smem:$0x3FFD];
	_ =	sdelay $0x3  }
0x96: {  	_ =	strace s3  }
0x97: {  	_ =	strace $0x8FFFFFFF  }
0x98: {  	s19 =	sld [smem:$0x3FDB];
	_ =	sdelay $0x1  }
0x99: {  	s4 =	simm.s32 $_scs_section_size  }
0x9a: {  	s5 =	simm.s32 $_size__tile_overlayer_lowered;
	s6 =	simm.s32 $_tile_overlayer_lowered  }
0x9b: {  	s22 =	simm.s32 $0x1BFF;
	s21 =	sshll.u32 s6, $0x1;
	s3 =	sadd.s32 s4, s19  }
0x9c: {  	s7 =	simm.s32 $0x0;
	s20 =	sshll.u32 s5, $0x1;
	s5 =	sadd.s32 s21, s3  }
0x9d: {  	[timem:s7], [sflag:s22] =	dma.local [hbm:s5], s20  }
0x9e: {  	_ =	swait.ge [sflag:s22], s20  }
0x9f: {  	s4 =	ssub.s32 $0x0, s20;
	[sflag:s22] =	ssyncset.done $0x0  }
0xa0: {  	[sflag:s22] =	ssyncadd.s32 s4;
	_ =	sdelay $0x1  }
0xa1: {  	s23 =	simm.s32 $0x1B8B  }
0xa2: {  	_ =	swait.ge [sflag:s23], $0x1  }
0xa3: {  	[sflag:s23] =	ssyncset.done $0x0  }
0xa4: {  	s25 =	simm.s32 $0x1B8E;
	s24 =	sld [smem:$0x3FFE];
	[sflag:s23] =	ssyncadd.s32 $0xFFFFFFFF  }
0xa5: {  	s26 =	simm.s32 $execute0_lowered;
	[smem:$0x3FD2] =	sst s25  }
0xa6: {  	s5 =	sshll.u32 s26, $0x1;
	_ =	strace $0x8000004F;
	[dreg:$0x1] =	wrdreg $0xFFFFFFFF  }
0xa7: {  	s28 =	simm.s32 $_size_execute0_lowered;
	s3 =	sadd.s32 s3, s5;
	[dreg:$0x0] =	wrdreg $0x0  }
0xa8: {  	s5 =	sshll.u32 s28, $0x1;
	[dreg:$0x2] =	wrdreg s3  }
0xa9: {  	[dreg:$0x3] =	wrdreg s5  }
0xaa: {  	[dreg:$0x4] =	wrdreg $0xC0  }
0xab: {  	_ =	task [dreg:s7], $0x5FFFF  }
0xac: {  	[dreg:$0x1] =	wrdreg $0xFFFFFFFF  }
0xad: {  	[dreg:$0x0] =	wrdreg $0x60  }
0xae: {  	[dreg:$0x2] =	wrdreg s24  }
0xaf: {  	[dreg:$0x3] =	wrdreg s2  }
0xb0: {  	[dreg:$0x4] =	wrdreg $0x0  }
0xb1: {  	[dreg:$0x5] =	wrdreg $0x9  }
0xb2: {  	_ =	task.clear_ibuf [dreg:s7], $0x6FFFF;
	_ =	strace $0x9000004F  }
0xb3: {  	s29 =	simm.s32 $0x9;
	_ =	strace $0x80000051  }
0xb4: {  	_ =	swait.ge [sflag:s29], $0x1  }
0xb5: {  	[sflag:s29] =	ssyncadd.s32 $0xFFFFFFFF  }
0xb6: {  	_ =	strace $0x90000051  }
0xb7: {  	_ =	sfence  }
0xb8: {  	s30 =	sld [smem:$0x0];
	_ =	sdelay $0x2  }
0xb9: {  	s31 =	sshll.u32 s1, $0xD;
	s1 =	sshrl.u32 s1, $0x2  }
0xba: {  	s3 =	sand.u32 $0x4000, s31;
	s1 =	sadd.s32 s1, s30  }
0xbb: {  	s0 =	sor.u32 s3, s0;
	s1 =	sshll.u32 s1, $0x11  }
0xbc: {  	s0 =	sor.u32 s1, s0  }
0xbd: {  	s0 =	sadd.s32 $0x8F2B, s0  }
0xbe: {  	[sflag:s0] =	ssyncadd.remote.s32 $0x1  }
0xbf: {  	_ =	sfence.sel $0xFFFF  }
0xc0: {  	[dreg:$0x0] =	wrdreg $0xFFFFFFFF;
	(pc) =	sbr.abs _section_cstart, $3  }
0xc1: {  	[dreg:$0x1] =	wrdreg $0xFFFFFFFF  }
0xc2: {  	_ =	task.clear_ibuf [dreg:s7], $0x2FFFF;
	_ =	strace $0x9FFFFFFF  }
0xc3: {  	(tm) =	ssettm $0x7FFFFFFF  }
tec
execute0_lowered:
.L_overlay_start_1:
0x0: {  	(tag) =	ssettag $0x1  }
0x1: {  	s0 =	rddreg [dreg:$0x0]  }
0x2: {  	s9 =	rddreg [dreg:$0x1]  }
0x3: {  	s3 =	rddreg [dreg:$0x2];
	s1 =	srdreg.scid;
	s4 =	simm.s32 $0x0  }
0x4: {  	s10 =	stileid.u32;
	s28 =	simm.s32 $0x1;
	s29 =	simm.s32 $0x1ED90  }
0x5: {  	s30 =	simm.s32 $0x2;
	s31 =	simm.s32 $0x1F0B0;
	s7 =	smul.u32 $0x62000, s10  }
0x6: {  	s1 =	sand.u32 $0x1, s1;
	[smem:$0x7FF] =	sst s4;
	s22 =	smul.u32 $0xC40, s10  }
0x7: {  	s5 =	sadd.s32 $0x18A400, s0;
	s6 =	sadd.s32 $0x2400, s0;
	s25 =	smul.u32 $0xC80, s10  }
0x8: {  	s21 =	sshll.u32 s10, $0x6;
	s2 =	ssub.s32 $0x2, s1;
	s20 =	smul.u32 $0x3, s1  }
0x9: {  	_ =	strace $0x80000050;
	[dreg:$0x5] =	wrdreg s21;
	s24 =	smul.u32 $0x25800, s1  }
0xa: {  	s21 =	simm.s32 $0x18800;
	s8 =	sshrl.u32 s2, $0x1;
	s19 =	sshrl.u32 s7, $0x2  }
0xb: {  	[dreg:$0x6] =	wrdreg s22;
	s22 =	simm.s32 $0x3;
	s7 =	simm.s32 $0x0  }
0xc: {  	s18 =	ssub.s32 s2, s8;
	s19 =	sadd.s32 s19, s3;
	[dreg:$0x4] =	wrdreg s20  }
0xd: {  	s26 =	sadd.s32 $0x2, s20;
	s2 =	simm.s32 $0x40;
	s0 =	smax.u32 s18, $0x1  }
0xe: {  	s23 =	sadd.s32 $0x3100, s19;
	s13 =	sadd.s32 $0x6200, s19;
	s14 =	sadd.s32 $0x9300, s19  }
0xf: {  	s15 =	sadd.s32 $0xC400, s19;
	s16 =	sadd.s32 $0xF500, s19;
	[dreg:$0x9] =	wrdreg s26  }
0x10: {  	s17 =	sadd.s32 $0x12600, s19;
	s18 =	sadd.s32 $0x15700, s19;
	[dreg:$0x7] =	wrdreg s0  }
0x11: {  	s26 =	simm.s32 $0x1BA00;
	[dreg:$0x8] =	wrdreg s23;
	s0 =	sadd.s32 s24, s9  }
0x12: {  	s23 =	simm.s32 $0x1EC00;
	s24 =	simm.s32 $0x190;
	s0 =	sadd.s32 s25, s0  }
0x13: {  	v0 =	vimm.f32 $0.0e+00;
	s25 =	simm.s32 $0x1EF20;
	[dreg:$0xa] =	wrdreg s0;
	s0 =	simm.s32 $0x20  }
.LBB2_1:
0x14: {  	[dreg:$0xb] =	wrdreg s7  }
0x15: {  	s20 =	rddreg [dreg:$0xa]  }
0x16: {  	s7 =	rddreg [dreg:$0x4]  }
.LBB2_2:
0x17: {  	s1 =	simm.s32 $0x80;
	s8 =	simm.s32 $0x0  }
.LBB2_3:
0x18: {  	p0 =	sne.s32 s1, $0xC380;
	[tilespmem:s8+$0x18800] =	vst v0;
	s11 =	smov.u32 s1;
	s1 =	sadd.s32 $0x80, s1  }
.Ltmp0:
0x19: {  	[tilespmem:s8+$0x18810] =	vst v0;
	(pc) =	sbr.rel @p0 .LBB2_3-.Ltmp0, $2  }
0x1a: {  	_ =	sdelay $0x2  }
0x1b: {  	s8 =	sshra.s32 s11, $0x2  }
0x1c: {  	[tilespmem:s8+$0x18800] =	vst v0  }
0x1d: {  	[tilespmem:s8+$0x18810] =	vst v0  }
0x1e: {  	[spmem:s19] =	stream.linear.scatter [tilespmem:s21], [sflag:$0x3], $0x3100, $0x38;
	[tilespmem:$0x1F240] =	vst v63  }
0x1f: {  	_ =	swait.ge [sflag:s22], $0x3100  }
0x20: {  	[sflag:s22] =	ssyncset.done $0x0  }
0x21: {  	s1 =	rddreg [dreg:$0x8];
	[sflag:s22] =	ssyncadd.s32 $0xFFFFCF00  }
0x22: {  	[spmem:s1] =	stream.linear.scatter [tilespmem:s21], [sflag:$0x3], $0x3100, $0x38;
	[tilespmem:$0x1F240] =	vst v63  }
0x23: {  	_ =	swait.ge [sflag:s22], $0x3100  }
0x24: {  	[sflag:s22] =	ssyncset.done $0x0  }
0x25: {  	[sflag:s22] =	ssyncadd.s32 $0xFFFFCF00  }
0x26: {  	[spmem:s13] =	stream.linear.scatter [tilespmem:s21], [sflag:$0x3], $0x3100, $0x38;
	[tilespmem:$0x1F240] =	vst v63  }
0x27: {  	_ =	swait.ge [sflag:s22], $0x3100  }
0x28: {  	[sflag:s22] =	ssyncset.done $0x0  }
0x29: {  	[sflag:s22] =	ssyncadd.s32 $0xFFFFCF00  }
0x2a: {  	[spmem:s14] =	stream.linear.scatter [tilespmem:s21], [sflag:$0x3], $0x3100, $0x38;
	[tilespmem:$0x1F240] =	vst v63  }
0x2b: {  	_ =	swait.ge [sflag:s22], $0x3100  }
0x2c: {  	[sflag:s22] =	ssyncset.done $0x0  }
0x2d: {  	[sflag:s22] =	ssyncadd.s32 $0xFFFFCF00  }
0x2e: {  	[spmem:s15] =	stream.linear.scatter [tilespmem:s21], [sflag:$0x3], $0x3100, $0x38;
	[tilespmem:$0x1F240] =	vst v63  }
0x2f: {  	_ =	swait.ge [sflag:s22], $0x3100  }
0x30: {  	[sflag:s22] =	ssyncset.done $0x0  }
0x31: {  	[sflag:s22] =	ssyncadd.s32 $0xFFFFCF00  }
0x32: {  	[spmem:s16] =	stream.linear.scatter [tilespmem:s21], [sflag:$0x3], $0x3100, $0x38;
	[tilespmem:$0x1F240] =	vst v63  }
0x33: {  	_ =	swait.ge [sflag:s22], $0x3100  }
0x34: {  	[sflag:s22] =	ssyncset.done $0x0  }
0x35: {  	[sflag:s22] =	ssyncadd.s32 $0xFFFFCF00  }
0x36: {  	[spmem:s17] =	stream.linear.scatter [tilespmem:s21], [sflag:$0x3], $0x3100, $0x38;
	[tilespmem:$0x1F240] =	vst v63  }
0x37: {  	_ =	swait.ge [sflag:s22], $0x3100  }
0x38: {  	[sflag:s22] =	ssyncset.done $0x0  }
0x39: {  	s12 =	smov.u32 s19;
	[sflag:s22] =	ssyncadd.s32 $0xFFFFCF00  }
0x3a: {  	[spmem:s18] =	stream.linear.scatter [tilespmem:s21], [sflag:$0x3], $0x3100, $0x38;
	[tilespmem:$0x1F240] =	vst v63  }
0x3b: {  	s11 =	sshll.u32 s7, $0xA;
	s19 =	rddreg [dreg:$0x5];
	_ =	swait.ge [sflag:s22], $0x3100  }
0x3c: {  	s1 =	sor.u32 s19, s11;
	[sflag:s22] =	ssyncset.done $0x0  }
0x3d: {  	s1 =	smul.u32 $0x190, s1;
	[sflag:s22] =	ssyncadd.s32 $0xFFFFCF00  }
0x3e: {  	[bflag:$0x0] =	sbarrier.arrive $0xFFFF  }
0x3f: {  	s1 =	sshrl.u32 s1, $0x3;
	s9 =	rddreg [dreg:$0x1]  }
0x40: {  	s11 =	sadd.s32 s9, s1  }
0x41: {  	[tilespmem:s23], [sflag:$0x3] =	stream.linear.gather [hbm4b:s11+s4], $0x320, $0x38;
	[tilespmem:$0x1F240] =	vst v63  }
0x42: {  	_ =	swait.ge [sflag:s22], $0x320  }
0x43: {  	[sflag:s22] =	ssyncset.done $0x0  }
0x44: {  	s10 =	sadd.s32 $0xFFFFF448, s20;
	[sflag:s22] =	ssyncadd.s32 $0xFFFFFCE0  }
0x45: {  	[tilespmem:s21], [sflag:$0x1] =	stream.indirect.gather [hbm4b:s5+s24], $0x20, s23, s24, $0xb8;
	[tilespmem:$0x1F240] =	vst v63  }
0x46: {  	s19 =	sadd.s32 $0xC1C, s10  }
0x47: {  	[tilespmem:s25], [sflag:$0x3] =	stream.linear.gather [hbm4b:s19+s4], $0x320, $0x38;
	[tilespmem:$0x1F240] =	vst v63  }
0x48: {  	_ =	swait.ge [sflag:s22], $0x320  }
0x49: {  	[sflag:s22] =	ssyncset.done $0x0  }
0x4a: {  	[sflag:s22] =	ssyncadd.s32 $0xFFFFFCE0  }
0x4b: {  	[tilespmem:s26], [sflag:$0x2] =	stream.indirect.gather [hbm4b:s5+s24], $0x20, s25, s24, $0xb8;
	[tilespmem:$0x1F240] =	vst v63  }
0x4c: {  	_ =	swait.ge [sflag:s28], $0x3200  }
0x4d: {  	[sflag:s28] =	ssyncset.done $0x0  }
0x4e: {  	[sflag:s28] =	ssyncadd.s32 $0xFFFFCE00  }
0x4f: {  	[spmem:s3] =	stream.indirect.scatter.add.f32 [tilespmem:s21], [sflag:$0x3], $0x20, s29, s24, $0xb8;
	[tilespmem:$0x1F240] =	vst v63  }
0x50: {  	_ =	swait.ge [sflag:s22], $0x3200  }
0x51: {  	[sflag:s22] =	ssyncset.done $0x0  }
0x52: {  	s1 =	sadd.s32 $0xC80, s10;
	[sflag:s22] =	ssyncadd.s32 $0xFFFFCE00  }
0x53: {  	[tilespmem:s23], [sflag:$0x3] =	stream.linear.gather [hbm4b:s1+s4], $0x320, $0x38;
	[tilespmem:$0x1F240] =	vst v63  }
0x54: {  	_ =	swait.ge [sflag:s22], $0x320  }
0x55: {  	[sflag:s22] =	ssyncset.done $0x0  }
0x56: {  	[sflag:s22] =	ssyncadd.s32 $0xFFFFFCE0  }
0x57: {  	[tilespmem:s21], [sflag:$0x1] =	stream.indirect.gather [hbm4b:s5+s24], $0x20, s23, s24, $0xb8;
	[tilespmem:$0x1F240] =	vst v63  }
0x58: {  	_ =	swait.ge [sflag:s30], $0x3200  }
0x59: {  	[sflag:s30] =	ssyncset.done $0x0  }
0x5a: {  	[sflag:s30] =	ssyncadd.s32 $0xFFFFCE00  }
0x5b: {  	[spmem:s3] =	stream.indirect.scatter.add.f32 [tilespmem:s26], [sflag:$0x3], $0x20, s31, s24, $0xb8;
	[tilespmem:$0x1F240] =	vst v63  }
0x5c: {  	_ =	swait.ge [sflag:s22], $0x3200  }
0x5d: {  	s8 =	simm.s32 $0xFFFFF5D8;
	s1 =	sadd.s32 $0xFFFFF510, s20;
	[sflag:s22] =	ssyncset.done $0x0  }
.LBB2_5:
0x5e: {  	s10 =	sadd.s32 $0xC1C, s1  }
0x5f: {  	[sflag:s22] =	ssyncadd.s32 $0xFFFFCE00;
	s19 =	smov.u32 s8;
	s9 =	sadd.s32 $0xC8, s8  }
0x60: {  	[tilespmem:s25], [sflag:$0x3] =	stream.linear.gather [hbm4b:s10+s4], $0x320, $0x38;
	[tilespmem:$0x1F240] =	vst v63  }
0x61: {  	p0 =	sne.s32 s8, $0xFFFFFF38;
	_ =	swait.ge [sflag:s22], $0x320  }
0x62: {  	[sflag:s22] =	ssyncset.done $0x0  }
0x63: {  	[sflag:s22] =	ssyncadd.s32 $0xFFFFFCE0  }
0x64: {  	[tilespmem:s26], [sflag:$0x2] =	stream.indirect.gather [hbm4b:s5+s24], $0x20, s25, s24, $0xb8;
	[tilespmem:$0x1F240] =	vst v63  }
0x65: {  	_ =	swait.ge [sflag:s28], $0x3200  }
0x66: {  	[sflag:s28] =	ssyncset.done $0x0  }
0x67: {  	[sflag:s28] =	ssyncadd.s32 $0xFFFFCE00  }
0x68: {  	[spmem:s3] =	stream.indirect.scatter.add.f32 [tilespmem:s21], [sflag:$0x3], $0x20, s29, s24, $0xb8;
	[tilespmem:$0x1F240] =	vst v63  }
0x69: {  	_ =	swait.ge [sflag:s22], $0x3200  }
0x6a: {  	[sflag:s22] =	ssyncset.done $0x0  }
0x6b: {  	s1 =	sadd.s32 $0xC80, s1;
	[sflag:s22] =	ssyncadd.s32 $0xFFFFCE00  }
0x6c: {  	[tilespmem:s23], [sflag:$0x3] =	stream.linear.gather [hbm4b:s1+s4], $0x320, $0x38;
	[tilespmem:$0x1F240] =	vst v63  }
0x6d: {  	_ =	swait.ge [sflag:s22], $0x320  }
0x6e: {  	[sflag:s22] =	ssyncset.done $0x0  }
0x6f: {  	[sflag:s22] =	ssyncadd.s32 $0xFFFFFCE0  }
0x70: {  	[tilespmem:s21], [sflag:$0x1] =	stream.indirect.gather [hbm4b:s5+s24], $0x20, s23, s24, $0xb8;
	[tilespmem:$0x1F240] =	vst v63  }
0x71: {  	_ =	swait.ge [sflag:s30], $0x3200  }
.Ltmp1:
0x72: {  	[sflag:s30] =	ssyncset.done $0x0;
	(pc) =	sbr.rel @p0 .LBB2_5-.Ltmp1, $4  }
0x73: {  	[sflag:s30] =	ssyncadd.s32 $0xFFFFCE00  }
0x74: {  	[spmem:s3] =	stream.indirect.scatter.add.f32 [tilespmem:s26], [sflag:$0x3], $0x20, s31, s24, $0xb8;
	[tilespmem:$0x1F240] =	vst v63  }
0x75: {  	_ =	swait.ge [sflag:s22], $0x3200  }
0x76: {  	s8 =	smov.u32 s9;
	s1 =	sadd.s32 s19, s20;
	[sflag:s22] =	ssyncset.done $0x0  }
0x77: {  	s8 =	sadd.s32 $0xC1C, s1;
	[sflag:s22] =	ssyncadd.s32 $0xFFFFCE00  }
0x78: {  	[tilespmem:s25], [sflag:$0x3] =	stream.linear.gather [hbm4b:s8+s4], $0x320, $0x38;
	[tilespmem:$0x1F240] =	vst v63  }
0x79: {  	_ =	swait.ge [sflag:s22], $0x320  }
0x7a: {  	[sflag:s22] =	ssyncset.done $0x0  }
0x7b: {  	[sflag:s22] =	ssyncadd.s32 $0xFFFFFCE0  }
0x7c: {  	[tilespmem:s26], [sflag:$0x2] =	stream.indirect.gather [hbm4b:s5+s24], $0x20, s25, s24, $0xb8;
	[tilespmem:$0x1F240] =	vst v63  }
0x7d: {  	_ =	swait.ge [sflag:s28], $0x3200  }
0x7e: {  	[sflag:s28] =	ssyncset.done $0x0  }
0x7f: {  	[sflag:s28] =	ssyncadd.s32 $0xFFFFCE00  }
0x80: {  	[spmem:s3] =	stream.indirect.scatter.add.f32 [tilespmem:s21], [sflag:$0x3], $0x20, s29, s24, $0xb8;
	[tilespmem:$0x1F240] =	vst v63  }
0x81: {  	_ =	swait.ge [sflag:s22], $0x3200  }
0x82: {  	[sflag:s22] =	ssyncset.done $0x0  }
0x83: {  	s10 =	sadd.s32 $0xC80, s1;
	[sflag:s22] =	ssyncadd.s32 $0xFFFFCE00  }
0x84: {  	[tilespmem:s23], [sflag:$0x3] =	stream.linear.gather [hbm4b:s10+s4], $0x320, $0x38;
	[tilespmem:$0x1F240] =	vst v63  }
0x85: {  	_ =	swait.ge [sflag:s22], $0x320  }
0x86: {  	[sflag:s22] =	ssyncset.done $0x0  }
0x87: {  	[sflag:s22] =	ssyncadd.s32 $0xFFFFFCE0  }
0x88: {  	[tilespmem:s21], [sflag:$0x1] =	stream.indirect.gather [hbm4b:s5+s24], $0x20, s23, s24, $0xb8;
	[tilespmem:$0x1F240] =	vst v63  }
0x89: {  	_ =	swait.ge [sflag:s30], $0x3200  }
0x8a: {  	[sflag:s30] =	ssyncset.done $0x0  }
0x8b: {  	[sflag:s30] =	ssyncadd.s32 $0xFFFFCE00  }
0x8c: {  	[spmem:s3] =	stream.indirect.scatter.add.f32 [tilespmem:s26], [sflag:$0x3], $0x20, s31, s24, $0xb8;
	[tilespmem:$0x1F240] =	vst v63  }
0x8d: {  	_ =	swait.ge [sflag:s22], $0x3200  }
0x8e: {  	[sflag:s22] =	ssyncset.done $0x0  }
0x8f: {  	s11 =	sadd.s32 $0xC1C, s11;
	[sflag:s22] =	ssyncadd.s32 $0xFFFFCE00  }
0x90: {  	[tilespmem:s25], [sflag:$0x3] =	stream.linear.gather [hbm4b:s11+s4], $0x320, $0x38;
	[tilespmem:$0x1F240] =	vst v63  }
0x91: {  	_ =	swait.ge [sflag:s22], $0x320  }
0x92: {  	[sflag:s22] =	ssyncset.done $0x0  }
0x93: {  	[sflag:s22] =	ssyncadd.s32 $0xFFFFFCE0  }
0x94: {  	[tilespmem:s26], [sflag:$0x2] =	stream.indirect.gather [hbm4b:s5+s24], $0x20, s25, s24, $0xb8;
	[tilespmem:$0x1F240] =	vst v63  }
0x95: {  	_ =	swait.ge [sflag:s28], $0x3200  }
0x96: {  	[sflag:s28] =	ssyncset.done $0x0  }
0x97: {  	[sflag:s28] =	ssyncadd.s32 $0xFFFFCE00  }
0x98: {  	[spmem:s3] =	stream.indirect.scatter.add.f32 [tilespmem:s21], [sflag:$0x3], $0x20, s29, s24, $0xb8;
	[tilespmem:$0x1F240] =	vst v63  }
0x99: {  	_ =	swait.ge [sflag:s22], $0x3200  }
0x9a: {  	[sflag:s22] =	ssyncset.done $0x0  }
0x9b: {  	[sflag:s22] =	ssyncadd.s32 $0xFFFFCE00  }
0x9c: {  	_ =	swait.ge [sflag:s30], $0x3200  }
0x9d: {  	[sflag:s30] =	ssyncset.done $0x0  }
0x9e: {  	[sflag:s30] =	ssyncadd.s32 $0xFFFFCE00  }
0x9f: {  	[spmem:s3] =	stream.indirect.scatter.add.f32 [tilespmem:s26], [sflag:$0x3], $0x20, s31, s24, $0xb8;
	[tilespmem:$0x1F240] =	vst v63  }
0xa0: {  	_ =	swait.ge [sflag:s22], $0x3200  }
0xa1: {  	[sflag:s22] =	ssyncset.done $0x0  }
0xa2: {  	[sflag:s22] =	ssyncadd.s32 $0xFFFFCE00  }
0xa3: {  	s19 =	sshrl.u32 s7, $0x1;
	[bflag:$0x0] =	sbarrier.arrive $0xFFFF  }
0xa4: {  	s10 =	smul.u32 $0xC400, s19;
	s9 =	rddreg [dreg:$0x6]  }
0xa5: {  	[tilespmem:s21], [sflag:$0x3] =	stream.linear.gather [spmem:s12], $0x3100, $0x38;
	[tilespmem:$0x1F240] =	vst v63  }
0xa6: {  	s1 =	sshll.u32 s19, $0x6;
	s11 =	sshll.u32 s7, $0x5;
	s8 =	sadd.s32 s10, s9  }
0xa7: {  	s1 =	ssub.s32 s11, s1;
	s8 =	sshll.u32 s8, $0x6  }
0xa8: {  	_ =	swait.ge [sflag:s22], $0x3100;
	s11 =	sadd.s32 s8, s1  }
0xa9: {  	[sflag:s22] =	ssyncset.done $0x0;
	s1 =	sshrl.u32 s11, $0x3  }
0xaa: {  	[sflag:s22] =	ssyncadd.s32 $0xFFFFCF00;
	s1 =	sadd.s32 s6, s1  }
0xab: {  	[hbm4b:s1+s0] =	stream.strided.scatter [tilespmem:s21], [sflag:$0x3], $0x3100, s2, s0, $0x38;
	[tilespmem:$0x1F240] =	vst v63  }
0xac: {  	_ =	swait.ge [sflag:s22], $0x3100  }
0xad: {  	[sflag:s22] =	ssyncset.done $0x0  }
0xae: {  	s8 =	rddreg [dreg:$0x8];
	[sflag:s22] =	ssyncadd.s32 $0xFFFFCF00  }
0xaf: {  	[tilespmem:s21], [sflag:$0x3] =	stream.linear.gather [spmem:s8], $0x3100, $0x38;
	[tilespmem:$0x1F240] =	vst v63  }
0xb0: {  	s9 =	sadd.s32 $0x6200, s11;
	_ =	swait.ge [sflag:s22], $0x3100  }
0xb1: {  	s1 =	sshrl.u32 s9, $0x3;
	[sflag:s22] =	ssyncset.done $0x0  }
0xb2: {  	s1 =	sadd.s32 s6, s1;
	[sflag:s22] =	ssyncadd.s32 $0xFFFFCF00  }
0xb3: {  	[hbm4b:s1+s0] =	stream.strided.scatter [tilespmem:s21], [sflag:$0x3], $0x3100, s2, s0, $0x38;
	[tilespmem:$0x1F240] =	vst v63  }
0xb4: {  	_ =	swait.ge [sflag:s22], $0x3100  }
0xb5: {  	[sflag:s22] =	ssyncset.done $0x0  }
0xb6: {  	[sflag:s22] =	ssyncadd.s32 $0xFFFFCF00  }
0xb7: {  	[tilespmem:s21], [sflag:$0x3] =	stream.linear.gather [spmem:s13], $0x3100, $0x38;
	[tilespmem:$0x1F240] =	vst v63  }
0xb8: {  	s10 =	sadd.s32 $0xC400, s11;
	_ =	swait.ge [sflag:s22], $0x3100  }
0xb9: {  	s1 =	sshrl.u32 s10, $0x3;
	[sflag:s22] =	ssyncset.done $0x0  }
0xba: {  	s1 =	sadd.s32 s6, s1;
	[sflag:s22] =	ssyncadd.s32 $0xFFFFCF00  }
0xbb: {  	[hbm4b:s1+s0] =	stream.strided.scatter [tilespmem:s21], [sflag:$0x3], $0x3100, s2, s0, $0x38;
	[tilespmem:$0x1F240] =	vst v63  }
0xbc: {  	_ =	swait.ge [sflag:s22], $0x3100  }
0xbd: {  	[sflag:s22] =	ssyncset.done $0x0  }
0xbe: {  	[sflag:s22] =	ssyncadd.s32 $0xFFFFCF00  }
0xbf: {  	[tilespmem:s21], [sflag:$0x3] =	stream.linear.gather [spmem:s14], $0x3100, $0x38;
	[tilespmem:$0x1F240] =	vst v63  }
0xc0: {  	s19 =	smov.u32 s12;
	s12 =	sadd.s32 $0x12600, s11;
	_ =	swait.ge [sflag:s22], $0x3100  }
0xc1: {  	s1 =	sshrl.u32 s12, $0x3;
	[sflag:s22] =	ssyncset.done $0x0  }
0xc2: {  	s1 =	sadd.s32 s6, s1;
	[sflag:s22] =	ssyncadd.s32 $0xFFFFCF00  }
0xc3: {  	[hbm4b:s1+s0] =	stream.strided.scatter [tilespmem:s21], [sflag:$0x3], $0x3100, s2, s0, $0x38;
	[tilespmem:$0x1F240] =	vst v63  }
0xc4: {  	_ =	swait.ge [sflag:s22], $0x3100  }
0xc5: {  	[sflag:s22] =	ssyncset.done $0x0  }
0xc6: {  	[sflag:s22] =	ssyncadd.s32 $0xFFFFCF00  }
0xc7: {  	[tilespmem:s21], [sflag:$0x3] =	stream.linear.gather [spmem:s15], $0x3100, $0x38;
	[tilespmem:$0x1F240] =	vst v63  }
0xc8: {  	s8 =	sadd.s32 $0x18800, s11;
	_ =	swait.ge [sflag:s22], $0x3100  }
0xc9: {  	s1 =	sshrl.u32 s8, $0x3;
	[sflag:s22] =	ssyncset.done $0x0  }
0xca: {  	s1 =	sadd.s32 s6, s1;
	[sflag:s22] =	ssyncadd.s32 $0xFFFFCF00  }
0xcb: {  	[hbm4b:s1+s0] =	stream.strided.scatter [tilespmem:s21], [sflag:$0x3], $0x3100, s2, s0, $0x38;
	[tilespmem:$0x1F240] =	vst v63  }
0xcc: {  	_ =	swait.ge [sflag:s22], $0x3100  }
0xcd: {  	[sflag:s22] =	ssyncset.done $0x0  }
0xce: {  	[sflag:s22] =	ssyncadd.s32 $0xFFFFCF00  }
0xcf: {  	[tilespmem:s21], [sflag:$0x3] =	stream.linear.gather [spmem:s16], $0x3100, $0x38;
	[tilespmem:$0x1F240] =	vst v63  }
0xd0: {  	s9 =	sadd.s32 $0x1EA00, s11;
	_ =	swait.ge [sflag:s22], $0x3100  }
0xd1: {  	s1 =	sshrl.u32 s9, $0x3;
	[sflag:s22] =	ssyncset.done $0x0  }
0xd2: {  	s1 =	sadd.s32 s6, s1;
	[sflag:s22] =	ssyncadd.s32 $0xFFFFCF00  }
0xd3: {  	[hbm4b:s1+s0] =	stream.strided.scatter [tilespmem:s21], [sflag:$0x3], $0x3100, s2, s0, $0x38;
	[tilespmem:$0x1F240] =	vst v63  }
0xd4: {  	_ =	swait.ge [sflag:s22], $0x3100  }
0xd5: {  	[sflag:s22] =	ssyncset.done $0x0  }
0xd6: {  	[sflag:s22] =	ssyncadd.s32 $0xFFFFCF00  }
0xd7: {  	[tilespmem:s21], [sflag:$0x3] =	stream.linear.gather [spmem:s17], $0x3100, $0x38;
	[tilespmem:$0x1F240] =	vst v63  }
0xd8: {  	s10 =	sadd.s32 $0x24C00, s11;
	_ =	swait.ge [sflag:s22], $0x3100  }
0xd9: {  	s1 =	sshrl.u32 s10, $0x3;
	[sflag:s22] =	ssyncset.done $0x0  }
0xda: {  	s1 =	sadd.s32 s6, s1;
	[sflag:s22] =	ssyncadd.s32 $0xFFFFCF00  }
0xdb: {  	[hbm4b:s1+s0] =	stream.strided.scatter [tilespmem:s21], [sflag:$0x3], $0x3100, s2, s0, $0x38;
	[tilespmem:$0x1F240] =	vst v63  }
0xdc: {  	_ =	swait.ge [sflag:s22], $0x3100  }
0xdd: {  	[sflag:s22] =	ssyncset.done $0x0  }
0xde: {  	[sflag:s22] =	ssyncadd.s32 $0xFFFFCF00  }
0xdf: {  	[tilespmem:s21], [sflag:$0x3] =	stream.linear.gather [spmem:s18], $0x3100, $0x38;
	[tilespmem:$0x1F240] =	vst v63  }
0xe0: {  	s11 =	sadd.s32 $0x2AE00, s11;
	_ =	swait.ge [sflag:s22], $0x3100  }
0xe1: {  	s1 =	sshrl.u32 s11, $0x3;
	[sflag:s22] =	ssyncset.done $0x0  }
0xe2: {  	s1 =	sadd.s32 s6, s1;
	[sflag:s22] =	ssyncadd.s32 $0xFFFFCF00  }
0xe3: {  	[hbm4b:s1+s0] =	stream.strided.scatter [tilespmem:s21], [sflag:$0x3], $0x3100, s2, s0, $0x38;
	[tilespmem:$0x1F240] =	vst v63  }
0xe4: {  	_ =	swait.ge [sflag:s22], $0x3100  }
0xe5: {  	s12 =	rddreg [dreg:$0x9]  }
0xe6: {  	p0 =	sne.s32 s7, s12  }
.Ltmp2:
0xe7: {  	_ = 	snop;
	(pc) =	sbr.rel @p0 .LBB2_2-.Ltmp2, $3  }
0xe8: {  	_ =	sdelay $0x1  }
0xe9: {  	[sflag:s22] =	ssyncset.done $0x0  }
0xea: {  	s20 =	sadd.s32 $0xC800, s20;
	s7 =	sadd.s32 $0x1, s7;
	[sflag:s22] =	ssyncadd.s32 $0xFFFFCF00  }
0xeb: {  	s7 =	rddreg [dreg:$0xb]  }
0xec: {  	s1 =	rddreg [dreg:$0x7];
	s7 =	sadd.s32 $0x1, s7  }
0xed: {  	p0 =	sne.s32 s7, s1  }
.Ltmp3:
0xee: {  	_ = 	snop;
	(pc) =	sbr.rel @p0 .LBB2_1-.Ltmp3, $1  }
0xef: {  	_ =	sdelay $0x3  }
0xf0: {  	_ =	sfence.sel $0x180000  }
0xf1: {  	[bflag:$0x0] =	sbarrier.arrive $0xFFFF  }
0xf2: {  	_ =	strace $0x90000050  }
0xf3: {  	s0 =	stileid.u32;
	[bflag:$0x2] =	sbarrier.arrive $0xFFFF  }
0xf4: {  	p0 =	sne.s32 s0, $0x0;
	s0 =	rddreg [dreg:$0x3]  }
0xf5: {  	s0 =	sadd.s32 @!p0 $0x100000, s0  }
0xf6: {  	[sflag:s0] =	ssyncadd.tile.s32 @!p0 $0x1;
	_ =	shalt  }
.Lfunc_end2:
_tile_overlayer_lowered:
.L_overlay_start_2:
0xf7: {  	(tag) =	ssettag $0x2  }
0xf8: {  	s0 =	rddreg [dreg:$0x0];
	s2 =	stileid.u32  }
0xf9: {  	s1 =	rddreg [dreg:$0x1];
	p0 =	sne.s32 s2, $0x0  }
0xfa: {  	s3 =	rddreg [dreg:$0x2];
	[bflag:$0x3] =	sbarrier.arrive $0xFFFF;
	s2 =	simm.s32 @!p0 $0x1C03  }
0xfb: {  	[timem:s3], [sflag:s2] =	dma.local @!p0 [hbm:s0], s1  }
0xfc: {  	s0 =	simm.s32 @!p0 $0x3  }
0xfd: {  	_ =	swait.ge @!p0 [sflag:s0], s1  }
0xfe: {  	s1 =	ssub.s32 @!p0 $0x0, s1;
	[sflag:s0] =	ssyncset.done @!p0 $0x0  }
0xff: {  	[sflag:s0] =	ssyncadd.s32 @!p0 s1  }
0x100: {  	[bflag:$0x3] =	sbarrier.arrive $0xFFFF  }
0x101: {  	_ =	shalt  }

</sc_bundles>
